<compile_context>
chip_gen: v7x
topology: tpu7x:2x2x1
jax: 0.10.2.dev20260603
libtpu: 0.0.44.dev20260713+nightly
codegen_flags: <defaults>
</compile_context>

<pallas_src>
import functools

import jax
import jax.numpy as jnp
from jax import lax
from jax.experimental import pallas as pl
from jax.experimental.pallas import tpu as pltpu
from jax.experimental.pallas import tpu_sc as plsc

NC = 2
NS = 16
NW = NC * NS

B = 4096
S = 50
D = 128
L = 16
CHUNK_ROWS = 2
CHUNK_IDX = CHUNK_ROWS * S
B_PER_W = B // NW
N_CHUNKS = B_PER_W // CHUNK_ROWS


def _sc_gather_sums(x_r, emb):
    mesh = plsc.VectorSubcoreMesh(core_axis_name="c", subcore_axis_name="s")

    @functools.partial(
        pl.kernel,
        mesh=mesh,
        out_type=jax.ShapeDtypeStruct((NW, B_PER_W, D), jnp.float32),
        scratch_types=[
            pltpu.VMEM((N_CHUNKS, CHUNK_IDX), jnp.int32),
            pltpu.VMEM((CHUNK_IDX, D), jnp.float32),
            pltpu.VMEM((CHUNK_IDX, D), jnp.float32),
            pltpu.VMEM((CHUNK_IDX, D), jnp.float32),
            pltpu.VMEM((CHUNK_IDX, D), jnp.float32),
            pltpu.VMEM((B_PER_W, D), jnp.float32),
            pltpu.SemaphoreType.DMA,
            pltpu.SemaphoreType.DMA,
            pltpu.SemaphoreType.DMA,
            pltpu.SemaphoreType.DMA,
        ],
    )
    def sums_kernel(x_hbm, emb_hbm, out_hbm, idx_v, buf0, buf1, buf2, buf3,
                     acc, sem0, sem1, sem2, sem3):
        wid = lax.axis_index("s") * NC + lax.axis_index("c")
        pltpu.sync_copy(x_hbm.at[wid], idx_v)

        def start(chunk, buf, sem):
            pltpu.make_async_copy(emb_hbm.at[idx_v.at[chunk]], buf, sem).start()

        def wait(chunk, buf, sem):
            pltpu.make_async_copy(emb_hbm.at[idx_v.at[chunk]], buf, sem).wait()

        def process(buf, j, row):
            for h in range(CHUNK_ROWS):
                base = h * S
                init = tuple(buf[base, pl.ds(c * L, L)] for c in range(D // L))

                def rbody(r, accs, base=base):
                    return tuple(accs[c] + buf[base + 1 + r, pl.ds(c * L, L)]
                                 for c in range(D // L))

                accs = lax.fori_loop(0, S - 1, rbody, init, unroll=7)
                for c in range(D // L):
                    acc[row + h, pl.ds(c * L, L)] = accs[c]

        NBUF = 4
        bufs = (buf0, buf1, buf2, buf3)
        sems = (sem0, sem1, sem2, sem3)
        for t in range(NBUF - 1):
            start(t, bufs[t], sems[t])

        def ring_body(j, carry):
            for t in range(NBUF):
                chunk = NBUF * j + t

                @pl.when(chunk + NBUF - 1 < N_CHUNKS)
                def _(t=t, chunk=chunk):
                    start(chunk + NBUF - 1, bufs[(t + NBUF - 1) % NBUF],
                          sems[(t + NBUF - 1) % NBUF])

                wait(chunk, bufs[t], sems[t])
                process(bufs[t], chunk, CHUNK_ROWS * chunk)
            return carry

        lax.fori_loop(0, N_CHUNKS // NBUF, ring_body, 0)
        pltpu.sync_copy(acc, out_hbm.at[wid])

    return sums_kernel(x_r, emb)


def _tc_finish(sums, x, W, b):
    BM = 1024

    def body(s_ref, x_ref, w_ref, b_ref, o_ref):
        cnt = jnp.sum((x_ref[...] != 0).astype(jnp.float32), axis=1, keepdims=True)
        denom = jnp.maximum(cnt, 1.0)
        z = s_ref[...] / denom
        y = lax.dot_general(z, w_ref[...], (((1,), (1,)), ((), ())),
                            preferred_element_type=jnp.float32)
        o_ref[...] = jnp.maximum(y + b_ref[...], 0.0)

    return pl.pallas_call(
        body,
        grid=(B // BM,),
        in_specs=[
            pl.BlockSpec((BM, D), lambda i: (i, 0)),
            pl.BlockSpec((BM, S), lambda i: (i, 0)),
            pl.BlockSpec((D, D), lambda i: (0, 0)),
            pl.BlockSpec((1, D), lambda i: (0, 0)),
        ],
        out_specs=pl.BlockSpec((BM, D), lambda i: (i, 0)),
        out_shape=jax.ShapeDtypeStruct((B, D), jnp.float32),
    )(sums, x, W, b.reshape(1, D))


def kernel(x, emb, W, b):
    x_r = x.reshape(NW, N_CHUNKS, CHUNK_IDX)
    sums = _sc_gather_sums(x_r, emb).reshape(B, D)
    return _tc_finish(sums, x, W, b)

# --- scband reference (transcript-rebuilt; emitter-appended) ---
"""Pipeline reference for scband-encoder-38276748542700 (READ-ONLY COPY).

The authoritative reference and input builder live on the scoring server;
editing this copy changes nothing except your own understanding.
"""

import jax, jax.numpy as jnp
import numpy as np

VOCAB = 100000
EMB_DIM = 128
PAD_IDX = 0
BATCH = 4096
SEQ = 50

def setup_inputs(seed: int = 0) -> dict:
    key = jax.random.key(seed)
    k1, k2, k3, k4 = jax.random.split(key, 4)
    x = jax.random.randint(k1, (BATCH, SEQ), 0, VOCAB, dtype=jnp.int64 if jax.config.jax_enable_x64 else jnp.int32).astype(jnp.int32)
    emb = jax.random.normal(k2, (VOCAB, EMB_DIM), dtype=jnp.float32) * 0.02
    # padding_idx row is zero in torch nn.Embedding
    emb = emb.at[PAD_IDX].set(0.0)
    W = jax.random.normal(k3, (EMB_DIM, EMB_DIM), dtype=jnp.float32) * (1.0 / np.sqrt(EMB_DIM))
    b = jax.random.normal(k4, (EMB_DIM,), dtype=jnp.float32) * 0.01
    return {"x": x, "emb": emb, "W": W, "b": b}

def reference(x, emb, W, b):
    mask = (x != PAD_IDX)[..., None]  # [B, S, 1] bool
    gathered = jnp.take(emb, x, axis=0)  # [B, S, D]
    masked = gathered * mask.astype(gathered.dtype)
    denom = jnp.clip(mask.sum(axis=1), 1, None).astype(jnp.float32)  # [B, 1]
    z = masked.sum(axis=1) / denom  # [B, D]
    out = jax.nn.relu(z @ W.T + b)
    return out

if __name__ == "__main__":
    import jax
    _d = setup_inputs()
    print(jax.jit(kernel)(*tuple(_d.values())))

</pallas_src>

<mosaic_0001>
#map = affine_map<(d0, d1) -> (0, 0, 0)>
#map1 = affine_map<(d0, d1) -> (0, 0)>
module attributes {stable_mosaic.version = 14 : i64} {
  func.func @sums_kernel(%arg0: i32, %arg1: i32, %arg2: memref<32x64x100xi32, #tpu.memory_space<hbm>>, %arg3: memref<100000x128xf32, #tpu.memory_space<hbm>>, %arg4: memref<32x128x128xf32, #tpu.memory_space<hbm>>, %arg5: memref<64x100xi32, #tpu.memory_space<vmem>>, %arg6: memref<100x128xf32, #tpu.memory_space<vmem>>, %arg7: memref<100x128xf32, #tpu.memory_space<vmem>>, %arg8: memref<100x128xf32, #tpu.memory_space<vmem>>, %arg9: memref<100x128xf32, #tpu.memory_space<vmem>>, %arg10: memref<128x128xf32, #tpu.memory_space<vmem>>, %arg11: memref<!tpu.dma_semaphore, #tpu.memory_space<semaphore_mem>>, %arg12: memref<!tpu.dma_semaphore, #tpu.memory_space<semaphore_mem>>, %arg13: memref<!tpu.dma_semaphore, #tpu.memory_space<semaphore_mem>>, %arg14: memref<!tpu.dma_semaphore, #tpu.memory_space<semaphore_mem>>) attributes {dimension_semantics = [#tpu.dimension_semantics<core_parallel>, #tpu.dimension_semantics<subcore_parallel>], iteration_bounds = array<i64: 2, 16>, scalar_prefetch = 0 : i64, scratch_operands = 10 : i64, tpu.core_type = #tpu.core_type<sc_vector_subcore>, window_params = [{transform_indices = #map}, {transform_indices = #map1}, {transform_indices = #map}]} {
    %mul3A = arith.constant 2 : i32
    %mul3A_0 = arith.muli %arg1, %mul3A : i32
    %add3A = arith.addi %mul3A_0, %arg0 : i32
    "tpu.region"() ({
      %run_scoped3A = tpu.sem_alloc : memref<!tpu.dma_semaphore, #tpu.memory_space<semaphore_mem>>
      %dma_start3A_26 = arith.constant 0 : i32
      %dma_start3A_27 = arith.constant 0 : i32
      %dma_start3A_28 = tpu.memref_slice %arg2[%add3A, %dma_start3A_26, %dma_start3A_27] : memref<32x64x100xi32, #tpu.memory_space<hbm>> -> memref<1x64x100xi32, #tpu.memory_space<hbm>>
      %dma_start3A_29 = tpu.memref_squeeze %dma_start3A_28 : memref<1x64x100xi32, #tpu.memory_space<hbm>> -> memref<64x100xi32, #tpu.memory_space<hbm>>
      %dma_start3A_30 = arith.constant 0 : i32
      %dma_start3A_31 = arith.constant 0 : i32
      %dma_start3A_32 = tpu.memref_slice %arg2[%add3A, %dma_start3A_30, %dma_start3A_31] : memref<32x64x100xi32, #tpu.memory_space<hbm>> -> memref<1x64x100xi32, #tpu.memory_space<hbm>>
      %dma_start3A_33 = tpu.memref_squeeze %dma_start3A_32 : memref<1x64x100xi32, #tpu.memory_space<hbm>> -> memref<64x100xi32, #tpu.memory_space<hbm>>
      tpu.enqueue_dma source(%dma_start3A_33 : memref<64x100xi32, #tpu.memory_space<hbm>>) target(%arg5 : memref<64x100xi32, #tpu.memory_space<vmem>>) target_semaphore(%run_scoped3A : memref<!tpu.dma_semaphore, #tpu.memory_space<semaphore_mem>>)
      %dma_wait3A = arith.constant 0 : i32
      %dma_wait3A_34 = arith.constant 0 : i32
      %dma_wait3A_35 = tpu.memref_slice %arg2[%add3A, %dma_wait3A, %dma_wait3A_34] : memref<32x64x100xi32, #tpu.memory_space<hbm>> -> memref<1x64x100xi32, #tpu.memory_space<hbm>>
      %dma_wait3A_36 = tpu.memref_squeeze %dma_wait3A_35 : memref<1x64x100xi32, #tpu.memory_space<hbm>> -> memref<64x100xi32, #tpu.memory_space<hbm>>
      %dma_wait3A_37 = arith.constant 0 : i32
      %dma_wait3A_38 = arith.constant 0 : i32
      %dma_wait3A_39 = tpu.memref_slice %arg2[%add3A, %dma_wait3A_37, %dma_wait3A_38] : memref<32x64x100xi32, #tpu.memory_space<hbm>> -> memref<1x64x100xi32, #tpu.memory_space<hbm>>
      %dma_wait3A_40 = tpu.memref_squeeze %dma_wait3A_39 : memref<1x64x100xi32, #tpu.memory_space<hbm>> -> memref<64x100xi32, #tpu.memory_space<hbm>>
      tpu.wait_dma2 semaphore(%run_scoped3A : memref<!tpu.dma_semaphore, #tpu.memory_space<semaphore_mem>>) src(%dma_wait3A_40 : memref<64x100xi32, #tpu.memory_space<hbm>>) dst(%arg5 : memref<64x100xi32, #tpu.memory_space<vmem>>)
      tpu.yield
    }) : () -> ()
    %dma_start3A = arith.constant 0 : i32
    %dma_start3A_1 = arith.constant 0 : i32
    %dma_start3A_2 = tpu.memref_slice %arg5[%dma_start3A, %dma_start3A_1] : memref<64x100xi32, #tpu.memory_space<vmem>> -> memref<1x100xi32, #tpu.memory_space<vmem>>
    %dma_start3A_3 = tpu.memref_squeeze %dma_start3A_2 : memref<1x100xi32, #tpu.memory_space<vmem>> -> memref<100xi32, #tpu.memory_space<vmem>>
    %dma_start3A_4 = arith.constant 0 : i32
    %dma_start3A_5 = arith.constant 0 : i32
    %dma_start3A_6 = tpu.memref_slice %arg3[%dma_start3A_4, %dma_start3A_5] : memref<100000x128xf32, #tpu.memory_space<hbm>> -> memref<100000x128xf32, #tpu.memory_space<hbm>>
    tpu.enqueue_indirect_dma source(%dma_start3A_6 : memref<100000x128xf32, #tpu.memory_space<hbm>>) target(%arg6 : memref<100x128xf32, #tpu.memory_space<vmem>>) offsets(%dma_start3A_3 : memref<100xi32, #tpu.memory_space<vmem>>) semaphore(%arg11 : memref<!tpu.dma_semaphore, #tpu.memory_space<semaphore_mem>>)
    %dma_start3A_7 = arith.constant 1 : i32
    %dma_start3A_8 = arith.constant 0 : i32
    %dma_start3A_9 = tpu.memref_slice %arg5[%dma_start3A_7, %dma_start3A_8] : memref<64x100xi32, #tpu.memory_space<vmem>> -> memref<1x100xi32, #tpu.memory_space<vmem>>
    %dma_start3A_10 = tpu.memref_squeeze %dma_start3A_9 : memref<1x100xi32, #tpu.memory_space<vmem>> -> memref<100xi32, #tpu.memory_space<vmem>>
    %dma_start3A_11 = arith.constant 0 : i32
    %dma_start3A_12 = arith.constant 0 : i32
    %dma_start3A_13 = tpu.memref_slice %arg3[%dma_start3A_11, %dma_start3A_12] : memref<100000x128xf32, #tpu.memory_space<hbm>> -> memref<100000x128xf32, #tpu.memory_space<hbm>>
    tpu.enqueue_indirect_dma source(%dma_start3A_13 : memref<100000x128xf32, #tpu.memory_space<hbm>>) target(%arg7 : memref<100x128xf32, #tpu.memory_space<vmem>>) offsets(%dma_start3A_10 : memref<100xi32, #tpu.memory_space<vmem>>) semaphore(%arg12 : memref<!tpu.dma_semaphore, #tpu.memory_space<semaphore_mem>>)
    %dma_start3A_14 = arith.constant 2 : i32
    %dma_start3A_15 = arith.constant 0 : i32
    %dma_start3A_16 = tpu.memref_slice %arg5[%dma_start3A_14, %dma_start3A_15] : memref<64x100xi32, #tpu.memory_space<vmem>> -> memref<1x100xi32, #tpu.memory_space<vmem>>
    %dma_start3A_17 = tpu.memref_squeeze %dma_start3A_16 : memref<1x100xi32, #tpu.memory_space<vmem>> -> memref<100xi32, #tpu.memory_space<vmem>>
    %dma_start3A_18 = arith.constant 0 : i32
    %dma_start3A_19 = arith.constant 0 : i32
    %dma_start3A_20 = tpu.memref_slice %arg3[%dma_start3A_18, %dma_start3A_19] : memref<100000x128xf32, #tpu.memory_space<hbm>> -> memref<100000x128xf32, #tpu.memory_space<hbm>>
    tpu.enqueue_indirect_dma source(%dma_start3A_20 : memref<100000x128xf32, #tpu.memory_space<hbm>>) target(%arg8 : memref<100x128xf32, #tpu.memory_space<vmem>>) offsets(%dma_start3A_17 : memref<100xi32, #tpu.memory_space<vmem>>) semaphore(%arg13 : memref<!tpu.dma_semaphore, #tpu.memory_space<semaphore_mem>>)
    %scan3A = arith.constant 0 : i32
    %scan3A_21 = arith.constant 0 : i32
    %scan3A_22 = arith.constant 16 : i32
    %scan3A_23 = arith.addi %scan3A_21, %scan3A_22 : i32
    %scan3A_24 = arith.constant 1 : i32
    scf.for %scan3A_26 = %scan3A_21 to %scan3A_23 step %scan3A_24  : i32 {
      %mul3A_27 = arith.constant 4 : i32
      %mul3A_28 = arith.muli %mul3A_27, %scan3A_26 : i32
      %add3A_29 = arith.constant 0 : i32
      %add3A_30 = arith.addi %mul3A_28, %add3A_29 : i32
      %add3A_31 = arith.constant 4 : i32
      %add3A_32 = arith.addi %add3A_30, %add3A_31 : i32
      %sub3A = arith.constant 1 : i32
      %sub3A_33 = arith.subi %add3A_32, %sub3A : i32
      %lt3A = arith.constant 64 : i32
      %lt3A_34 = arith.cmpi slt, %sub3A_33, %lt3A : i32
      %convert_element_type3A = arith.extui %lt3A_34 : i1 to i32
      %cond3A = arith.constant 0 : i32
      %cond3A_35 = arith.cmpi ne, %convert_element_type3A, %cond3A : i32
      scf.if %cond3A_35 {
        %add3A_920 = arith.constant 4 : i32
        %add3A_921 = arith.addi %add3A_30, %add3A_920 : i32
        %sub3A_922 = arith.constant 1 : i32
        %sub3A_923 = arith.subi %add3A_921, %sub3A_922 : i32
        %dma_start3A_924 = arith.constant 0 : i32
        %dma_start3A_925 = tpu.memref_slice %arg5[%sub3A_923, %dma_start3A_924] : memref<64x100xi32, #tpu.memory_space<vmem>> -> memref<1x100xi32, #tpu.memory_space<vmem>>
        %dma_start3A_926 = tpu.memref_squeeze %dma_start3A_925 : memref<1x100xi32, #tpu.memory_space<vmem>> -> memref<100xi32, #tpu.memory_space<vmem>>
        %dma_start3A_927 = arith.constant 0 : i32
        %dma_start3A_928 = arith.constant 0 : i32
        %dma_start3A_929 = tpu.memref_slice %arg3[%dma_start3A_927, %dma_start3A_928] : memref<100000x128xf32, #tpu.memory_space<hbm>> -> memref<100000x128xf32, #tpu.memory_space<hbm>>
        tpu.enqueue_indirect_dma source(%dma_start3A_929 : memref<100000x128xf32, #tpu.memory_space<hbm>>) target(%arg9 : memref<100x128xf32, #tpu.memory_space<vmem>>) offsets(%dma_start3A_926 : memref<100xi32, #tpu.memory_space<vmem>>) semaphore(%arg14 : memref<!tpu.dma_semaphore, #tpu.memory_space<semaphore_mem>>)
      } else {
      }
      %dma_wait3A = arith.constant 0 : i32
      %dma_wait3A_36 = tpu.memref_slice %arg5[%add3A_30, %dma_wait3A] : memref<64x100xi32, #tpu.memory_space<vmem>> -> memref<1x100xi32, #tpu.memory_space<vmem>>
      %dma_wait3A_37 = tpu.memref_squeeze %dma_wait3A_36 : memref<1x100xi32, #tpu.memory_space<vmem>> -> memref<100xi32, #tpu.memory_space<vmem>>
      %dma_wait3A_38 = arith.constant 0 : i32
      %dma_wait3A_39 = arith.constant 0 : i32
      %dma_wait3A_40 = tpu.memref_slice %arg3[%dma_wait3A_38, %dma_wait3A_39] : memref<100000x128xf32, #tpu.memory_space<hbm>> -> memref<100000x128xf32, #tpu.memory_space<hbm>>
      tpu.wait_indirect_dma semaphore(%arg11 : memref<!tpu.dma_semaphore, #tpu.memory_space<semaphore_mem>>) src(%dma_wait3A_40 : memref<100000x128xf32, #tpu.memory_space<hbm>>) dst(%arg6 : memref<100x128xf32, #tpu.memory_space<vmem>>)
      %mul3A_41 = arith.constant 2 : i32
      %mul3A_42 = arith.muli %mul3A_41, %add3A_30 : i32
      %get3A = arith.constant 0 : i32
      %get3A_43 = arith.index_cast %get3A : i32 to index
      %get3A_44 = arith.constant 0 : index
      %get3A_45 = tpu.vector_load %arg6[%get3A_43, %get3A_44] {strides = array<i32>} : memref<100x128xf32, #tpu.memory_space<vmem>>, vector<1x16xf32>,
      %get3A_46 = vector.shape_cast %get3A_45 : vector<1x16xf32> to vector<16xf32>
      %get3A_47 = arith.constant 0 : i32
      %get3A_48 = arith.index_cast %get3A_47 : i32 to index
      %get3A_49 = arith.constant 16 : index
      %get3A_50 = tpu.vector_load %arg6[%get3A_48, %get3A_49] {strides = array<i32>} : memref<100x128xf32, #tpu.memory_space<vmem>>, vector<1x16xf32>,
      %get3A_51 = vector.shape_cast %get3A_50 : vector<1x16xf32> to vector<16xf32>
      %get3A_52 = arith.constant 0 : i32
      %get3A_53 = arith.index_cast %get3A_52 : i32 to index
      %get3A_54 = arith.constant 32 : index
      %get3A_55 = tpu.vector_load %arg6[%get3A_53, %get3A_54] {strides = array<i32>} : memref<100x128xf32, #tpu.memory_space<vmem>>, vector<1x16xf32>,
      %get3A_56 = vector.shape_cast %get3A_55 : vector<1x16xf32> to vector<16xf32>
      %get3A_57 = arith.constant 0 : i32
      %get3A_58 = arith.index_cast %get3A_57 : i32 to index
      %get3A_59 = arith.constant 48 : index
      %get3A_60 = tpu.vector_load %arg6[%get3A_58, %get3A_59] {strides = array<i32>} : memref<100x128xf32, #tpu.memory_space<vmem>>, vector<1x16xf32>,
      %get3A_61 = vector.shape_cast %get3A_60 : vector<1x16xf32> to vector<16xf32>
      %get3A_62 = arith.constant 0 : i32
      %get3A_63 = arith.index_cast %get3A_62 : i32 to index
      %get3A_64 = arith.constant 64 : index
      %get3A_65 = tpu.vector_load %arg6[%get3A_63, %get3A_64] {strides = array<i32>} : memref<100x128xf32, #tpu.memory_space<vmem>>, vector<1x16xf32>,
      %get3A_66 = vector.shape_cast %get3A_65 : vector<1x16xf32> to vector<16xf32>
      %get3A_67 = arith.constant 0 : i32
      %get3A_68 = arith.index_cast %get3A_67 : i32 to index
      %get3A_69 = arith.constant 80 : index
      %get3A_70 = tpu.vector_load %arg6[%get3A_68, %get3A_69] {strides = array<i32>} : memref<100x128xf32, #tpu.memory_space<vmem>>, vector<1x16xf32>,
      %get3A_71 = vector.shape_cast %get3A_70 : vector<1x16xf32> to vector<16xf32>
      %get3A_72 = arith.constant 0 : i32
      %get3A_73 = arith.index_cast %get3A_72 : i32 to index
      %get3A_74 = arith.constant 96 : index
      %get3A_75 = tpu.vector_load %arg6[%get3A_73, %get3A_74] {strides = array<i32>} : memref<100x128xf32, #tpu.memory_space<vmem>>, vector<1x16xf32>,
      %get3A_76 = vector.shape_cast %get3A_75 : vector<1x16xf32> to vector<16xf32>
      %get3A_77 = arith.constant 0 : i32
      %get3A_78 = arith.index_cast %get3A_77 : i32 to index
      %get3A_79 = arith.constant 112 : index
      %get3A_80 = tpu.vector_load %arg6[%get3A_78, %get3A_79] {strides = array<i32>} : memref<100x128xf32, #tpu.memory_space<vmem>>, vector<1x16xf32>,
      %get3A_81 = vector.shape_cast %get3A_80 : vector<1x16xf32> to vector<16xf32>
      %scan3A_82 = arith.constant 0 : i32
      %scan3A_83 = arith.constant 49 : i32
      %scan3A_84 = arith.addi %scan3A_82, %scan3A_83 : i32
      %scan3A_85 = arith.constant 7 : i32
      %scan3A_86:8 = scf.for %scan3A_920 = %scan3A_82 to %scan3A_84 step %scan3A_85 iter_args(%scan3A_921 = %get3A_46, %scan3A_922 = %get3A_51, %scan3A_923 = %get3A_56, %scan3A_924 = %get3A_61, %scan3A_925 = %get3A_66, %scan3A_926 = %get3A_71, %scan3A_927 = %get3A_76, %scan3A_928 = %get3A_81) -> (vector<16xf32>, vector<16xf32>, vector<16xf32>, vector<16xf32>, vector<16xf32>, vector<16xf32>, vector<16xf32>, vector<16xf32>)  : i32 {
        %add3A_929 = arith.constant 1 : i32
        %add3A_930 = arith.addi %add3A_929, %scan3A_920 : i32
        %get3A_931 = arith.index_cast %add3A_930 : i32 to index
        %get3A_932 = arith.constant 0 : index
        %get3A_933 = tpu.vector_load %arg6[%get3A_931, %get3A_932] {strides = array<i32>} : memref<100x128xf32, #tpu.memory_space<vmem>>, vector<1x16xf32>,
        %get3A_934 = vector.shape_cast %get3A_933 : vector<1x16xf32> to vector<16xf32>
        %add3A_935 = arith.addf %scan3A_921, %get3A_934 : vector<16xf32>
        %add3A_936 = arith.constant 1 : i32
        %add3A_937 = arith.addi %add3A_936, %scan3A_920 : i32
        %get3A_938 = arith.index_cast %add3A_937 : i32 to index
        %get3A_939 = arith.constant 16 : index
        %get3A_940 = tpu.vector_load %arg6[%get3A_938, %get3A_939] {strides = array<i32>} : memref<100x128xf32, #tpu.memory_space<vmem>>, vector<1x16xf32>,
        %get3A_941 = vector.shape_cast %get3A_940 : vector<1x16xf32> to vector<16xf32>
        %add3A_942 = arith.addf %scan3A_922, %get3A_941 : vector<16xf32>
        %add3A_943 = arith.constant 1 : i32
        %add3A_944 = arith.addi %add3A_943, %scan3A_920 : i32
        %get3A_945 = arith.index_cast %add3A_944 : i32 to index
        %get3A_946 = arith.constant 32 : index
        %get3A_947 = tpu.vector_load %arg6[%get3A_945, %get3A_946] {strides = array<i32>} : memref<100x128xf32, #tpu.memory_space<vmem>>, vector<1x16xf32>,
        %get3A_948 = vector.shape_cast %get3A_947 : vector<1x16xf32> to vector<16xf32>
        %add3A_949 = arith.addf %scan3A_923, %get3A_948 : vector<16xf32>
        %add3A_950 = arith.constant 1 : i32
        %add3A_951 = arith.addi %add3A_950, %scan3A_920 : i32
        %get3A_952 = arith.index_cast %add3A_951 : i32 to index
        %get3A_953 = arith.constant 48 : index
        %get3A_954 = tpu.vector_load %arg6[%get3A_952, %get3A_953] {strides = array<i32>} : memref<100x128xf32, #tpu.memory_space<vmem>>, vector<1x16xf32>,
        %get3A_955 = vector.shape_cast %get3A_954 : vector<1x16xf32> to vector<16xf32>
        %add3A_956 = arith.addf %scan3A_924, %get3A_955 : vector<16xf32>
        %add3A_957 = arith.constant 1 : i32
        %add3A_958 = arith.addi %add3A_957, %scan3A_920 : i32
        %get3A_959 = arith.index_cast %add3A_958 : i32 to index
        %get3A_960 = arith.constant 64 : index
        %get3A_961 = tpu.vector_load %arg6[%get3A_959, %get3A_960] {strides = array<i32>} : memref<100x128xf32, #tpu.memory_space<vmem>>, vector<1x16xf32>,
        %get3A_962 = vector.shape_cast %get3A_961 : vector<1x16xf32> to vector<16xf32>
        %add3A_963 = arith.addf %scan3A_925, %get3A_962 : vector<16xf32>
        %add3A_964 = arith.constant 1 : i32
        %add3A_965 = arith.addi %add3A_964, %scan3A_920 : i32
        %get3A_966 = arith.index_cast %add3A_965 : i32 to index
        %get3A_967 = arith.constant 80 : index
        %get3A_968 = tpu.vector_load %arg6[%get3A_966, %get3A_967] {strides = array<i32>} : memref<100x128xf32, #tpu.memory_space<vmem>>, vector<1x16xf32>,
        %get3A_969 = vector.shape_cast %get3A_968 : vector<1x16xf32> to vector<16xf32>
        %add3A_970 = arith.addf %scan3A_926, %get3A_969 : vector<16xf32>
        %add3A_971 = arith.constant 1 : i32
        %add3A_972 = arith.addi %add3A_971, %scan3A_920 : i32
        %get3A_973 = arith.index_cast %add3A_972 : i32 to index
        %get3A_974 = arith.constant 96 : index
        %get3A_975 = tpu.vector_load %arg6[%get3A_973, %get3A_974] {strides = array<i32>} : memref<100x128xf32, #tpu.memory_space<vmem>>, vector<1x16xf32>,
        %get3A_976 = vector.shape_cast %get3A_975 : vector<1x16xf32> to vector<16xf32>
        %add3A_977 = arith.addf %scan3A_927, %get3A_976 : vector<16xf32>
        %add3A_978 = arith.constant 1 : i32
        %add3A_979 = arith.addi %add3A_978, %scan3A_920 : i32
        %get3A_980 = arith.index_cast %add3A_979 : i32 to index
        %get3A_981 = arith.constant 112 : index
        %get3A_982 = tpu.vector_load %arg6[%get3A_980, %get3A_981] {strides = array<i32>} : memref<100x128xf32, #tpu.memory_space<vmem>>, vector<1x16xf32>,
        %get3A_983 = vector.shape_cast %get3A_982 : vector<1x16xf32> to vector<16xf32>
        %add3A_984 = arith.addf %scan3A_928, %get3A_983 : vector<16xf32>
        %scan3A_985 = arith.constant 1 : i32
        %scan3A_986 = arith.addi %scan3A_920, %scan3A_985 : i32
        %add3A_987 = arith.constant 1 : i32
        %add3A_988 = arith.addi %add3A_987, %scan3A_986 : i32
        %get3A_989 = arith.index_cast %add3A_988 : i32 to index
        %get3A_990 = arith.constant 0 : index
        %get3A_991 = tpu.vector_load %arg6[%get3A_989, %get3A_990] {strides = array<i32>} : memref<100x128xf32, #tpu.memory_space<vmem>>, vector<1x16xf32>,
        %get3A_992 = vector.shape_cast %get3A_991 : vector<1x16xf32> to vector<16xf32>
        %add3A_993 = arith.addf %add3A_935, %get3A_992 : vector<16xf32>
        %add3A_994 = arith.constant 1 : i32
        %add3A_995 = arith.addi %add3A_994, %scan3A_986 : i32
        %get3A_996 = arith.index_cast %add3A_995 : i32 to index
        %get3A_997 = arith.constant 16 : index
        %get3A_998 = tpu.vector_load %arg6[%get3A_996, %get3A_997] {strides = array<i32>} : memref<100x128xf32, #tpu.memory_space<vmem>>, vector<1x16xf32>,
        %get3A_999 = vector.shape_cast %get3A_998 : vector<1x16xf32> to vector<16xf32>
        %add3A_1000 = arith.addf %add3A_942, %get3A_999 : vector<16xf32>
        %add3A_1001 = arith.constant 1 : i32
        %add3A_1002 = arith.addi %add3A_1001, %scan3A_986 : i32
        %get3A_1003 = arith.index_cast %add3A_1002 : i32 to index
        %get3A_1004 = arith.constant 32 : index
        %get3A_1005 = tpu.vector_load %arg6[%get3A_1003, %get3A_1004] {strides = array<i32>} : memref<100x128xf32, #tpu.memory_space<vmem>>, vector<1x16xf32>,
        %get3A_1006 = vector.shape_cast %get3A_1005 : vector<1x16xf32> to vector<16xf32>
        %add3A_1007 = arith.addf %add3A_949, %get3A_1006 : vector<16xf32>
        %add3A_1008 = arith.constant 1 : i32
        %add3A_1009 = arith.addi %add3A_1008, %scan3A_986 : i32
        %get3A_1010 = arith.index_cast %add3A_1009 : i32 to index
        %get3A_1011 = arith.constant 48 : index
        %get3A_1012 = tpu.vector_load %arg6[%get3A_1010, %get3A_1011] {strides = array<i32>} : memref<100x128xf32, #tpu.memory_space<vmem>>, vector<1x16xf32>,
        %get3A_1013 = vector.shape_cast %get3A_1012 : vector<1x16xf32> to vector<16xf32>
        %add3A_1014 = arith.addf %add3A_956, %get3A_1013 : vector<16xf32>
        %add3A_1015 = arith.constant 1 : i32
        %add3A_1016 = arith.addi %add3A_1015, %scan3A_986 : i32
        %get3A_1017 = arith.index_cast %add3A_1016 : i32 to index
        %get3A_1018 = arith.constant 64 : index
        %get3A_1019 = tpu.vector_load %arg6[%get3A_1017, %get3A_1018] {strides = array<i32>} : memref<100x128xf32, #tpu.memory_space<vmem>>, vector<1x16xf32>,
        %get3A_1020 = vector.shape_cast %get3A_1019 : vector<1x16xf32> to vector<16xf32>
        %add3A_1021 = arith.addf %add3A_963, %get3A_1020 : vector<16xf32>
        %add3A_1022 = arith.constant 1 : i32
        %add3A_1023 = arith.addi %add3A_1022, %scan3A_986 : i32
        %get3A_1024 = arith.index_cast %add3A_1023 : i32 to index
        %get3A_1025 = arith.constant 80 : index
        %get3A_1026 = tpu.vector_load %arg6[%get3A_1024, %get3A_1025] {strides = array<i32>} : memref<100x128xf32, #tpu.memory_space<vmem>>, vector<1x16xf32>,
        %get3A_1027 = vector.shape_cast %get3A_1026 : vector<1x16xf32> to vector<16xf32>
        %add3A_1028 = arith.addf %add3A_970, %get3A_1027 : vector<16xf32>
        %add3A_1029 = arith.constant 1 : i32
        %add3A_1030 = arith.addi %add3A_1029, %scan3A_986 : i32
        %get3A_1031 = arith.index_cast %add3A_1030 : i32 to index
        %get3A_1032 = arith.constant 96 : index
        %get3A_1033 = tpu.vector_load %arg6[%get3A_1031, %get3A_1032] {strides = array<i32>} : memref<100x128xf32, #tpu.memory_space<vmem>>, vector<1x16xf32>,
        %get3A_1034 = vector.shape_cast %get3A_1033 : vector<1x16xf32> to vector<16xf32>
        %add3A_1035 = arith.addf %add3A_977, %get3A_1034 : vector<16xf32>
        %add3A_1036 = arith.constant 1 : i32
        %add3A_1037 = arith.addi %add3A_1036, %scan3A_986 : i32
        %get3A_1038 = arith.index_cast %add3A_1037 : i32 to index
        %get3A_1039 = arith.constant 112 : index
        %get3A_1040 = tpu.vector_load %arg6[%get3A_1038, %get3A_1039] {strides = array<i32>} : memref<100x128xf32, #tpu.memory_space<vmem>>, vector<1x16xf32>,
        %get3A_1041 = vector.shape_cast %get3A_1040 : vector<1x16xf32> to vector<16xf32>
        %add3A_1042 = arith.addf %add3A_984, %get3A_1041 : vector<16xf32>
        %scan3A_1043 = arith.constant 2 : i32
        %scan3A_1044 = arith.addi %scan3A_920, %scan3A_1043 : i32
        %add3A_1045 = arith.constant 1 : i32
        %add3A_1046 = arith.addi %add3A_1045, %scan3A_1044 : i32
        %get3A_1047 = arith.index_cast %add3A_1046 : i32 to index
        %get3A_1048 = arith.constant 0 : index
        %get3A_1049 = tpu.vector_load %arg6[%get3A_1047, %get3A_1048] {strides = array<i32>} : memref<100x128xf32, #tpu.memory_space<vmem>>, vector<1x16xf32>,
        %get3A_1050 = vector.shape_cast %get3A_1049 : vector<1x16xf32> to vector<16xf32>
        %add3A_1051 = arith.addf %add3A_993, %get3A_1050 : vector<16xf32>
        %add3A_1052 = arith.constant 1 : i32
        %add3A_1053 = arith.addi %add3A_1052, %scan3A_1044 : i32
        %get3A_1054 = arith.index_cast %add3A_1053 : i32 to index
        %get3A_1055 = arith.constant 16 : index
        %get3A_1056 = tpu.vector_load %arg6[%get3A_1054, %get3A_1055] {strides = array<i32>} : memref<100x128xf32, #tpu.memory_space<vmem>>, vector<1x16xf32>,
        %get3A_1057 = vector.shape_cast %get3A_1056 : vector<1x16xf32> to vector<16xf32>
        %add3A_1058 = arith.addf %add3A_1000, %get3A_1057 : vector<16xf32>
        %add3A_1059 = arith.constant 1 : i32
        %add3A_1060 = arith.addi %add3A_1059, %scan3A_1044 : i32
        %get3A_1061 = arith.index_cast %add3A_1060 : i32 to index
        %get3A_1062 = arith.constant 32 : index
        %get3A_1063 = tpu.vector_load %arg6[%get3A_1061, %get3A_1062] {strides = array<i32>} : memref<100x128xf32, #tpu.memory_space<vmem>>, vector<1x16xf32>,
        %get3A_1064 = vector.shape_cast %get3A_1063 : vector<1x16xf32> to vector<16xf32>
        %add3A_1065 = arith.addf %add3A_1007, %get3A_1064 : vector<16xf32>
        %add3A_1066 = arith.constant 1 : i32
        %add3A_1067 = arith.addi %add3A_1066, %scan3A_1044 : i32
        %get3A_1068 = arith.index_cast %add3A_1067 : i32 to index
        %get3A_1069 = arith.constant 48 : index
        %get3A_1070 = tpu.vector_load %arg6[%get3A_1068, %get3A_1069] {strides = array<i32>} : memref<100x128xf32, #tpu.memory_space<vmem>>, vector<1x16xf32>,
        %get3A_1071 = vector.shape_cast %get3A_1070 : vector<1x16xf32> to vector<16xf32>
        %add3A_1072 = arith.addf %add3A_1014, %get3A_1071 : vector<16xf32>
        %add3A_1073 = arith.constant 1 : i32
        %add3A_1074 = arith.addi %add3A_1073, %scan3A_1044 : i32
        %get3A_1075 = arith.index_cast %add3A_1074 : i32 to index
        %get3A_1076 = arith.constant 64 : index
        %get3A_1077 = tpu.vector_load %arg6[%get3A_1075, %get3A_1076] {strides = array<i32>} : memref<100x128xf32, #tpu.memory_space<vmem>>, vector<1x16xf32>,
        %get3A_1078 = vector.shape_cast %get3A_1077 : vector<1x16xf32> to vector<16xf32>
        %add3A_1079 = arith.addf %add3A_1021, %get3A_1078 : vector<16xf32>
        %add3A_1080 = arith.constant 1 : i32
        %add3A_1081 = arith.addi %add3A_1080, %scan3A_1044 : i32
        %get3A_1082 = arith.index_cast %add3A_1081 : i32 to index
        %get3A_1083 = arith.constant 80 : index
        %get3A_1084 = tpu.vector_load %arg6[%get3A_1082, %get3A_1083] {strides = array<i32>} : memref<100x128xf32, #tpu.memory_space<vmem>>, vector<1x16xf32>,
        %get3A_1085 = vector.shape_cast %get3A_1084 : vector<1x16xf32> to vector<16xf32>
        %add3A_1086 = arith.addf %add3A_1028, %get3A_1085 : vector<16xf32>
        %add3A_1087 = arith.constant 1 : i32
        %add3A_1088 = arith.addi %add3A_1087, %scan3A_1044 : i32
        %get3A_1089 = arith.index_cast %add3A_1088 : i32 to index
        %get3A_1090 = arith.constant 96 : index
        %get3A_1091 = tpu.vector_load %arg6[%get3A_1089, %get3A_1090] {strides = array<i32>} : memref<100x128xf32, #tpu.memory_space<vmem>>, vector<1x16xf32>,
        %get3A_1092 = vector.shape_cast %get3A_1091 : vector<1x16xf32> to vector<16xf32>
        %add3A_1093 = arith.addf %add3A_1035, %get3A_1092 : vector<16xf32>
        %add3A_1094 = arith.constant 1 : i32
        %add3A_1095 = arith.addi %add3A_1094, %scan3A_1044 : i32
        %get3A_1096 = arith.index_cast %add3A_1095 : i32 to index
        %get3A_1097 = arith.constant 112 : index
        %get3A_1098 = tpu.vector_load %arg6[%get3A_1096, %get3A_1097] {strides = array<i32>} : memref<100x128xf32, #tpu.memory_space<vmem>>, vector<1x16xf32>,
        %get3A_1099 = vector.shape_cast %get3A_1098 : vector<1x16xf32> to vector<16xf32>
        %add3A_1100 = arith.addf %add3A_1042, %get3A_1099 : vector<16xf32>
        %scan3A_1101 = arith.constant 3 : i32
        %scan3A_1102 = arith.addi %scan3A_920, %scan3A_1101 : i32
        %add3A_1103 = arith.constant 1 : i32
        %add3A_1104 = arith.addi %add3A_1103, %scan3A_1102 : i32
        %get3A_1105 = arith.index_cast %add3A_1104 : i32 to index
        %get3A_1106 = arith.constant 0 : index
        %get3A_1107 = tpu.vector_load %arg6[%get3A_1105, %get3A_1106] {strides = array<i32>} : memref<100x128xf32, #tpu.memory_space<vmem>>, vector<1x16xf32>,
        %get3A_1108 = vector.shape_cast %get3A_1107 : vector<1x16xf32> to vector<16xf32>
        %add3A_1109 = arith.addf %add3A_1051, %get3A_1108 : vector<16xf32>
        %add3A_1110 = arith.constant 1 : i32
        %add3A_1111 = arith.addi %add3A_1110, %scan3A_1102 : i32
        %get3A_1112 = arith.index_cast %add3A_1111 : i32 to index
        %get3A_1113 = arith.constant 16 : index
        %get3A_1114 = tpu.vector_load %arg6[%get3A_1112, %get3A_1113] {strides = array<i32>} : memref<100x128xf32, #tpu.memory_space<vmem>>, vector<1x16xf32>,
        %get3A_1115 = vector.shape_cast %get3A_1114 : vector<1x16xf32> to vector<16xf32>
        %add3A_1116 = arith.addf %add3A_1058, %get3A_1115 : vector<16xf32>
        %add3A_1117 = arith.constant 1 : i32
        %add3A_1118 = arith.addi %add3A_1117, %scan3A_1102 : i32
        %get3A_1119 = arith.index_cast %add3A_1118 : i32 to index
        %get3A_1120 = arith.constant 32 : index
        %get3A_1121 = tpu.vector_load %arg6[%get3A_1119, %get3A_1120] {strides = array<i32>} : memref<100x128xf32, #tpu.memory_space<vmem>>, vector<1x16xf32>,
        %get3A_1122 = vector.shape_cast %get3A_1121 : vector<1x16xf32> to vector<16xf32>
        %add3A_1123 = arith.addf %add3A_1065, %get3A_1122 : vector<16xf32>
        %add3A_1124 = arith.constant 1 : i32
        %add3A_1125 = arith.addi %add3A_1124, %scan3A_1102 : i32
        %get3A_1126 = arith.index_cast %add3A_1125 : i32 to index
        %get3A_1127 = arith.constant 48 : index
        %get3A_1128 = tpu.vector_load %arg6[%get3A_1126, %get3A_1127] {strides = array<i32>} : memref<100x128xf32, #tpu.memory_space<vmem>>, vector<1x16xf32>,
        %get3A_1129 = vector.shape_cast %get3A_1128 : vector<1x16xf32> to vector<16xf32>
        %add3A_1130 = arith.addf %add3A_1072, %get3A_1129 : vector<16xf32>
        %add3A_1131 = arith.constant 1 : i32
        %add3A_1132 = arith.addi %add3A_1131, %scan3A_1102 : i32
        %get3A_1133 = arith.index_cast %add3A_1132 : i32 to index
        %get3A_1134 = arith.constant 64 : index
        %get3A_1135 = tpu.vector_load %arg6[%get3A_1133, %get3A_1134] {strides = array<i32>} : memref<100x128xf32, #tpu.memory_space<vmem>>, vector<1x16xf32>,
        %get3A_1136 = vector.shape_cast %get3A_1135 : vector<1x16xf32> to vector<16xf32>
        %add3A_1137 = arith.addf %add3A_1079, %get3A_1136 : vector<16xf32>
        %add3A_1138 = arith.constant 1 : i32
        %add3A_1139 = arith.addi %add3A_1138, %scan3A_1102 : i32
        %get3A_1140 = arith.index_cast %add3A_1139 : i32 to index
        %get3A_1141 = arith.constant 80 : index
        %get3A_1142 = tpu.vector_load %arg6[%get3A_1140, %get3A_1141] {strides = array<i32>} : memref<100x128xf32, #tpu.memory_space<vmem>>, vector<1x16xf32>,
        %get3A_1143 = vector.shape_cast %get3A_1142 : vector<1x16xf32> to vector<16xf32>
        %add3A_1144 = arith.addf %add3A_1086, %get3A_1143 : vector<16xf32>
        %add3A_1145 = arith.constant 1 : i32
        %add3A_1146 = arith.addi %add3A_1145, %scan3A_1102 : i32
        %get3A_1147 = arith.index_cast %add3A_1146 : i32 to index
        %get3A_1148 = arith.constant 96 : index
        %get3A_1149 = tpu.vector_load %arg6[%get3A_1147, %get3A_1148] {strides = array<i32>} : memref<100x128xf32, #tpu.memory_space<vmem>>, vector<1x16xf32>,
        %get3A_1150 = vector.shape_cast %get3A_1149 : vector<1x16xf32> to vector<16xf32>
        %add3A_1151 = arith.addf %add3A_1093, %get3A_1150 : vector<16xf32>
        %add3A_1152 = arith.constant 1 : i32
        %add3A_1153 = arith.addi %add3A_1152, %scan3A_1102 : i32
        %get3A_1154 = arith.index_cast %add3A_1153 : i32 to index
        %get3A_1155 = arith.constant 112 : index
        %get3A_1156 = tpu.vector_load %arg6[%get3A_1154, %get3A_1155] {strides = array<i32>} : memref<100x128xf32, #tpu.memory_space<vmem>>, vector<1x16xf32>,
        %get3A_1157 = vector.shape_cast %get3A_1156 : vector<1x16xf32> to vector<16xf32>
        %add3A_1158 = arith.addf %add3A_1100, %get3A_1157 : vector<16xf32>
        %scan3A_1159 = arith.constant 4 : i32
        %scan3A_1160 = arith.addi %scan3A_920, %scan3A_1159 : i32
        %add3A_1161 = arith.constant 1 : i32
        %add3A_1162 = arith.addi %add3A_1161, %scan3A_1160 : i32
        %get3A_1163 = arith.index_cast %add3A_1162 : i32 to index
        %get3A_1164 = arith.constant 0 : index
        %get3A_1165 = tpu.vector_load %arg6[%get3A_1163, %get3A_1164] {strides = array<i32>} : memref<100x128xf32, #tpu.memory_space<vmem>>, vector<1x16xf32>,
        %get3A_1166 = vector.shape_cast %get3A_1165 : vector<1x16xf32> to vector<16xf32>
        %add3A_1167 = arith.addf %add3A_1109, %get3A_1166 : vector<16xf32>
        %add3A_1168 = arith.constant 1 : i32
        %add3A_1169 = arith.addi %add3A_1168, %scan3A_1160 : i32
        %get3A_1170 = arith.index_cast %add3A_1169 : i32 to index
        %get3A_1171 = arith.constant 16 : index
        %get3A_1172 = tpu.vector_load %arg6[%get3A_1170, %get3A_1171] {strides = array<i32>} : memref<100x128xf32, #tpu.memory_space<vmem>>, vector<1x16xf32>,
        %get3A_1173 = vector.shape_cast %get3A_1172 : vector<1x16xf32> to vector<16xf32>
        %add3A_1174 = arith.addf %add3A_1116, %get3A_1173 : vector<16xf32>
        %add3A_1175 = arith.constant 1 : i32
        %add3A_1176 = arith.addi %add3A_1175, %scan3A_1160 : i32
        %get3A_1177 = arith.index_cast %add3A_1176 : i32 to index
        %get3A_1178 = arith.constant 32 : index
        %get3A_1179 = tpu.vector_load %arg6[%get3A_1177, %get3A_1178] {strides = array<i32>} : memref<100x128xf32, #tpu.memory_space<vmem>>, vector<1x16xf32>,
        %get3A_1180 = vector.shape_cast %get3A_1179 : vector<1x16xf32> to vector<16xf32>
        %add3A_1181 = arith.addf %add3A_1123, %get3A_1180 : vector<16xf32>
        %add3A_1182 = arith.constant 1 : i32
        %add3A_1183 = arith.addi %add3A_1182, %scan3A_1160 : i32
        %get3A_1184 = arith.index_cast %add3A_1183 : i32 to index
        %get3A_1185 = arith.constant 48 : index
        %get3A_1186 = tpu.vector_load %arg6[%get3A_1184, %get3A_1185] {strides = array<i32>} : memref<100x128xf32, #tpu.memory_space<vmem>>, vector<1x16xf32>,
        %get3A_1187 = vector.shape_cast %get3A_1186 : vector<1x16xf32> to vector<16xf32>
        %add3A_1188 = arith.addf %add3A_1130, %get3A_1187 : vector<16xf32>
        %add3A_1189 = arith.constant 1 : i32
        %add3A_1190 = arith.addi %add3A_1189, %scan3A_1160 : i32
        %get3A_1191 = arith.index_cast %add3A_1190 : i32 to index
        %get3A_1192 = arith.constant 64 : index
        %get3A_1193 = tpu.vector_load %arg6[%get3A_1191, %get3A_1192] {strides = array<i32>} : memref<100x128xf32, #tpu.memory_space<vmem>>, vector<1x16xf32>,
        %get3A_1194 = vector.shape_cast %get3A_1193 : vector<1x16xf32> to vector<16xf32>
        %add3A_1195 = arith.addf %add3A_1137, %get3A_1194 : vector<16xf32>
        %add3A_1196 = arith.constant 1 : i32
        %add3A_1197 = arith.addi %add3A_1196, %scan3A_1160 : i32
        %get3A_1198 = arith.index_cast %add3A_1197 : i32 to index
        %get3A_1199 = arith.constant 80 : index
        %get3A_1200 = tpu.vector_load %arg6[%get3A_1198, %get3A_1199] {strides = array<i32>} : memref<100x128xf32, #tpu.memory_space<vmem>>, vector<1x16xf32>,
        %get3A_1201 = vector.shape_cast %get3A_1200 : vector<1x16xf32> to vector<16xf32>
        %add3A_1202 = arith.addf %add3A_1144, %get3A_1201 : vector<16xf32>
        %add3A_1203 = arith.constant 1 : i32
        %add3A_1204 = arith.addi %add3A_1203, %scan3A_1160 : i32
        %get3A_1205 = arith.index_cast %add3A_1204 : i32 to index
        %get3A_1206 = arith.constant 96 : index
        %get3A_1207 = tpu.vector_load %arg6[%get3A_1205, %get3A_1206] {strides = array<i32>} : memref<100x128xf32, #tpu.memory_space<vmem>>, vector<1x16xf32>,
        %get3A_1208 = vector.shape_cast %get3A_1207 : vector<1x16xf32> to vector<16xf32>
        %add3A_1209 = arith.addf %add3A_1151, %get3A_1208 : vector<16xf32>
        %add3A_1210 = arith.constant 1 : i32
        %add3A_1211 = arith.addi %add3A_1210, %scan3A_1160 : i32
        %get3A_1212 = arith.index_cast %add3A_1211 : i32 to index
        %get3A_1213 = arith.constant 112 : index
        %get3A_1214 = tpu.vector_load %arg6[%get3A_1212, %get3A_1213] {strides = array<i32>} : memref<100x128xf32, #tpu.memory_space<vmem>>, vector<1x16xf32>,
        %get3A_1215 = vector.shape_cast %get3A_1214 : vector<1x16xf32> to vector<16xf32>
        %add3A_1216 = arith.addf %add3A_1158, %get3A_1215 : vector<16xf32>
        %scan3A_1217 = arith.constant 5 : i32
        %scan3A_1218 = arith.addi %scan3A_920, %scan3A_1217 : i32
        %add3A_1219 = arith.constant 1 : i32
        %add3A_1220 = arith.addi %add3A_1219, %scan3A_1218 : i32
        %get3A_1221 = arith.index_cast %add3A_1220 : i32 to index
        %get3A_1222 = arith.constant 0 : index
        %get3A_1223 = tpu.vector_load %arg6[%get3A_1221, %get3A_1222] {strides = array<i32>} : memref<100x128xf32, #tpu.memory_space<vmem>>, vector<1x16xf32>,
        %get3A_1224 = vector.shape_cast %get3A_1223 : vector<1x16xf32> to vector<16xf32>
        %add3A_1225 = arith.addf %add3A_1167, %get3A_1224 : vector<16xf32>
        %add3A_1226 = arith.constant 1 : i32
        %add3A_1227 = arith.addi %add3A_1226, %scan3A_1218 : i32
        %get3A_1228 = arith.index_cast %add3A_1227 : i32 to index
        %get3A_1229 = arith.constant 16 : index
        %get3A_1230 = tpu.vector_load %arg6[%get3A_1228, %get3A_1229] {strides = array<i32>} : memref<100x128xf32, #tpu.memory_space<vmem>>, vector<1x16xf32>,
        %get3A_1231 = vector.shape_cast %get3A_1230 : vector<1x16xf32> to vector<16xf32>
        %add3A_1232 = arith.addf %add3A_1174, %get3A_1231 : vector<16xf32>
        %add3A_1233 = arith.constant 1 : i32
        %add3A_1234 = arith.addi %add3A_1233, %scan3A_1218 : i32
        %get3A_1235 = arith.index_cast %add3A_1234 : i32 to index
        %get3A_1236 = arith.constant 32 : index
        %get3A_1237 = tpu.vector_load %arg6[%get3A_1235, %get3A_1236] {strides = array<i32>} : memref<100x128xf32, #tpu.memory_space<vmem>>, vector<1x16xf32>,
        %get3A_1238 = vector.shape_cast %get3A_1237 : vector<1x16xf32> to vector<16xf32>
        %add3A_1239 = arith.addf %add3A_1181, %get3A_1238 : vector<16xf32>
        %add3A_1240 = arith.constant 1 : i32
        %add3A_1241 = arith.addi %add3A_1240, %scan3A_1218 : i32
        %get3A_1242 = arith.index_cast %add3A_1241 : i32 to index
        %get3A_1243 = arith.constant 48 : index
        %get3A_1244 = tpu.vector_load %arg6[%get3A_1242, %get3A_1243] {strides = array<i32>} : memref<100x128xf32, #tpu.memory_space<vmem>>, vector<1x16xf32>,
        %get3A_1245 = vector.shape_cast %get3A_1244 : vector<1x16xf32> to vector<16xf32>
        %add3A_1246 = arith.addf %add3A_1188, %get3A_1245 : vector<16xf32>
        %add3A_1247 = arith.constant 1 : i32
        %add3A_1248 = arith.addi %add3A_1247, %scan3A_1218 : i32
        %get3A_1249 = arith.index_cast %add3A_1248 : i32 to index
        %get3A_1250 = arith.constant 64 : index
        %get3A_1251 = tpu.vector_load %arg6[%get3A_1249, %get3A_1250] {strides = array<i32>} : memref<100x128xf32, #tpu.memory_space<vmem>>, vector<1x16xf32>,
        %get3A_1252 = vector.shape_cast %get3A_1251 : vector<1x16xf32> to vector<16xf32>
        %add3A_1253 = arith.addf %add3A_1195, %get3A_1252 : vector<16xf32>
        %add3A_1254 = arith.constant 1 : i32
        %add3A_1255 = arith.addi %add3A_1254, %scan3A_1218 : i32
        %get3A_1256 = arith.index_cast %add3A_1255 : i32 to index
        %get3A_1257 = arith.constant 80 : index
        %get3A_1258 = tpu.vector_load %arg6[%get3A_1256, %get3A_1257] {strides = array<i32>} : memref<100x128xf32, #tpu.memory_space<vmem>>, vector<1x16xf32>,
        %get3A_1259 = vector.shape_cast %get3A_1258 : vector<1x16xf32> to vector<16xf32>
        %add3A_1260 = arith.addf %add3A_1202, %get3A_1259 : vector<16xf32>
        %add3A_1261 = arith.constant 1 : i32
        %add3A_1262 = arith.addi %add3A_1261, %scan3A_1218 : i32
        %get3A_1263 = arith.index_cast %add3A_1262 : i32 to index
        %get3A_1264 = arith.constant 96 : index
        %get3A_1265 = tpu.vector_load %arg6[%get3A_1263, %get3A_1264] {strides = array<i32>} : memref<100x128xf32, #tpu.memory_space<vmem>>, vector<1x16xf32>,
        %get3A_1266 = vector.shape_cast %get3A_1265 : vector<1x16xf32> to vector<16xf32>
        %add3A_1267 = arith.addf %add3A_1209, %get3A_1266 : vector<16xf32>
        %add3A_1268 = arith.constant 1 : i32
        %add3A_1269 = arith.addi %add3A_1268, %scan3A_1218 : i32
        %get3A_1270 = arith.index_cast %add3A_1269 : i32 to index
        %get3A_1271 = arith.constant 112 : index
        %get3A_1272 = tpu.vector_load %arg6[%get3A_1270, %get3A_1271] {strides = array<i32>} : memref<100x128xf32, #tpu.memory_space<vmem>>, vector<1x16xf32>,
        %get3A_1273 = vector.shape_cast %get3A_1272 : vector<1x16xf32> to vector<16xf32>
        %add3A_1274 = arith.addf %add3A_1216, %get3A_1273 : vector<16xf32>
        %scan3A_1275 = arith.constant 6 : i32
        %scan3A_1276 = arith.addi %scan3A_920, %scan3A_1275 : i32
        %add3A_1277 = arith.constant 1 : i32
        %add3A_1278 = arith.addi %add3A_1277, %scan3A_1276 : i32
        %get3A_1279 = arith.index_cast %add3A_1278 : i32 to index
        %get3A_1280 = arith.constant 0 : index
        %get3A_1281 = tpu.vector_load %arg6[%get3A_1279, %get3A_1280] {strides = array<i32>} : memref<100x128xf32, #tpu.memory_space<vmem>>, vector<1x16xf32>,
        %get3A_1282 = vector.shape_cast %get3A_1281 : vector<1x16xf32> to vector<16xf32>
        %add3A_1283 = arith.addf %add3A_1225, %get3A_1282 : vector<16xf32>
        %add3A_1284 = arith.constant 1 : i32
        %add3A_1285 = arith.addi %add3A_1284, %scan3A_1276 : i32
        %get3A_1286 = arith.index_cast %add3A_1285 : i32 to index
        %get3A_1287 = arith.constant 16 : index
        %get3A_1288 = tpu.vector_load %arg6[%get3A_1286, %get3A_1287] {strides = array<i32>} : memref<100x128xf32, #tpu.memory_space<vmem>>, vector<1x16xf32>,
        %get3A_1289 = vector.shape_cast %get3A_1288 : vector<1x16xf32> to vector<16xf32>
        %add3A_1290 = arith.addf %add3A_1232, %get3A_1289 : vector<16xf32>
        %add3A_1291 = arith.constant 1 : i32
        %add3A_1292 = arith.addi %add3A_1291, %scan3A_1276 : i32
        %get3A_1293 = arith.index_cast %add3A_1292 : i32 to index
        %get3A_1294 = arith.constant 32 : index
        %get3A_1295 = tpu.vector_load %arg6[%get3A_1293, %get3A_1294] {strides = array<i32>} : memref<100x128xf32, #tpu.memory_space<vmem>>, vector<1x16xf32>,
        %get3A_1296 = vector.shape_cast %get3A_1295 : vector<1x16xf32> to vector<16xf32>
        %add3A_1297 = arith.addf %add3A_1239, %get3A_1296 : vector<16xf32>
        %add3A_1298 = arith.constant 1 : i32
        %add3A_1299 = arith.addi %add3A_1298, %scan3A_1276 : i32
        %get3A_1300 = arith.index_cast %add3A_1299 : i32 to index
        %get3A_1301 = arith.constant 48 : index
        %get3A_1302 = tpu.vector_load %arg6[%get3A_1300, %get3A_1301] {strides = array<i32>} : memref<100x128xf32, #tpu.memory_space<vmem>>, vector<1x16xf32>,
        %get3A_1303 = vector.shape_cast %get3A_1302 : vector<1x16xf32> to vector<16xf32>
        %add3A_1304 = arith.addf %add3A_1246, %get3A_1303 : vector<16xf32>
        %add3A_1305 = arith.constant 1 : i32
        %add3A_1306 = arith.addi %add3A_1305, %scan3A_1276 : i32
        %get3A_1307 = arith.index_cast %add3A_1306 : i32 to index
        %get3A_1308 = arith.constant 64 : index
        %get3A_1309 = tpu.vector_load %arg6[%get3A_1307, %get3A_1308] {strides = array<i32>} : memref<100x128xf32, #tpu.memory_space<vmem>>, vector<1x16xf32>,
        %get3A_1310 = vector.shape_cast %get3A_1309 : vector<1x16xf32> to vector<16xf32>
        %add3A_1311 = arith.addf %add3A_1253, %get3A_1310 : vector<16xf32>
        %add3A_1312 = arith.constant 1 : i32
        %add3A_1313 = arith.addi %add3A_1312, %scan3A_1276 : i32
        %get3A_1314 = arith.index_cast %add3A_1313 : i32 to index
        %get3A_1315 = arith.constant 80 : index
        %get3A_1316 = tpu.vector_load %arg6[%get3A_1314, %get3A_1315] {strides = array<i32>} : memref<100x128xf32, #tpu.memory_space<vmem>>, vector<1x16xf32>,
        %get3A_1317 = vector.shape_cast %get3A_1316 : vector<1x16xf32> to vector<16xf32>
        %add3A_1318 = arith.addf %add3A_1260, %get3A_1317 : vector<16xf32>
        %add3A_1319 = arith.constant 1 : i32
        %add3A_1320 = arith.addi %add3A_1319, %scan3A_1276 : i32
        %get3A_1321 = arith.index_cast %add3A_1320 : i32 to index
        %get3A_1322 = arith.constant 96 : index
        %get3A_1323 = tpu.vector_load %arg6[%get3A_1321, %get3A_1322] {strides = array<i32>} : memref<100x128xf32, #tpu.memory_space<vmem>>, vector<1x16xf32>,
        %get3A_1324 = vector.shape_cast %get3A_1323 : vector<1x16xf32> to vector<16xf32>
        %add3A_1325 = arith.addf %add3A_1267, %get3A_1324 : vector<16xf32>
        %add3A_1326 = arith.constant 1 : i32
        %add3A_1327 = arith.addi %add3A_1326, %scan3A_1276 : i32
        %get3A_1328 = arith.index_cast %add3A_1327 : i32 to index
        %get3A_1329 = arith.constant 112 : index
        %get3A_1330 = tpu.vector_load %arg6[%get3A_1328, %get3A_1329] {strides = array<i32>} : memref<100x128xf32, #tpu.memory_space<vmem>>, vector<1x16xf32>,
        %get3A_1331 = vector.shape_cast %get3A_1330 : vector<1x16xf32> to vector<16xf32>
        %add3A_1332 = arith.addf %add3A_1274, %get3A_1331 : vector<16xf32>
        scf.yield %add3A_1283, %add3A_1290, %add3A_1297, %add3A_1304, %add3A_1311, %add3A_1318, %add3A_1325, %add3A_1332 : vector<16xf32>, vector<16xf32>, vector<16xf32>, vector<16xf32>, vector<16xf32>, vector<16xf32>, vector<16xf32>, vector<16xf32>
      }
      %scan3A_87 = arith.constant 49 : i32
      %add3A_88 = arith.constant 0 : i32
      %add3A_89 = arith.addi %mul3A_42, %add3A_88 : i32
      %swap3A = arith.index_cast %add3A_89 : i32 to index
      %swap3A_90 = arith.constant 0 : index
      %swap3A_91 = tpu.vector_load %arg10[%swap3A, %swap3A_90] {strides = array<i32>} : memref<128x128xf32, #tpu.memory_space<vmem>>, vector<1x16xf32>,
      %swap3A_92 = vector.shape_cast %swap3A_91 : vector<1x16xf32> to vector<16xf32>
      %swap3A_93 = vector.shape_cast %scan3A_86#0 : vector<16xf32> to vector<1x16xf32>
      tpu.vector_store %arg10[%swap3A, %swap3A_90], %swap3A_93 {strides = array<i32>} : memref<128x128xf32, #tpu.memory_space<vmem>>, vector<1x16xf32>,
      %add3A_94 = arith.constant 0 : i32
      %add3A_95 = arith.addi %mul3A_42, %add3A_94 : i32
      %swap3A_96 = arith.index_cast %add3A_95 : i32 to index
      %swap3A_97 = arith.constant 16 : index
      %swap3A_98 = tpu.vector_load %arg10[%swap3A_96, %swap3A_97] {strides = array<i32>} : memref<128x128xf32, #tpu.memory_space<vmem>>, vector<1x16xf32>,
      %swap3A_99 = vector.shape_cast %swap3A_98 : vector<1x16xf32> to vector<16xf32>
      %swap3A_100 = vector.shape_cast %scan3A_86#1 : vector<16xf32> to vector<1x16xf32>
      tpu.vector_store %arg10[%swap3A_96, %swap3A_97], %swap3A_100 {strides = array<i32>} : memref<128x128xf32, #tpu.memory_space<vmem>>, vector<1x16xf32>,
      %add3A_101 = arith.constant 0 : i32
      %add3A_102 = arith.addi %mul3A_42, %add3A_101 : i32
      %swap3A_103 = arith.index_cast %add3A_102 : i32 to index
      %swap3A_104 = arith.constant 32 : index
      %swap3A_105 = tpu.vector_load %arg10[%swap3A_103, %swap3A_104] {strides = array<i32>} : memref<128x128xf32, #tpu.memory_space<vmem>>, vector<1x16xf32>,
      %swap3A_106 = vector.shape_cast %swap3A_105 : vector<1x16xf32> to vector<16xf32>
      %swap3A_107 = vector.shape_cast %scan3A_86#2 : vector<16xf32> to vector<1x16xf32>
      tpu.vector_store %arg10[%swap3A_103, %swap3A_104], %swap3A_107 {strides = array<i32>} : memref<128x128xf32, #tpu.memory_space<vmem>>, vector<1x16xf32>,
      %add3A_108 = arith.constant 0 : i32
      %add3A_109 = arith.addi %mul3A_42, %add3A_108 : i32
      %swap3A_110 = arith.index_cast %add3A_109 : i32 to index
      %swap3A_111 = arith.constant 48 : index
      %swap3A_112 = tpu.vector_load %arg10[%swap3A_110, %swap3A_111] {strides = array<i32>} : memref<128x128xf32, #tpu.memory_space<vmem>>, vector<1x16xf32>,
      %swap3A_113 = vector.shape_cast %swap3A_112 : vector<1x16xf32> to vector<16xf32>
      %swap3A_114 = vector.shape_cast %scan3A_86#3 : vector<16xf32> to vector<1x16xf32>
      tpu.vector_store %arg10[%swap3A_110, %swap3A_111], %swap3A_114 {strides = array<i32>} : memref<128x128xf32, #tpu.memory_space<vmem>>, vector<1x16xf32>,
      %add3A_115 = arith.constant 0 : i32
      %add3A_116 = arith.addi %mul3A_42, %add3A_115 : i32
      %swap3A_117 = arith.index_cast %add3A_116 : i32 to index
      %swap3A_118 = arith.constant 64 : index
      %swap3A_119 = tpu.vector_load %arg10[%swap3A_117, %swap3A_118] {strides = array<i32>} : memref<128x128xf32, #tpu.memory_space<vmem>>, vector<1x16xf32>,
      %swap3A_120 = vector.shape_cast %swap3A_119 : vector<1x16xf32> to vector<16xf32>
      %swap3A_121 = vector.shape_cast %scan3A_86#4 : vector<16xf32> to vector<1x16xf32>
      tpu.vector_store %arg10[%swap3A_117, %swap3A_118], %swap3A_121 {strides = array<i32>} : memref<128x128xf32, #tpu.memory_space<vmem>>, vector<1x16xf32>,
      %add3A_122 = arith.constant 0 : i32
      %add3A_123 = arith.addi %mul3A_42, %add3A_122 : i32
      %swap3A_124 = arith.index_cast %add3A_123 : i32 to index
      %swap3A_125 = arith.constant 80 : index
      %swap3A_126 = tpu.vector_load %arg10[%swap3A_124, %swap3A_125] {strides = array<i32>} : memref<128x128xf32, #tpu.memory_space<vmem>>, vector<1x16xf32>,
      %swap3A_127 = vector.shape_cast %swap3A_126 : vector<1x16xf32> to vector<16xf32>
      %swap3A_128 = vector.shape_cast %scan3A_86#5 : vector<16xf32> to vector<1x16xf32>
      tpu.vector_store %arg10[%swap3A_124, %swap3A_125], %swap3A_128 {strides = array<i32>} : memref<128x128xf32, #tpu.memory_space<vmem>>, vector<1x16xf32>,
      %add3A_129 = arith.constant 0 : i32
      %add3A_130 = arith.addi %mul3A_42, %add3A_129 : i32
      %swap3A_131 = arith.index_cast %add3A_130 : i32 to index
      %swap3A_132 = arith.constant 96 : index
      %swap3A_133 = tpu.vector_load %arg10[%swap3A_131, %swap3A_132] {strides = array<i32>} : memref<128x128xf32, #tpu.memory_space<vmem>>, vector<1x16xf32>,
      %swap3A_134 = vector.shape_cast %swap3A_133 : vector<1x16xf32> to vector<16xf32>
      %swap3A_135 = vector.shape_cast %scan3A_86#6 : vector<16xf32> to vector<1x16xf32>
      tpu.vector_store %arg10[%swap3A_131, %swap3A_132], %swap3A_135 {strides = array<i32>} : memref<128x128xf32, #tpu.memory_space<vmem>>, vector<1x16xf32>,
      %add3A_136 = arith.constant 0 : i32
      %add3A_137 = arith.addi %mul3A_42, %add3A_136 : i32
      %swap3A_138 = arith.index_cast %add3A_137 : i32 to index
      %swap3A_139 = arith.constant 112 : index
      %swap3A_140 = tpu.vector_load %arg10[%swap3A_138, %swap3A_139] {strides = array<i32>} : memref<128x128xf32, #tpu.memory_space<vmem>>, vector<1x16xf32>,
      %swap3A_141 = vector.shape_cast %swap3A_140 : vector<1x16xf32> to vector<16xf32>
      %swap3A_142 = vector.shape_cast %scan3A_86#7 : vector<16xf32> to vector<1x16xf32>
      tpu.vector_store %arg10[%swap3A_138, %swap3A_139], %swap3A_142 {strides = array<i32>} : memref<128x128xf32, #tpu.memory_space<vmem>>, vector<1x16xf32>,
      %get3A_143 = arith.constant 50 : i32
      %get3A_144 = arith.index_cast %get3A_143 : i32 to index
      %get3A_145 = arith.constant 0 : index
      %get3A_146 = tpu.vector_load %arg6[%get3A_144, %get3A_145] {strides = array<i32>} : memref<100x128xf32, #tpu.memory_space<vmem>>, vector<1x16xf32>,
      %get3A_147 = vector.shape_cast %get3A_146 : vector<1x16xf32> to vector<16xf32>
      %get3A_148 = arith.constant 50 : i32
      %get3A_149 = arith.index_cast %get3A_148 : i32 to index
      %get3A_150 = arith.constant 16 : index
      %get3A_151 = tpu.vector_load %arg6[%get3A_149, %get3A_150] {strides = array<i32>} : memref<100x128xf32, #tpu.memory_space<vmem>>, vector<1x16xf32>,
      %get3A_152 = vector.shape_cast %get3A_151 : vector<1x16xf32> to vector<16xf32>
      %get3A_153 = arith.constant 50 : i32
      %get3A_154 = arith.index_cast %get3A_153 : i32 to index
      %get3A_155 = arith.constant 32 : index
      %get3A_156 = tpu.vector_load %arg6[%get3A_154, %get3A_155] {strides = array<i32>} : memref<100x128xf32, #tpu.memory_space<vmem>>, vector<1x16xf32>,
      %get3A_157 = vector.shape_cast %get3A_156 : vector<1x16xf32> to vector<16xf32>
      %get3A_158 = arith.constant 50 : i32
      %get3A_159 = arith.index_cast %get3A_158 : i32 to index
      %get3A_160 = arith.constant 48 : index
      %get3A_161 = tpu.vector_load %arg6[%get3A_159, %get3A_160] {strides = array<i32>} : memref<100x128xf32, #tpu.memory_space<vmem>>, vector<1x16xf32>,
      %get3A_162 = vector.shape_cast %get3A_161 : vector<1x16xf32> to vector<16xf32>
      %get3A_163 = arith.constant 50 : i32
      %get3A_164 = arith.index_cast %get3A_163 : i32 to index
      %get3A_165 = arith.constant 64 : index
      %get3A_166 = tpu.vector_load %arg6[%get3A_164, %get3A_165] {strides = array<i32>} : memref<100x128xf32, #tpu.memory_space<vmem>>, vector<1x16xf32>,
      %get3A_167 = vector.shape_cast %get3A_166 : vector<1x16xf32> to vector<16xf32>
      %get3A_168 = arith.constant 50 : i32
      %get3A_169 = arith.index_cast %get3A_168 : i32 to index
      %get3A_170 = arith.constant 80 : index
      %get3A_171 = tpu.vector_load %arg6[%get3A_169, %get3A_170] {strides = array<i32>} : memref<100x128xf32, #tpu.memory_space<vmem>>, vector<1x16xf32>,
      %get3A_172 = vector.shape_cast %get3A_171 : vector<1x16xf32> to vector<16xf32>
      %get3A_173 = arith.constant 50 : i32
      %get3A_174 = arith.index_cast %get3A_173 : i32 to index
      %get3A_175 = arith.constant 96 : index
      %get3A_176 = tpu.vector_load %arg6[%get3A_174, %get3A_175] {strides = array<i32>} : memref<100x128xf32, #tpu.memory_space<vmem>>, vector<1x16xf32>,
      %get3A_177 = vector.shape_cast %get3A_176 : vector<1x16xf32> to vector<16xf32>
      %get3A_178 = arith.constant 50 : i32
      %get3A_179 = arith.index_cast %get3A_178 : i32 to index
      %get3A_180 = arith.constant 112 : index
      %get3A_181 = tpu.vector_load %arg6[%get3A_179, %get3A_180] {strides = array<i32>} : memref<100x128xf32, #tpu.memory_space<vmem>>, vector<1x16xf32>,
      %get3A_182 = vector.shape_cast %get3A_181 : vector<1x16xf32> to vector<16xf32>
      %scan3A_183 = arith.constant 0 : i32
      %scan3A_184 = arith.constant 49 : i32
      %scan3A_185 = arith.addi %scan3A_183, %scan3A_184 : i32
      %scan3A_186 = arith.constant 7 : i32
      %scan3A_187:8 = scf.for %scan3A_920 = %scan3A_183 to %scan3A_185 step %scan3A_186 iter_args(%scan3A_921 = %get3A_147, %scan3A_922 = %get3A_152, %scan3A_923 = %get3A_157, %scan3A_924 = %get3A_162, %scan3A_925 = %get3A_167, %scan3A_926 = %get3A_172, %scan3A_927 = %get3A_177, %scan3A_928 = %get3A_182) -> (vector<16xf32>, vector<16xf32>, vector<16xf32>, vector<16xf32>, vector<16xf32>, vector<16xf32>, vector<16xf32>, vector<16xf32>)  : i32 {
        %add3A_929 = arith.constant 51 : i32
        %add3A_930 = arith.addi %add3A_929, %scan3A_920 : i32
        %get3A_931 = arith.index_cast %add3A_930 : i32 to index
        %get3A_932 = arith.constant 0 : index
        %get3A_933 = tpu.vector_load %arg6[%get3A_931, %get3A_932] {strides = array<i32>} : memref<100x128xf32, #tpu.memory_space<vmem>>, vector<1x16xf32>,
        %get3A_934 = vector.shape_cast %get3A_933 : vector<1x16xf32> to vector<16xf32>
        %add3A_935 = arith.addf %scan3A_921, %get3A_934 : vector<16xf32>
        %add3A_936 = arith.constant 51 : i32
        %add3A_937 = arith.addi %add3A_936, %scan3A_920 : i32
        %get3A_938 = arith.index_cast %add3A_937 : i32 to index
        %get3A_939 = arith.constant 16 : index
        %get3A_940 = tpu.vector_load %arg6[%get3A_938, %get3A_939] {strides = array<i32>} : memref<100x128xf32, #tpu.memory_space<vmem>>, vector<1x16xf32>,
        %get3A_941 = vector.shape_cast %get3A_940 : vector<1x16xf32> to vector<16xf32>
        %add3A_942 = arith.addf %scan3A_922, %get3A_941 : vector<16xf32>
        %add3A_943 = arith.constant 51 : i32
        %add3A_944 = arith.addi %add3A_943, %scan3A_920 : i32
        %get3A_945 = arith.index_cast %add3A_944 : i32 to index
        %get3A_946 = arith.constant 32 : index
        %get3A_947 = tpu.vector_load %arg6[%get3A_945, %get3A_946] {strides = array<i32>} : memref<100x128xf32, #tpu.memory_space<vmem>>, vector<1x16xf32>,
        %get3A_948 = vector.shape_cast %get3A_947 : vector<1x16xf32> to vector<16xf32>
        %add3A_949 = arith.addf %scan3A_923, %get3A_948 : vector<16xf32>
        %add3A_950 = arith.constant 51 : i32
        %add3A_951 = arith.addi %add3A_950, %scan3A_920 : i32
        %get3A_952 = arith.index_cast %add3A_951 : i32 to index
        %get3A_953 = arith.constant 48 : index
        %get3A_954 = tpu.vector_load %arg6[%get3A_952, %get3A_953] {strides = array<i32>} : memref<100x128xf32, #tpu.memory_space<vmem>>, vector<1x16xf32>,
        %get3A_955 = vector.shape_cast %get3A_954 : vector<1x16xf32> to vector<16xf32>
        %add3A_956 = arith.addf %scan3A_924, %get3A_955 : vector<16xf32>
        %add3A_957 = arith.constant 51 : i32
        %add3A_958 = arith.addi %add3A_957, %scan3A_920 : i32
        %get3A_959 = arith.index_cast %add3A_958 : i32 to index
        %get3A_960 = arith.constant 64 : index
        %get3A_961 = tpu.vector_load %arg6[%get3A_959, %get3A_960] {strides = array<i32>} : memref<100x128xf32, #tpu.memory_space<vmem>>, vector<1x16xf32>,
        %get3A_962 = vector.shape_cast %get3A_961 : vector<1x16xf32> to vector<16xf32>
        %add3A_963 = arith.addf %scan3A_925, %get3A_962 : vector<16xf32>
        %add3A_964 = arith.constant 51 : i32
        %add3A_965 = arith.addi %add3A_964, %scan3A_920 : i32
        %get3A_966 = arith.index_cast %add3A_965 : i32 to index
        %get3A_967 = arith.constant 80 : index
        %get3A_968 = tpu.vector_load %arg6[%get3A_966, %get3A_967] {strides = array<i32>} : memref<100x128xf32, #tpu.memory_space<vmem>>, vector<1x16xf32>,
        %get3A_969 = vector.shape_cast %get3A_968 : vector<1x16xf32> to vector<16xf32>
        %add3A_970 = arith.addf %scan3A_926, %get3A_969 : vector<16xf32>
        %add3A_971 = arith.constant 51 : i32
        %add3A_972 = arith.addi %add3A_971, %scan3A_920 : i32
        %get3A_973 = arith.index_cast %add3A_972 : i32 to index
        %get3A_974 = arith.constant 96 : index
        %get3A_975 = tpu.vector_load %arg6[%get3A_973, %get3A_974] {strides = array<i32>} : memref<100x128xf32, #tpu.memory_space<vmem>>, vector<1x16xf32>,
        %get3A_976 = vector.shape_cast %get3A_975 : vector<1x16xf32> to vector<16xf32>
        %add3A_977 = arith.addf %scan3A_927, %get3A_976 : vector<16xf32>
        %add3A_978 = arith.constant 51 : i32
        %add3A_979 = arith.addi %add3A_978, %scan3A_920 : i32
        %get3A_980 = arith.index_cast %add3A_979 : i32 to index
        %get3A_981 = arith.constant 112 : index
        %get3A_982 = tpu.vector_load %arg6[%get3A_980, %get3A_981] {strides = array<i32>} : memref<100x128xf32, #tpu.memory_space<vmem>>, vector<1x16xf32>,
        %get3A_983 = vector.shape_cast %get3A_982 : vector<1x16xf32> to vector<16xf32>
        %add3A_984 = arith.addf %scan3A_928, %get3A_983 : vector<16xf32>
        %scan3A_985 = arith.constant 1 : i32
        %scan3A_986 = arith.addi %scan3A_920, %scan3A_985 : i32
        %add3A_987 = arith.constant 51 : i32
        %add3A_988 = arith.addi %add3A_987, %scan3A_986 : i32
        %get3A_989 = arith.index_cast %add3A_988 : i32 to index
        %get3A_990 = arith.constant 0 : index
        %get3A_991 = tpu.vector_load %arg6[%get3A_989, %get3A_990] {strides = array<i32>} : memref<100x128xf32, #tpu.memory_space<vmem>>, vector<1x16xf32>,
        %get3A_992 = vector.shape_cast %get3A_991 : vector<1x16xf32> to vector<16xf32>
        %add3A_993 = arith.addf %add3A_935, %get3A_992 : vector<16xf32>
        %add3A_994 = arith.constant 51 : i32
        %add3A_995 = arith.addi %add3A_994, %scan3A_986 : i32
        %get3A_996 = arith.index_cast %add3A_995 : i32 to index
        %get3A_997 = arith.constant 16 : index
        %get3A_998 = tpu.vector_load %arg6[%get3A_996, %get3A_997] {strides = array<i32>} : memref<100x128xf32, #tpu.memory_space<vmem>>, vector<1x16xf32>,
        %get3A_999 = vector.shape_cast %get3A_998 : vector<1x16xf32> to vector<16xf32>
        %add3A_1000 = arith.addf %add3A_942, %get3A_999 : vector<16xf32>
        %add3A_1001 = arith.constant 51 : i32
        %add3A_1002 = arith.addi %add3A_1001, %scan3A_986 : i32
        %get3A_1003 = arith.index_cast %add3A_1002 : i32 to index
        %get3A_1004 = arith.constant 32 : index
        %get3A_1005 = tpu.vector_load %arg6[%get3A_1003, %get3A_1004] {strides = array<i32>} : memref<100x128xf32, #tpu.memory_space<vmem>>, vector<1x16xf32>,
        %get3A_1006 = vector.shape_cast %get3A_1005 : vector<1x16xf32> to vector<16xf32>
        %add3A_1007 = arith.addf %add3A_949, %get3A_1006 : vector<16xf32>
        %add3A_1008 = arith.constant 51 : i32
        %add3A_1009 = arith.addi %add3A_1008, %scan3A_986 : i32
        %get3A_1010 = arith.index_cast %add3A_1009 : i32 to index
        %get3A_1011 = arith.constant 48 : index
        %get3A_1012 = tpu.vector_load %arg6[%get3A_1010, %get3A_1011] {strides = array<i32>} : memref<100x128xf32, #tpu.memory_space<vmem>>, vector<1x16xf32>,
        %get3A_1013 = vector.shape_cast %get3A_1012 : vector<1x16xf32> to vector<16xf32>
        %add3A_1014 = arith.addf %add3A_956, %get3A_1013 : vector<16xf32>
        %add3A_1015 = arith.constant 51 : i32
        %add3A_1016 = arith.addi %add3A_1015, %scan3A_986 : i32
        %get3A_1017 = arith.index_cast %add3A_1016 : i32 to index
        %get3A_1018 = arith.constant 64 : index
        %get3A_1019 = tpu.vector_load %arg6[%get3A_1017, %get3A_1018] {strides = array<i32>} : memref<100x128xf32, #tpu.memory_space<vmem>>, vector<1x16xf32>,
        %get3A_1020 = vector.shape_cast %get3A_1019 : vector<1x16xf32> to vector<16xf32>
        %add3A_1021 = arith.addf %add3A_963, %get3A_1020 : vector<16xf32>
        %add3A_1022 = arith.constant 51 : i32
        %add3A_1023 = arith.addi %add3A_1022, %scan3A_986 : i32
        %get3A_1024 = arith.index_cast %add3A_1023 : i32 to index
        %get3A_1025 = arith.constant 80 : index
        %get3A_1026 = tpu.vector_load %arg6[%get3A_1024, %get3A_1025] {strides = array<i32>} : memref<100x128xf32, #tpu.memory_space<vmem>>, vector<1x16xf32>,
        %get3A_1027 = vector.shape_cast %get3A_1026 : vector<1x16xf32> to vector<16xf32>
        %add3A_1028 = arith.addf %add3A_970, %get3A_1027 : vector<16xf32>
        %add3A_1029 = arith.constant 51 : i32
        %add3A_1030 = arith.addi %add3A_1029, %scan3A_986 : i32
        %get3A_1031 = arith.index_cast %add3A_1030 : i32 to index
        %get3A_1032 = arith.constant 96 : index
        %get3A_1033 = tpu.vector_load %arg6[%get3A_1031, %get3A_1032] {strides = array<i32>} : memref<100x128xf32, #tpu.memory_space<vmem>>, vector<1x16xf32>,
        %get3A_1034 = vector.shape_cast %get3A_1033 : vector<1x16xf32> to vector<16xf32>
        %add3A_1035 = arith.addf %add3A_977, %get3A_1034 : vector<16xf32>
        %add3A_1036 = arith.constant 51 : i32
        %add3A_1037 = arith.addi %add3A_1036, %scan3A_986 : i32
        %get3A_1038 = arith.index_cast %add3A_1037 : i32 to index
        %get3A_1039 = arith.constant 112 : index
        %get3A_1040 = tpu.vector_load %arg6[%get3A_1038, %get3A_1039] {strides = array<i32>} : memref<100x128xf32, #tpu.memory_space<vmem>>, vector<1x16xf32>,
        %get3A_1041 = vector.shape_cast %get3A_1040 : vector<1x16xf32> to vector<16xf32>
        %add3A_1042 = arith.addf %add3A_984, %get3A_1041 : vector<16xf32>
        %scan3A_1043 = arith.constant 2 : i32
        %scan3A_1044 = arith.addi %scan3A_920, %scan3A_1043 : i32
        %add3A_1045 = arith.constant 51 : i32
        %add3A_1046 = arith.addi %add3A_1045, %scan3A_1044 : i32
        %get3A_1047 = arith.index_cast %add3A_1046 : i32 to index
        %get3A_1048 = arith.constant 0 : index
        %get3A_1049 = tpu.vector_load %arg6[%get3A_1047, %get3A_1048] {strides = array<i32>} : memref<100x128xf32, #tpu.memory_space<vmem>>, vector<1x16xf32>,
        %get3A_1050 = vector.shape_cast %get3A_1049 : vector<1x16xf32> to vector<16xf32>
        %add3A_1051 = arith.addf %add3A_993, %get3A_1050 : vector<16xf32>
        %add3A_1052 = arith.constant 51 : i32
        %add3A_1053 = arith.addi %add3A_1052, %scan3A_1044 : i32
        %get3A_1054 = arith.index_cast %add3A_1053 : i32 to index
        %get3A_1055 = arith.constant 16 : index
        %get3A_1056 = tpu.vector_load %arg6[%get3A_1054, %get3A_1055] {strides = array<i32>} : memref<100x128xf32, #tpu.memory_space<vmem>>, vector<1x16xf32>,
        %get3A_1057 = vector.shape_cast %get3A_1056 : vector<1x16xf32> to vector<16xf32>
        %add3A_1058 = arith.addf %add3A_1000, %get3A_1057 : vector<16xf32>
        %add3A_1059 = arith.constant 51 : i32
        %add3A_1060 = arith.addi %add3A_1059, %scan3A_1044 : i32
        %get3A_1061 = arith.index_cast %add3A_1060 : i32 to index
        %get3A_1062 = arith.constant 32 : index
        %get3A_1063 = tpu.vector_load %arg6[%get3A_1061, %get3A_1062] {strides = array<i32>} : memref<100x128xf32, #tpu.memory_space<vmem>>, vector<1x16xf32>,
        %get3A_1064 = vector.shape_cast %get3A_1063 : vector<1x16xf32> to vector<16xf32>
        %add3A_1065 = arith.addf %add3A_1007, %get3A_1064 : vector<16xf32>
        %add3A_1066 = arith.constant 51 : i32
        %add3A_1067 = arith.addi %add3A_1066, %scan3A_1044 : i32
        %get3A_1068 = arith.index_cast %add3A_1067 : i32 to index
        %get3A_1069 = arith.constant 48 : index
        %get3A_1070 = tpu.vector_load %arg6[%get3A_1068, %get3A_1069] {strides = array<i32>} : memref<100x128xf32, #tpu.memory_space<vmem>>, vector<1x16xf32>,
        %get3A_1071 = vector.shape_cast %get3A_1070 : vector<1x16xf32> to vector<16xf32>
        %add3A_1072 = arith.addf %add3A_1014, %get3A_1071 : vector<16xf32>
        %add3A_1073 = arith.constant 51 : i32
        %add3A_1074 = arith.addi %add3A_1073, %scan3A_1044 : i32
        %get3A_1075 = arith.index_cast %add3A_1074 : i32 to index
        %get3A_1076 = arith.constant 64 : index
        %get3A_1077 = tpu.vector_load %arg6[%get3A_1075, %get3A_1076] {strides = array<i32>} : memref<100x128xf32, #tpu.memory_space<vmem>>, vector<1x16xf32>,
        %get3A_1078 = vector.shape_cast %get3A_1077 : vector<1x16xf32> to vector<16xf32>
        %add3A_1079 = arith.addf %add3A_1021, %get3A_1078 : vector<16xf32>
        %add3A_1080 = arith.constant 51 : i32
        %add3A_1081 = arith.addi %add3A_1080, %scan3A_1044 : i32
        %get3A_1082 = arith.index_cast %add3A_1081 : i32 to index
        %get3A_1083 = arith.constant 80 : index
        %get3A_1084 = tpu.vector_load %arg6[%get3A_1082, %get3A_1083] {strides = array<i32>} : memref<100x128xf32, #tpu.memory_space<vmem>>, vector<1x16xf32>,
        %get3A_1085 = vector.shape_cast %get3A_1084 : vector<1x16xf32> to vector<16xf32>
        %add3A_1086 = arith.addf %add3A_1028, %get3A_1085 : vector<16xf32>
        %add3A_1087 = arith.constant 51 : i32
        %add3A_1088 = arith.addi %add3A_1087, %scan3A_1044 : i32
        %get3A_1089 = arith.index_cast %add3A_1088 : i32 to index
        %get3A_1090 = arith.constant 96 : index
        %get3A_1091 = tpu.vector_load %arg6[%get3A_1089, %get3A_1090] {strides = array<i32>} : memref<100x128xf32, #tpu.memory_space<vmem>>, vector<1x16xf32>,
        %get3A_1092 = vector.shape_cast %get3A_1091 : vector<1x16xf32> to vector<16xf32>
        %add3A_1093 = arith.addf %add3A_1035, %get3A_1092 : vector<16xf32>
        %add3A_1094 = arith.constant 51 : i32
        %add3A_1095 = arith.addi %add3A_1094, %scan3A_1044 : i32
        %get3A_1096 = arith.index_cast %add3A_1095 : i32 to index
        %get3A_1097 = arith.constant 112 : index
        %get3A_1098 = tpu.vector_load %arg6[%get3A_1096, %get3A_1097] {strides = array<i32>} : memref<100x128xf32, #tpu.memory_space<vmem>>, vector<1x16xf32>,
        %get3A_1099 = vector.shape_cast %get3A_1098 : vector<1x16xf32> to vector<16xf32>
        %add3A_1100 = arith.addf %add3A_1042, %get3A_1099 : vector<16xf32>
        %scan3A_1101 = arith.constant 3 : i32
        %scan3A_1102 = arith.addi %scan3A_920, %scan3A_1101 : i32
        %add3A_1103 = arith.constant 51 : i32
        %add3A_1104 = arith.addi %add3A_1103, %scan3A_1102 : i32
        %get3A_1105 = arith.index_cast %add3A_1104 : i32 to index
        %get3A_1106 = arith.constant 0 : index
        %get3A_1107 = tpu.vector_load %arg6[%get3A_1105, %get3A_1106] {strides = array<i32>} : memref<100x128xf32, #tpu.memory_space<vmem>>, vector<1x16xf32>,
        %get3A_1108 = vector.shape_cast %get3A_1107 : vector<1x16xf32> to vector<16xf32>
        %add3A_1109 = arith.addf %add3A_1051, %get3A_1108 : vector<16xf32>
        %add3A_1110 = arith.constant 51 : i32
        %add3A_1111 = arith.addi %add3A_1110, %scan3A_1102 : i32
        %get3A_1112 = arith.index_cast %add3A_1111 : i32 to index
        %get3A_1113 = arith.constant 16 : index
        %get3A_1114 = tpu.vector_load %arg6[%get3A_1112, %get3A_1113] {strides = array<i32>} : memref<100x128xf32, #tpu.memory_space<vmem>>, vector<1x16xf32>,
        %get3A_1115 = vector.shape_cast %get3A_1114 : vector<1x16xf32> to vector<16xf32>
        %add3A_1116 = arith.addf %add3A_1058, %get3A_1115 : vector<16xf32>
        %add3A_1117 = arith.constant 51 : i32
        %add3A_1118 = arith.addi %add3A_1117, %scan3A_1102 : i32
        %get3A_1119 = arith.index_cast %add3A_1118 : i32 to index
        %get3A_1120 = arith.constant 32 : index
        %get3A_1121 = tpu.vector_load %arg6[%get3A_1119, %get3A_1120] {strides = array<i32>} : memref<100x128xf32, #tpu.memory_space<vmem>>, vector<1x16xf32>,
        %get3A_1122 = vector.shape_cast %get3A_1121 : vector<1x16xf32> to vector<16xf32>
        %add3A_1123 = arith.addf %add3A_1065, %get3A_1122 : vector<16xf32>
        %add3A_1124 = arith.constant 51 : i32
        %add3A_1125 = arith.addi %add3A_1124, %scan3A_1102 : i32
        %get3A_1126 = arith.index_cast %add3A_1125 : i32 to index
        %get3A_1127 = arith.constant 48 : index
        %get3A_1128 = tpu.vector_load %arg6[%get3A_1126, %get3A_1127] {strides = array<i32>} : memref<100x128xf32, #tpu.memory_space<vmem>>, vector<1x16xf32>,
        %get3A_1129 = vector.shape_cast %get3A_1128 : vector<1x16xf32> to vector<16xf32>
        %add3A_1130 = arith.addf %add3A_1072, %get3A_1129 : vector<16xf32>
        %add3A_1131 = arith.constant 51 : i32
        %add3A_1132 = arith.addi %add3A_1131, %scan3A_1102 : i32
        %get3A_1133 = arith.index_cast %add3A_1132 : i32 to index
        %get3A_1134 = arith.constant 64 : index
        %get3A_1135 = tpu.vector_load %arg6[%get3A_1133, %get3A_1134] {strides = array<i32>} : memref<100x128xf32, #tpu.memory_space<vmem>>, vector<1x16xf32>,
        %get3A_1136 = vector.shape_cast %get3A_1135 : vector<1x16xf32> to vector<16xf32>
        %add3A_1137 = arith.addf %add3A_1079, %get3A_1136 : vector<16xf32>
        %add3A_1138 = arith.constant 51 : i32
        %add3A_1139 = arith.addi %add3A_1138, %scan3A_1102 : i32
        %get3A_1140 = arith.index_cast %add3A_1139 : i32 to index
        %get3A_1141 = arith.constant 80 : index
        %get3A_1142 = tpu.vector_load %arg6[%get3A_1140, %get3A_1141] {strides = array<i32>} : memref<100x128xf32, #tpu.memory_space<vmem>>, vector<1x16xf32>,
        %get3A_1143 = vector.shape_cast %get3A_1142 : vector<1x16xf32> to vector<16xf32>
        %add3A_1144 = arith.addf %add3A_1086, %get3A_1143 : vector<16xf32>
        %add3A_1145 = arith.constant 51 : i32
        %add3A_1146 = arith.addi %add3A_1145, %scan3A_1102 : i32
        %get3A_1147 = arith.index_cast %add3A_1146 : i32 to index
        %get3A_1148 = arith.constant 96 : index
        %get3A_1149 = tpu.vector_load %arg6[%get3A_1147, %get3A_1148] {strides = array<i32>} : memref<100x128xf32, #tpu.memory_space<vmem>>, vector<1x16xf32>,
        %get3A_1150 = vector.shape_cast %get3A_1149 : vector<1x16xf32> to vector<16xf32>
        %add3A_1151 = arith.addf %add3A_1093, %get3A_1150 : vector<16xf32>
        %add3A_1152 = arith.constant 51 : i32
        %add3A_1153 = arith.addi %add3A_1152, %scan3A_1102 : i32
        %get3A_1154 = arith.index_cast %add3A_1153 : i32 to index
        %get3A_1155 = arith.constant 112 : index
        %get3A_1156 = tpu.vector_load %arg6[%get3A_1154, %get3A_1155] {strides = array<i32>} : memref<100x128xf32, #tpu.memory_space<vmem>>, vector<1x16xf32>,
        %get3A_1157 = vector.shape_cast %get3A_1156 : vector<1x16xf32> to vector<16xf32>
        %add3A_1158 = arith.addf %add3A_1100, %get3A_1157 : vector<16xf32>
        %scan3A_1159 = arith.constant 4 : i32
        %scan3A_1160 = arith.addi %scan3A_920, %scan3A_1159 : i32
        %add3A_1161 = arith.constant 51 : i32
        %add3A_1162 = arith.addi %add3A_1161, %scan3A_1160 : i32
        %get3A_1163 = arith.index_cast %add3A_1162 : i32 to index
        %get3A_1164 = arith.constant 0 : index
        %get3A_1165 = tpu.vector_load %arg6[%get3A_1163, %get3A_1164] {strides = array<i32>} : memref<100x128xf32, #tpu.memory_space<vmem>>, vector<1x16xf32>,
        %get3A_1166 = vector.shape_cast %get3A_1165 : vector<1x16xf32> to vector<16xf32>
        %add3A_1167 = arith.addf %add3A_1109, %get3A_1166 : vector<16xf32>
        %add3A_1168 = arith.constant 51 : i32
        %add3A_1169 = arith.addi %add3A_1168, %scan3A_1160 : i32
        %get3A_1170 = arith.index_cast %add3A_1169 : i32 to index
        %get3A_1171 = arith.constant 16 : index
        %get3A_1172 = tpu.vector_load %arg6[%get3A_1170, %get3A_1171] {strides = array<i32>} : memref<100x128xf32, #tpu.memory_space<vmem>>, vector<1x16xf32>,
        %get3A_1173 = vector.shape_cast %get3A_1172 : vector<1x16xf32> to vector<16xf32>
        %add3A_1174 = arith.addf %add3A_1116, %get3A_1173 : vector<16xf32>
        %add3A_1175 = arith.constant 51 : i32
        %add3A_1176 = arith.addi %add3A_1175, %scan3A_1160 : i32
        %get3A_1177 = arith.index_cast %add3A_1176 : i32 to index
        %get3A_1178 = arith.constant 32 : index
        %get3A_1179 = tpu.vector_load %arg6[%get3A_1177, %get3A_1178] {strides = array<i32>} : memref<100x128xf32, #tpu.memory_space<vmem>>, vector<1x16xf32>,
        %get3A_1180 = vector.shape_cast %get3A_1179 : vector<1x16xf32> to vector<16xf32>
        %add3A_1181 = arith.addf %add3A_1123, %get3A_1180 : vector<16xf32>
        %add3A_1182 = arith.constant 51 : i32
        %add3A_1183 = arith.addi %add3A_1182, %scan3A_1160 : i32
        %get3A_1184 = arith.index_cast %add3A_1183 : i32 to index
        %get3A_1185 = arith.constant 48 : index
        %get3A_1186 = tpu.vector_load %arg6[%get3A_1184, %get3A_1185] {strides = array<i32>} : memref<100x128xf32, #tpu.memory_space<vmem>>, vector<1x16xf32>,
        %get3A_1187 = vector.shape_cast %get3A_1186 : vector<1x16xf32> to vector<16xf32>
        %add3A_1188 = arith.addf %add3A_1130, %get3A_1187 : vector<16xf32>
        %add3A_1189 = arith.constant 51 : i32
        %add3A_1190 = arith.addi %add3A_1189, %scan3A_1160 : i32
        %get3A_1191 = arith.index_cast %add3A_1190 : i32 to index
        %get3A_1192 = arith.constant 64 : index
        %get3A_1193 = tpu.vector_load %arg6[%get3A_1191, %get3A_1192] {strides = array<i32>} : memref<100x128xf32, #tpu.memory_space<vmem>>, vector<1x16xf32>,
        %get3A_1194 = vector.shape_cast %get3A_1193 : vector<1x16xf32> to vector<16xf32>
        %add3A_1195 = arith.addf %add3A_1137, %get3A_1194 : vector<16xf32>
        %add3A_1196 = arith.constant 51 : i32
        %add3A_1197 = arith.addi %add3A_1196, %scan3A_1160 : i32
        %get3A_1198 = arith.index_cast %add3A_1197 : i32 to index
        %get3A_1199 = arith.constant 80 : index
        %get3A_1200 = tpu.vector_load %arg6[%get3A_1198, %get3A_1199] {strides = array<i32>} : memref<100x128xf32, #tpu.memory_space<vmem>>, vector<1x16xf32>,
        %get3A_1201 = vector.shape_cast %get3A_1200 : vector<1x16xf32> to vector<16xf32>
        %add3A_1202 = arith.addf %add3A_1144, %get3A_1201 : vector<16xf32>
        %add3A_1203 = arith.constant 51 : i32
        %add3A_1204 = arith.addi %add3A_1203, %scan3A_1160 : i32
        %get3A_1205 = arith.index_cast %add3A_1204 : i32 to index
        %get3A_1206 = arith.constant 96 : index
        %get3A_1207 = tpu.vector_load %arg6[%get3A_1205, %get3A_1206] {strides = array<i32>} : memref<100x128xf32, #tpu.memory_space<vmem>>, vector<1x16xf32>,
        %get3A_1208 = vector.shape_cast %get3A_1207 : vector<1x16xf32> to vector<16xf32>
        %add3A_1209 = arith.addf %add3A_1151, %get3A_1208 : vector<16xf32>
        %add3A_1210 = arith.constant 51 : i32
        %add3A_1211 = arith.addi %add3A_1210, %scan3A_1160 : i32
        %get3A_1212 = arith.index_cast %add3A_1211 : i32 to index
        %get3A_1213 = arith.constant 112 : index
        %get3A_1214 = tpu.vector_load %arg6[%get3A_1212, %get3A_1213] {strides = array<i32>} : memref<100x128xf32, #tpu.memory_space<vmem>>, vector<1x16xf32>,
        %get3A_1215 = vector.shape_cast %get3A_1214 : vector<1x16xf32> to vector<16xf32>
        %add3A_1216 = arith.addf %add3A_1158, %get3A_1215 : vector<16xf32>
        %scan3A_1217 = arith.constant 5 : i32
        %scan3A_1218 = arith.addi %scan3A_920, %scan3A_1217 : i32
        %add3A_1219 = arith.constant 51 : i32
        %add3A_1220 = arith.addi %add3A_1219, %scan3A_1218 : i32
        %get3A_1221 = arith.index_cast %add3A_1220 : i32 to index
        %get3A_1222 = arith.constant 0 : index
        %get3A_1223 = tpu.vector_load %arg6[%get3A_1221, %get3A_1222] {strides = array<i32>} : memref<100x128xf32, #tpu.memory_space<vmem>>, vector<1x16xf32>,
        %get3A_1224 = vector.shape_cast %get3A_1223 : vector<1x16xf32> to vector<16xf32>
        %add3A_1225 = arith.addf %add3A_1167, %get3A_1224 : vector<16xf32>
        %add3A_1226 = arith.constant 51 : i32
        %add3A_1227 = arith.addi %add3A_1226, %scan3A_1218 : i32
        %get3A_1228 = arith.index_cast %add3A_1227 : i32 to index
        %get3A_1229 = arith.constant 16 : index
        %get3A_1230 = tpu.vector_load %arg6[%get3A_1228, %get3A_1229] {strides = array<i32>} : memref<100x128xf32, #tpu.memory_space<vmem>>, vector<1x16xf32>,
        %get3A_1231 = vector.shape_cast %get3A_1230 : vector<1x16xf32> to vector<16xf32>
        %add3A_1232 = arith.addf %add3A_1174, %get3A_1231 : vector<16xf32>
        %add3A_1233 = arith.constant 51 : i32
        %add3A_1234 = arith.addi %add3A_1233, %scan3A_1218 : i32
        %get3A_1235 = arith.index_cast %add3A_1234 : i32 to index
        %get3A_1236 = arith.constant 32 : index
        %get3A_1237 = tpu.vector_load %arg6[%get3A_1235, %get3A_1236] {strides = array<i32>} : memref<100x128xf32, #tpu.memory_space<vmem>>, vector<1x16xf32>,
        %get3A_1238 = vector.shape_cast %get3A_1237 : vector<1x16xf32> to vector<16xf32>
        %add3A_1239 = arith.addf %add3A_1181, %get3A_1238 : vector<16xf32>
        %add3A_1240 = arith.constant 51 : i32
        %add3A_1241 = arith.addi %add3A_1240, %scan3A_1218 : i32
        %get3A_1242 = arith.index_cast %add3A_1241 : i32 to index
        %get3A_1243 = arith.constant 48 : index
        %get3A_1244 = tpu.vector_load %arg6[%get3A_1242, %get3A_1243] {strides = array<i32>} : memref<100x128xf32, #tpu.memory_space<vmem>>, vector<1x16xf32>,
        %get3A_1245 = vector.shape_cast %get3A_1244 : vector<1x16xf32> to vector<16xf32>
        %add3A_1246 = arith.addf %add3A_1188, %get3A_1245 : vector<16xf32>
        %add3A_1247 = arith.constant 51 : i32
        %add3A_1248 = arith.addi %add3A_1247, %scan3A_1218 : i32
        %get3A_1249 = arith.index_cast %add3A_1248 : i32 to index
        %get3A_1250 = arith.constant 64 : index
        %get3A_1251 = tpu.vector_load %arg6[%get3A_1249, %get3A_1250] {strides = array<i32>} : memref<100x128xf32, #tpu.memory_space<vmem>>, vector<1x16xf32>,
        %get3A_1252 = vector.shape_cast %get3A_1251 : vector<1x16xf32> to vector<16xf32>
        %add3A_1253 = arith.addf %add3A_1195, %get3A_1252 : vector<16xf32>
        %add3A_1254 = arith.constant 51 : i32
        %add3A_1255 = arith.addi %add3A_1254, %scan3A_1218 : i32
        %get3A_1256 = arith.index_cast %add3A_1255 : i32 to index
        %get3A_1257 = arith.constant 80 : index
        %get3A_1258 = tpu.vector_load %arg6[%get3A_1256, %get3A_1257] {strides = array<i32>} : memref<100x128xf32, #tpu.memory_space<vmem>>, vector<1x16xf32>,
        %get3A_1259 = vector.shape_cast %get3A_1258 : vector<1x16xf32> to vector<16xf32>
        %add3A_1260 = arith.addf %add3A_1202, %get3A_1259 : vector<16xf32>
        %add3A_1261 = arith.constant 51 : i32
        %add3A_1262 = arith.addi %add3A_1261, %scan3A_1218 : i32
        %get3A_1263 = arith.index_cast %add3A_1262 : i32 to index
        %get3A_1264 = arith.constant 96 : index
        %get3A_1265 = tpu.vector_load %arg6[%get3A_1263, %get3A_1264] {strides = array<i32>} : memref<100x128xf32, #tpu.memory_space<vmem>>, vector<1x16xf32>,
        %get3A_1266 = vector.shape_cast %get3A_1265 : vector<1x16xf32> to vector<16xf32>
        %add3A_1267 = arith.addf %add3A_1209, %get3A_1266 : vector<16xf32>
        %add3A_1268 = arith.constant 51 : i32
        %add3A_1269 = arith.addi %add3A_1268, %scan3A_1218 : i32
        %get3A_1270 = arith.index_cast %add3A_1269 : i32 to index
        %get3A_1271 = arith.constant 112 : index
        %get3A_1272 = tpu.vector_load %arg6[%get3A_1270, %get3A_1271] {strides = array<i32>} : memref<100x128xf32, #tpu.memory_space<vmem>>, vector<1x16xf32>,
        %get3A_1273 = vector.shape_cast %get3A_1272 : vector<1x16xf32> to vector<16xf32>
        %add3A_1274 = arith.addf %add3A_1216, %get3A_1273 : vector<16xf32>
        %scan3A_1275 = arith.constant 6 : i32
        %scan3A_1276 = arith.addi %scan3A_920, %scan3A_1275 : i32
        %add3A_1277 = arith.constant 51 : i32
        %add3A_1278 = arith.addi %add3A_1277, %scan3A_1276 : i32
        %get3A_1279 = arith.index_cast %add3A_1278 : i32 to index
        %get3A_1280 = arith.constant 0 : index
        %get3A_1281 = tpu.vector_load %arg6[%get3A_1279, %get3A_1280] {strides = array<i32>} : memref<100x128xf32, #tpu.memory_space<vmem>>, vector<1x16xf32>,
        %get3A_1282 = vector.shape_cast %get3A_1281 : vector<1x16xf32> to vector<16xf32>
        %add3A_1283 = arith.addf %add3A_1225, %get3A_1282 : vector<16xf32>
        %add3A_1284 = arith.constant 51 : i32
        %add3A_1285 = arith.addi %add3A_1284, %scan3A_1276 : i32
        %get3A_1286 = arith.index_cast %add3A_1285 : i32 to index
        %get3A_1287 = arith.constant 16 : index
        %get3A_1288 = tpu.vector_load %arg6[%get3A_1286, %get3A_1287] {strides = array<i32>} : memref<100x128xf32, #tpu.memory_space<vmem>>, vector<1x16xf32>,
        %get3A_1289 = vector.shape_cast %get3A_1288 : vector<1x16xf32> to vector<16xf32>
        %add3A_1290 = arith.addf %add3A_1232, %get3A_1289 : vector<16xf32>
        %add3A_1291 = arith.constant 51 : i32
        %add3A_1292 = arith.addi %add3A_1291, %scan3A_1276 : i32
        %get3A_1293 = arith.index_cast %add3A_1292 : i32 to index
        %get3A_1294 = arith.constant 32 : index
        %get3A_1295 = tpu.vector_load %arg6[%get3A_1293, %get3A_1294] {strides = array<i32>} : memref<100x128xf32, #tpu.memory_space<vmem>>, vector<1x16xf32>,
        %get3A_1296 = vector.shape_cast %get3A_1295 : vector<1x16xf32> to vector<16xf32>
        %add3A_1297 = arith.addf %add3A_1239, %get3A_1296 : vector<16xf32>
        %add3A_1298 = arith.constant 51 : i32
        %add3A_1299 = arith.addi %add3A_1298, %scan3A_1276 : i32
        %get3A_1300 = arith.index_cast %add3A_1299 : i32 to index
        %get3A_1301 = arith.constant 48 : index
        %get3A_1302 = tpu.vector_load %arg6[%get3A_1300, %get3A_1301] {strides = array<i32>} : memref<100x128xf32, #tpu.memory_space<vmem>>, vector<1x16xf32>,
        %get3A_1303 = vector.shape_cast %get3A_1302 : vector<1x16xf32> to vector<16xf32>
        %add3A_1304 = arith.addf %add3A_1246, %get3A_1303 : vector<16xf32>
        %add3A_1305 = arith.constant 51 : i32
        %add3A_1306 = arith.addi %add3A_1305, %scan3A_1276 : i32
        %get3A_1307 = arith.index_cast %add3A_1306 : i32 to index
        %get3A_1308 = arith.constant 64 : index
        %get3A_1309 = tpu.vector_load %arg6[%get3A_1307, %get3A_1308] {strides = array<i32>} : memref<100x128xf32, #tpu.memory_space<vmem>>, vector<1x16xf32>,
        %get3A_1310 = vector.shape_cast %get3A_1309 : vector<1x16xf32> to vector<16xf32>
        %add3A_1311 = arith.addf %add3A_1253, %get3A_1310 : vector<16xf32>
        %add3A_1312 = arith.constant 51 : i32
        %add3A_1313 = arith.addi %add3A_1312, %scan3A_1276 : i32
        %get3A_1314 = arith.index_cast %add3A_1313 : i32 to index
        %get3A_1315 = arith.constant 80 : index
        %get3A_1316 = tpu.vector_load %arg6[%get3A_1314, %get3A_1315] {strides = array<i32>} : memref<100x128xf32, #tpu.memory_space<vmem>>, vector<1x16xf32>,
        %get3A_1317 = vector.shape_cast %get3A_1316 : vector<1x16xf32> to vector<16xf32>
        %add3A_1318 = arith.addf %add3A_1260, %get3A_1317 : vector<16xf32>
        %add3A_1319 = arith.constant 51 : i32
        %add3A_1320 = arith.addi %add3A_1319, %scan3A_1276 : i32
        %get3A_1321 = arith.index_cast %add3A_1320 : i32 to index
        %get3A_1322 = arith.constant 96 : index
        %get3A_1323 = tpu.vector_load %arg6[%get3A_1321, %get3A_1322] {strides = array<i32>} : memref<100x128xf32, #tpu.memory_space<vmem>>, vector<1x16xf32>,
        %get3A_1324 = vector.shape_cast %get3A_1323 : vector<1x16xf32> to vector<16xf32>
        %add3A_1325 = arith.addf %add3A_1267, %get3A_1324 : vector<16xf32>
        %add3A_1326 = arith.constant 51 : i32
        %add3A_1327 = arith.addi %add3A_1326, %scan3A_1276 : i32
        %get3A_1328 = arith.index_cast %add3A_1327 : i32 to index
        %get3A_1329 = arith.constant 112 : index
        %get3A_1330 = tpu.vector_load %arg6[%get3A_1328, %get3A_1329] {strides = array<i32>} : memref<100x128xf32, #tpu.memory_space<vmem>>, vector<1x16xf32>,
        %get3A_1331 = vector.shape_cast %get3A_1330 : vector<1x16xf32> to vector<16xf32>
        %add3A_1332 = arith.addf %add3A_1274, %get3A_1331 : vector<16xf32>
        scf.yield %add3A_1283, %add3A_1290, %add3A_1297, %add3A_1304, %add3A_1311, %add3A_1318, %add3A_1325, %add3A_1332 : vector<16xf32>, vector<16xf32>, vector<16xf32>, vector<16xf32>, vector<16xf32>, vector<16xf32>, vector<16xf32>, vector<16xf32>
      }
      %scan3A_188 = arith.constant 49 : i32
      %add3A_189 = arith.constant 1 : i32
      %add3A_190 = arith.addi %mul3A_42, %add3A_189 : i32
      %swap3A_191 = arith.index_cast %add3A_190 : i32 to index
      %swap3A_192 = arith.constant 0 : index
      %swap3A_193 = tpu.vector_load %arg10[%swap3A_191, %swap3A_192] {strides = array<i32>} : memref<128x128xf32, #tpu.memory_space<vmem>>, vector<1x16xf32>,
      %swap3A_194 = vector.shape_cast %swap3A_193 : vector<1x16xf32> to vector<16xf32>
      %swap3A_195 = vector.shape_cast %scan3A_187#0 : vector<16xf32> to vector<1x16xf32>
      tpu.vector_store %arg10[%swap3A_191, %swap3A_192], %swap3A_195 {strides = array<i32>} : memref<128x128xf32, #tpu.memory_space<vmem>>, vector<1x16xf32>,
      %add3A_196 = arith.constant 1 : i32
      %add3A_197 = arith.addi %mul3A_42, %add3A_196 : i32
      %swap3A_198 = arith.index_cast %add3A_197 : i32 to index
      %swap3A_199 = arith.constant 16 : index
      %swap3A_200 = tpu.vector_load %arg10[%swap3A_198, %swap3A_199] {strides = array<i32>} : memref<128x128xf32, #tpu.memory_space<vmem>>, vector<1x16xf32>,
      %swap3A_201 = vector.shape_cast %swap3A_200 : vector<1x16xf32> to vector<16xf32>
      %swap3A_202 = vector.shape_cast %scan3A_187#1 : vector<16xf32> to vector<1x16xf32>
      tpu.vector_store %arg10[%swap3A_198, %swap3A_199], %swap3A_202 {strides = array<i32>} : memref<128x128xf32, #tpu.memory_space<vmem>>, vector<1x16xf32>,
      %add3A_203 = arith.constant 1 : i32
      %add3A_204 = arith.addi %mul3A_42, %add3A_203 : i32
      %swap3A_205 = arith.index_cast %add3A_204 : i32 to index
      %swap3A_206 = arith.constant 32 : index
      %swap3A_207 = tpu.vector_load %arg10[%swap3A_205, %swap3A_206] {strides = array<i32>} : memref<128x128xf32, #tpu.memory_space<vmem>>, vector<1x16xf32>,
      %swap3A_208 = vector.shape_cast %swap3A_207 : vector<1x16xf32> to vector<16xf32>
      %swap3A_209 = vector.shape_cast %scan3A_187#2 : vector<16xf32> to vector<1x16xf32>
      tpu.vector_store %arg10[%swap3A_205, %swap3A_206], %swap3A_209 {strides = array<i32>} : memref<128x128xf32, #tpu.memory_space<vmem>>, vector<1x16xf32>,
      %add3A_210 = arith.constant 1 : i32
      %add3A_211 = arith.addi %mul3A_42, %add3A_210 : i32
      %swap3A_212 = arith.index_cast %add3A_211 : i32 to index
      %swap3A_213 = arith.constant 48 : index
      %swap3A_214 = tpu.vector_load %arg10[%swap3A_212, %swap3A_213] {strides = array<i32>} : memref<128x128xf32, #tpu.memory_space<vmem>>, vector<1x16xf32>,
      %swap3A_215 = vector.shape_cast %swap3A_214 : vector<1x16xf32> to vector<16xf32>
      %swap3A_216 = vector.shape_cast %scan3A_187#3 : vector<16xf32> to vector<1x16xf32>
      tpu.vector_store %arg10[%swap3A_212, %swap3A_213], %swap3A_216 {strides = array<i32>} : memref<128x128xf32, #tpu.memory_space<vmem>>, vector<1x16xf32>,
      %add3A_217 = arith.constant 1 : i32
      %add3A_218 = arith.addi %mul3A_42, %add3A_217 : i32
      %swap3A_219 = arith.index_cast %add3A_218 : i32 to index
      %swap3A_220 = arith.constant 64 : index
      %swap3A_221 = tpu.vector_load %arg10[%swap3A_219, %swap3A_220] {strides = array<i32>} : memref<128x128xf32, #tpu.memory_space<vmem>>, vector<1x16xf32>,
      %swap3A_222 = vector.shape_cast %swap3A_221 : vector<1x16xf32> to vector<16xf32>
      %swap3A_223 = vector.shape_cast %scan3A_187#4 : vector<16xf32> to vector<1x16xf32>
      tpu.vector_store %arg10[%swap3A_219, %swap3A_220], %swap3A_223 {strides = array<i32>} : memref<128x128xf32, #tpu.memory_space<vmem>>, vector<1x16xf32>,
      %add3A_224 = arith.constant 1 : i32
      %add3A_225 = arith.addi %mul3A_42, %add3A_224 : i32
      %swap3A_226 = arith.index_cast %add3A_225 : i32 to index
      %swap3A_227 = arith.constant 80 : index
      %swap3A_228 = tpu.vector_load %arg10[%swap3A_226, %swap3A_227] {strides = array<i32>} : memref<128x128xf32, #tpu.memory_space<vmem>>, vector<1x16xf32>,
      %swap3A_229 = vector.shape_cast %swap3A_228 : vector<1x16xf32> to vector<16xf32>
      %swap3A_230 = vector.shape_cast %scan3A_187#5 : vector<16xf32> to vector<1x16xf32>
      tpu.vector_store %arg10[%swap3A_226, %swap3A_227], %swap3A_230 {strides = array<i32>} : memref<128x128xf32, #tpu.memory_space<vmem>>, vector<1x16xf32>,
      %add3A_231 = arith.constant 1 : i32
      %add3A_232 = arith.addi %mul3A_42, %add3A_231 : i32
      %swap3A_233 = arith.index_cast %add3A_232 : i32 to index
      %swap3A_234 = arith.constant 96 : index
      %swap3A_235 = tpu.vector_load %arg10[%swap3A_233, %swap3A_234] {strides = array<i32>} : memref<128x128xf32, #tpu.memory_space<vmem>>, vector<1x16xf32>,
      %swap3A_236 = vector.shape_cast %swap3A_235 : vector<1x16xf32> to vector<16xf32>
      %swap3A_237 = vector.shape_cast %scan3A_187#6 : vector<16xf32> to vector<1x16xf32>
      tpu.vector_store %arg10[%swap3A_233, %swap3A_234], %swap3A_237 {strides = array<i32>} : memref<128x128xf32, #tpu.memory_space<vmem>>, vector<1x16xf32>,
      %add3A_238 = arith.constant 1 : i32
      %add3A_239 = arith.addi %mul3A_42, %add3A_238 : i32
      %swap3A_240 = arith.index_cast %add3A_239 : i32 to index
      %swap3A_241 = arith.constant 112 : index
      %swap3A_242 = tpu.vector_load %arg10[%swap3A_240, %swap3A_241] {strides = array<i32>} : memref<128x128xf32, #tpu.memory_space<vmem>>, vector<1x16xf32>,
      %swap3A_243 = vector.shape_cast %swap3A_242 : vector<1x16xf32> to vector<16xf32>
      %swap3A_244 = vector.shape_cast %scan3A_187#7 : vector<16xf32> to vector<1x16xf32>
      tpu.vector_store %arg10[%swap3A_240, %swap3A_241], %swap3A_244 {strides = array<i32>} : memref<128x128xf32, #tpu.memory_space<vmem>>, vector<1x16xf32>,
      %mul3A_245 = arith.constant 4 : i32
      %mul3A_246 = arith.muli %mul3A_245, %scan3A_26 : i32
      %add3A_247 = arith.constant 1 : i32
      %add3A_248 = arith.addi %mul3A_246, %add3A_247 : i32
      %add3A_249 = arith.constant 4 : i32
      %add3A_250 = arith.addi %add3A_248, %add3A_249 : i32
      %sub3A_251 = arith.constant 1 : i32
      %sub3A_252 = arith.subi %add3A_250, %sub3A_251 : i32
      %lt3A_253 = arith.constant 64 : i32
      %lt3A_254 = arith.cmpi slt, %sub3A_252, %lt3A_253 : i32
      %convert_element_type3A_255 = arith.extui %lt3A_254 : i1 to i32
      %cond3A_256 = arith.constant 0 : i32
      %cond3A_257 = arith.cmpi ne, %convert_element_type3A_255, %cond3A_256 : i32
      scf.if %cond3A_257 {
        %add3A_920 = arith.constant 4 : i32
        %add3A_921 = arith.addi %add3A_248, %add3A_920 : i32
        %sub3A_922 = arith.constant 1 : i32
        %sub3A_923 = arith.subi %add3A_921, %sub3A_922 : i32
        %dma_start3A_924 = arith.constant 0 : i32
        %dma_start3A_925 = tpu.memref_slice %arg5[%sub3A_923, %dma_start3A_924] : memref<64x100xi32, #tpu.memory_space<vmem>> -> memref<1x100xi32, #tpu.memory_space<vmem>>
        %dma_start3A_926 = tpu.memref_squeeze %dma_start3A_925 : memref<1x100xi32, #tpu.memory_space<vmem>> -> memref<100xi32, #tpu.memory_space<vmem>>
        %dma_start3A_927 = arith.constant 0 : i32
        %dma_start3A_928 = arith.constant 0 : i32
        %dma_start3A_929 = tpu.memref_slice %arg3[%dma_start3A_927, %dma_start3A_928] : memref<100000x128xf32, #tpu.memory_space<hbm>> -> memref<100000x128xf32, #tpu.memory_space<hbm>>
        tpu.enqueue_indirect_dma source(%dma_start3A_929 : memref<100000x128xf32, #tpu.memory_space<hbm>>) target(%arg6 : memref<100x128xf32, #tpu.memory_space<vmem>>) offsets(%dma_start3A_926 : memref<100xi32, #tpu.memory_space<vmem>>) semaphore(%arg11 : memref<!tpu.dma_semaphore, #tpu.memory_space<semaphore_mem>>)
      } else {
      }
      %dma_wait3A_258 = arith.constant 0 : i32
      %dma_wait3A_259 = tpu.memref_slice %arg5[%add3A_248, %dma_wait3A_258] : memref<64x100xi32, #tpu.memory_space<vmem>> -> memref<1x100xi32, #tpu.memory_space<vmem>>
      %dma_wait3A_260 = tpu.memref_squeeze %dma_wait3A_259 : memref<1x100xi32, #tpu.memory_space<vmem>> -> memref<100xi32, #tpu.memory_space<vmem>>
      %dma_wait3A_261 = arith.constant 0 : i32
      %dma_wait3A_262 = arith.constant 0 : i32
      %dma_wait3A_263 = tpu.memref_slice %arg3[%dma_wait3A_261, %dma_wait3A_262] : memref<100000x128xf32, #tpu.memory_space<hbm>> -> memref<100000x128xf32, #tpu.memory_space<hbm>>
      tpu.wait_indirect_dma semaphore(%arg12 : memref<!tpu.dma_semaphore, #tpu.memory_space<semaphore_mem>>) src(%dma_wait3A_263 : memref<100000x128xf32, #tpu.memory_space<hbm>>) dst(%arg7 : memref<100x128xf32, #tpu.memory_space<vmem>>)
      %mul3A_264 = arith.constant 2 : i32
      %mul3A_265 = arith.muli %mul3A_264, %add3A_248 : i32
      %get3A_266 = arith.constant 0 : i32
      %get3A_267 = arith.index_cast %get3A_266 : i32 to index
      %get3A_268 = arith.constant 0 : index
      %get3A_269 = tpu.vector_load %arg7[%get3A_267, %get3A_268] {strides = array<i32>} : memref<100x128xf32, #tpu.memory_space<vmem>>, vector<1x16xf32>,
      %get3A_270 = vector.shape_cast %get3A_269 : vector<1x16xf32> to vector<16xf32>
      %get3A_271 = arith.constant 0 : i32
      %get3A_272 = arith.index_cast %get3A_271 : i32 to index
      %get3A_273 = arith.constant 16 : index
      %get3A_274 = tpu.vector_load %arg7[%get3A_272, %get3A_273] {strides = array<i32>} : memref<100x128xf32, #tpu.memory_space<vmem>>, vector<1x16xf32>,
      %get3A_275 = vector.shape_cast %get3A_274 : vector<1x16xf32> to vector<16xf32>
      %get3A_276 = arith.constant 0 : i32
      %get3A_277 = arith.index_cast %get3A_276 : i32 to index
      %get3A_278 = arith.constant 32 : index
      %get3A_279 = tpu.vector_load %arg7[%get3A_277, %get3A_278] {strides = array<i32>} : memref<100x128xf32, #tpu.memory_space<vmem>>, vector<1x16xf32>,
      %get3A_280 = vector.shape_cast %get3A_279 : vector<1x16xf32> to vector<16xf32>
      %get3A_281 = arith.constant 0 : i32
      %get3A_282 = arith.index_cast %get3A_281 : i32 to index
      %get3A_283 = arith.constant 48 : index
      %get3A_284 = tpu.vector_load %arg7[%get3A_282, %get3A_283] {strides = array<i32>} : memref<100x128xf32, #tpu.memory_space<vmem>>, vector<1x16xf32>,
      %get3A_285 = vector.shape_cast %get3A_284 : vector<1x16xf32> to vector<16xf32>
      %get3A_286 = arith.constant 0 : i32
      %get3A_287 = arith.index_cast %get3A_286 : i32 to index
      %get3A_288 = arith.constant 64 : index
      %get3A_289 = tpu.vector_load %arg7[%get3A_287, %get3A_288] {strides = array<i32>} : memref<100x128xf32, #tpu.memory_space<vmem>>, vector<1x16xf32>,
      %get3A_290 = vector.shape_cast %get3A_289 : vector<1x16xf32> to vector<16xf32>
      %get3A_291 = arith.constant 0 : i32
      %get3A_292 = arith.index_cast %get3A_291 : i32 to index
      %get3A_293 = arith.constant 80 : index
      %get3A_294 = tpu.vector_load %arg7[%get3A_292, %get3A_293] {strides = array<i32>} : memref<100x128xf32, #tpu.memory_space<vmem>>, vector<1x16xf32>,
      %get3A_295 = vector.shape_cast %get3A_294 : vector<1x16xf32> to vector<16xf32>
      %get3A_296 = arith.constant 0 : i32
      %get3A_297 = arith.index_cast %get3A_296 : i32 to index
      %get3A_298 = arith.constant 96 : index
      %get3A_299 = tpu.vector_load %arg7[%get3A_297, %get3A_298] {strides = array<i32>} : memref<100x128xf32, #tpu.memory_space<vmem>>, vector<1x16xf32>,
      %get3A_300 = vector.shape_cast %get3A_299 : vector<1x16xf32> to vector<16xf32>
      %get3A_301 = arith.constant 0 : i32
      %get3A_302 = arith.index_cast %get3A_301 : i32 to index
      %get3A_303 = arith.constant 112 : index
      %get3A_304 = tpu.vector_load %arg7[%get3A_302, %get3A_303] {strides = array<i32>} : memref<100x128xf32, #tpu.memory_space<vmem>>, vector<1x16xf32>,
      %get3A_305 = vector.shape_cast %get3A_304 : vector<1x16xf32> to vector<16xf32>
      %scan3A_306 = arith.constant 0 : i32
      %scan3A_307 = arith.constant 49 : i32
      %scan3A_308 = arith.addi %scan3A_306, %scan3A_307 : i32
      %scan3A_309 = arith.constant 7 : i32
      %scan3A_310:8 = scf.for %scan3A_920 = %scan3A_306 to %scan3A_308 step %scan3A_309 iter_args(%scan3A_921 = %get3A_270, %scan3A_922 = %get3A_275, %scan3A_923 = %get3A_280, %scan3A_924 = %get3A_285, %scan3A_925 = %get3A_290, %scan3A_926 = %get3A_295, %scan3A_927 = %get3A_300, %scan3A_928 = %get3A_305) -> (vector<16xf32>, vector<16xf32>, vector<16xf32>, vector<16xf32>, vector<16xf32>, vector<16xf32>, vector<16xf32>, vector<16xf32>)  : i32 {
        %add3A_929 = arith.constant 1 : i32
        %add3A_930 = arith.addi %add3A_929, %scan3A_920 : i32
        %get3A_931 = arith.index_cast %add3A_930 : i32 to index
        %get3A_932 = arith.constant 0 : index
        %get3A_933 = tpu.vector_load %arg7[%get3A_931, %get3A_932] {strides = array<i32>} : memref<100x128xf32, #tpu.memory_space<vmem>>, vector<1x16xf32>,
        %get3A_934 = vector.shape_cast %get3A_933 : vector<1x16xf32> to vector<16xf32>
        %add3A_935 = arith.addf %scan3A_921, %get3A_934 : vector<16xf32>
        %add3A_936 = arith.constant 1 : i32
        %add3A_937 = arith.addi %add3A_936, %scan3A_920 : i32
        %get3A_938 = arith.index_cast %add3A_937 : i32 to index
        %get3A_939 = arith.constant 16 : index
        %get3A_940 = tpu.vector_load %arg7[%get3A_938, %get3A_939] {strides = array<i32>} : memref<100x128xf32, #tpu.memory_space<vmem>>, vector<1x16xf32>,
        %get3A_941 = vector.shape_cast %get3A_940 : vector<1x16xf32> to vector<16xf32>
        %add3A_942 = arith.addf %scan3A_922, %get3A_941 : vector<16xf32>
        %add3A_943 = arith.constant 1 : i32
        %add3A_944 = arith.addi %add3A_943, %scan3A_920 : i32
        %get3A_945 = arith.index_cast %add3A_944 : i32 to index
        %get3A_946 = arith.constant 32 : index
        %get3A_947 = tpu.vector_load %arg7[%get3A_945, %get3A_946] {strides = array<i32>} : memref<100x128xf32, #tpu.memory_space<vmem>>, vector<1x16xf32>,
        %get3A_948 = vector.shape_cast %get3A_947 : vector<1x16xf32> to vector<16xf32>
        %add3A_949 = arith.addf %scan3A_923, %get3A_948 : vector<16xf32>
        %add3A_950 = arith.constant 1 : i32
        %add3A_951 = arith.addi %add3A_950, %scan3A_920 : i32
        %get3A_952 = arith.index_cast %add3A_951 : i32 to index
        %get3A_953 = arith.constant 48 : index
        %get3A_954 = tpu.vector_load %arg7[%get3A_952, %get3A_953] {strides = array<i32>} : memref<100x128xf32, #tpu.memory_space<vmem>>, vector<1x16xf32>,
        %get3A_955 = vector.shape_cast %get3A_954 : vector<1x16xf32> to vector<16xf32>
        %add3A_956 = arith.addf %scan3A_924, %get3A_955 : vector<16xf32>
        %add3A_957 = arith.constant 1 : i32
        %add3A_958 = arith.addi %add3A_957, %scan3A_920 : i32
        %get3A_959 = arith.index_cast %add3A_958 : i32 to index
        %get3A_960 = arith.constant 64 : index
        %get3A_961 = tpu.vector_load %arg7[%get3A_959, %get3A_960] {strides = array<i32>} : memref<100x128xf32, #tpu.memory_space<vmem>>, vector<1x16xf32>,
        %get3A_962 = vector.shape_cast %get3A_961 : vector<1x16xf32> to vector<16xf32>
        %add3A_963 = arith.addf %scan3A_925, %get3A_962 : vector<16xf32>
        %add3A_964 = arith.constant 1 : i32
        %add3A_965 = arith.addi %add3A_964, %scan3A_920 : i32
        %get3A_966 = arith.index_cast %add3A_965 : i32 to index
        %get3A_967 = arith.constant 80 : index
        %get3A_968 = tpu.vector_load %arg7[%get3A_966, %get3A_967] {strides = array<i32>} : memref<100x128xf32, #tpu.memory_space<vmem>>, vector<1x16xf32>,
        %get3A_969 = vector.shape_cast %get3A_968 : vector<1x16xf32> to vector<16xf32>
        %add3A_970 = arith.addf %scan3A_926, %get3A_969 : vector<16xf32>
        %add3A_971 = arith.constant 1 : i32
        %add3A_972 = arith.addi %add3A_971, %scan3A_920 : i32
        %get3A_973 = arith.index_cast %add3A_972 : i32 to index
        %get3A_974 = arith.constant 96 : index
        %get3A_975 = tpu.vector_load %arg7[%get3A_973, %get3A_974] {strides = array<i32>} : memref<100x128xf32, #tpu.memory_space<vmem>>, vector<1x16xf32>,
        %get3A_976 = vector.shape_cast %get3A_975 : vector<1x16xf32> to vector<16xf32>
        %add3A_977 = arith.addf %scan3A_927, %get3A_976 : vector<16xf32>
        %add3A_978 = arith.constant 1 : i32
        %add3A_979 = arith.addi %add3A_978, %scan3A_920 : i32
        %get3A_980 = arith.index_cast %add3A_979 : i32 to index
        %get3A_981 = arith.constant 112 : index
        %get3A_982 = tpu.vector_load %arg7[%get3A_980, %get3A_981] {strides = array<i32>} : memref<100x128xf32, #tpu.memory_space<vmem>>, vector<1x16xf32>,
        %get3A_983 = vector.shape_cast %get3A_982 : vector<1x16xf32> to vector<16xf32>
        %add3A_984 = arith.addf %scan3A_928, %get3A_983 : vector<16xf32>
        %scan3A_985 = arith.constant 1 : i32
        %scan3A_986 = arith.addi %scan3A_920, %scan3A_985 : i32
        %add3A_987 = arith.constant 1 : i32
        %add3A_988 = arith.addi %add3A_987, %scan3A_986 : i32
        %get3A_989 = arith.index_cast %add3A_988 : i32 to index
        %get3A_990 = arith.constant 0 : index
        %get3A_991 = tpu.vector_load %arg7[%get3A_989, %get3A_990] {strides = array<i32>} : memref<100x128xf32, #tpu.memory_space<vmem>>, vector<1x16xf32>,
        %get3A_992 = vector.shape_cast %get3A_991 : vector<1x16xf32> to vector<16xf32>
        %add3A_993 = arith.addf %add3A_935, %get3A_992 : vector<16xf32>
        %add3A_994 = arith.constant 1 : i32
        %add3A_995 = arith.addi %add3A_994, %scan3A_986 : i32
        %get3A_996 = arith.index_cast %add3A_995 : i32 to index
        %get3A_997 = arith.constant 16 : index
        %get3A_998 = tpu.vector_load %arg7[%get3A_996, %get3A_997] {strides = array<i32>} : memref<100x128xf32, #tpu.memory_space<vmem>>, vector<1x16xf32>,
        %get3A_999 = vector.shape_cast %get3A_998 : vector<1x16xf32> to vector<16xf32>
        %add3A_1000 = arith.addf %add3A_942, %get3A_999 : vector<16xf32>
        %add3A_1001 = arith.constant 1 : i32
        %add3A_1002 = arith.addi %add3A_1001, %scan3A_986 : i32
        %get3A_1003 = arith.index_cast %add3A_1002 : i32 to index
        %get3A_1004 = arith.constant 32 : index
        %get3A_1005 = tpu.vector_load %arg7[%get3A_1003, %get3A_1004] {strides = array<i32>} : memref<100x128xf32, #tpu.memory_space<vmem>>, vector<1x16xf32>,
        %get3A_1006 = vector.shape_cast %get3A_1005 : vector<1x16xf32> to vector<16xf32>
        %add3A_1007 = arith.addf %add3A_949, %get3A_1006 : vector<16xf32>
        %add3A_1008 = arith.constant 1 : i32
        %add3A_1009 = arith.addi %add3A_1008, %scan3A_986 : i32
        %get3A_1010 = arith.index_cast %add3A_1009 : i32 to index
        %get3A_1011 = arith.constant 48 : index
        %get3A_1012 = tpu.vector_load %arg7[%get3A_1010, %get3A_1011] {strides = array<i32>} : memref<100x128xf32, #tpu.memory_space<vmem>>, vector<1x16xf32>,
        %get3A_1013 = vector.shape_cast %get3A_1012 : vector<1x16xf32> to vector<16xf32>
        %add3A_1014 = arith.addf %add3A_956, %get3A_1013 : vector<16xf32>
        %add3A_1015 = arith.constant 1 : i32
        %add3A_1016 = arith.addi %add3A_1015, %scan3A_986 : i32
        %get3A_1017 = arith.index_cast %add3A_1016 : i32 to index
        %get3A_1018 = arith.constant 64 : index
        %get3A_1019 = tpu.vector_load %arg7[%get3A_1017, %get3A_1018] {strides = array<i32>} : memref<100x128xf32, #tpu.memory_space<vmem>>, vector<1x16xf32>,
        %get3A_1020 = vector.shape_cast %get3A_1019 : vector<1x16xf32> to vector<16xf32>
        %add3A_1021 = arith.addf %add3A_963, %get3A_1020 : vector<16xf32>
        %add3A_1022 = arith.constant 1 : i32
        %add3A_1023 = arith.addi %add3A_1022, %scan3A_986 : i32
        %get3A_1024 = arith.index_cast %add3A_1023 : i32 to index
        %get3A_1025 = arith.constant 80 : index
        %get3A_1026 = tpu.vector_load %arg7[%get3A_1024, %get3A_1025] {strides = array<i32>} : memref<100x128xf32, #tpu.memory_space<vmem>>, vector<1x16xf32>,
        %get3A_1027 = vector.shape_cast %get3A_1026 : vector<1x16xf32> to vector<16xf32>
        %add3A_1028 = arith.addf %add3A_970, %get3A_1027 : vector<16xf32>
        %add3A_1029 = arith.constant 1 : i32
        %add3A_1030 = arith.addi %add3A_1029, %scan3A_986 : i32
        %get3A_1031 = arith.index_cast %add3A_1030 : i32 to index
        %get3A_1032 = arith.constant 96 : index
        %get3A_1033 = tpu.vector_load %arg7[%get3A_1031, %get3A_1032] {strides = array<i32>} : memref<100x128xf32, #tpu.memory_space<vmem>>, vector<1x16xf32>,
        %get3A_1034 = vector.shape_cast %get3A_1033 : vector<1x16xf32> to vector<16xf32>
        %add3A_1035 = arith.addf %add3A_977, %get3A_1034 : vector<16xf32>
        %add3A_1036 = arith.constant 1 : i32
        %add3A_1037 = arith.addi %add3A_1036, %scan3A_986 : i32
        %get3A_1038 = arith.index_cast %add3A_1037 : i32 to index
        %get3A_1039 = arith.constant 112 : index
        %get3A_1040 = tpu.vector_load %arg7[%get3A_1038, %get3A_1039] {strides = array<i32>} : memref<100x128xf32, #tpu.memory_space<vmem>>, vector<1x16xf32>,
        %get3A_1041 = vector.shape_cast %get3A_1040 : vector<1x16xf32> to vector<16xf32>
        %add3A_1042 = arith.addf %add3A_984, %get3A_1041 : vector<16xf32>
        %scan3A_1043 = arith.constant 2 : i32
        %scan3A_1044 = arith.addi %scan3A_920, %scan3A_1043 : i32
        %add3A_1045 = arith.constant 1 : i32
        %add3A_1046 = arith.addi %add3A_1045, %scan3A_1044 : i32
        %get3A_1047 = arith.index_cast %add3A_1046 : i32 to index
        %get3A_1048 = arith.constant 0 : index
        %get3A_1049 = tpu.vector_load %arg7[%get3A_1047, %get3A_1048] {strides = array<i32>} : memref<100x128xf32, #tpu.memory_space<vmem>>, vector<1x16xf32>,
        %get3A_1050 = vector.shape_cast %get3A_1049 : vector<1x16xf32> to vector<16xf32>
        %add3A_1051 = arith.addf %add3A_993, %get3A_1050 : vector<16xf32>
        %add3A_1052 = arith.constant 1 : i32
        %add3A_1053 = arith.addi %add3A_1052, %scan3A_1044 : i32
        %get3A_1054 = arith.index_cast %add3A_1053 : i32 to index
        %get3A_1055 = arith.constant 16 : index
        %get3A_1056 = tpu.vector_load %arg7[%get3A_1054, %get3A_1055] {strides = array<i32>} : memref<100x128xf32, #tpu.memory_space<vmem>>, vector<1x16xf32>,
        %get3A_1057 = vector.shape_cast %get3A_1056 : vector<1x16xf32> to vector<16xf32>
        %add3A_1058 = arith.addf %add3A_1000, %get3A_1057 : vector<16xf32>
        %add3A_1059 = arith.constant 1 : i32
        %add3A_1060 = arith.addi %add3A_1059, %scan3A_1044 : i32
        %get3A_1061 = arith.index_cast %add3A_1060 : i32 to index
        %get3A_1062 = arith.constant 32 : index
        %get3A_1063 = tpu.vector_load %arg7[%get3A_1061, %get3A_1062] {strides = array<i32>} : memref<100x128xf32, #tpu.memory_space<vmem>>, vector<1x16xf32>,
        %get3A_1064 = vector.shape_cast %get3A_1063 : vector<1x16xf32> to vector<16xf32>
        %add3A_1065 = arith.addf %add3A_1007, %get3A_1064 : vector<16xf32>
        %add3A_1066 = arith.constant 1 : i32
        %add3A_1067 = arith.addi %add3A_1066, %scan3A_1044 : i32
        %get3A_1068 = arith.index_cast %add3A_1067 : i32 to index
        %get3A_1069 = arith.constant 48 : index
        %get3A_1070 = tpu.vector_load %arg7[%get3A_1068, %get3A_1069] {strides = array<i32>} : memref<100x128xf32, #tpu.memory_space<vmem>>, vector<1x16xf32>,
        %get3A_1071 = vector.shape_cast %get3A_1070 : vector<1x16xf32> to vector<16xf32>
        %add3A_1072 = arith.addf %add3A_1014, %get3A_1071 : vector<16xf32>
        %add3A_1073 = arith.constant 1 : i32
        %add3A_1074 = arith.addi %add3A_1073, %scan3A_1044 : i32
        %get3A_1075 = arith.index_cast %add3A_1074 : i32 to index
        %get3A_1076 = arith.constant 64 : index
        %get3A_1077 = tpu.vector_load %arg7[%get3A_1075, %get3A_1076] {strides = array<i32>} : memref<100x128xf32, #tpu.memory_space<vmem>>, vector<1x16xf32>,
        %get3A_1078 = vector.shape_cast %get3A_1077 : vector<1x16xf32> to vector<16xf32>
        %add3A_1079 = arith.addf %add3A_1021, %get3A_1078 : vector<16xf32>
        %add3A_1080 = arith.constant 1 : i32
        %add3A_1081 = arith.addi %add3A_1080, %scan3A_1044 : i32
        %get3A_1082 = arith.index_cast %add3A_1081 : i32 to index
        %get3A_1083 = arith.constant 80 : index
        %get3A_1084 = tpu.vector_load %arg7[%get3A_1082, %get3A_1083] {strides = array<i32>} : memref<100x128xf32, #tpu.memory_space<vmem>>, vector<1x16xf32>,
        %get3A_1085 = vector.shape_cast %get3A_1084 : vector<1x16xf32> to vector<16xf32>
        %add3A_1086 = arith.addf %add3A_1028, %get3A_1085 : vector<16xf32>
        %add3A_1087 = arith.constant 1 : i32
        %add3A_1088 = arith.addi %add3A_1087, %scan3A_1044 : i32
        %get3A_1089 = arith.index_cast %add3A_1088 : i32 to index
        %get3A_1090 = arith.constant 96 : index
        %get3A_1091 = tpu.vector_load %arg7[%get3A_1089, %get3A_1090] {strides = array<i32>} : memref<100x128xf32, #tpu.memory_space<vmem>>, vector<1x16xf32>,
        %get3A_1092 = vector.shape_cast %get3A_1091 : vector<1x16xf32> to vector<16xf32>
        %add3A_1093 = arith.addf %add3A_1035, %get3A_1092 : vector<16xf32>
        %add3A_1094 = arith.constant 1 : i32
        %add3A_1095 = arith.addi %add3A_1094, %scan3A_1044 : i32
        %get3A_1096 = arith.index_cast %add3A_1095 : i32 to index
        %get3A_1097 = arith.constant 112 : index
        %get3A_1098 = tpu.vector_load %arg7[%get3A_1096, %get3A_1097] {strides = array<i32>} : memref<100x128xf32, #tpu.memory_space<vmem>>, vector<1x16xf32>,
        %get3A_1099 = vector.shape_cast %get3A_1098 : vector<1x16xf32> to vector<16xf32>
        %add3A_1100 = arith.addf %add3A_1042, %get3A_1099 : vector<16xf32>
        %scan3A_1101 = arith.constant 3 : i32
        %scan3A_1102 = arith.addi %scan3A_920, %scan3A_1101 : i32
        %add3A_1103 = arith.constant 1 : i32
        %add3A_1104 = arith.addi %add3A_1103, %scan3A_1102 : i32
        %get3A_1105 = arith.index_cast %add3A_1104 : i32 to index
        %get3A_1106 = arith.constant 0 : index
        %get3A_1107 = tpu.vector_load %arg7[%get3A_1105, %get3A_1106] {strides = array<i32>} : memref<100x128xf32, #tpu.memory_space<vmem>>, vector<1x16xf32>,
        %get3A_1108 = vector.shape_cast %get3A_1107 : vector<1x16xf32> to vector<16xf32>
        %add3A_1109 = arith.addf %add3A_1051, %get3A_1108 : vector<16xf32>
        %add3A_1110 = arith.constant 1 : i32
        %add3A_1111 = arith.addi %add3A_1110, %scan3A_1102 : i32
        %get3A_1112 = arith.index_cast %add3A_1111 : i32 to index
        %get3A_1113 = arith.constant 16 : index
        %get3A_1114 = tpu.vector_load %arg7[%get3A_1112, %get3A_1113] {strides = array<i32>} : memref<100x128xf32, #tpu.memory_space<vmem>>, vector<1x16xf32>,
        %get3A_1115 = vector.shape_cast %get3A_1114 : vector<1x16xf32> to vector<16xf32>
        %add3A_1116 = arith.addf %add3A_1058, %get3A_1115 : vector<16xf32>
        %add3A_1117 = arith.constant 1 : i32
        %add3A_1118 = arith.addi %add3A_1117, %scan3A_1102 : i32
        %get3A_1119 = arith.index_cast %add3A_1118 : i32 to index
        %get3A_1120 = arith.constant 32 : index
        %get3A_1121 = tpu.vector_load %arg7[%get3A_1119, %get3A_1120] {strides = array<i32>} : memref<100x128xf32, #tpu.memory_space<vmem>>, vector<1x16xf32>,
        %get3A_1122 = vector.shape_cast %get3A_1121 : vector<1x16xf32> to vector<16xf32>
        %add3A_1123 = arith.addf %add3A_1065, %get3A_1122 : vector<16xf32>
        %add3A_1124 = arith.constant 1 : i32
        %add3A_1125 = arith.addi %add3A_1124, %scan3A_1102 : i32
        %get3A_1126 = arith.index_cast %add3A_1125 : i32 to index
        %get3A_1127 = arith.constant 48 : index
        %get3A_1128 = tpu.vector_load %arg7[%get3A_1126, %get3A_1127] {strides = array<i32>} : memref<100x128xf32, #tpu.memory_space<vmem>>, vector<1x16xf32>,
        %get3A_1129 = vector.shape_cast %get3A_1128 : vector<1x16xf32> to vector<16xf32>
        %add3A_1130 = arith.addf %add3A_1072, %get3A_1129 : vector<16xf32>
        %add3A_1131 = arith.constant 1 : i32
        %add3A_1132 = arith.addi %add3A_1131, %scan3A_1102 : i32
        %get3A_1133 = arith.index_cast %add3A_1132 : i32 to index
        %get3A_1134 = arith.constant 64 : index
        %get3A_1135 = tpu.vector_load %arg7[%get3A_1133, %get3A_1134] {strides = array<i32>} : memref<100x128xf32, #tpu.memory_space<vmem>>, vector<1x16xf32>,
        %get3A_1136 = vector.shape_cast %get3A_1135 : vector<1x16xf32> to vector<16xf32>
        %add3A_1137 = arith.addf %add3A_1079, %get3A_1136 : vector<16xf32>
        %add3A_1138 = arith.constant 1 : i32
        %add3A_1139 = arith.addi %add3A_1138, %scan3A_1102 : i32
        %get3A_1140 = arith.index_cast %add3A_1139 : i32 to index
        %get3A_1141 = arith.constant 80 : index
        %get3A_1142 = tpu.vector_load %arg7[%get3A_1140, %get3A_1141] {strides = array<i32>} : memref<100x128xf32, #tpu.memory_space<vmem>>, vector<1x16xf32>,
        %get3A_1143 = vector.shape_cast %get3A_1142 : vector<1x16xf32> to vector<16xf32>
        %add3A_1144 = arith.addf %add3A_1086, %get3A_1143 : vector<16xf32>
        %add3A_1145 = arith.constant 1 : i32
        %add3A_1146 = arith.addi %add3A_1145, %scan3A_1102 : i32
        %get3A_1147 = arith.index_cast %add3A_1146 : i32 to index
        %get3A_1148 = arith.constant 96 : index
        %get3A_1149 = tpu.vector_load %arg7[%get3A_1147, %get3A_1148] {strides = array<i32>} : memref<100x128xf32, #tpu.memory_space<vmem>>, vector<1x16xf32>,
        %get3A_1150 = vector.shape_cast %get3A_1149 : vector<1x16xf32> to vector<16xf32>
        %add3A_1151 = arith.addf %add3A_1093, %get3A_1150 : vector<16xf32>
        %add3A_1152 = arith.constant 1 : i32
        %add3A_1153 = arith.addi %add3A_1152, %scan3A_1102 : i32
        %get3A_1154 = arith.index_cast %add3A_1153 : i32 to index
        %get3A_1155 = arith.constant 112 : index
        %get3A_1156 = tpu.vector_load %arg7[%get3A_1154, %get3A_1155] {strides = array<i32>} : memref<100x128xf32, #tpu.memory_space<vmem>>, vector<1x16xf32>,
        %get3A_1157 = vector.shape_cast %get3A_1156 : vector<1x16xf32> to vector<16xf32>
        %add3A_1158 = arith.addf %add3A_1100, %get3A_1157 : vector<16xf32>
        %scan3A_1159 = arith.constant 4 : i32
        %scan3A_1160 = arith.addi %scan3A_920, %scan3A_1159 : i32
        %add3A_1161 = arith.constant 1 : i32
        %add3A_1162 = arith.addi %add3A_1161, %scan3A_1160 : i32
        %get3A_1163 = arith.index_cast %add3A_1162 : i32 to index
        %get3A_1164 = arith.constant 0 : index
        %get3A_1165 = tpu.vector_load %arg7[%get3A_1163, %get3A_1164] {strides = array<i32>} : memref<100x128xf32, #tpu.memory_space<vmem>>, vector<1x16xf32>,
        %get3A_1166 = vector.shape_cast %get3A_1165 : vector<1x16xf32> to vector<16xf32>
        %add3A_1167 = arith.addf %add3A_1109, %get3A_1166 : vector<16xf32>
        %add3A_1168 = arith.constant 1 : i32
        %add3A_1169 = arith.addi %add3A_1168, %scan3A_1160 : i32
        %get3A_1170 = arith.index_cast %add3A_1169 : i32 to index
        %get3A_1171 = arith.constant 16 : index
        %get3A_1172 = tpu.vector_load %arg7[%get3A_1170, %get3A_1171] {strides = array<i32>} : memref<100x128xf32, #tpu.memory_space<vmem>>, vector<1x16xf32>,
        %get3A_1173 = vector.shape_cast %get3A_1172 : vector<1x16xf32> to vector<16xf32>
        %add3A_1174 = arith.addf %add3A_1116, %get3A_1173 : vector<16xf32>
        %add3A_1175 = arith.constant 1 : i32
        %add3A_1176 = arith.addi %add3A_1175, %scan3A_1160 : i32
        %get3A_1177 = arith.index_cast %add3A_1176 : i32 to index
        %get3A_1178 = arith.constant 32 : index
        %get3A_1179 = tpu.vector_load %arg7[%get3A_1177, %get3A_1178] {strides = array<i32>} : memref<100x128xf32, #tpu.memory_space<vmem>>, vector<1x16xf32>,
        %get3A_1180 = vector.shape_cast %get3A_1179 : vector<1x16xf32> to vector<16xf32>
        %add3A_1181 = arith.addf %add3A_1123, %get3A_1180 : vector<16xf32>
        %add3A_1182 = arith.constant 1 : i32
        %add3A_1183 = arith.addi %add3A_1182, %scan3A_1160 : i32
        %get3A_1184 = arith.index_cast %add3A_1183 : i32 to index
        %get3A_1185 = arith.constant 48 : index
        %get3A_1186 = tpu.vector_load %arg7[%get3A_1184, %get3A_1185] {strides = array<i32>} : memref<100x128xf32, #tpu.memory_space<vmem>>, vector<1x16xf32>,
        %get3A_1187 = vector.shape_cast %get3A_1186 : vector<1x16xf32> to vector<16xf32>
        %add3A_1188 = arith.addf %add3A_1130, %get3A_1187 : vector<16xf32>
        %add3A_1189 = arith.constant 1 : i32
        %add3A_1190 = arith.addi %add3A_1189, %scan3A_1160 : i32
        %get3A_1191 = arith.index_cast %add3A_1190 : i32 to index
        %get3A_1192 = arith.constant 64 : index
        %get3A_1193 = tpu.vector_load %arg7[%get3A_1191, %get3A_1192] {strides = array<i32>} : memref<100x128xf32, #tpu.memory_space<vmem>>, vector<1x16xf32>,
        %get3A_1194 = vector.shape_cast %get3A_1193 : vector<1x16xf32> to vector<16xf32>
        %add3A_1195 = arith.addf %add3A_1137, %get3A_1194 : vector<16xf32>
        %add3A_1196 = arith.constant 1 : i32
        %add3A_1197 = arith.addi %add3A_1196, %scan3A_1160 : i32
        %get3A_1198 = arith.index_cast %add3A_1197 : i32 to index
        %get3A_1199 = arith.constant 80 : index
        %get3A_1200 = tpu.vector_load %arg7[%get3A_1198, %get3A_1199] {strides = array<i32>} : memref<100x128xf32, #tpu.memory_space<vmem>>, vector<1x16xf32>,
        %get3A_1201 = vector.shape_cast %get3A_1200 : vector<1x16xf32> to vector<16xf32>
        %add3A_1202 = arith.addf %add3A_1144, %get3A_1201 : vector<16xf32>
        %add3A_1203 = arith.constant 1 : i32
        %add3A_1204 = arith.addi %add3A_1203, %scan3A_1160 : i32
        %get3A_1205 = arith.index_cast %add3A_1204 : i32 to index
        %get3A_1206 = arith.constant 96 : index
        %get3A_1207 = tpu.vector_load %arg7[%get3A_1205, %get3A_1206] {strides = array<i32>} : memref<100x128xf32, #tpu.memory_space<vmem>>, vector<1x16xf32>,
        %get3A_1208 = vector.shape_cast %get3A_1207 : vector<1x16xf32> to vector<16xf32>
        %add3A_1209 = arith.addf %add3A_1151, %get3A_1208 : vector<16xf32>
        %add3A_1210 = arith.constant 1 : i32
        %add3A_1211 = arith.addi %add3A_1210, %scan3A_1160 : i32
        %get3A_1212 = arith.index_cast %add3A_1211 : i32 to index
        %get3A_1213 = arith.constant 112 : index
        %get3A_1214 = tpu.vector_load %arg7[%get3A_1212, %get3A_1213] {strides = array<i32>} : memref<100x128xf32, #tpu.memory_space<vmem>>, vector<1x16xf32>,
        %get3A_1215 = vector.shape_cast %get3A_1214 : vector<1x16xf32> to vector<16xf32>
        %add3A_1216 = arith.addf %add3A_1158, %get3A_1215 : vector<16xf32>
        %scan3A_1217 = arith.constant 5 : i32
        %scan3A_1218 = arith.addi %scan3A_920, %scan3A_1217 : i32
        %add3A_1219 = arith.constant 1 : i32
        %add3A_1220 = arith.addi %add3A_1219, %scan3A_1218 : i32
        %get3A_1221 = arith.index_cast %add3A_1220 : i32 to index
        %get3A_1222 = arith.constant 0 : index
        %get3A_1223 = tpu.vector_load %arg7[%get3A_1221, %get3A_1222] {strides = array<i32>} : memref<100x128xf32, #tpu.memory_space<vmem>>, vector<1x16xf32>,
        %get3A_1224 = vector.shape_cast %get3A_1223 : vector<1x16xf32> to vector<16xf32>
        %add3A_1225 = arith.addf %add3A_1167, %get3A_1224 : vector<16xf32>
        %add3A_1226 = arith.constant 1 : i32
        %add3A_1227 = arith.addi %add3A_1226, %scan3A_1218 : i32
        %get3A_1228 = arith.index_cast %add3A_1227 : i32 to index
        %get3A_1229 = arith.constant 16 : index
        %get3A_1230 = tpu.vector_load %arg7[%get3A_1228, %get3A_1229] {strides = array<i32>} : memref<100x128xf32, #tpu.memory_space<vmem>>, vector<1x16xf32>,
        %get3A_1231 = vector.shape_cast %get3A_1230 : vector<1x16xf32> to vector<16xf32>
        %add3A_1232 = arith.addf %add3A_1174, %get3A_1231 : vector<16xf32>
        %add3A_1233 = arith.constant 1 : i32
        %add3A_1234 = arith.addi %add3A_1233, %scan3A_1218 : i32
        %get3A_1235 = arith.index_cast %add3A_1234 : i32 to index
        %get3A_1236 = arith.constant 32 : index
        %get3A_1237 = tpu.vector_load %arg7[%get3A_1235, %get3A_1236] {strides = array<i32>} : memref<100x128xf32, #tpu.memory_space<vmem>>, vector<1x16xf32>,
        %get3A_1238 = vector.shape_cast %get3A_1237 : vector<1x16xf32> to vector<16xf32>
        %add3A_1239 = arith.addf %add3A_1181, %get3A_1238 : vector<16xf32>
        %add3A_1240 = arith.constant 1 : i32
        %add3A_1241 = arith.addi %add3A_1240, %scan3A_1218 : i32
        %get3A_1242 = arith.index_cast %add3A_1241 : i32 to index
        %get3A_1243 = arith.constant 48 : index
        %get3A_1244 = tpu.vector_load %arg7[%get3A_1242, %get3A_1243] {strides = array<i32>} : memref<100x128xf32, #tpu.memory_space<vmem>>, vector<1x16xf32>,
        %get3A_1245 = vector.shape_cast %get3A_1244 : vector<1x16xf32> to vector<16xf32>
        %add3A_1246 = arith.addf %add3A_1188, %get3A_1245 : vector<16xf32>
        %add3A_1247 = arith.constant 1 : i32
        %add3A_1248 = arith.addi %add3A_1247, %scan3A_1218 : i32
        %get3A_1249 = arith.index_cast %add3A_1248 : i32 to index
        %get3A_1250 = arith.constant 64 : index
        %get3A_1251 = tpu.vector_load %arg7[%get3A_1249, %get3A_1250] {strides = array<i32>} : memref<100x128xf32, #tpu.memory_space<vmem>>, vector<1x16xf32>,
        %get3A_1252 = vector.shape_cast %get3A_1251 : vector<1x16xf32> to vector<16xf32>
        %add3A_1253 = arith.addf %add3A_1195, %get3A_1252 : vector<16xf32>
        %add3A_1254 = arith.constant 1 : i32
        %add3A_1255 = arith.addi %add3A_1254, %scan3A_1218 : i32
        %get3A_1256 = arith.index_cast %add3A_1255 : i32 to index
        %get3A_1257 = arith.constant 80 : index
        %get3A_1258 = tpu.vector_load %arg7[%get3A_1256, %get3A_1257] {strides = array<i32>} : memref<100x128xf32, #tpu.memory_space<vmem>>, vector<1x16xf32>,
        %get3A_1259 = vector.shape_cast %get3A_1258 : vector<1x16xf32> to vector<16xf32>
        %add3A_1260 = arith.addf %add3A_1202, %get3A_1259 : vector<16xf32>
        %add3A_1261 = arith.constant 1 : i32
        %add3A_1262 = arith.addi %add3A_1261, %scan3A_1218 : i32
        %get3A_1263 = arith.index_cast %add3A_1262 : i32 to index
        %get3A_1264 = arith.constant 96 : index
        %get3A_1265 = tpu.vector_load %arg7[%get3A_1263, %get3A_1264] {strides = array<i32>} : memref<100x128xf32, #tpu.memory_space<vmem>>, vector<1x16xf32>,
        %get3A_1266 = vector.shape_cast %get3A_1265 : vector<1x16xf32> to vector<16xf32>
        %add3A_1267 = arith.addf %add3A_1209, %get3A_1266 : vector<16xf32>
        %add3A_1268 = arith.constant 1 : i32
        %add3A_1269 = arith.addi %add3A_1268, %scan3A_1218 : i32
        %get3A_1270 = arith.index_cast %add3A_1269 : i32 to index
        %get3A_1271 = arith.constant 112 : index
        %get3A_1272 = tpu.vector_load %arg7[%get3A_1270, %get3A_1271] {strides = array<i32>} : memref<100x128xf32, #tpu.memory_space<vmem>>, vector<1x16xf32>,
        %get3A_1273 = vector.shape_cast %get3A_1272 : vector<1x16xf32> to vector<16xf32>
        %add3A_1274 = arith.addf %add3A_1216, %get3A_1273 : vector<16xf32>
        %scan3A_1275 = arith.constant 6 : i32
        %scan3A_1276 = arith.addi %scan3A_920, %scan3A_1275 : i32
        %add3A_1277 = arith.constant 1 : i32
        %add3A_1278 = arith.addi %add3A_1277, %scan3A_1276 : i32
        %get3A_1279 = arith.index_cast %add3A_1278 : i32 to index
        %get3A_1280 = arith.constant 0 : index
        %get3A_1281 = tpu.vector_load %arg7[%get3A_1279, %get3A_1280] {strides = array<i32>} : memref<100x128xf32, #tpu.memory_space<vmem>>, vector<1x16xf32>,
        %get3A_1282 = vector.shape_cast %get3A_1281 : vector<1x16xf32> to vector<16xf32>
        %add3A_1283 = arith.addf %add3A_1225, %get3A_1282 : vector<16xf32>
        %add3A_1284 = arith.constant 1 : i32
        %add3A_1285 = arith.addi %add3A_1284, %scan3A_1276 : i32
        %get3A_1286 = arith.index_cast %add3A_1285 : i32 to index
        %get3A_1287 = arith.constant 16 : index
        %get3A_1288 = tpu.vector_load %arg7[%get3A_1286, %get3A_1287] {strides = array<i32>} : memref<100x128xf32, #tpu.memory_space<vmem>>, vector<1x16xf32>,
        %get3A_1289 = vector.shape_cast %get3A_1288 : vector<1x16xf32> to vector<16xf32>
        %add3A_1290 = arith.addf %add3A_1232, %get3A_1289 : vector<16xf32>
        %add3A_1291 = arith.constant 1 : i32
        %add3A_1292 = arith.addi %add3A_1291, %scan3A_1276 : i32
        %get3A_1293 = arith.index_cast %add3A_1292 : i32 to index
        %get3A_1294 = arith.constant 32 : index
        %get3A_1295 = tpu.vector_load %arg7[%get3A_1293, %get3A_1294] {strides = array<i32>} : memref<100x128xf32, #tpu.memory_space<vmem>>, vector<1x16xf32>,
        %get3A_1296 = vector.shape_cast %get3A_1295 : vector<1x16xf32> to vector<16xf32>
        %add3A_1297 = arith.addf %add3A_1239, %get3A_1296 : vector<16xf32>
        %add3A_1298 = arith.constant 1 : i32
        %add3A_1299 = arith.addi %add3A_1298, %scan3A_1276 : i32
        %get3A_1300 = arith.index_cast %add3A_1299 : i32 to index
        %get3A_1301 = arith.constant 48 : index
        %get3A_1302 = tpu.vector_load %arg7[%get3A_1300, %get3A_1301] {strides = array<i32>} : memref<100x128xf32, #tpu.memory_space<vmem>>, vector<1x16xf32>,
        %get3A_1303 = vector.shape_cast %get3A_1302 : vector<1x16xf32> to vector<16xf32>
        %add3A_1304 = arith.addf %add3A_1246, %get3A_1303 : vector<16xf32>
        %add3A_1305 = arith.constant 1 : i32
        %add3A_1306 = arith.addi %add3A_1305, %scan3A_1276 : i32
        %get3A_1307 = arith.index_cast %add3A_1306 : i32 to index
        %get3A_1308 = arith.constant 64 : index
        %get3A_1309 = tpu.vector_load %arg7[%get3A_1307, %get3A_1308] {strides = array<i32>} : memref<100x128xf32, #tpu.memory_space<vmem>>, vector<1x16xf32>,
        %get3A_1310 = vector.shape_cast %get3A_1309 : vector<1x16xf32> to vector<16xf32>
        %add3A_1311 = arith.addf %add3A_1253, %get3A_1310 : vector<16xf32>
        %add3A_1312 = arith.constant 1 : i32
        %add3A_1313 = arith.addi %add3A_1312, %scan3A_1276 : i32
        %get3A_1314 = arith.index_cast %add3A_1313 : i32 to index
        %get3A_1315 = arith.constant 80 : index
        %get3A_1316 = tpu.vector_load %arg7[%get3A_1314, %get3A_1315] {strides = array<i32>} : memref<100x128xf32, #tpu.memory_space<vmem>>, vector<1x16xf32>,
        %get3A_1317 = vector.shape_cast %get3A_1316 : vector<1x16xf32> to vector<16xf32>
        %add3A_1318 = arith.addf %add3A_1260, %get3A_1317 : vector<16xf32>
        %add3A_1319 = arith.constant 1 : i32
        %add3A_1320 = arith.addi %add3A_1319, %scan3A_1276 : i32
        %get3A_1321 = arith.index_cast %add3A_1320 : i32 to index
        %get3A_1322 = arith.constant 96 : index
        %get3A_1323 = tpu.vector_load %arg7[%get3A_1321, %get3A_1322] {strides = array<i32>} : memref<100x128xf32, #tpu.memory_space<vmem>>, vector<1x16xf32>,
        %get3A_1324 = vector.shape_cast %get3A_1323 : vector<1x16xf32> to vector<16xf32>
        %add3A_1325 = arith.addf %add3A_1267, %get3A_1324 : vector<16xf32>
        %add3A_1326 = arith.constant 1 : i32
        %add3A_1327 = arith.addi %add3A_1326, %scan3A_1276 : i32
        %get3A_1328 = arith.index_cast %add3A_1327 : i32 to index
        %get3A_1329 = arith.constant 112 : index
        %get3A_1330 = tpu.vector_load %arg7[%get3A_1328, %get3A_1329] {strides = array<i32>} : memref<100x128xf32, #tpu.memory_space<vmem>>, vector<1x16xf32>,
        %get3A_1331 = vector.shape_cast %get3A_1330 : vector<1x16xf32> to vector<16xf32>
        %add3A_1332 = arith.addf %add3A_1274, %get3A_1331 : vector<16xf32>
        scf.yield %add3A_1283, %add3A_1290, %add3A_1297, %add3A_1304, %add3A_1311, %add3A_1318, %add3A_1325, %add3A_1332 : vector<16xf32>, vector<16xf32>, vector<16xf32>, vector<16xf32>, vector<16xf32>, vector<16xf32>, vector<16xf32>, vector<16xf32>
      }
      %scan3A_311 = arith.constant 49 : i32
      %add3A_312 = arith.constant 0 : i32
      %add3A_313 = arith.addi %mul3A_265, %add3A_312 : i32
      %swap3A_314 = arith.index_cast %add3A_313 : i32 to index
      %swap3A_315 = arith.constant 0 : index
      %swap3A_316 = tpu.vector_load %arg10[%swap3A_314, %swap3A_315] {strides = array<i32>} : memref<128x128xf32, #tpu.memory_space<vmem>>, vector<1x16xf32>,
      %swap3A_317 = vector.shape_cast %swap3A_316 : vector<1x16xf32> to vector<16xf32>
      %swap3A_318 = vector.shape_cast %scan3A_310#0 : vector<16xf32> to vector<1x16xf32>
      tpu.vector_store %arg10[%swap3A_314, %swap3A_315], %swap3A_318 {strides = array<i32>} : memref<128x128xf32, #tpu.memory_space<vmem>>, vector<1x16xf32>,
      %add3A_319 = arith.constant 0 : i32
      %add3A_320 = arith.addi %mul3A_265, %add3A_319 : i32
      %swap3A_321 = arith.index_cast %add3A_320 : i32 to index
      %swap3A_322 = arith.constant 16 : index
      %swap3A_323 = tpu.vector_load %arg10[%swap3A_321, %swap3A_322] {strides = array<i32>} : memref<128x128xf32, #tpu.memory_space<vmem>>, vector<1x16xf32>,
      %swap3A_324 = vector.shape_cast %swap3A_323 : vector<1x16xf32> to vector<16xf32>
      %swap3A_325 = vector.shape_cast %scan3A_310#1 : vector<16xf32> to vector<1x16xf32>
      tpu.vector_store %arg10[%swap3A_321, %swap3A_322], %swap3A_325 {strides = array<i32>} : memref<128x128xf32, #tpu.memory_space<vmem>>, vector<1x16xf32>,
      %add3A_326 = arith.constant 0 : i32
      %add3A_327 = arith.addi %mul3A_265, %add3A_326 : i32
      %swap3A_328 = arith.index_cast %add3A_327 : i32 to index
      %swap3A_329 = arith.constant 32 : index
      %swap3A_330 = tpu.vector_load %arg10[%swap3A_328, %swap3A_329] {strides = array<i32>} : memref<128x128xf32, #tpu.memory_space<vmem>>, vector<1x16xf32>,
      %swap3A_331 = vector.shape_cast %swap3A_330 : vector<1x16xf32> to vector<16xf32>
      %swap3A_332 = vector.shape_cast %scan3A_310#2 : vector<16xf32> to vector<1x16xf32>
      tpu.vector_store %arg10[%swap3A_328, %swap3A_329], %swap3A_332 {strides = array<i32>} : memref<128x128xf32, #tpu.memory_space<vmem>>, vector<1x16xf32>,
      %add3A_333 = arith.constant 0 : i32
      %add3A_334 = arith.addi %mul3A_265, %add3A_333 : i32
      %swap3A_335 = arith.index_cast %add3A_334 : i32 to index
      %swap3A_336 = arith.constant 48 : index
      %swap3A_337 = tpu.vector_load %arg10[%swap3A_335, %swap3A_336] {strides = array<i32>} : memref<128x128xf32, #tpu.memory_space<vmem>>, vector<1x16xf32>,
      %swap3A_338 = vector.shape_cast %swap3A_337 : vector<1x16xf32> to vector<16xf32>
      %swap3A_339 = vector.shape_cast %scan3A_310#3 : vector<16xf32> to vector<1x16xf32>
      tpu.vector_store %arg10[%swap3A_335, %swap3A_336], %swap3A_339 {strides = array<i32>} : memref<128x128xf32, #tpu.memory_space<vmem>>, vector<1x16xf32>,
      %add3A_340 = arith.constant 0 : i32
      %add3A_341 = arith.addi %mul3A_265, %add3A_340 : i32
      %swap3A_342 = arith.index_cast %add3A_341 : i32 to index
      %swap3A_343 = arith.constant 64 : index
      %swap3A_344 = tpu.vector_load %arg10[%swap3A_342, %swap3A_343] {strides = array<i32>} : memref<128x128xf32, #tpu.memory_space<vmem>>, vector<1x16xf32>,
      %swap3A_345 = vector.shape_cast %swap3A_344 : vector<1x16xf32> to vector<16xf32>
      %swap3A_346 = vector.shape_cast %scan3A_310#4 : vector<16xf32> to vector<1x16xf32>
      tpu.vector_store %arg10[%swap3A_342, %swap3A_343], %swap3A_346 {strides = array<i32>} : memref<128x128xf32, #tpu.memory_space<vmem>>, vector<1x16xf32>,
      %add3A_347 = arith.constant 0 : i32
      %add3A_348 = arith.addi %mul3A_265, %add3A_347 : i32
      %swap3A_349 = arith.index_cast %add3A_348 : i32 to index
      %swap3A_350 = arith.constant 80 : index
      %swap3A_351 = tpu.vector_load %arg10[%swap3A_349, %swap3A_350] {strides = array<i32>} : memref<128x128xf32, #tpu.memory_space<vmem>>, vector<1x16xf32>,
      %swap3A_352 = vector.shape_cast %swap3A_351 : vector<1x16xf32> to vector<16xf32>
      %swap3A_353 = vector.shape_cast %scan3A_310#5 : vector<16xf32> to vector<1x16xf32>
      tpu.vector_store %arg10[%swap3A_349, %swap3A_350], %swap3A_353 {strides = array<i32>} : memref<128x128xf32, #tpu.memory_space<vmem>>, vector<1x16xf32>,
      %add3A_354 = arith.constant 0 : i32
      %add3A_355 = arith.addi %mul3A_265, %add3A_354 : i32
      %swap3A_356 = arith.index_cast %add3A_355 : i32 to index
      %swap3A_357 = arith.constant 96 : index
      %swap3A_358 = tpu.vector_load %arg10[%swap3A_356, %swap3A_357] {strides = array<i32>} : memref<128x128xf32, #tpu.memory_space<vmem>>, vector<1x16xf32>,
      %swap3A_359 = vector.shape_cast %swap3A_358 : vector<1x16xf32> to vector<16xf32>
      %swap3A_360 = vector.shape_cast %scan3A_310#6 : vector<16xf32> to vector<1x16xf32>
      tpu.vector_store %arg10[%swap3A_356, %swap3A_357], %swap3A_360 {strides = array<i32>} : memref<128x128xf32, #tpu.memory_space<vmem>>, vector<1x16xf32>,
      %add3A_361 = arith.constant 0 : i32
      %add3A_362 = arith.addi %mul3A_265, %add3A_361 : i32
      %swap3A_363 = arith.index_cast %add3A_362 : i32 to index
      %swap3A_364 = arith.constant 112 : index
      %swap3A_365 = tpu.vector_load %arg10[%swap3A_363, %swap3A_364] {strides = array<i32>} : memref<128x128xf32, #tpu.memory_space<vmem>>, vector<1x16xf32>,
      %swap3A_366 = vector.shape_cast %swap3A_365 : vector<1x16xf32> to vector<16xf32>
      %swap3A_367 = vector.shape_cast %scan3A_310#7 : vector<16xf32> to vector<1x16xf32>
      tpu.vector_store %arg10[%swap3A_363, %swap3A_364], %swap3A_367 {strides = array<i32>} : memref<128x128xf32, #tpu.memory_space<vmem>>, vector<1x16xf32>,
      %get3A_368 = arith.constant 50 : i32
      %get3A_369 = arith.index_cast %get3A_368 : i32 to index
      %get3A_370 = arith.constant 0 : index
      %get3A_371 = tpu.vector_load %arg7[%get3A_369, %get3A_370] {strides = array<i32>} : memref<100x128xf32, #tpu.memory_space<vmem>>, vector<1x16xf32>,
      %get3A_372 = vector.shape_cast %get3A_371 : vector<1x16xf32> to vector<16xf32>
      %get3A_373 = arith.constant 50 : i32
      %get3A_374 = arith.index_cast %get3A_373 : i32 to index
      %get3A_375 = arith.constant 16 : index
      %get3A_376 = tpu.vector_load %arg7[%get3A_374, %get3A_375] {strides = array<i32>} : memref<100x128xf32, #tpu.memory_space<vmem>>, vector<1x16xf32>,
      %get3A_377 = vector.shape_cast %get3A_376 : vector<1x16xf32> to vector<16xf32>
      %get3A_378 = arith.constant 50 : i32
      %get3A_379 = arith.index_cast %get3A_378 : i32 to index
      %get3A_380 = arith.constant 32 : index
      %get3A_381 = tpu.vector_load %arg7[%get3A_379, %get3A_380] {strides = array<i32>} : memref<100x128xf32, #tpu.memory_space<vmem>>, vector<1x16xf32>,
      %get3A_382 = vector.shape_cast %get3A_381 : vector<1x16xf32> to vector<16xf32>
      %get3A_383 = arith.constant 50 : i32
      %get3A_384 = arith.index_cast %get3A_383 : i32 to index
      %get3A_385 = arith.constant 48 : index
      %get3A_386 = tpu.vector_load %arg7[%get3A_384, %get3A_385] {strides = array<i32>} : memref<100x128xf32, #tpu.memory_space<vmem>>, vector<1x16xf32>,
      %get3A_387 = vector.shape_cast %get3A_386 : vector<1x16xf32> to vector<16xf32>
      %get3A_388 = arith.constant 50 : i32
      %get3A_389 = arith.index_cast %get3A_388 : i32 to index
      %get3A_390 = arith.constant 64 : index
      %get3A_391 = tpu.vector_load %arg7[%get3A_389, %get3A_390] {strides = array<i32>} : memref<100x128xf32, #tpu.memory_space<vmem>>, vector<1x16xf32>,
      %get3A_392 = vector.shape_cast %get3A_391 : vector<1x16xf32> to vector<16xf32>
      %get3A_393 = arith.constant 50 : i32
      %get3A_394 = arith.index_cast %get3A_393 : i32 to index
      %get3A_395 = arith.constant 80 : index
      %get3A_396 = tpu.vector_load %arg7[%get3A_394, %get3A_395] {strides = array<i32>} : memref<100x128xf32, #tpu.memory_space<vmem>>, vector<1x16xf32>,
      %get3A_397 = vector.shape_cast %get3A_396 : vector<1x16xf32> to vector<16xf32>
      %get3A_398 = arith.constant 50 : i32
      %get3A_399 = arith.index_cast %get3A_398 : i32 to index
      %get3A_400 = arith.constant 96 : index
      %get3A_401 = tpu.vector_load %arg7[%get3A_399, %get3A_400] {strides = array<i32>} : memref<100x128xf32, #tpu.memory_space<vmem>>, vector<1x16xf32>,
      %get3A_402 = vector.shape_cast %get3A_401 : vector<1x16xf32> to vector<16xf32>
      %get3A_403 = arith.constant 50 : i32
      %get3A_404 = arith.index_cast %get3A_403 : i32 to index
      %get3A_405 = arith.constant 112 : index
      %get3A_406 = tpu.vector_load %arg7[%get3A_404, %get3A_405] {strides = array<i32>} : memref<100x128xf32, #tpu.memory_space<vmem>>, vector<1x16xf32>,
      %get3A_407 = vector.shape_cast %get3A_406 : vector<1x16xf32> to vector<16xf32>
      %scan3A_408 = arith.constant 0 : i32
      %scan3A_409 = arith.constant 49 : i32
      %scan3A_410 = arith.addi %scan3A_408, %scan3A_409 : i32
      %scan3A_411 = arith.constant 7 : i32
      %scan3A_412:8 = scf.for %scan3A_920 = %scan3A_408 to %scan3A_410 step %scan3A_411 iter_args(%scan3A_921 = %get3A_372, %scan3A_922 = %get3A_377, %scan3A_923 = %get3A_382, %scan3A_924 = %get3A_387, %scan3A_925 = %get3A_392, %scan3A_926 = %get3A_397, %scan3A_927 = %get3A_402, %scan3A_928 = %get3A_407) -> (vector<16xf32>, vector<16xf32>, vector<16xf32>, vector<16xf32>, vector<16xf32>, vector<16xf32>, vector<16xf32>, vector<16xf32>)  : i32 {
        %add3A_929 = arith.constant 51 : i32
        %add3A_930 = arith.addi %add3A_929, %scan3A_920 : i32
        %get3A_931 = arith.index_cast %add3A_930 : i32 to index
        %get3A_932 = arith.constant 0 : index
        %get3A_933 = tpu.vector_load %arg7[%get3A_931, %get3A_932] {strides = array<i32>} : memref<100x128xf32, #tpu.memory_space<vmem>>, vector<1x16xf32>,
        %get3A_934 = vector.shape_cast %get3A_933 : vector<1x16xf32> to vector<16xf32>
        %add3A_935 = arith.addf %scan3A_921, %get3A_934 : vector<16xf32>
        %add3A_936 = arith.constant 51 : i32
        %add3A_937 = arith.addi %add3A_936, %scan3A_920 : i32
        %get3A_938 = arith.index_cast %add3A_937 : i32 to index
        %get3A_939 = arith.constant 16 : index
        %get3A_940 = tpu.vector_load %arg7[%get3A_938, %get3A_939] {strides = array<i32>} : memref<100x128xf32, #tpu.memory_space<vmem>>, vector<1x16xf32>,
        %get3A_941 = vector.shape_cast %get3A_940 : vector<1x16xf32> to vector<16xf32>
        %add3A_942 = arith.addf %scan3A_922, %get3A_941 : vector<16xf32>
        %add3A_943 = arith.constant 51 : i32
        %add3A_944 = arith.addi %add3A_943, %scan3A_920 : i32
        %get3A_945 = arith.index_cast %add3A_944 : i32 to index
        %get3A_946 = arith.constant 32 : index
        %get3A_947 = tpu.vector_load %arg7[%get3A_945, %get3A_946] {strides = array<i32>} : memref<100x128xf32, #tpu.memory_space<vmem>>, vector<1x16xf32>,
        %get3A_948 = vector.shape_cast %get3A_947 : vector<1x16xf32> to vector<16xf32>
        %add3A_949 = arith.addf %scan3A_923, %get3A_948 : vector<16xf32>
        %add3A_950 = arith.constant 51 : i32
        %add3A_951 = arith.addi %add3A_950, %scan3A_920 : i32
        %get3A_952 = arith.index_cast %add3A_951 : i32 to index
        %get3A_953 = arith.constant 48 : index
        %get3A_954 = tpu.vector_load %arg7[%get3A_952, %get3A_953] {strides = array<i32>} : memref<100x128xf32, #tpu.memory_space<vmem>>, vector<1x16xf32>,
        %get3A_955 = vector.shape_cast %get3A_954 : vector<1x16xf32> to vector<16xf32>
        %add3A_956 = arith.addf %scan3A_924, %get3A_955 : vector<16xf32>
        %add3A_957 = arith.constant 51 : i32
        %add3A_958 = arith.addi %add3A_957, %scan3A_920 : i32
        %get3A_959 = arith.index_cast %add3A_958 : i32 to index
        %get3A_960 = arith.constant 64 : index
        %get3A_961 = tpu.vector_load %arg7[%get3A_959, %get3A_960] {strides = array<i32>} : memref<100x128xf32, #tpu.memory_space<vmem>>, vector<1x16xf32>,
        %get3A_962 = vector.shape_cast %get3A_961 : vector<1x16xf32> to vector<16xf32>
        %add3A_963 = arith.addf %scan3A_925, %get3A_962 : vector<16xf32>
        %add3A_964 = arith.constant 51 : i32
        %add3A_965 = arith.addi %add3A_964, %scan3A_920 : i32
        %get3A_966 = arith.index_cast %add3A_965 : i32 to index
        %get3A_967 = arith.constant 80 : index
        %get3A_968 = tpu.vector_load %arg7[%get3A_966, %get3A_967] {strides = array<i32>} : memref<100x128xf32, #tpu.memory_space<vmem>>, vector<1x16xf32>,
        %get3A_969 = vector.shape_cast %get3A_968 : vector<1x16xf32> to vector<16xf32>
        %add3A_970 = arith.addf %scan3A_926, %get3A_969 : vector<16xf32>
        %add3A_971 = arith.constant 51 : i32
        %add3A_972 = arith.addi %add3A_971, %scan3A_920 : i32
        %get3A_973 = arith.index_cast %add3A_972 : i32 to index
        %get3A_974 = arith.constant 96 : index
        %get3A_975 = tpu.vector_load %arg7[%get3A_973, %get3A_974] {strides = array<i32>} : memref<100x128xf32, #tpu.memory_space<vmem>>, vector<1x16xf32>,
        %get3A_976 = vector.shape_cast %get3A_975 : vector<1x16xf32> to vector<16xf32>
        %add3A_977 = arith.addf %scan3A_927, %get3A_976 : vector<16xf32>
        %add3A_978 = arith.constant 51 : i32
        %add3A_979 = arith.addi %add3A_978, %scan3A_920 : i32
        %get3A_980 = arith.index_cast %add3A_979 : i32 to index
        %get3A_981 = arith.constant 112 : index
        %get3A_982 = tpu.vector_load %arg7[%get3A_980, %get3A_981] {strides = array<i32>} : memref<100x128xf32, #tpu.memory_space<vmem>>, vector<1x16xf32>,
        %get3A_983 = vector.shape_cast %get3A_982 : vector<1x16xf32> to vector<16xf32>
        %add3A_984 = arith.addf %scan3A_928, %get3A_983 : vector<16xf32>
        %scan3A_985 = arith.constant 1 : i32
        %scan3A_986 = arith.addi %scan3A_920, %scan3A_985 : i32
        %add3A_987 = arith.constant 51 : i32
        %add3A_988 = arith.addi %add3A_987, %scan3A_986 : i32
        %get3A_989 = arith.index_cast %add3A_988 : i32 to index
        %get3A_990 = arith.constant 0 : index
        %get3A_991 = tpu.vector_load %arg7[%get3A_989, %get3A_990] {strides = array<i32>} : memref<100x128xf32, #tpu.memory_space<vmem>>, vector<1x16xf32>,
        %get3A_992 = vector.shape_cast %get3A_991 : vector<1x16xf32> to vector<16xf32>
        %add3A_993 = arith.addf %add3A_935, %get3A_992 : vector<16xf32>
        %add3A_994 = arith.constant 51 : i32
        %add3A_995 = arith.addi %add3A_994, %scan3A_986 : i32
        %get3A_996 = arith.index_cast %add3A_995 : i32 to index
        %get3A_997 = arith.constant 16 : index
        %get3A_998 = tpu.vector_load %arg7[%get3A_996, %get3A_997] {strides = array<i32>} : memref<100x128xf32, #tpu.memory_space<vmem>>, vector<1x16xf32>,
        %get3A_999 = vector.shape_cast %get3A_998 : vector<1x16xf32> to vector<16xf32>
        %add3A_1000 = arith.addf %add3A_942, %get3A_999 : vector<16xf32>
        %add3A_1001 = arith.constant 51 : i32
        %add3A_1002 = arith.addi %add3A_1001, %scan3A_986 : i32
        %get3A_1003 = arith.index_cast %add3A_1002 : i32 to index
        %get3A_1004 = arith.constant 32 : index
        %get3A_1005 = tpu.vector_load %arg7[%get3A_1003, %get3A_1004] {strides = array<i32>} : memref<100x128xf32, #tpu.memory_space<vmem>>, vector<1x16xf32>,
        %get3A_1006 = vector.shape_cast %get3A_1005 : vector<1x16xf32> to vector<16xf32>
        %add3A_1007 = arith.addf %add3A_949, %get3A_1006 : vector<16xf32>
        %add3A_1008 = arith.constant 51 : i32
        %add3A_1009 = arith.addi %add3A_1008, %scan3A_986 : i32
        %get3A_1010 = arith.index_cast %add3A_1009 : i32 to index
        %get3A_1011 = arith.constant 48 : index
        %get3A_1012 = tpu.vector_load %arg7[%get3A_1010, %get3A_1011] {strides = array<i32>} : memref<100x128xf32, #tpu.memory_space<vmem>>, vector<1x16xf32>,
        %get3A_1013 = vector.shape_cast %get3A_1012 : vector<1x16xf32> to vector<16xf32>
        %add3A_1014 = arith.addf %add3A_956, %get3A_1013 : vector<16xf32>
        %add3A_1015 = arith.constant 51 : i32
        %add3A_1016 = arith.addi %add3A_1015, %scan3A_986 : i32
        %get3A_1017 = arith.index_cast %add3A_1016 : i32 to index
        %get3A_1018 = arith.constant 64 : index
        %get3A_1019 = tpu.vector_load %arg7[%get3A_1017, %get3A_1018] {strides = array<i32>} : memref<100x128xf32, #tpu.memory_space<vmem>>, vector<1x16xf32>,
        %get3A_1020 = vector.shape_cast %get3A_1019 : vector<1x16xf32> to vector<16xf32>
        %add3A_1021 = arith.addf %add3A_963, %get3A_1020 : vector<16xf32>
        %add3A_1022 = arith.constant 51 : i32
        %add3A_1023 = arith.addi %add3A_1022, %scan3A_986 : i32
        %get3A_1024 = arith.index_cast %add3A_1023 : i32 to index
        %get3A_1025 = arith.constant 80 : index
        %get3A_1026 = tpu.vector_load %arg7[%get3A_1024, %get3A_1025] {strides = array<i32>} : memref<100x128xf32, #tpu.memory_space<vmem>>, vector<1x16xf32>,
        %get3A_1027 = vector.shape_cast %get3A_1026 : vector<1x16xf32> to vector<16xf32>
        %add3A_1028 = arith.addf %add3A_970, %get3A_1027 : vector<16xf32>
        %add3A_1029 = arith.constant 51 : i32
        %add3A_1030 = arith.addi %add3A_1029, %scan3A_986 : i32
        %get3A_1031 = arith.index_cast %add3A_1030 : i32 to index
        %get3A_1032 = arith.constant 96 : index
        %get3A_1033 = tpu.vector_load %arg7[%get3A_1031, %get3A_1032] {strides = array<i32>} : memref<100x128xf32, #tpu.memory_space<vmem>>, vector<1x16xf32>,
        %get3A_1034 = vector.shape_cast %get3A_1033 : vector<1x16xf32> to vector<16xf32>
        %add3A_1035 = arith.addf %add3A_977, %get3A_1034 : vector<16xf32>
        %add3A_1036 = arith.constant 51 : i32
        %add3A_1037 = arith.addi %add3A_1036, %scan3A_986 : i32
        %get3A_1038 = arith.index_cast %add3A_1037 : i32 to index
        %get3A_1039 = arith.constant 112 : index
        %get3A_1040 = tpu.vector_load %arg7[%get3A_1038, %get3A_1039] {strides = array<i32>} : memref<100x128xf32, #tpu.memory_space<vmem>>, vector<1x16xf32>,
        %get3A_1041 = vector.shape_cast %get3A_1040 : vector<1x16xf32> to vector<16xf32>
        %add3A_1042 = arith.addf %add3A_984, %get3A_1041 : vector<16xf32>
        %scan3A_1043 = arith.constant 2 : i32
        %scan3A_1044 = arith.addi %scan3A_920, %scan3A_1043 : i32
        %add3A_1045 = arith.constant 51 : i32
        %add3A_1046 = arith.addi %add3A_1045, %scan3A_1044 : i32
        %get3A_1047 = arith.index_cast %add3A_1046 : i32 to index
        %get3A_1048 = arith.constant 0 : index
        %get3A_1049 = tpu.vector_load %arg7[%get3A_1047, %get3A_1048] {strides = array<i32>} : memref<100x128xf32, #tpu.memory_space<vmem>>, vector<1x16xf32>,
        %get3A_1050 = vector.shape_cast %get3A_1049 : vector<1x16xf32> to vector<16xf32>
        %add3A_1051 = arith.addf %add3A_993, %get3A_1050 : vector<16xf32>
        %add3A_1052 = arith.constant 51 : i32
        %add3A_1053 = arith.addi %add3A_1052, %scan3A_1044 : i32
        %get3A_1054 = arith.index_cast %add3A_1053 : i32 to index
        %get3A_1055 = arith.constant 16 : index
        %get3A_1056 = tpu.vector_load %arg7[%get3A_1054, %get3A_1055] {strides = array<i32>} : memref<100x128xf32, #tpu.memory_space<vmem>>, vector<1x16xf32>,
        %get3A_1057 = vector.shape_cast %get3A_1056 : vector<1x16xf32> to vector<16xf32>
        %add3A_1058 = arith.addf %add3A_1000, %get3A_1057 : vector<16xf32>
        %add3A_1059 = arith.constant 51 : i32
        %add3A_1060 = arith.addi %add3A_1059, %scan3A_1044 : i32
        %get3A_1061 = arith.index_cast %add3A_1060 : i32 to index
        %get3A_1062 = arith.constant 32 : index
        %get3A_1063 = tpu.vector_load %arg7[%get3A_1061, %get3A_1062] {strides = array<i32>} : memref<100x128xf32, #tpu.memory_space<vmem>>, vector<1x16xf32>,
        %get3A_1064 = vector.shape_cast %get3A_1063 : vector<1x16xf32> to vector<16xf32>
        %add3A_1065 = arith.addf %add3A_1007, %get3A_1064 : vector<16xf32>
        %add3A_1066 = arith.constant 51 : i32
        %add3A_1067 = arith.addi %add3A_1066, %scan3A_1044 : i32
        %get3A_1068 = arith.index_cast %add3A_1067 : i32 to index
        %get3A_1069 = arith.constant 48 : index
        %get3A_1070 = tpu.vector_load %arg7[%get3A_1068, %get3A_1069] {strides = array<i32>} : memref<100x128xf32, #tpu.memory_space<vmem>>, vector<1x16xf32>,
        %get3A_1071 = vector.shape_cast %get3A_1070 : vector<1x16xf32> to vector<16xf32>
        %add3A_1072 = arith.addf %add3A_1014, %get3A_1071 : vector<16xf32>
        %add3A_1073 = arith.constant 51 : i32
        %add3A_1074 = arith.addi %add3A_1073, %scan3A_1044 : i32
        %get3A_1075 = arith.index_cast %add3A_1074 : i32 to index
        %get3A_1076 = arith.constant 64 : index
        %get3A_1077 = tpu.vector_load %arg7[%get3A_1075, %get3A_1076] {strides = array<i32>} : memref<100x128xf32, #tpu.memory_space<vmem>>, vector<1x16xf32>,
        %get3A_1078 = vector.shape_cast %get3A_1077 : vector<1x16xf32> to vector<16xf32>
        %add3A_1079 = arith.addf %add3A_1021, %get3A_1078 : vector<16xf32>
        %add3A_1080 = arith.constant 51 : i32
        %add3A_1081 = arith.addi %add3A_1080, %scan3A_1044 : i32
        %get3A_1082 = arith.index_cast %add3A_1081 : i32 to index
        %get3A_1083 = arith.constant 80 : index
        %get3A_1084 = tpu.vector_load %arg7[%get3A_1082, %get3A_1083] {strides = array<i32>} : memref<100x128xf32, #tpu.memory_space<vmem>>, vector<1x16xf32>,
        %get3A_1085 = vector.shape_cast %get3A_1084 : vector<1x16xf32> to vector<16xf32>
        %add3A_1086 = arith.addf %add3A_1028, %get3A_1085 : vector<16xf32>
        %add3A_1087 = arith.constant 51 : i32
        %add3A_1088 = arith.addi %add3A_1087, %scan3A_1044 : i32
        %get3A_1089 = arith.index_cast %add3A_1088 : i32 to index
        %get3A_1090 = arith.constant 96 : index
        %get3A_1091 = tpu.vector_load %arg7[%get3A_1089, %get3A_1090] {strides = array<i32>} : memref<100x128xf32, #tpu.memory_space<vmem>>, vector<1x16xf32>,
        %get3A_1092 = vector.shape_cast %get3A_1091 : vector<1x16xf32> to vector<16xf32>
        %add3A_1093 = arith.addf %add3A_1035, %get3A_1092 : vector<16xf32>
        %add3A_1094 = arith.constant 51 : i32
        %add3A_1095 = arith.addi %add3A_1094, %scan3A_1044 : i32
        %get3A_1096 = arith.index_cast %add3A_1095 : i32 to index
        %get3A_1097 = arith.constant 112 : index
        %get3A_1098 = tpu.vector_load %arg7[%get3A_1096, %get3A_1097] {strides = array<i32>} : memref<100x128xf32, #tpu.memory_space<vmem>>, vector<1x16xf32>,
        %get3A_1099 = vector.shape_cast %get3A_1098 : vector<1x16xf32> to vector<16xf32>
        %add3A_1100 = arith.addf %add3A_1042, %get3A_1099 : vector<16xf32>
        %scan3A_1101 = arith.constant 3 : i32
        %scan3A_1102 = arith.addi %scan3A_920, %scan3A_1101 : i32
        %add3A_1103 = arith.constant 51 : i32
        %add3A_1104 = arith.addi %add3A_1103, %scan3A_1102 : i32
        %get3A_1105 = arith.index_cast %add3A_1104 : i32 to index
        %get3A_1106 = arith.constant 0 : index
        %get3A_1107 = tpu.vector_load %arg7[%get3A_1105, %get3A_1106] {strides = array<i32>} : memref<100x128xf32, #tpu.memory_space<vmem>>, vector<1x16xf32>,
        %get3A_1108 = vector.shape_cast %get3A_1107 : vector<1x16xf32> to vector<16xf32>
        %add3A_1109 = arith.addf %add3A_1051, %get3A_1108 : vector<16xf32>
        %add3A_1110 = arith.constant 51 : i32
        %add3A_1111 = arith.addi %add3A_1110, %scan3A_1102 : i32
        %get3A_1112 = arith.index_cast %add3A_1111 : i32 to index
        %get3A_1113 = arith.constant 16 : index
        %get3A_1114 = tpu.vector_load %arg7[%get3A_1112, %get3A_1113] {strides = array<i32>} : memref<100x128xf32, #tpu.memory_space<vmem>>, vector<1x16xf32>,
        %get3A_1115 = vector.shape_cast %get3A_1114 : vector<1x16xf32> to vector<16xf32>
        %add3A_1116 = arith.addf %add3A_1058, %get3A_1115 : vector<16xf32>
        %add3A_1117 = arith.constant 51 : i32
        %add3A_1118 = arith.addi %add3A_1117, %scan3A_1102 : i32
        %get3A_1119 = arith.index_cast %add3A_1118 : i32 to index
        %get3A_1120 = arith.constant 32 : index
        %get3A_1121 = tpu.vector_load %arg7[%get3A_1119, %get3A_1120] {strides = array<i32>} : memref<100x128xf32, #tpu.memory_space<vmem>>, vector<1x16xf32>,
        %get3A_1122 = vector.shape_cast %get3A_1121 : vector<1x16xf32> to vector<16xf32>
        %add3A_1123 = arith.addf %add3A_1065, %get3A_1122 : vector<16xf32>
        %add3A_1124 = arith.constant 51 : i32
        %add3A_1125 = arith.addi %add3A_1124, %scan3A_1102 : i32
        %get3A_1126 = arith.index_cast %add3A_1125 : i32 to index
        %get3A_1127 = arith.constant 48 : index
        %get3A_1128 = tpu.vector_load %arg7[%get3A_1126, %get3A_1127] {strides = array<i32>} : memref<100x128xf32, #tpu.memory_space<vmem>>, vector<1x16xf32>,
        %get3A_1129 = vector.shape_cast %get3A_1128 : vector<1x16xf32> to vector<16xf32>
        %add3A_1130 = arith.addf %add3A_1072, %get3A_1129 : vector<16xf32>
        %add3A_1131 = arith.constant 51 : i32
        %add3A_1132 = arith.addi %add3A_1131, %scan3A_1102 : i32
        %get3A_1133 = arith.index_cast %add3A_1132 : i32 to index
        %get3A_1134 = arith.constant 64 : index
        %get3A_1135 = tpu.vector_load %arg7[%get3A_1133, %get3A_1134] {strides = array<i32>} : memref<100x128xf32, #tpu.memory_space<vmem>>, vector<1x16xf32>,
        %get3A_1136 = vector.shape_cast %get3A_1135 : vector<1x16xf32> to vector<16xf32>
        %add3A_1137 = arith.addf %add3A_1079, %get3A_1136 : vector<16xf32>
        %add3A_1138 = arith.constant 51 : i32
        %add3A_1139 = arith.addi %add3A_1138, %scan3A_1102 : i32
        %get3A_1140 = arith.index_cast %add3A_1139 : i32 to index
        %get3A_1141 = arith.constant 80 : index
        %get3A_1142 = tpu.vector_load %arg7[%get3A_1140, %get3A_1141] {strides = array<i32>} : memref<100x128xf32, #tpu.memory_space<vmem>>, vector<1x16xf32>,
        %get3A_1143 = vector.shape_cast %get3A_1142 : vector<1x16xf32> to vector<16xf32>
        %add3A_1144 = arith.addf %add3A_1086, %get3A_1143 : vector<16xf32>
        %add3A_1145 = arith.constant 51 : i32
        %add3A_1146 = arith.addi %add3A_1145, %scan3A_1102 : i32
        %get3A_1147 = arith.index_cast %add3A_1146 : i32 to index
        %get3A_1148 = arith.constant 96 : index
        %get3A_1149 = tpu.vector_load %arg7[%get3A_1147, %get3A_1148] {strides = array<i32>} : memref<100x128xf32, #tpu.memory_space<vmem>>, vector<1x16xf32>,
        %get3A_1150 = vector.shape_cast %get3A_1149 : vector<1x16xf32> to vector<16xf32>
        %add3A_1151 = arith.addf %add3A_1093, %get3A_1150 : vector<16xf32>
        %add3A_1152 = arith.constant 51 : i32
        %add3A_1153 = arith.addi %add3A_1152, %scan3A_1102 : i32
        %get3A_1154 = arith.index_cast %add3A_1153 : i32 to index
        %get3A_1155 = arith.constant 112 : index
        %get3A_1156 = tpu.vector_load %arg7[%get3A_1154, %get3A_1155] {strides = array<i32>} : memref<100x128xf32, #tpu.memory_space<vmem>>, vector<1x16xf32>,
        %get3A_1157 = vector.shape_cast %get3A_1156 : vector<1x16xf32> to vector<16xf32>
        %add3A_1158 = arith.addf %add3A_1100, %get3A_1157 : vector<16xf32>
        %scan3A_1159 = arith.constant 4 : i32
        %scan3A_1160 = arith.addi %scan3A_920, %scan3A_1159 : i32
        %add3A_1161 = arith.constant 51 : i32
        %add3A_1162 = arith.addi %add3A_1161, %scan3A_1160 : i32
        %get3A_1163 = arith.index_cast %add3A_1162 : i32 to index
        %get3A_1164 = arith.constant 0 : index
        %get3A_1165 = tpu.vector_load %arg7[%get3A_1163, %get3A_1164] {strides = array<i32>} : memref<100x128xf32, #tpu.memory_space<vmem>>, vector<1x16xf32>,
        %get3A_1166 = vector.shape_cast %get3A_1165 : vector<1x16xf32> to vector<16xf32>
        %add3A_1167 = arith.addf %add3A_1109, %get3A_1166 : vector<16xf32>
        %add3A_1168 = arith.constant 51 : i32
        %add3A_1169 = arith.addi %add3A_1168, %scan3A_1160 : i32
        %get3A_1170 = arith.index_cast %add3A_1169 : i32 to index
        %get3A_1171 = arith.constant 16 : index
        %get3A_1172 = tpu.vector_load %arg7[%get3A_1170, %get3A_1171] {strides = array<i32>} : memref<100x128xf32, #tpu.memory_space<vmem>>, vector<1x16xf32>,
        %get3A_1173 = vector.shape_cast %get3A_1172 : vector<1x16xf32> to vector<16xf32>
        %add3A_1174 = arith.addf %add3A_1116, %get3A_1173 : vector<16xf32>
        %add3A_1175 = arith.constant 51 : i32
        %add3A_1176 = arith.addi %add3A_1175, %scan3A_1160 : i32
        %get3A_1177 = arith.index_cast %add3A_1176 : i32 to index
        %get3A_1178 = arith.constant 32 : index
        %get3A_1179 = tpu.vector_load %arg7[%get3A_1177, %get3A_1178] {strides = array<i32>} : memref<100x128xf32, #tpu.memory_space<vmem>>, vector<1x16xf32>,
        %get3A_1180 = vector.shape_cast %get3A_1179 : vector<1x16xf32> to vector<16xf32>
        %add3A_1181 = arith.addf %add3A_1123, %get3A_1180 : vector<16xf32>
        %add3A_1182 = arith.constant 51 : i32
        %add3A_1183 = arith.addi %add3A_1182, %scan3A_1160 : i32
        %get3A_1184 = arith.index_cast %add3A_1183 : i32 to index
        %get3A_1185 = arith.constant 48 : index
        %get3A_1186 = tpu.vector_load %arg7[%get3A_1184, %get3A_1185] {strides = array<i32>} : memref<100x128xf32, #tpu.memory_space<vmem>>, vector<1x16xf32>,
        %get3A_1187 = vector.shape_cast %get3A_1186 : vector<1x16xf32> to vector<16xf32>
        %add3A_1188 = arith.addf %add3A_1130, %get3A_1187 : vector<16xf32>
        %add3A_1189 = arith.constant 51 : i32
        %add3A_1190 = arith.addi %add3A_1189, %scan3A_1160 : i32
        %get3A_1191 = arith.index_cast %add3A_1190 : i32 to index
        %get3A_1192 = arith.constant 64 : index
        %get3A_1193 = tpu.vector_load %arg7[%get3A_1191, %get3A_1192] {strides = array<i32>} : memref<100x128xf32, #tpu.memory_space<vmem>>, vector<1x16xf32>,
        %get3A_1194 = vector.shape_cast %get3A_1193 : vector<1x16xf32> to vector<16xf32>
        %add3A_1195 = arith.addf %add3A_1137, %get3A_1194 : vector<16xf32>
        %add3A_1196 = arith.constant 51 : i32
        %add3A_1197 = arith.addi %add3A_1196, %scan3A_1160 : i32
        %get3A_1198 = arith.index_cast %add3A_1197 : i32 to index
        %get3A_1199 = arith.constant 80 : index
        %get3A_1200 = tpu.vector_load %arg7[%get3A_1198, %get3A_1199] {strides = array<i32>} : memref<100x128xf32, #tpu.memory_space<vmem>>, vector<1x16xf32>,
        %get3A_1201 = vector.shape_cast %get3A_1200 : vector<1x16xf32> to vector<16xf32>
        %add3A_1202 = arith.addf %add3A_1144, %get3A_1201 : vector<16xf32>
        %add3A_1203 = arith.constant 51 : i32
        %add3A_1204 = arith.addi %add3A_1203, %scan3A_1160 : i32
        %get3A_1205 = arith.index_cast %add3A_1204 : i32 to index
        %get3A_1206 = arith.constant 96 : index
        %get3A_1207 = tpu.vector_load %arg7[%get3A_1205, %get3A_1206] {strides = array<i32>} : memref<100x128xf32, #tpu.memory_space<vmem>>, vector<1x16xf32>,
        %get3A_1208 = vector.shape_cast %get3A_1207 : vector<1x16xf32> to vector<16xf32>
        %add3A_1209 = arith.addf %add3A_1151, %get3A_1208 : vector<16xf32>
        %add3A_1210 = arith.constant 51 : i32
        %add3A_1211 = arith.addi %add3A_1210, %scan3A_1160 : i32
        %get3A_1212 = arith.index_cast %add3A_1211 : i32 to index
        %get3A_1213 = arith.constant 112 : index
        %get3A_1214 = tpu.vector_load %arg7[%get3A_1212, %get3A_1213] {strides = array<i32>} : memref<100x128xf32, #tpu.memory_space<vmem>>, vector<1x16xf32>,
        %get3A_1215 = vector.shape_cast %get3A_1214 : vector<1x16xf32> to vector<16xf32>
        %add3A_1216 = arith.addf %add3A_1158, %get3A_1215 : vector<16xf32>
        %scan3A_1217 = arith.constant 5 : i32
        %scan3A_1218 = arith.addi %scan3A_920, %scan3A_1217 : i32
        %add3A_1219 = arith.constant 51 : i32
        %add3A_1220 = arith.addi %add3A_1219, %scan3A_1218 : i32
        %get3A_1221 = arith.index_cast %add3A_1220 : i32 to index
        %get3A_1222 = arith.constant 0 : index
        %get3A_1223 = tpu.vector_load %arg7[%get3A_1221, %get3A_1222] {strides = array<i32>} : memref<100x128xf32, #tpu.memory_space<vmem>>, vector<1x16xf32>,
        %get3A_1224 = vector.shape_cast %get3A_1223 : vector<1x16xf32> to vector<16xf32>
        %add3A_1225 = arith.addf %add3A_1167, %get3A_1224 : vector<16xf32>
        %add3A_1226 = arith.constant 51 : i32
        %add3A_1227 = arith.addi %add3A_1226, %scan3A_1218 : i32
        %get3A_1228 = arith.index_cast %add3A_1227 : i32 to index
        %get3A_1229 = arith.constant 16 : index
        %get3A_1230 = tpu.vector_load %arg7[%get3A_1228, %get3A_1229] {strides = array<i32>} : memref<100x128xf32, #tpu.memory_space<vmem>>, vector<1x16xf32>,
        %get3A_1231 = vector.shape_cast %get3A_1230 : vector<1x16xf32> to vector<16xf32>
        %add3A_1232 = arith.addf %add3A_1174, %get3A_1231 : vector<16xf32>
        %add3A_1233 = arith.constant 51 : i32
        %add3A_1234 = arith.addi %add3A_1233, %scan3A_1218 : i32
        %get3A_1235 = arith.index_cast %add3A_1234 : i32 to index
        %get3A_1236 = arith.constant 32 : index
        %get3A_1237 = tpu.vector_load %arg7[%get3A_1235, %get3A_1236] {strides = array<i32>} : memref<100x128xf32, #tpu.memory_space<vmem>>, vector<1x16xf32>,
        %get3A_1238 = vector.shape_cast %get3A_1237 : vector<1x16xf32> to vector<16xf32>
        %add3A_1239 = arith.addf %add3A_1181, %get3A_1238 : vector<16xf32>
        %add3A_1240 = arith.constant 51 : i32
        %add3A_1241 = arith.addi %add3A_1240, %scan3A_1218 : i32
        %get3A_1242 = arith.index_cast %add3A_1241 : i32 to index
        %get3A_1243 = arith.constant 48 : index
        %get3A_1244 = tpu.vector_load %arg7[%get3A_1242, %get3A_1243] {strides = array<i32>} : memref<100x128xf32, #tpu.memory_space<vmem>>, vector<1x16xf32>,
        %get3A_1245 = vector.shape_cast %get3A_1244 : vector<1x16xf32> to vector<16xf32>
        %add3A_1246 = arith.addf %add3A_1188, %get3A_1245 : vector<16xf32>
        %add3A_1247 = arith.constant 51 : i32
        %add3A_1248 = arith.addi %add3A_1247, %scan3A_1218 : i32
        %get3A_1249 = arith.index_cast %add3A_1248 : i32 to index
        %get3A_1250 = arith.constant 64 : index
        %get3A_1251 = tpu.vector_load %arg7[%get3A_1249, %get3A_1250] {strides = array<i32>} : memref<100x128xf32, #tpu.memory_space<vmem>>, vector<1x16xf32>,
        %get3A_1252 = vector.shape_cast %get3A_1251 : vector<1x16xf32> to vector<16xf32>
        %add3A_1253 = arith.addf %add3A_1195, %get3A_1252 : vector<16xf32>
        %add3A_1254 = arith.constant 51 : i32
        %add3A_1255 = arith.addi %add3A_1254, %scan3A_1218 : i32
        %get3A_1256 = arith.index_cast %add3A_1255 : i32 to index
        %get3A_1257 = arith.constant 80 : index
        %get3A_1258 = tpu.vector_load %arg7[%get3A_1256, %get3A_1257] {strides = array<i32>} : memref<100x128xf32, #tpu.memory_space<vmem>>, vector<1x16xf32>,
        %get3A_1259 = vector.shape_cast %get3A_1258 : vector<1x16xf32> to vector<16xf32>
        %add3A_1260 = arith.addf %add3A_1202, %get3A_1259 : vector<16xf32>
        %add3A_1261 = arith.constant 51 : i32
        %add3A_1262 = arith.addi %add3A_1261, %scan3A_1218 : i32
        %get3A_1263 = arith.index_cast %add3A_1262 : i32 to index
        %get3A_1264 = arith.constant 96 : index
        %get3A_1265 = tpu.vector_load %arg7[%get3A_1263, %get3A_1264] {strides = array<i32>} : memref<100x128xf32, #tpu.memory_space<vmem>>, vector<1x16xf32>,
        %get3A_1266 = vector.shape_cast %get3A_1265 : vector<1x16xf32> to vector<16xf32>
        %add3A_1267 = arith.addf %add3A_1209, %get3A_1266 : vector<16xf32>
        %add3A_1268 = arith.constant 51 : i32
        %add3A_1269 = arith.addi %add3A_1268, %scan3A_1218 : i32
        %get3A_1270 = arith.index_cast %add3A_1269 : i32 to index
        %get3A_1271 = arith.constant 112 : index
        %get3A_1272 = tpu.vector_load %arg7[%get3A_1270, %get3A_1271] {strides = array<i32>} : memref<100x128xf32, #tpu.memory_space<vmem>>, vector<1x16xf32>,
        %get3A_1273 = vector.shape_cast %get3A_1272 : vector<1x16xf32> to vector<16xf32>
        %add3A_1274 = arith.addf %add3A_1216, %get3A_1273 : vector<16xf32>
        %scan3A_1275 = arith.constant 6 : i32
        %scan3A_1276 = arith.addi %scan3A_920, %scan3A_1275 : i32
        %add3A_1277 = arith.constant 51 : i32
        %add3A_1278 = arith.addi %add3A_1277, %scan3A_1276 : i32
        %get3A_1279 = arith.index_cast %add3A_1278 : i32 to index
        %get3A_1280 = arith.constant 0 : index
        %get3A_1281 = tpu.vector_load %arg7[%get3A_1279, %get3A_1280] {strides = array<i32>} : memref<100x128xf32, #tpu.memory_space<vmem>>, vector<1x16xf32>,
        %get3A_1282 = vector.shape_cast %get3A_1281 : vector<1x16xf32> to vector<16xf32>
        %add3A_1283 = arith.addf %add3A_1225, %get3A_1282 : vector<16xf32>
        %add3A_1284 = arith.constant 51 : i32
        %add3A_1285 = arith.addi %add3A_1284, %scan3A_1276 : i32
        %get3A_1286 = arith.index_cast %add3A_1285 : i32 to index
        %get3A_1287 = arith.constant 16 : index
        %get3A_1288 = tpu.vector_load %arg7[%get3A_1286, %get3A_1287] {strides = array<i32>} : memref<100x128xf32, #tpu.memory_space<vmem>>, vector<1x16xf32>,
        %get3A_1289 = vector.shape_cast %get3A_1288 : vector<1x16xf32> to vector<16xf32>
        %add3A_1290 = arith.addf %add3A_1232, %get3A_1289 : vector<16xf32>
        %add3A_1291 = arith.constant 51 : i32
        %add3A_1292 = arith.addi %add3A_1291, %scan3A_1276 : i32
        %get3A_1293 = arith.index_cast %add3A_1292 : i32 to index
        %get3A_1294 = arith.constant 32 : index
        %get3A_1295 = tpu.vector_load %arg7[%get3A_1293, %get3A_1294] {strides = array<i32>} : memref<100x128xf32, #tpu.memory_space<vmem>>, vector<1x16xf32>,
        %get3A_1296 = vector.shape_cast %get3A_1295 : vector<1x16xf32> to vector<16xf32>
        %add3A_1297 = arith.addf %add3A_1239, %get3A_1296 : vector<16xf32>
        %add3A_1298 = arith.constant 51 : i32
        %add3A_1299 = arith.addi %add3A_1298, %scan3A_1276 : i32
        %get3A_1300 = arith.index_cast %add3A_1299 : i32 to index
        %get3A_1301 = arith.constant 48 : index
        %get3A_1302 = tpu.vector_load %arg7[%get3A_1300, %get3A_1301] {strides = array<i32>} : memref<100x128xf32, #tpu.memory_space<vmem>>, vector<1x16xf32>,
        %get3A_1303 = vector.shape_cast %get3A_1302 : vector<1x16xf32> to vector<16xf32>
        %add3A_1304 = arith.addf %add3A_1246, %get3A_1303 : vector<16xf32>
        %add3A_1305 = arith.constant 51 : i32
        %add3A_1306 = arith.addi %add3A_1305, %scan3A_1276 : i32
        %get3A_1307 = arith.index_cast %add3A_1306 : i32 to index
        %get3A_1308 = arith.constant 64 : index
        %get3A_1309 = tpu.vector_load %arg7[%get3A_1307, %get3A_1308] {strides = array<i32>} : memref<100x128xf32, #tpu.memory_space<vmem>>, vector<1x16xf32>,
        %get3A_1310 = vector.shape_cast %get3A_1309 : vector<1x16xf32> to vector<16xf32>
        %add3A_1311 = arith.addf %add3A_1253, %get3A_1310 : vector<16xf32>
        %add3A_1312 = arith.constant 51 : i32
        %add3A_1313 = arith.addi %add3A_1312, %scan3A_1276 : i32
        %get3A_1314 = arith.index_cast %add3A_1313 : i32 to index
        %get3A_1315 = arith.constant 80 : index
        %get3A_1316 = tpu.vector_load %arg7[%get3A_1314, %get3A_1315] {strides = array<i32>} : memref<100x128xf32, #tpu.memory_space<vmem>>, vector<1x16xf32>,
        %get3A_1317 = vector.shape_cast %get3A_1316 : vector<1x16xf32> to vector<16xf32>
        %add3A_1318 = arith.addf %add3A_1260, %get3A_1317 : vector<16xf32>
        %add3A_1319 = arith.constant 51 : i32
        %add3A_1320 = arith.addi %add3A_1319, %scan3A_1276 : i32
        %get3A_1321 = arith.index_cast %add3A_1320 : i32 to index
        %get3A_1322 = arith.constant 96 : index
        %get3A_1323 = tpu.vector_load %arg7[%get3A_1321, %get3A_1322] {strides = array<i32>} : memref<100x128xf32, #tpu.memory_space<vmem>>, vector<1x16xf32>,
        %get3A_1324 = vector.shape_cast %get3A_1323 : vector<1x16xf32> to vector<16xf32>
        %add3A_1325 = arith.addf %add3A_1267, %get3A_1324 : vector<16xf32>
        %add3A_1326 = arith.constant 51 : i32
        %add3A_1327 = arith.addi %add3A_1326, %scan3A_1276 : i32
        %get3A_1328 = arith.index_cast %add3A_1327 : i32 to index
        %get3A_1329 = arith.constant 112 : index
        %get3A_1330 = tpu.vector_load %arg7[%get3A_1328, %get3A_1329] {strides = array<i32>} : memref<100x128xf32, #tpu.memory_space<vmem>>, vector<1x16xf32>,
        %get3A_1331 = vector.shape_cast %get3A_1330 : vector<1x16xf32> to vector<16xf32>
        %add3A_1332 = arith.addf %add3A_1274, %get3A_1331 : vector<16xf32>
        scf.yield %add3A_1283, %add3A_1290, %add3A_1297, %add3A_1304, %add3A_1311, %add3A_1318, %add3A_1325, %add3A_1332 : vector<16xf32>, vector<16xf32>, vector<16xf32>, vector<16xf32>, vector<16xf32>, vector<16xf32>, vector<16xf32>, vector<16xf32>
      }
      %scan3A_413 = arith.constant 49 : i32
      %add3A_414 = arith.constant 1 : i32
      %add3A_415 = arith.addi %mul3A_265, %add3A_414 : i32
      %swap3A_416 = arith.index_cast %add3A_415 : i32 to index
      %swap3A_417 = arith.constant 0 : index
      %swap3A_418 = tpu.vector_load %arg10[%swap3A_416, %swap3A_417] {strides = array<i32>} : memref<128x128xf32, #tpu.memory_space<vmem>>, vector<1x16xf32>,
      %swap3A_419 = vector.shape_cast %swap3A_418 : vector<1x16xf32> to vector<16xf32>
      %swap3A_420 = vector.shape_cast %scan3A_412#0 : vector<16xf32> to vector<1x16xf32>
      tpu.vector_store %arg10[%swap3A_416, %swap3A_417], %swap3A_420 {strides = array<i32>} : memref<128x128xf32, #tpu.memory_space<vmem>>, vector<1x16xf32>,
      %add3A_421 = arith.constant 1 : i32
      %add3A_422 = arith.addi %mul3A_265, %add3A_421 : i32
      %swap3A_423 = arith.index_cast %add3A_422 : i32 to index
      %swap3A_424 = arith.constant 16 : index
      %swap3A_425 = tpu.vector_load %arg10[%swap3A_423, %swap3A_424] {strides = array<i32>} : memref<128x128xf32, #tpu.memory_space<vmem>>, vector<1x16xf32>,
      %swap3A_426 = vector.shape_cast %swap3A_425 : vector<1x16xf32> to vector<16xf32>
      %swap3A_427 = vector.shape_cast %scan3A_412#1 : vector<16xf32> to vector<1x16xf32>
      tpu.vector_store %arg10[%swap3A_423, %swap3A_424], %swap3A_427 {strides = array<i32>} : memref<128x128xf32, #tpu.memory_space<vmem>>, vector<1x16xf32>,
      %add3A_428 = arith.constant 1 : i32
      %add3A_429 = arith.addi %mul3A_265, %add3A_428 : i32
      %swap3A_430 = arith.index_cast %add3A_429 : i32 to index
      %swap3A_431 = arith.constant 32 : index
      %swap3A_432 = tpu.vector_load %arg10[%swap3A_430, %swap3A_431] {strides = array<i32>} : memref<128x128xf32, #tpu.memory_space<vmem>>, vector<1x16xf32>,
      %swap3A_433 = vector.shape_cast %swap3A_432 : vector<1x16xf32> to vector<16xf32>
      %swap3A_434 = vector.shape_cast %scan3A_412#2 : vector<16xf32> to vector<1x16xf32>
      tpu.vector_store %arg10[%swap3A_430, %swap3A_431], %swap3A_434 {strides = array<i32>} : memref<128x128xf32, #tpu.memory_space<vmem>>, vector<1x16xf32>,
      %add3A_435 = arith.constant 1 : i32
      %add3A_436 = arith.addi %mul3A_265, %add3A_435 : i32
      %swap3A_437 = arith.index_cast %add3A_436 : i32 to index
      %swap3A_438 = arith.constant 48 : index
      %swap3A_439 = tpu.vector_load %arg10[%swap3A_437, %swap3A_438] {strides = array<i32>} : memref<128x128xf32, #tpu.memory_space<vmem>>, vector<1x16xf32>,
      %swap3A_440 = vector.shape_cast %swap3A_439 : vector<1x16xf32> to vector<16xf32>
      %swap3A_441 = vector.shape_cast %scan3A_412#3 : vector<16xf32> to vector<1x16xf32>
      tpu.vector_store %arg10[%swap3A_437, %swap3A_438], %swap3A_441 {strides = array<i32>} : memref<128x128xf32, #tpu.memory_space<vmem>>, vector<1x16xf32>,
      %add3A_442 = arith.constant 1 : i32
      %add3A_443 = arith.addi %mul3A_265, %add3A_442 : i32
      %swap3A_444 = arith.index_cast %add3A_443 : i32 to index
      %swap3A_445 = arith.constant 64 : index
      %swap3A_446 = tpu.vector_load %arg10[%swap3A_444, %swap3A_445] {strides = array<i32>} : memref<128x128xf32, #tpu.memory_space<vmem>>, vector<1x16xf32>,
      %swap3A_447 = vector.shape_cast %swap3A_446 : vector<1x16xf32> to vector<16xf32>
      %swap3A_448 = vector.shape_cast %scan3A_412#4 : vector<16xf32> to vector<1x16xf32>
      tpu.vector_store %arg10[%swap3A_444, %swap3A_445], %swap3A_448 {strides = array<i32>} : memref<128x128xf32, #tpu.memory_space<vmem>>, vector<1x16xf32>,
      %add3A_449 = arith.constant 1 : i32
      %add3A_450 = arith.addi %mul3A_265, %add3A_449 : i32
      %swap3A_451 = arith.index_cast %add3A_450 : i32 to index
      %swap3A_452 = arith.constant 80 : index
      %swap3A_453 = tpu.vector_load %arg10[%swap3A_451, %swap3A_452] {strides = array<i32>} : memref<128x128xf32, #tpu.memory_space<vmem>>, vector<1x16xf32>,
      %swap3A_454 = vector.shape_cast %swap3A_453 : vector<1x16xf32> to vector<16xf32>
      %swap3A_455 = vector.shape_cast %scan3A_412#5 : vector<16xf32> to vector<1x16xf32>
      tpu.vector_store %arg10[%swap3A_451, %swap3A_452], %swap3A_455 {strides = array<i32>} : memref<128x128xf32, #tpu.memory_space<vmem>>, vector<1x16xf32>,
      %add3A_456 = arith.constant 1 : i32
      %add3A_457 = arith.addi %mul3A_265, %add3A_456 : i32
      %swap3A_458 = arith.index_cast %add3A_457 : i32 to index
      %swap3A_459 = arith.constant 96 : index
      %swap3A_460 = tpu.vector_load %arg10[%swap3A_458, %swap3A_459] {strides = array<i32>} : memref<128x128xf32, #tpu.memory_space<vmem>>, vector<1x16xf32>,
      %swap3A_461 = vector.shape_cast %swap3A_460 : vector<1x16xf32> to vector<16xf32>
      %swap3A_462 = vector.shape_cast %scan3A_412#6 : vector<16xf32> to vector<1x16xf32>
      tpu.vector_store %arg10[%swap3A_458, %swap3A_459], %swap3A_462 {strides = array<i32>} : memref<128x128xf32, #tpu.memory_space<vmem>>, vector<1x16xf32>,
      %add3A_463 = arith.constant 1 : i32
      %add3A_464 = arith.addi %mul3A_265, %add3A_463 : i32
      %swap3A_465 = arith.index_cast %add3A_464 : i32 to index
      %swap3A_466 = arith.constant 112 : index
      %swap3A_467 = tpu.vector_load %arg10[%swap3A_465, %swap3A_466] {strides = array<i32>} : memref<128x128xf32, #tpu.memory_space<vmem>>, vector<1x16xf32>,
      %swap3A_468 = vector.shape_cast %swap3A_467 : vector<1x16xf32> to vector<16xf32>
      %swap3A_469 = vector.shape_cast %scan3A_412#7 : vector<16xf32> to vector<1x16xf32>
      tpu.vector_store %arg10[%swap3A_465, %swap3A_466], %swap3A_469 {strides = array<i32>} : memref<128x128xf32, #tpu.memory_space<vmem>>, vector<1x16xf32>,
      %mul3A_470 = arith.constant 4 : i32
      %mul3A_471 = arith.muli %mul3A_470, %scan3A_26 : i32
      %add3A_472 = arith.constant 2 : i32
      %add3A_473 = arith.addi %mul3A_471, %add3A_472 : i32
      %add3A_474 = arith.constant 4 : i32
      %add3A_475 = arith.addi %add3A_473, %add3A_474 : i32
      %sub3A_476 = arith.constant 1 : i32
      %sub3A_477 = arith.subi %add3A_475, %sub3A_476 : i32
      %lt3A_478 = arith.constant 64 : i32
      %lt3A_479 = arith.cmpi slt, %sub3A_477, %lt3A_478 : i32
      %convert_element_type3A_480 = arith.extui %lt3A_479 : i1 to i32
      %cond3A_481 = arith.constant 0 : i32
      %cond3A_482 = arith.cmpi ne, %convert_element_type3A_480, %cond3A_481 : i32
      scf.if %cond3A_482 {
        %add3A_920 = arith.constant 4 : i32
        %add3A_921 = arith.addi %add3A_473, %add3A_920 : i32
        %sub3A_922 = arith.constant 1 : i32
        %sub3A_923 = arith.subi %add3A_921, %sub3A_922 : i32
        %dma_start3A_924 = arith.constant 0 : i32
        %dma_start3A_925 = tpu.memref_slice %arg5[%sub3A_923, %dma_start3A_924] : memref<64x100xi32, #tpu.memory_space<vmem>> -> memref<1x100xi32, #tpu.memory_space<vmem>>
        %dma_start3A_926 = tpu.memref_squeeze %dma_start3A_925 : memref<1x100xi32, #tpu.memory_space<vmem>> -> memref<100xi32, #tpu.memory_space<vmem>>
        %dma_start3A_927 = arith.constant 0 : i32
        %dma_start3A_928 = arith.constant 0 : i32
        %dma_start3A_929 = tpu.memref_slice %arg3[%dma_start3A_927, %dma_start3A_928] : memref<100000x128xf32, #tpu.memory_space<hbm>> -> memref<100000x128xf32, #tpu.memory_space<hbm>>
        tpu.enqueue_indirect_dma source(%dma_start3A_929 : memref<100000x128xf32, #tpu.memory_space<hbm>>) target(%arg7 : memref<100x128xf32, #tpu.memory_space<vmem>>) offsets(%dma_start3A_926 : memref<100xi32, #tpu.memory_space<vmem>>) semaphore(%arg12 : memref<!tpu.dma_semaphore, #tpu.memory_space<semaphore_mem>>)
      } else {
      }
      %dma_wait3A_483 = arith.constant 0 : i32
      %dma_wait3A_484 = tpu.memref_slice %arg5[%add3A_473, %dma_wait3A_483] : memref<64x100xi32, #tpu.memory_space<vmem>> -> memref<1x100xi32, #tpu.memory_space<vmem>>
      %dma_wait3A_485 = tpu.memref_squeeze %dma_wait3A_484 : memref<1x100xi32, #tpu.memory_space<vmem>> -> memref<100xi32, #tpu.memory_space<vmem>>
      %dma_wait3A_486 = arith.constant 0 : i32
      %dma_wait3A_487 = arith.constant 0 : i32
      %dma_wait3A_488 = tpu.memref_slice %arg3[%dma_wait3A_486, %dma_wait3A_487] : memref<100000x128xf32, #tpu.memory_space<hbm>> -> memref<100000x128xf32, #tpu.memory_space<hbm>>
      tpu.wait_indirect_dma semaphore(%arg13 : memref<!tpu.dma_semaphore, #tpu.memory_space<semaphore_mem>>) src(%dma_wait3A_488 : memref<100000x128xf32, #tpu.memory_space<hbm>>) dst(%arg8 : memref<100x128xf32, #tpu.memory_space<vmem>>)
      %mul3A_489 = arith.constant 2 : i32
      %mul3A_490 = arith.muli %mul3A_489, %add3A_473 : i32
      %get3A_491 = arith.constant 0 : i32
      %get3A_492 = arith.index_cast %get3A_491 : i32 to index
      %get3A_493 = arith.constant 0 : index
      %get3A_494 = tpu.vector_load %arg8[%get3A_492, %get3A_493] {strides = array<i32>} : memref<100x128xf32, #tpu.memory_space<vmem>>, vector<1x16xf32>,
      %get3A_495 = vector.shape_cast %get3A_494 : vector<1x16xf32> to vector<16xf32>
      %get3A_496 = arith.constant 0 : i32
      %get3A_497 = arith.index_cast %get3A_496 : i32 to index
      %get3A_498 = arith.constant 16 : index
      %get3A_499 = tpu.vector_load %arg8[%get3A_497, %get3A_498] {strides = array<i32>} : memref<100x128xf32, #tpu.memory_space<vmem>>, vector<1x16xf32>,
      %get3A_500 = vector.shape_cast %get3A_499 : vector<1x16xf32> to vector<16xf32>
      %get3A_501 = arith.constant 0 : i32
      %get3A_502 = arith.index_cast %get3A_501 : i32 to index
      %get3A_503 = arith.constant 32 : index
      %get3A_504 = tpu.vector_load %arg8[%get3A_502, %get3A_503] {strides = array<i32>} : memref<100x128xf32, #tpu.memory_space<vmem>>, vector<1x16xf32>,
      %get3A_505 = vector.shape_cast %get3A_504 : vector<1x16xf32> to vector<16xf32>
      %get3A_506 = arith.constant 0 : i32
      %get3A_507 = arith.index_cast %get3A_506 : i32 to index
      %get3A_508 = arith.constant 48 : index
      %get3A_509 = tpu.vector_load %arg8[%get3A_507, %get3A_508] {strides = array<i32>} : memref<100x128xf32, #tpu.memory_space<vmem>>, vector<1x16xf32>,
      %get3A_510 = vector.shape_cast %get3A_509 : vector<1x16xf32> to vector<16xf32>
      %get3A_511 = arith.constant 0 : i32
      %get3A_512 = arith.index_cast %get3A_511 : i32 to index
      %get3A_513 = arith.constant 64 : index
      %get3A_514 = tpu.vector_load %arg8[%get3A_512, %get3A_513] {strides = array<i32>} : memref<100x128xf32, #tpu.memory_space<vmem>>, vector<1x16xf32>,
      %get3A_515 = vector.shape_cast %get3A_514 : vector<1x16xf32> to vector<16xf32>
      %get3A_516 = arith.constant 0 : i32
      %get3A_517 = arith.index_cast %get3A_516 : i32 to index
      %get3A_518 = arith.constant 80 : index
      %get3A_519 = tpu.vector_load %arg8[%get3A_517, %get3A_518] {strides = array<i32>} : memref<100x128xf32, #tpu.memory_space<vmem>>, vector<1x16xf32>,
      %get3A_520 = vector.shape_cast %get3A_519 : vector<1x16xf32> to vector<16xf32>
      %get3A_521 = arith.constant 0 : i32
      %get3A_522 = arith.index_cast %get3A_521 : i32 to index
      %get3A_523 = arith.constant 96 : index
      %get3A_524 = tpu.vector_load %arg8[%get3A_522, %get3A_523] {strides = array<i32>} : memref<100x128xf32, #tpu.memory_space<vmem>>, vector<1x16xf32>,
      %get3A_525 = vector.shape_cast %get3A_524 : vector<1x16xf32> to vector<16xf32>
      %get3A_526 = arith.constant 0 : i32
      %get3A_527 = arith.index_cast %get3A_526 : i32 to index
      %get3A_528 = arith.constant 112 : index
      %get3A_529 = tpu.vector_load %arg8[%get3A_527, %get3A_528] {strides = array<i32>} : memref<100x128xf32, #tpu.memory_space<vmem>>, vector<1x16xf32>,
      %get3A_530 = vector.shape_cast %get3A_529 : vector<1x16xf32> to vector<16xf32>
      %scan3A_531 = arith.constant 0 : i32
      %scan3A_532 = arith.constant 49 : i32
      %scan3A_533 = arith.addi %scan3A_531, %scan3A_532 : i32
      %scan3A_534 = arith.constant 7 : i32
      %scan3A_535:8 = scf.for %scan3A_920 = %scan3A_531 to %scan3A_533 step %scan3A_534 iter_args(%scan3A_921 = %get3A_495, %scan3A_922 = %get3A_500, %scan3A_923 = %get3A_505, %scan3A_924 = %get3A_510, %scan3A_925 = %get3A_515, %scan3A_926 = %get3A_520, %scan3A_927 = %get3A_525, %scan3A_928 = %get3A_530) -> (vector<16xf32>, vector<16xf32>, vector<16xf32>, vector<16xf32>, vector<16xf32>, vector<16xf32>, vector<16xf32>, vector<16xf32>)  : i32 {
        %add3A_929 = arith.constant 1 : i32
        %add3A_930 = arith.addi %add3A_929, %scan3A_920 : i32
        %get3A_931 = arith.index_cast %add3A_930 : i32 to index
        %get3A_932 = arith.constant 0 : index
        %get3A_933 = tpu.vector_load %arg8[%get3A_931, %get3A_932] {strides = array<i32>} : memref<100x128xf32, #tpu.memory_space<vmem>>, vector<1x16xf32>,
        %get3A_934 = vector.shape_cast %get3A_933 : vector<1x16xf32> to vector<16xf32>
        %add3A_935 = arith.addf %scan3A_921, %get3A_934 : vector<16xf32>
        %add3A_936 = arith.constant 1 : i32
        %add3A_937 = arith.addi %add3A_936, %scan3A_920 : i32
        %get3A_938 = arith.index_cast %add3A_937 : i32 to index
        %get3A_939 = arith.constant 16 : index
        %get3A_940 = tpu.vector_load %arg8[%get3A_938, %get3A_939] {strides = array<i32>} : memref<100x128xf32, #tpu.memory_space<vmem>>, vector<1x16xf32>,
        %get3A_941 = vector.shape_cast %get3A_940 : vector<1x16xf32> to vector<16xf32>
        %add3A_942 = arith.addf %scan3A_922, %get3A_941 : vector<16xf32>
        %add3A_943 = arith.constant 1 : i32
        %add3A_944 = arith.addi %add3A_943, %scan3A_920 : i32
        %get3A_945 = arith.index_cast %add3A_944 : i32 to index
        %get3A_946 = arith.constant 32 : index
        %get3A_947 = tpu.vector_load %arg8[%get3A_945, %get3A_946] {strides = array<i32>} : memref<100x128xf32, #tpu.memory_space<vmem>>, vector<1x16xf32>,
        %get3A_948 = vector.shape_cast %get3A_947 : vector<1x16xf32> to vector<16xf32>
        %add3A_949 = arith.addf %scan3A_923, %get3A_948 : vector<16xf32>
        %add3A_950 = arith.constant 1 : i32
        %add3A_951 = arith.addi %add3A_950, %scan3A_920 : i32
        %get3A_952 = arith.index_cast %add3A_951 : i32 to index
        %get3A_953 = arith.constant 48 : index
        %get3A_954 = tpu.vector_load %arg8[%get3A_952, %get3A_953] {strides = array<i32>} : memref<100x128xf32, #tpu.memory_space<vmem>>, vector<1x16xf32>,
        %get3A_955 = vector.shape_cast %get3A_954 : vector<1x16xf32> to vector<16xf32>
        %add3A_956 = arith.addf %scan3A_924, %get3A_955 : vector<16xf32>
        %add3A_957 = arith.constant 1 : i32
        %add3A_958 = arith.addi %add3A_957, %scan3A_920 : i32
        %get3A_959 = arith.index_cast %add3A_958 : i32 to index
        %get3A_960 = arith.constant 64 : index
        %get3A_961 = tpu.vector_load %arg8[%get3A_959, %get3A_960] {strides = array<i32>} : memref<100x128xf32, #tpu.memory_space<vmem>>, vector<1x16xf32>,
        %get3A_962 = vector.shape_cast %get3A_961 : vector<1x16xf32> to vector<16xf32>
        %add3A_963 = arith.addf %scan3A_925, %get3A_962 : vector<16xf32>
        %add3A_964 = arith.constant 1 : i32
        %add3A_965 = arith.addi %add3A_964, %scan3A_920 : i32
        %get3A_966 = arith.index_cast %add3A_965 : i32 to index
        %get3A_967 = arith.constant 80 : index
        %get3A_968 = tpu.vector_load %arg8[%get3A_966, %get3A_967] {strides = array<i32>} : memref<100x128xf32, #tpu.memory_space<vmem>>, vector<1x16xf32>,
        %get3A_969 = vector.shape_cast %get3A_968 : vector<1x16xf32> to vector<16xf32>
        %add3A_970 = arith.addf %scan3A_926, %get3A_969 : vector<16xf32>
        %add3A_971 = arith.constant 1 : i32
        %add3A_972 = arith.addi %add3A_971, %scan3A_920 : i32
        %get3A_973 = arith.index_cast %add3A_972 : i32 to index
        %get3A_974 = arith.constant 96 : index
        %get3A_975 = tpu.vector_load %arg8[%get3A_973, %get3A_974] {strides = array<i32>} : memref<100x128xf32, #tpu.memory_space<vmem>>, vector<1x16xf32>,
        %get3A_976 = vector.shape_cast %get3A_975 : vector<1x16xf32> to vector<16xf32>
        %add3A_977 = arith.addf %scan3A_927, %get3A_976 : vector<16xf32>
        %add3A_978 = arith.constant 1 : i32
        %add3A_979 = arith.addi %add3A_978, %scan3A_920 : i32
        %get3A_980 = arith.index_cast %add3A_979 : i32 to index
        %get3A_981 = arith.constant 112 : index
        %get3A_982 = tpu.vector_load %arg8[%get3A_980, %get3A_981] {strides = array<i32>} : memref<100x128xf32, #tpu.memory_space<vmem>>, vector<1x16xf32>,
        %get3A_983 = vector.shape_cast %get3A_982 : vector<1x16xf32> to vector<16xf32>
        %add3A_984 = arith.addf %scan3A_928, %get3A_983 : vector<16xf32>
        %scan3A_985 = arith.constant 1 : i32
        %scan3A_986 = arith.addi %scan3A_920, %scan3A_985 : i32
        %add3A_987 = arith.constant 1 : i32
        %add3A_988 = arith.addi %add3A_987, %scan3A_986 : i32
        %get3A_989 = arith.index_cast %add3A_988 : i32 to index
        %get3A_990 = arith.constant 0 : index
        %get3A_991 = tpu.vector_load %arg8[%get3A_989, %get3A_990] {strides = array<i32>} : memref<100x128xf32, #tpu.memory_space<vmem>>, vector<1x16xf32>,
        %get3A_992 = vector.shape_cast %get3A_991 : vector<1x16xf32> to vector<16xf32>
        %add3A_993 = arith.addf %add3A_935, %get3A_992 : vector<16xf32>
        %add3A_994 = arith.constant 1 : i32
        %add3A_995 = arith.addi %add3A_994, %scan3A_986 : i32
        %get3A_996 = arith.index_cast %add3A_995 : i32 to index
        %get3A_997 = arith.constant 16 : index
        %get3A_998 = tpu.vector_load %arg8[%get3A_996, %get3A_997] {strides = array<i32>} : memref<100x128xf32, #tpu.memory_space<vmem>>, vector<1x16xf32>,
        %get3A_999 = vector.shape_cast %get3A_998 : vector<1x16xf32> to vector<16xf32>
        %add3A_1000 = arith.addf %add3A_942, %get3A_999 : vector<16xf32>
        %add3A_1001 = arith.constant 1 : i32
        %add3A_1002 = arith.addi %add3A_1001, %scan3A_986 : i32
        %get3A_1003 = arith.index_cast %add3A_1002 : i32 to index
        %get3A_1004 = arith.constant 32 : index
        %get3A_1005 = tpu.vector_load %arg8[%get3A_1003, %get3A_1004] {strides = array<i32>} : memref<100x128xf32, #tpu.memory_space<vmem>>, vector<1x16xf32>,
        %get3A_1006 = vector.shape_cast %get3A_1005 : vector<1x16xf32> to vector<16xf32>
        %add3A_1007 = arith.addf %add3A_949, %get3A_1006 : vector<16xf32>
        %add3A_1008 = arith.constant 1 : i32
        %add3A_1009 = arith.addi %add3A_1008, %scan3A_986 : i32
        %get3A_1010 = arith.index_cast %add3A_1009 : i32 to index
        %get3A_1011 = arith.constant 48 : index
        %get3A_1012 = tpu.vector_load %arg8[%get3A_1010, %get3A_1011] {strides = array<i32>} : memref<100x128xf32, #tpu.memory_space<vmem>>, vector<1x16xf32>,
        %get3A_1013 = vector.shape_cast %get3A_1012 : vector<1x16xf32> to vector<16xf32>
        %add3A_1014 = arith.addf %add3A_956, %get3A_1013 : vector<16xf32>
        %add3A_1015 = arith.constant 1 : i32
        %add3A_1016 = arith.addi %add3A_1015, %scan3A_986 : i32
        %get3A_1017 = arith.index_cast %add3A_1016 : i32 to index
        %get3A_1018 = arith.constant 64 : index
        %get3A_1019 = tpu.vector_load %arg8[%get3A_1017, %get3A_1018] {strides = array<i32>} : memref<100x128xf32, #tpu.memory_space<vmem>>, vector<1x16xf32>,
        %get3A_1020 = vector.shape_cast %get3A_1019 : vector<1x16xf32> to vector<16xf32>
        %add3A_1021 = arith.addf %add3A_963, %get3A_1020 : vector<16xf32>
        %add3A_1022 = arith.constant 1 : i32
        %add3A_1023 = arith.addi %add3A_1022, %scan3A_986 : i32
        %get3A_1024 = arith.index_cast %add3A_1023 : i32 to index
        %get3A_1025 = arith.constant 80 : index
        %get3A_1026 = tpu.vector_load %arg8[%get3A_1024, %get3A_1025] {strides = array<i32>} : memref<100x128xf32, #tpu.memory_space<vmem>>, vector<1x16xf32>,
        %get3A_1027 = vector.shape_cast %get3A_1026 : vector<1x16xf32> to vector<16xf32>
        %add3A_1028 = arith.addf %add3A_970, %get3A_1027 : vector<16xf32>
        %add3A_1029 = arith.constant 1 : i32
        %add3A_1030 = arith.addi %add3A_1029, %scan3A_986 : i32
        %get3A_1031 = arith.index_cast %add3A_1030 : i32 to index
        %get3A_1032 = arith.constant 96 : index
        %get3A_1033 = tpu.vector_load %arg8[%get3A_1031, %get3A_1032] {strides = array<i32>} : memref<100x128xf32, #tpu.memory_space<vmem>>, vector<1x16xf32>,
        %get3A_1034 = vector.shape_cast %get3A_1033 : vector<1x16xf32> to vector<16xf32>
        %add3A_1035 = arith.addf %add3A_977, %get3A_1034 : vector<16xf32>
        %add3A_1036 = arith.constant 1 : i32
        %add3A_1037 = arith.addi %add3A_1036, %scan3A_986 : i32
        %get3A_1038 = arith.index_cast %add3A_1037 : i32 to index
        %get3A_1039 = arith.constant 112 : index
        %get3A_1040 = tpu.vector_load %arg8[%get3A_1038, %get3A_1039] {strides = array<i32>} : memref<100x128xf32, #tpu.memory_space<vmem>>, vector<1x16xf32>,
        %get3A_1041 = vector.shape_cast %get3A_1040 : vector<1x16xf32> to vector<16xf32>
        %add3A_1042 = arith.addf %add3A_984, %get3A_1041 : vector<16xf32>
        %scan3A_1043 = arith.constant 2 : i32
        %scan3A_1044 = arith.addi %scan3A_920, %scan3A_1043 : i32
        %add3A_1045 = arith.constant 1 : i32
        %add3A_1046 = arith.addi %add3A_1045, %scan3A_1044 : i32
        %get3A_1047 = arith.index_cast %add3A_1046 : i32 to index
        %get3A_1048 = arith.constant 0 : index
        %get3A_1049 = tpu.vector_load %arg8[%get3A_1047, %get3A_1048] {strides = array<i32>} : memref<100x128xf32, #tpu.memory_space<vmem>>, vector<1x16xf32>,
        %get3A_1050 = vector.shape_cast %get3A_1049 : vector<1x16xf32> to vector<16xf32>
        %add3A_1051 = arith.addf %add3A_993, %get3A_1050 : vector<16xf32>
        %add3A_1052 = arith.constant 1 : i32
        %add3A_1053 = arith.addi %add3A_1052, %scan3A_1044 : i32
        %get3A_1054 = arith.index_cast %add3A_1053 : i32 to index
        %get3A_1055 = arith.constant 16 : index
        %get3A_1056 = tpu.vector_load %arg8[%get3A_1054, %get3A_1055] {strides = array<i32>} : memref<100x128xf32, #tpu.memory_space<vmem>>, vector<1x16xf32>,
        %get3A_1057 = vector.shape_cast %get3A_1056 : vector<1x16xf32> to vector<16xf32>
        %add3A_1058 = arith.addf %add3A_1000, %get3A_1057 : vector<16xf32>
        %add3A_1059 = arith.constant 1 : i32
        %add3A_1060 = arith.addi %add3A_1059, %scan3A_1044 : i32
        %get3A_1061 = arith.index_cast %add3A_1060 : i32 to index
        %get3A_1062 = arith.constant 32 : index
        %get3A_1063 = tpu.vector_load %arg8[%get3A_1061, %get3A_1062] {strides = array<i32>} : memref<100x128xf32, #tpu.memory_space<vmem>>, vector<1x16xf32>,
        %get3A_1064 = vector.shape_cast %get3A_1063 : vector<1x16xf32> to vector<16xf32>
        %add3A_1065 = arith.addf %add3A_1007, %get3A_1064 : vector<16xf32>
        %add3A_1066 = arith.constant 1 : i32
        %add3A_1067 = arith.addi %add3A_1066, %scan3A_1044 : i32
        %get3A_1068 = arith.index_cast %add3A_1067 : i32 to index
        %get3A_1069 = arith.constant 48 : index
        %get3A_1070 = tpu.vector_load %arg8[%get3A_1068, %get3A_1069] {strides = array<i32>} : memref<100x128xf32, #tpu.memory_space<vmem>>, vector<1x16xf32>,
        %get3A_1071 = vector.shape_cast %get3A_1070 : vector<1x16xf32> to vector<16xf32>
        %add3A_1072 = arith.addf %add3A_1014, %get3A_1071 : vector<16xf32>
        %add3A_1073 = arith.constant 1 : i32
        %add3A_1074 = arith.addi %add3A_1073, %scan3A_1044 : i32
        %get3A_1075 = arith.index_cast %add3A_1074 : i32 to index
        %get3A_1076 = arith.constant 64 : index
        %get3A_1077 = tpu.vector_load %arg8[%get3A_1075, %get3A_1076] {strides = array<i32>} : memref<100x128xf32, #tpu.memory_space<vmem>>, vector<1x16xf32>,
        %get3A_1078 = vector.shape_cast %get3A_1077 : vector<1x16xf32> to vector<16xf32>
        %add3A_1079 = arith.addf %add3A_1021, %get3A_1078 : vector<16xf32>
        %add3A_1080 = arith.constant 1 : i32
        %add3A_1081 = arith.addi %add3A_1080, %scan3A_1044 : i32
        %get3A_1082 = arith.index_cast %add3A_1081 : i32 to index
        %get3A_1083 = arith.constant 80 : index
        %get3A_1084 = tpu.vector_load %arg8[%get3A_1082, %get3A_1083] {strides = array<i32>} : memref<100x128xf32, #tpu.memory_space<vmem>>, vector<1x16xf32>,
        %get3A_1085 = vector.shape_cast %get3A_1084 : vector<1x16xf32> to vector<16xf32>
        %add3A_1086 = arith.addf %add3A_1028, %get3A_1085 : vector<16xf32>
        %add3A_1087 = arith.constant 1 : i32
        %add3A_1088 = arith.addi %add3A_1087, %scan3A_1044 : i32
        %get3A_1089 = arith.index_cast %add3A_1088 : i32 to index
        %get3A_1090 = arith.constant 96 : index
        %get3A_1091 = tpu.vector_load %arg8[%get3A_1089, %get3A_1090] {strides = array<i32>} : memref<100x128xf32, #tpu.memory_space<vmem>>, vector<1x16xf32>,
        %get3A_1092 = vector.shape_cast %get3A_1091 : vector<1x16xf32> to vector<16xf32>
        %add3A_1093 = arith.addf %add3A_1035, %get3A_1092 : vector<16xf32>
        %add3A_1094 = arith.constant 1 : i32
        %add3A_1095 = arith.addi %add3A_1094, %scan3A_1044 : i32
        %get3A_1096 = arith.index_cast %add3A_1095 : i32 to index
        %get3A_1097 = arith.constant 112 : index
        %get3A_1098 = tpu.vector_load %arg8[%get3A_1096, %get3A_1097] {strides = array<i32>} : memref<100x128xf32, #tpu.memory_space<vmem>>, vector<1x16xf32>,
        %get3A_1099 = vector.shape_cast %get3A_1098 : vector<1x16xf32> to vector<16xf32>
        %add3A_1100 = arith.addf %add3A_1042, %get3A_1099 : vector<16xf32>
        %scan3A_1101 = arith.constant 3 : i32
        %scan3A_1102 = arith.addi %scan3A_920, %scan3A_1101 : i32
        %add3A_1103 = arith.constant 1 : i32
        %add3A_1104 = arith.addi %add3A_1103, %scan3A_1102 : i32
        %get3A_1105 = arith.index_cast %add3A_1104 : i32 to index
        %get3A_1106 = arith.constant 0 : index
        %get3A_1107 = tpu.vector_load %arg8[%get3A_1105, %get3A_1106] {strides = array<i32>} : memref<100x128xf32, #tpu.memory_space<vmem>>, vector<1x16xf32>,
        %get3A_1108 = vector.shape_cast %get3A_1107 : vector<1x16xf32> to vector<16xf32>
        %add3A_1109 = arith.addf %add3A_1051, %get3A_1108 : vector<16xf32>
        %add3A_1110 = arith.constant 1 : i32
        %add3A_1111 = arith.addi %add3A_1110, %scan3A_1102 : i32
        %get3A_1112 = arith.index_cast %add3A_1111 : i32 to index
        %get3A_1113 = arith.constant 16 : index
        %get3A_1114 = tpu.vector_load %arg8[%get3A_1112, %get3A_1113] {strides = array<i32>} : memref<100x128xf32, #tpu.memory_space<vmem>>, vector<1x16xf32>,
        %get3A_1115 = vector.shape_cast %get3A_1114 : vector<1x16xf32> to vector<16xf32>
        %add3A_1116 = arith.addf %add3A_1058, %get3A_1115 : vector<16xf32>
        %add3A_1117 = arith.constant 1 : i32
        %add3A_1118 = arith.addi %add3A_1117, %scan3A_1102 : i32
        %get3A_1119 = arith.index_cast %add3A_1118 : i32 to index
        %get3A_1120 = arith.constant 32 : index
        %get3A_1121 = tpu.vector_load %arg8[%get3A_1119, %get3A_1120] {strides = array<i32>} : memref<100x128xf32, #tpu.memory_space<vmem>>, vector<1x16xf32>,
        %get3A_1122 = vector.shape_cast %get3A_1121 : vector<1x16xf32> to vector<16xf32>
        %add3A_1123 = arith.addf %add3A_1065, %get3A_1122 : vector<16xf32>
        %add3A_1124 = arith.constant 1 : i32
        %add3A_1125 = arith.addi %add3A_1124, %scan3A_1102 : i32
        %get3A_1126 = arith.index_cast %add3A_1125 : i32 to index
        %get3A_1127 = arith.constant 48 : index
        %get3A_1128 = tpu.vector_load %arg8[%get3A_1126, %get3A_1127] {strides = array<i32>} : memref<100x128xf32, #tpu.memory_space<vmem>>, vector<1x16xf32>,
        %get3A_1129 = vector.shape_cast %get3A_1128 : vector<1x16xf32> to vector<16xf32>
        %add3A_1130 = arith.addf %add3A_1072, %get3A_1129 : vector<16xf32>
        %add3A_1131 = arith.constant 1 : i32
        %add3A_1132 = arith.addi %add3A_1131, %scan3A_1102 : i32
        %get3A_1133 = arith.index_cast %add3A_1132 : i32 to index
        %get3A_1134 = arith.constant 64 : index
        %get3A_1135 = tpu.vector_load %arg8[%get3A_1133, %get3A_1134] {strides = array<i32>} : memref<100x128xf32, #tpu.memory_space<vmem>>, vector<1x16xf32>,
        %get3A_1136 = vector.shape_cast %get3A_1135 : vector<1x16xf32> to vector<16xf32>
        %add3A_1137 = arith.addf %add3A_1079, %get3A_1136 : vector<16xf32>
        %add3A_1138 = arith.constant 1 : i32
        %add3A_1139 = arith.addi %add3A_1138, %scan3A_1102 : i32
        %get3A_1140 = arith.index_cast %add3A_1139 : i32 to index
        %get3A_1141 = arith.constant 80 : index
        %get3A_1142 = tpu.vector_load %arg8[%get3A_1140, %get3A_1141] {strides = array<i32>} : memref<100x128xf32, #tpu.memory_space<vmem>>, vector<1x16xf32>,
        %get3A_1143 = vector.shape_cast %get3A_1142 : vector<1x16xf32> to vector<16xf32>
        %add3A_1144 = arith.addf %add3A_1086, %get3A_1143 : vector<16xf32>
        %add3A_1145 = arith.constant 1 : i32
        %add3A_1146 = arith.addi %add3A_1145, %scan3A_1102 : i32
        %get3A_1147 = arith.index_cast %add3A_1146 : i32 to index
        %get3A_1148 = arith.constant 96 : index
        %get3A_1149 = tpu.vector_load %arg8[%get3A_1147, %get3A_1148] {strides = array<i32>} : memref<100x128xf32, #tpu.memory_space<vmem>>, vector<1x16xf32>,
        %get3A_1150 = vector.shape_cast %get3A_1149 : vector<1x16xf32> to vector<16xf32>
        %add3A_1151 = arith.addf %add3A_1093, %get3A_1150 : vector<16xf32>
        %add3A_1152 = arith.constant 1 : i32
        %add3A_1153 = arith.addi %add3A_1152, %scan3A_1102 : i32
        %get3A_1154 = arith.index_cast %add3A_1153 : i32 to index
        %get3A_1155 = arith.constant 112 : index
        %get3A_1156 = tpu.vector_load %arg8[%get3A_1154, %get3A_1155] {strides = array<i32>} : memref<100x128xf32, #tpu.memory_space<vmem>>, vector<1x16xf32>,
        %get3A_1157 = vector.shape_cast %get3A_1156 : vector<1x16xf32> to vector<16xf32>
        %add3A_1158 = arith.addf %add3A_1100, %get3A_1157 : vector<16xf32>
        %scan3A_1159 = arith.constant 4 : i32
        %scan3A_1160 = arith.addi %scan3A_920, %scan3A_1159 : i32
        %add3A_1161 = arith.constant 1 : i32
        %add3A_1162 = arith.addi %add3A_1161, %scan3A_1160 : i32
        %get3A_1163 = arith.index_cast %add3A_1162 : i32 to index
        %get3A_1164 = arith.constant 0 : index
        %get3A_1165 = tpu.vector_load %arg8[%get3A_1163, %get3A_1164] {strides = array<i32>} : memref<100x128xf32, #tpu.memory_space<vmem>>, vector<1x16xf32>,
        %get3A_1166 = vector.shape_cast %get3A_1165 : vector<1x16xf32> to vector<16xf32>
        %add3A_1167 = arith.addf %add3A_1109, %get3A_1166 : vector<16xf32>
        %add3A_1168 = arith.constant 1 : i32
        %add3A_1169 = arith.addi %add3A_1168, %scan3A_1160 : i32
        %get3A_1170 = arith.index_cast %add3A_1169 : i32 to index
        %get3A_1171 = arith.constant 16 : index
        %get3A_1172 = tpu.vector_load %arg8[%get3A_1170, %get3A_1171] {strides = array<i32>} : memref<100x128xf32, #tpu.memory_space<vmem>>, vector<1x16xf32>,
        %get3A_1173 = vector.shape_cast %get3A_1172 : vector<1x16xf32> to vector<16xf32>
        %add3A_1174 = arith.addf %add3A_1116, %get3A_1173 : vector<16xf32>
        %add3A_1175 = arith.constant 1 : i32
        %add3A_1176 = arith.addi %add3A_1175, %scan3A_1160 : i32
        %get3A_1177 = arith.index_cast %add3A_1176 : i32 to index
        %get3A_1178 = arith.constant 32 : index
        %get3A_1179 = tpu.vector_load %arg8[%get3A_1177, %get3A_1178] {strides = array<i32>} : memref<100x128xf32, #tpu.memory_space<vmem>>, vector<1x16xf32>,
        %get3A_1180 = vector.shape_cast %get3A_1179 : vector<1x16xf32> to vector<16xf32>
        %add3A_1181 = arith.addf %add3A_1123, %get3A_1180 : vector<16xf32>
        %add3A_1182 = arith.constant 1 : i32
        %add3A_1183 = arith.addi %add3A_1182, %scan3A_1160 : i32
        %get3A_1184 = arith.index_cast %add3A_1183 : i32 to index
        %get3A_1185 = arith.constant 48 : index
        %get3A_1186 = tpu.vector_load %arg8[%get3A_1184, %get3A_1185] {strides = array<i32>} : memref<100x128xf32, #tpu.memory_space<vmem>>, vector<1x16xf32>,
        %get3A_1187 = vector.shape_cast %get3A_1186 : vector<1x16xf32> to vector<16xf32>
        %add3A_1188 = arith.addf %add3A_1130, %get3A_1187 : vector<16xf32>
        %add3A_1189 = arith.constant 1 : i32
        %add3A_1190 = arith.addi %add3A_1189, %scan3A_1160 : i32
        %get3A_1191 = arith.index_cast %add3A_1190 : i32 to index
        %get3A_1192 = arith.constant 64 : index
        %get3A_1193 = tpu.vector_load %arg8[%get3A_1191, %get3A_1192] {strides = array<i32>} : memref<100x128xf32, #tpu.memory_space<vmem>>, vector<1x16xf32>,
        %get3A_1194 = vector.shape_cast %get3A_1193 : vector<1x16xf32> to vector<16xf32>
        %add3A_1195 = arith.addf %add3A_1137, %get3A_1194 : vector<16xf32>
        %add3A_1196 = arith.constant 1 : i32
        %add3A_1197 = arith.addi %add3A_1196, %scan3A_1160 : i32
        %get3A_1198 = arith.index_cast %add3A_1197 : i32 to index
        %get3A_1199 = arith.constant 80 : index
        %get3A_1200 = tpu.vector_load %arg8[%get3A_1198, %get3A_1199] {strides = array<i32>} : memref<100x128xf32, #tpu.memory_space<vmem>>, vector<1x16xf32>,
        %get3A_1201 = vector.shape_cast %get3A_1200 : vector<1x16xf32> to vector<16xf32>
        %add3A_1202 = arith.addf %add3A_1144, %get3A_1201 : vector<16xf32>
        %add3A_1203 = arith.constant 1 : i32
        %add3A_1204 = arith.addi %add3A_1203, %scan3A_1160 : i32
        %get3A_1205 = arith.index_cast %add3A_1204 : i32 to index
        %get3A_1206 = arith.constant 96 : index
        %get3A_1207 = tpu.vector_load %arg8[%get3A_1205, %get3A_1206] {strides = array<i32>} : memref<100x128xf32, #tpu.memory_space<vmem>>, vector<1x16xf32>,
        %get3A_1208 = vector.shape_cast %get3A_1207 : vector<1x16xf32> to vector<16xf32>
        %add3A_1209 = arith.addf %add3A_1151, %get3A_1208 : vector<16xf32>
        %add3A_1210 = arith.constant 1 : i32
        %add3A_1211 = arith.addi %add3A_1210, %scan3A_1160 : i32
        %get3A_1212 = arith.index_cast %add3A_1211 : i32 to index
        %get3A_1213 = arith.constant 112 : index
        %get3A_1214 = tpu.vector_load %arg8[%get3A_1212, %get3A_1213] {strides = array<i32>} : memref<100x128xf32, #tpu.memory_space<vmem>>, vector<1x16xf32>,
        %get3A_1215 = vector.shape_cast %get3A_1214 : vector<1x16xf32> to vector<16xf32>
        %add3A_1216 = arith.addf %add3A_1158, %get3A_1215 : vector<16xf32>
        %scan3A_1217 = arith.constant 5 : i32
        %scan3A_1218 = arith.addi %scan3A_920, %scan3A_1217 : i32
        %add3A_1219 = arith.constant 1 : i32
        %add3A_1220 = arith.addi %add3A_1219, %scan3A_1218 : i32
        %get3A_1221 = arith.index_cast %add3A_1220 : i32 to index
        %get3A_1222 = arith.constant 0 : index
        %get3A_1223 = tpu.vector_load %arg8[%get3A_1221, %get3A_1222] {strides = array<i32>} : memref<100x128xf32, #tpu.memory_space<vmem>>, vector<1x16xf32>,
        %get3A_1224 = vector.shape_cast %get3A_1223 : vector<1x16xf32> to vector<16xf32>
        %add3A_1225 = arith.addf %add3A_1167, %get3A_1224 : vector<16xf32>
        %add3A_1226 = arith.constant 1 : i32
        %add3A_1227 = arith.addi %add3A_1226, %scan3A_1218 : i32
        %get3A_1228 = arith.index_cast %add3A_1227 : i32 to index
        %get3A_1229 = arith.constant 16 : index
        %get3A_1230 = tpu.vector_load %arg8[%get3A_1228, %get3A_1229] {strides = array<i32>} : memref<100x128xf32, #tpu.memory_space<vmem>>, vector<1x16xf32>,
        %get3A_1231 = vector.shape_cast %get3A_1230 : vector<1x16xf32> to vector<16xf32>
        %add3A_1232 = arith.addf %add3A_1174, %get3A_1231 : vector<16xf32>
        %add3A_1233 = arith.constant 1 : i32
        %add3A_1234 = arith.addi %add3A_1233, %scan3A_1218 : i32
        %get3A_1235 = arith.index_cast %add3A_1234 : i32 to index
        %get3A_1236 = arith.constant 32 : index
        %get3A_1237 = tpu.vector_load %arg8[%get3A_1235, %get3A_1236] {strides = array<i32>} : memref<100x128xf32, #tpu.memory_space<vmem>>, vector<1x16xf32>,
        %get3A_1238 = vector.shape_cast %get3A_1237 : vector<1x16xf32> to vector<16xf32>
        %add3A_1239 = arith.addf %add3A_1181, %get3A_1238 : vector<16xf32>
        %add3A_1240 = arith.constant 1 : i32
        %add3A_1241 = arith.addi %add3A_1240, %scan3A_1218 : i32
        %get3A_1242 = arith.index_cast %add3A_1241 : i32 to index
        %get3A_1243 = arith.constant 48 : index
        %get3A_1244 = tpu.vector_load %arg8[%get3A_1242, %get3A_1243] {strides = array<i32>} : memref<100x128xf32, #tpu.memory_space<vmem>>, vector<1x16xf32>,
        %get3A_1245 = vector.shape_cast %get3A_1244 : vector<1x16xf32> to vector<16xf32>
        %add3A_1246 = arith.addf %add3A_1188, %get3A_1245 : vector<16xf32>
        %add3A_1247 = arith.constant 1 : i32
        %add3A_1248 = arith.addi %add3A_1247, %scan3A_1218 : i32
        %get3A_1249 = arith.index_cast %add3A_1248 : i32 to index
        %get3A_1250 = arith.constant 64 : index
        %get3A_1251 = tpu.vector_load %arg8[%get3A_1249, %get3A_1250] {strides = array<i32>} : memref<100x128xf32, #tpu.memory_space<vmem>>, vector<1x16xf32>,
        %get3A_1252 = vector.shape_cast %get3A_1251 : vector<1x16xf32> to vector<16xf32>
        %add3A_1253 = arith.addf %add3A_1195, %get3A_1252 : vector<16xf32>
        %add3A_1254 = arith.constant 1 : i32
        %add3A_1255 = arith.addi %add3A_1254, %scan3A_1218 : i32
        %get3A_1256 = arith.index_cast %add3A_1255 : i32 to index
        %get3A_1257 = arith.constant 80 : index
        %get3A_1258 = tpu.vector_load %arg8[%get3A_1256, %get3A_1257] {strides = array<i32>} : memref<100x128xf32, #tpu.memory_space<vmem>>, vector<1x16xf32>,
        %get3A_1259 = vector.shape_cast %get3A_1258 : vector<1x16xf32> to vector<16xf32>
        %add3A_1260 = arith.addf %add3A_1202, %get3A_1259 : vector<16xf32>
        %add3A_1261 = arith.constant 1 : i32
        %add3A_1262 = arith.addi %add3A_1261, %scan3A_1218 : i32
        %get3A_1263 = arith.index_cast %add3A_1262 : i32 to index
        %get3A_1264 = arith.constant 96 : index
        %get3A_1265 = tpu.vector_load %arg8[%get3A_1263, %get3A_1264] {strides = array<i32>} : memref<100x128xf32, #tpu.memory_space<vmem>>, vector<1x16xf32>,
        %get3A_1266 = vector.shape_cast %get3A_1265 : vector<1x16xf32> to vector<16xf32>
        %add3A_1267 = arith.addf %add3A_1209, %get3A_1266 : vector<16xf32>
        %add3A_1268 = arith.constant 1 : i32
        %add3A_1269 = arith.addi %add3A_1268, %scan3A_1218 : i32
        %get3A_1270 = arith.index_cast %add3A_1269 : i32 to index
        %get3A_1271 = arith.constant 112 : index
        %get3A_1272 = tpu.vector_load %arg8[%get3A_1270, %get3A_1271] {strides = array<i32>} : memref<100x128xf32, #tpu.memory_space<vmem>>, vector<1x16xf32>,
        %get3A_1273 = vector.shape_cast %get3A_1272 : vector<1x16xf32> to vector<16xf32>
        %add3A_1274 = arith.addf %add3A_1216, %get3A_1273 : vector<16xf32>
        %scan3A_1275 = arith.constant 6 : i32
        %scan3A_1276 = arith.addi %scan3A_920, %scan3A_1275 : i32
        %add3A_1277 = arith.constant 1 : i32
        %add3A_1278 = arith.addi %add3A_1277, %scan3A_1276 : i32
        %get3A_1279 = arith.index_cast %add3A_1278 : i32 to index
        %get3A_1280 = arith.constant 0 : index
        %get3A_1281 = tpu.vector_load %arg8[%get3A_1279, %get3A_1280] {strides = array<i32>} : memref<100x128xf32, #tpu.memory_space<vmem>>, vector<1x16xf32>,
        %get3A_1282 = vector.shape_cast %get3A_1281 : vector<1x16xf32> to vector<16xf32>
        %add3A_1283 = arith.addf %add3A_1225, %get3A_1282 : vector<16xf32>
        %add3A_1284 = arith.constant 1 : i32
        %add3A_1285 = arith.addi %add3A_1284, %scan3A_1276 : i32
        %get3A_1286 = arith.index_cast %add3A_1285 : i32 to index
        %get3A_1287 = arith.constant 16 : index
        %get3A_1288 = tpu.vector_load %arg8[%get3A_1286, %get3A_1287] {strides = array<i32>} : memref<100x128xf32, #tpu.memory_space<vmem>>, vector<1x16xf32>,
        %get3A_1289 = vector.shape_cast %get3A_1288 : vector<1x16xf32> to vector<16xf32>
        %add3A_1290 = arith.addf %add3A_1232, %get3A_1289 : vector<16xf32>
        %add3A_1291 = arith.constant 1 : i32
        %add3A_1292 = arith.addi %add3A_1291, %scan3A_1276 : i32
        %get3A_1293 = arith.index_cast %add3A_1292 : i32 to index
        %get3A_1294 = arith.constant 32 : index
        %get3A_1295 = tpu.vector_load %arg8[%get3A_1293, %get3A_1294] {strides = array<i32>} : memref<100x128xf32, #tpu.memory_space<vmem>>, vector<1x16xf32>,
        %get3A_1296 = vector.shape_cast %get3A_1295 : vector<1x16xf32> to vector<16xf32>
        %add3A_1297 = arith.addf %add3A_1239, %get3A_1296 : vector<16xf32>
        %add3A_1298 = arith.constant 1 : i32
        %add3A_1299 = arith.addi %add3A_1298, %scan3A_1276 : i32
        %get3A_1300 = arith.index_cast %add3A_1299 : i32 to index
        %get3A_1301 = arith.constant 48 : index
        %get3A_1302 = tpu.vector_load %arg8[%get3A_1300, %get3A_1301] {strides = array<i32>} : memref<100x128xf32, #tpu.memory_space<vmem>>, vector<1x16xf32>,
        %get3A_1303 = vector.shape_cast %get3A_1302 : vector<1x16xf32> to vector<16xf32>
        %add3A_1304 = arith.addf %add3A_1246, %get3A_1303 : vector<16xf32>
        %add3A_1305 = arith.constant 1 : i32
        %add3A_1306 = arith.addi %add3A_1305, %scan3A_1276 : i32
        %get3A_1307 = arith.index_cast %add3A_1306 : i32 to index
        %get3A_1308 = arith.constant 64 : index
        %get3A_1309 = tpu.vector_load %arg8[%get3A_1307, %get3A_1308] {strides = array<i32>} : memref<100x128xf32, #tpu.memory_space<vmem>>, vector<1x16xf32>,
        %get3A_1310 = vector.shape_cast %get3A_1309 : vector<1x16xf32> to vector<16xf32>
        %add3A_1311 = arith.addf %add3A_1253, %get3A_1310 : vector<16xf32>
        %add3A_1312 = arith.constant 1 : i32
        %add3A_1313 = arith.addi %add3A_1312, %scan3A_1276 : i32
        %get3A_1314 = arith.index_cast %add3A_1313 : i32 to index
        %get3A_1315 = arith.constant 80 : index
        %get3A_1316 = tpu.vector_load %arg8[%get3A_1314, %get3A_1315] {strides = array<i32>} : memref<100x128xf32, #tpu.memory_space<vmem>>, vector<1x16xf32>,
        %get3A_1317 = vector.shape_cast %get3A_1316 : vector<1x16xf32> to vector<16xf32>
        %add3A_1318 = arith.addf %add3A_1260, %get3A_1317 : vector<16xf32>
        %add3A_1319 = arith.constant 1 : i32
        %add3A_1320 = arith.addi %add3A_1319, %scan3A_1276 : i32
        %get3A_1321 = arith.index_cast %add3A_1320 : i32 to index
        %get3A_1322 = arith.constant 96 : index
        %get3A_1323 = tpu.vector_load %arg8[%get3A_1321, %get3A_1322] {strides = array<i32>} : memref<100x128xf32, #tpu.memory_space<vmem>>, vector<1x16xf32>,
        %get3A_1324 = vector.shape_cast %get3A_1323 : vector<1x16xf32> to vector<16xf32>
        %add3A_1325 = arith.addf %add3A_1267, %get3A_1324 : vector<16xf32>
        %add3A_1326 = arith.constant 1 : i32
        %add3A_1327 = arith.addi %add3A_1326, %scan3A_1276 : i32
        %get3A_1328 = arith.index_cast %add3A_1327 : i32 to index
        %get3A_1329 = arith.constant 112 : index
        %get3A_1330 = tpu.vector_load %arg8[%get3A_1328, %get3A_1329] {strides = array<i32>} : memref<100x128xf32, #tpu.memory_space<vmem>>, vector<1x16xf32>,
        %get3A_1331 = vector.shape_cast %get3A_1330 : vector<1x16xf32> to vector<16xf32>
        %add3A_1332 = arith.addf %add3A_1274, %get3A_1331 : vector<16xf32>
        scf.yield %add3A_1283, %add3A_1290, %add3A_1297, %add3A_1304, %add3A_1311, %add3A_1318, %add3A_1325, %add3A_1332 : vector<16xf32>, vector<16xf32>, vector<16xf32>, vector<16xf32>, vector<16xf32>, vector<16xf32>, vector<16xf32>, vector<16xf32>
      }
      %scan3A_536 = arith.constant 49 : i32
      %add3A_537 = arith.constant 0 : i32
      %add3A_538 = arith.addi %mul3A_490, %add3A_537 : i32
      %swap3A_539 = arith.index_cast %add3A_538 : i32 to index
      %swap3A_540 = arith.constant 0 : index
      %swap3A_541 = tpu.vector_load %arg10[%swap3A_539, %swap3A_540] {strides = array<i32>} : memref<128x128xf32, #tpu.memory_space<vmem>>, vector<1x16xf32>,
      %swap3A_542 = vector.shape_cast %swap3A_541 : vector<1x16xf32> to vector<16xf32>
      %swap3A_543 = vector.shape_cast %scan3A_535#0 : vector<16xf32> to vector<1x16xf32>
      tpu.vector_store %arg10[%swap3A_539, %swap3A_540], %swap3A_543 {strides = array<i32>} : memref<128x128xf32, #tpu.memory_space<vmem>>, vector<1x16xf32>,
      %add3A_544 = arith.constant 0 : i32
      %add3A_545 = arith.addi %mul3A_490, %add3A_544 : i32
      %swap3A_546 = arith.index_cast %add3A_545 : i32 to index
      %swap3A_547 = arith.constant 16 : index
      %swap3A_548 = tpu.vector_load %arg10[%swap3A_546, %swap3A_547] {strides = array<i32>} : memref<128x128xf32, #tpu.memory_space<vmem>>, vector<1x16xf32>,
      %swap3A_549 = vector.shape_cast %swap3A_548 : vector<1x16xf32> to vector<16xf32>
      %swap3A_550 = vector.shape_cast %scan3A_535#1 : vector<16xf32> to vector<1x16xf32>
      tpu.vector_store %arg10[%swap3A_546, %swap3A_547], %swap3A_550 {strides = array<i32>} : memref<128x128xf32, #tpu.memory_space<vmem>>, vector<1x16xf32>,
      %add3A_551 = arith.constant 0 : i32
      %add3A_552 = arith.addi %mul3A_490, %add3A_551 : i32
      %swap3A_553 = arith.index_cast %add3A_552 : i32 to index
      %swap3A_554 = arith.constant 32 : index
      %swap3A_555 = tpu.vector_load %arg10[%swap3A_553, %swap3A_554] {strides = array<i32>} : memref<128x128xf32, #tpu.memory_space<vmem>>, vector<1x16xf32>,
      %swap3A_556 = vector.shape_cast %swap3A_555 : vector<1x16xf32> to vector<16xf32>
      %swap3A_557 = vector.shape_cast %scan3A_535#2 : vector<16xf32> to vector<1x16xf32>
      tpu.vector_store %arg10[%swap3A_553, %swap3A_554], %swap3A_557 {strides = array<i32>} : memref<128x128xf32, #tpu.memory_space<vmem>>, vector<1x16xf32>,
      %add3A_558 = arith.constant 0 : i32
      %add3A_559 = arith.addi %mul3A_490, %add3A_558 : i32
      %swap3A_560 = arith.index_cast %add3A_559 : i32 to index
      %swap3A_561 = arith.constant 48 : index
      %swap3A_562 = tpu.vector_load %arg10[%swap3A_560, %swap3A_561] {strides = array<i32>} : memref<128x128xf32, #tpu.memory_space<vmem>>, vector<1x16xf32>,
      %swap3A_563 = vector.shape_cast %swap3A_562 : vector<1x16xf32> to vector<16xf32>
      %swap3A_564 = vector.shape_cast %scan3A_535#3 : vector<16xf32> to vector<1x16xf32>
      tpu.vector_store %arg10[%swap3A_560, %swap3A_561], %swap3A_564 {strides = array<i32>} : memref<128x128xf32, #tpu.memory_space<vmem>>, vector<1x16xf32>,
      %add3A_565 = arith.constant 0 : i32
      %add3A_566 = arith.addi %mul3A_490, %add3A_565 : i32
      %swap3A_567 = arith.index_cast %add3A_566 : i32 to index
      %swap3A_568 = arith.constant 64 : index
      %swap3A_569 = tpu.vector_load %arg10[%swap3A_567, %swap3A_568] {strides = array<i32>} : memref<128x128xf32, #tpu.memory_space<vmem>>, vector<1x16xf32>,
      %swap3A_570 = vector.shape_cast %swap3A_569 : vector<1x16xf32> to vector<16xf32>
      %swap3A_571 = vector.shape_cast %scan3A_535#4 : vector<16xf32> to vector<1x16xf32>
      tpu.vector_store %arg10[%swap3A_567, %swap3A_568], %swap3A_571 {strides = array<i32>} : memref<128x128xf32, #tpu.memory_space<vmem>>, vector<1x16xf32>,
      %add3A_572 = arith.constant 0 : i32
      %add3A_573 = arith.addi %mul3A_490, %add3A_572 : i32
      %swap3A_574 = arith.index_cast %add3A_573 : i32 to index
      %swap3A_575 = arith.constant 80 : index
      %swap3A_576 = tpu.vector_load %arg10[%swap3A_574, %swap3A_575] {strides = array<i32>} : memref<128x128xf32, #tpu.memory_space<vmem>>, vector<1x16xf32>,
      %swap3A_577 = vector.shape_cast %swap3A_576 : vector<1x16xf32> to vector<16xf32>
      %swap3A_578 = vector.shape_cast %scan3A_535#5 : vector<16xf32> to vector<1x16xf32>
      tpu.vector_store %arg10[%swap3A_574, %swap3A_575], %swap3A_578 {strides = array<i32>} : memref<128x128xf32, #tpu.memory_space<vmem>>, vector<1x16xf32>,
      %add3A_579 = arith.constant 0 : i32
      %add3A_580 = arith.addi %mul3A_490, %add3A_579 : i32
      %swap3A_581 = arith.index_cast %add3A_580 : i32 to index
      %swap3A_582 = arith.constant 96 : index
      %swap3A_583 = tpu.vector_load %arg10[%swap3A_581, %swap3A_582] {strides = array<i32>} : memref<128x128xf32, #tpu.memory_space<vmem>>, vector<1x16xf32>,
      %swap3A_584 = vector.shape_cast %swap3A_583 : vector<1x16xf32> to vector<16xf32>
      %swap3A_585 = vector.shape_cast %scan3A_535#6 : vector<16xf32> to vector<1x16xf32>
      tpu.vector_store %arg10[%swap3A_581, %swap3A_582], %swap3A_585 {strides = array<i32>} : memref<128x128xf32, #tpu.memory_space<vmem>>, vector<1x16xf32>,
      %add3A_586 = arith.constant 0 : i32
      %add3A_587 = arith.addi %mul3A_490, %add3A_586 : i32
      %swap3A_588 = arith.index_cast %add3A_587 : i32 to index
      %swap3A_589 = arith.constant 112 : index
      %swap3A_590 = tpu.vector_load %arg10[%swap3A_588, %swap3A_589] {strides = array<i32>} : memref<128x128xf32, #tpu.memory_space<vmem>>, vector<1x16xf32>,
      %swap3A_591 = vector.shape_cast %swap3A_590 : vector<1x16xf32> to vector<16xf32>
      %swap3A_592 = vector.shape_cast %scan3A_535#7 : vector<16xf32> to vector<1x16xf32>
      tpu.vector_store %arg10[%swap3A_588, %swap3A_589], %swap3A_592 {strides = array<i32>} : memref<128x128xf32, #tpu.memory_space<vmem>>, vector<1x16xf32>,
      %get3A_593 = arith.constant 50 : i32
      %get3A_594 = arith.index_cast %get3A_593 : i32 to index
      %get3A_595 = arith.constant 0 : index
      %get3A_596 = tpu.vector_load %arg8[%get3A_594, %get3A_595] {strides = array<i32>} : memref<100x128xf32, #tpu.memory_space<vmem>>, vector<1x16xf32>,
      %get3A_597 = vector.shape_cast %get3A_596 : vector<1x16xf32> to vector<16xf32>
      %get3A_598 = arith.constant 50 : i32
      %get3A_599 = arith.index_cast %get3A_598 : i32 to index
      %get3A_600 = arith.constant 16 : index
      %get3A_601 = tpu.vector_load %arg8[%get3A_599, %get3A_600] {strides = array<i32>} : memref<100x128xf32, #tpu.memory_space<vmem>>, vector<1x16xf32>,
      %get3A_602 = vector.shape_cast %get3A_601 : vector<1x16xf32> to vector<16xf32>
      %get3A_603 = arith.constant 50 : i32
      %get3A_604 = arith.index_cast %get3A_603 : i32 to index
      %get3A_605 = arith.constant 32 : index
      %get3A_606 = tpu.vector_load %arg8[%get3A_604, %get3A_605] {strides = array<i32>} : memref<100x128xf32, #tpu.memory_space<vmem>>, vector<1x16xf32>,
      %get3A_607 = vector.shape_cast %get3A_606 : vector<1x16xf32> to vector<16xf32>
      %get3A_608 = arith.constant 50 : i32
      %get3A_609 = arith.index_cast %get3A_608 : i32 to index
      %get3A_610 = arith.constant 48 : index
      %get3A_611 = tpu.vector_load %arg8[%get3A_609, %get3A_610] {strides = array<i32>} : memref<100x128xf32, #tpu.memory_space<vmem>>, vector<1x16xf32>,
      %get3A_612 = vector.shape_cast %get3A_611 : vector<1x16xf32> to vector<16xf32>
      %get3A_613 = arith.constant 50 : i32
      %get3A_614 = arith.index_cast %get3A_613 : i32 to index
      %get3A_615 = arith.constant 64 : index
      %get3A_616 = tpu.vector_load %arg8[%get3A_614, %get3A_615] {strides = array<i32>} : memref<100x128xf32, #tpu.memory_space<vmem>>, vector<1x16xf32>,
      %get3A_617 = vector.shape_cast %get3A_616 : vector<1x16xf32> to vector<16xf32>
      %get3A_618 = arith.constant 50 : i32
      %get3A_619 = arith.index_cast %get3A_618 : i32 to index
      %get3A_620 = arith.constant 80 : index
      %get3A_621 = tpu.vector_load %arg8[%get3A_619, %get3A_620] {strides = array<i32>} : memref<100x128xf32, #tpu.memory_space<vmem>>, vector<1x16xf32>,
      %get3A_622 = vector.shape_cast %get3A_621 : vector<1x16xf32> to vector<16xf32>
      %get3A_623 = arith.constant 50 : i32
      %get3A_624 = arith.index_cast %get3A_623 : i32 to index
      %get3A_625 = arith.constant 96 : index
      %get3A_626 = tpu.vector_load %arg8[%get3A_624, %get3A_625] {strides = array<i32>} : memref<100x128xf32, #tpu.memory_space<vmem>>, vector<1x16xf32>,
      %get3A_627 = vector.shape_cast %get3A_626 : vector<1x16xf32> to vector<16xf32>
      %get3A_628 = arith.constant 50 : i32
      %get3A_629 = arith.index_cast %get3A_628 : i32 to index
      %get3A_630 = arith.constant 112 : index
      %get3A_631 = tpu.vector_load %arg8[%get3A_629, %get3A_630] {strides = array<i32>} : memref<100x128xf32, #tpu.memory_space<vmem>>, vector<1x16xf32>,
      %get3A_632 = vector.shape_cast %get3A_631 : vector<1x16xf32> to vector<16xf32>
      %scan3A_633 = arith.constant 0 : i32
      %scan3A_634 = arith.constant 49 : i32
      %scan3A_635 = arith.addi %scan3A_633, %scan3A_634 : i32
      %scan3A_636 = arith.constant 7 : i32
      %scan3A_637:8 = scf.for %scan3A_920 = %scan3A_633 to %scan3A_635 step %scan3A_636 iter_args(%scan3A_921 = %get3A_597, %scan3A_922 = %get3A_602, %scan3A_923 = %get3A_607, %scan3A_924 = %get3A_612, %scan3A_925 = %get3A_617, %scan3A_926 = %get3A_622, %scan3A_927 = %get3A_627, %scan3A_928 = %get3A_632) -> (vector<16xf32>, vector<16xf32>, vector<16xf32>, vector<16xf32>, vector<16xf32>, vector<16xf32>, vector<16xf32>, vector<16xf32>)  : i32 {
        %add3A_929 = arith.constant 51 : i32
        %add3A_930 = arith.addi %add3A_929, %scan3A_920 : i32
        %get3A_931 = arith.index_cast %add3A_930 : i32 to index
        %get3A_932 = arith.constant 0 : index
        %get3A_933 = tpu.vector_load %arg8[%get3A_931, %get3A_932] {strides = array<i32>} : memref<100x128xf32, #tpu.memory_space<vmem>>, vector<1x16xf32>,
        %get3A_934 = vector.shape_cast %get3A_933 : vector<1x16xf32> to vector<16xf32>
        %add3A_935 = arith.addf %scan3A_921, %get3A_934 : vector<16xf32>
        %add3A_936 = arith.constant 51 : i32
        %add3A_937 = arith.addi %add3A_936, %scan3A_920 : i32
        %get3A_938 = arith.index_cast %add3A_937 : i32 to index
        %get3A_939 = arith.constant 16 : index
        %get3A_940 = tpu.vector_load %arg8[%get3A_938, %get3A_939] {strides = array<i32>} : memref<100x128xf32, #tpu.memory_space<vmem>>, vector<1x16xf32>,
        %get3A_941 = vector.shape_cast %get3A_940 : vector<1x16xf32> to vector<16xf32>
        %add3A_942 = arith.addf %scan3A_922, %get3A_941 : vector<16xf32>
        %add3A_943 = arith.constant 51 : i32
        %add3A_944 = arith.addi %add3A_943, %scan3A_920 : i32
        %get3A_945 = arith.index_cast %add3A_944 : i32 to index
        %get3A_946 = arith.constant 32 : index
        %get3A_947 = tpu.vector_load %arg8[%get3A_945, %get3A_946] {strides = array<i32>} : memref<100x128xf32, #tpu.memory_space<vmem>>, vector<1x16xf32>,
        %get3A_948 = vector.shape_cast %get3A_947 : vector<1x16xf32> to vector<16xf32>
        %add3A_949 = arith.addf %scan3A_923, %get3A_948 : vector<16xf32>
        %add3A_950 = arith.constant 51 : i32
        %add3A_951 = arith.addi %add3A_950, %scan3A_920 : i32
        %get3A_952 = arith.index_cast %add3A_951 : i32 to index
        %get3A_953 = arith.constant 48 : index
        %get3A_954 = tpu.vector_load %arg8[%get3A_952, %get3A_953] {strides = array<i32>} : memref<100x128xf32, #tpu.memory_space<vmem>>, vector<1x16xf32>,
        %get3A_955 = vector.shape_cast %get3A_954 : vector<1x16xf32> to vector<16xf32>
        %add3A_956 = arith.addf %scan3A_924, %get3A_955 : vector<16xf32>
        %add3A_957 = arith.constant 51 : i32
        %add3A_958 = arith.addi %add3A_957, %scan3A_920 : i32
        %get3A_959 = arith.index_cast %add3A_958 : i32 to index
        %get3A_960 = arith.constant 64 : index
        %get3A_961 = tpu.vector_load %arg8[%get3A_959, %get3A_960] {strides = array<i32>} : memref<100x128xf32, #tpu.memory_space<vmem>>, vector<1x16xf32>,
        %get3A_962 = vector.shape_cast %get3A_961 : vector<1x16xf32> to vector<16xf32>
        %add3A_963 = arith.addf %scan3A_925, %get3A_962 : vector<16xf32>
        %add3A_964 = arith.constant 51 : i32
        %add3A_965 = arith.addi %add3A_964, %scan3A_920 : i32
        %get3A_966 = arith.index_cast %add3A_965 : i32 to index
        %get3A_967 = arith.constant 80 : index
        %get3A_968 = tpu.vector_load %arg8[%get3A_966, %get3A_967] {strides = array<i32>} : memref<100x128xf32, #tpu.memory_space<vmem>>, vector<1x16xf32>,
        %get3A_969 = vector.shape_cast %get3A_968 : vector<1x16xf32> to vector<16xf32>
        %add3A_970 = arith.addf %scan3A_926, %get3A_969 : vector<16xf32>
        %add3A_971 = arith.constant 51 : i32
        %add3A_972 = arith.addi %add3A_971, %scan3A_920 : i32
        %get3A_973 = arith.index_cast %add3A_972 : i32 to index
        %get3A_974 = arith.constant 96 : index
        %get3A_975 = tpu.vector_load %arg8[%get3A_973, %get3A_974] {strides = array<i32>} : memref<100x128xf32, #tpu.memory_space<vmem>>, vector<1x16xf32>,
        %get3A_976 = vector.shape_cast %get3A_975 : vector<1x16xf32> to vector<16xf32>
        %add3A_977 = arith.addf %scan3A_927, %get3A_976 : vector<16xf32>
        %add3A_978 = arith.constant 51 : i32
        %add3A_979 = arith.addi %add3A_978, %scan3A_920 : i32
        %get3A_980 = arith.index_cast %add3A_979 : i32 to index
        %get3A_981 = arith.constant 112 : index
        %get3A_982 = tpu.vector_load %arg8[%get3A_980, %get3A_981] {strides = array<i32>} : memref<100x128xf32, #tpu.memory_space<vmem>>, vector<1x16xf32>,
        %get3A_983 = vector.shape_cast %get3A_982 : vector<1x16xf32> to vector<16xf32>
        %add3A_984 = arith.addf %scan3A_928, %get3A_983 : vector<16xf32>
        %scan3A_985 = arith.constant 1 : i32
        %scan3A_986 = arith.addi %scan3A_920, %scan3A_985 : i32
        %add3A_987 = arith.constant 51 : i32
        %add3A_988 = arith.addi %add3A_987, %scan3A_986 : i32
        %get3A_989 = arith.index_cast %add3A_988 : i32 to index
        %get3A_990 = arith.constant 0 : index
        %get3A_991 = tpu.vector_load %arg8[%get3A_989, %get3A_990] {strides = array<i32>} : memref<100x128xf32, #tpu.memory_space<vmem>>, vector<1x16xf32>,
        %get3A_992 = vector.shape_cast %get3A_991 : vector<1x16xf32> to vector<16xf32>
        %add3A_993 = arith.addf %add3A_935, %get3A_992 : vector<16xf32>
        %add3A_994 = arith.constant 51 : i32
        %add3A_995 = arith.addi %add3A_994, %scan3A_986 : i32
        %get3A_996 = arith.index_cast %add3A_995 : i32 to index
        %get3A_997 = arith.constant 16 : index
        %get3A_998 = tpu.vector_load %arg8[%get3A_996, %get3A_997] {strides = array<i32>} : memref<100x128xf32, #tpu.memory_space<vmem>>, vector<1x16xf32>,
        %get3A_999 = vector.shape_cast %get3A_998 : vector<1x16xf32> to vector<16xf32>
        %add3A_1000 = arith.addf %add3A_942, %get3A_999 : vector<16xf32>
        %add3A_1001 = arith.constant 51 : i32
        %add3A_1002 = arith.addi %add3A_1001, %scan3A_986 : i32
        %get3A_1003 = arith.index_cast %add3A_1002 : i32 to index
        %get3A_1004 = arith.constant 32 : index
        %get3A_1005 = tpu.vector_load %arg8[%get3A_1003, %get3A_1004] {strides = array<i32>} : memref<100x128xf32, #tpu.memory_space<vmem>>, vector<1x16xf32>,
        %get3A_1006 = vector.shape_cast %get3A_1005 : vector<1x16xf32> to vector<16xf32>
        %add3A_1007 = arith.addf %add3A_949, %get3A_1006 : vector<16xf32>
        %add3A_1008 = arith.constant 51 : i32
        %add3A_1009 = arith.addi %add3A_1008, %scan3A_986 : i32
        %get3A_1010 = arith.index_cast %add3A_1009 : i32 to index
        %get3A_1011 = arith.constant 48 : index
        %get3A_1012 = tpu.vector_load %arg8[%get3A_1010, %get3A_1011] {strides = array<i32>} : memref<100x128xf32, #tpu.memory_space<vmem>>, vector<1x16xf32>,
        %get3A_1013 = vector.shape_cast %get3A_1012 : vector<1x16xf32> to vector<16xf32>
        %add3A_1014 = arith.addf %add3A_956, %get3A_1013 : vector<16xf32>
        %add3A_1015 = arith.constant 51 : i32
        %add3A_1016 = arith.addi %add3A_1015, %scan3A_986 : i32
        %get3A_1017 = arith.index_cast %add3A_1016 : i32 to index
        %get3A_1018 = arith.constant 64 : index
        %get3A_1019 = tpu.vector_load %arg8[%get3A_1017, %get3A_1018] {strides = array<i32>} : memref<100x128xf32, #tpu.memory_space<vmem>>, vector<1x16xf32>,
        %get3A_1020 = vector.shape_cast %get3A_1019 : vector<1x16xf32> to vector<16xf32>
        %add3A_1021 = arith.addf %add3A_963, %get3A_1020 : vector<16xf32>
        %add3A_1022 = arith.constant 51 : i32
        %add3A_1023 = arith.addi %add3A_1022, %scan3A_986 : i32
        %get3A_1024 = arith.index_cast %add3A_1023 : i32 to index
        %get3A_1025 = arith.constant 80 : index
        %get3A_1026 = tpu.vector_load %arg8[%get3A_1024, %get3A_1025] {strides = array<i32>} : memref<100x128xf32, #tpu.memory_space<vmem>>, vector<1x16xf32>,
        %get3A_1027 = vector.shape_cast %get3A_1026 : vector<1x16xf32> to vector<16xf32>
        %add3A_1028 = arith.addf %add3A_970, %get3A_1027 : vector<16xf32>
        %add3A_1029 = arith.constant 51 : i32
        %add3A_1030 = arith.addi %add3A_1029, %scan3A_986 : i32
        %get3A_1031 = arith.index_cast %add3A_1030 : i32 to index
        %get3A_1032 = arith.constant 96 : index
        %get3A_1033 = tpu.vector_load %arg8[%get3A_1031, %get3A_1032] {strides = array<i32>} : memref<100x128xf32, #tpu.memory_space<vmem>>, vector<1x16xf32>,
        %get3A_1034 = vector.shape_cast %get3A_1033 : vector<1x16xf32> to vector<16xf32>
        %add3A_1035 = arith.addf %add3A_977, %get3A_1034 : vector<16xf32>
        %add3A_1036 = arith.constant 51 : i32
        %add3A_1037 = arith.addi %add3A_1036, %scan3A_986 : i32
        %get3A_1038 = arith.index_cast %add3A_1037 : i32 to index
        %get3A_1039 = arith.constant 112 : index
        %get3A_1040 = tpu.vector_load %arg8[%get3A_1038, %get3A_1039] {strides = array<i32>} : memref<100x128xf32, #tpu.memory_space<vmem>>, vector<1x16xf32>,
        %get3A_1041 = vector.shape_cast %get3A_1040 : vector<1x16xf32> to vector<16xf32>
        %add3A_1042 = arith.addf %add3A_984, %get3A_1041 : vector<16xf32>
        %scan3A_1043 = arith.constant 2 : i32
        %scan3A_1044 = arith.addi %scan3A_920, %scan3A_1043 : i32
        %add3A_1045 = arith.constant 51 : i32
        %add3A_1046 = arith.addi %add3A_1045, %scan3A_1044 : i32
        %get3A_1047 = arith.index_cast %add3A_1046 : i32 to index
        %get3A_1048 = arith.constant 0 : index
        %get3A_1049 = tpu.vector_load %arg8[%get3A_1047, %get3A_1048] {strides = array<i32>} : memref<100x128xf32, #tpu.memory_space<vmem>>, vector<1x16xf32>,
        %get3A_1050 = vector.shape_cast %get3A_1049 : vector<1x16xf32> to vector<16xf32>
        %add3A_1051 = arith.addf %add3A_993, %get3A_1050 : vector<16xf32>
        %add3A_1052 = arith.constant 51 : i32
        %add3A_1053 = arith.addi %add3A_1052, %scan3A_1044 : i32
        %get3A_1054 = arith.index_cast %add3A_1053 : i32 to index
        %get3A_1055 = arith.constant 16 : index
        %get3A_1056 = tpu.vector_load %arg8[%get3A_1054, %get3A_1055] {strides = array<i32>} : memref<100x128xf32, #tpu.memory_space<vmem>>, vector<1x16xf32>,
        %get3A_1057 = vector.shape_cast %get3A_1056 : vector<1x16xf32> to vector<16xf32>
        %add3A_1058 = arith.addf %add3A_1000, %get3A_1057 : vector<16xf32>
        %add3A_1059 = arith.constant 51 : i32
        %add3A_1060 = arith.addi %add3A_1059, %scan3A_1044 : i32
        %get3A_1061 = arith.index_cast %add3A_1060 : i32 to index
        %get3A_1062 = arith.constant 32 : index
        %get3A_1063 = tpu.vector_load %arg8[%get3A_1061, %get3A_1062] {strides = array<i32>} : memref<100x128xf32, #tpu.memory_space<vmem>>, vector<1x16xf32>,
        %get3A_1064 = vector.shape_cast %get3A_1063 : vector<1x16xf32> to vector<16xf32>
        %add3A_1065 = arith.addf %add3A_1007, %get3A_1064 : vector<16xf32>
        %add3A_1066 = arith.constant 51 : i32
        %add3A_1067 = arith.addi %add3A_1066, %scan3A_1044 : i32
        %get3A_1068 = arith.index_cast %add3A_1067 : i32 to index
        %get3A_1069 = arith.constant 48 : index
        %get3A_1070 = tpu.vector_load %arg8[%get3A_1068, %get3A_1069] {strides = array<i32>} : memref<100x128xf32, #tpu.memory_space<vmem>>, vector<1x16xf32>,
        %get3A_1071 = vector.shape_cast %get3A_1070 : vector<1x16xf32> to vector<16xf32>
        %add3A_1072 = arith.addf %add3A_1014, %get3A_1071 : vector<16xf32>
        %add3A_1073 = arith.constant 51 : i32
        %add3A_1074 = arith.addi %add3A_1073, %scan3A_1044 : i32
        %get3A_1075 = arith.index_cast %add3A_1074 : i32 to index
        %get3A_1076 = arith.constant 64 : index
        %get3A_1077 = tpu.vector_load %arg8[%get3A_1075, %get3A_1076] {strides = array<i32>} : memref<100x128xf32, #tpu.memory_space<vmem>>, vector<1x16xf32>,
        %get3A_1078 = vector.shape_cast %get3A_1077 : vector<1x16xf32> to vector<16xf32>
        %add3A_1079 = arith.addf %add3A_1021, %get3A_1078 : vector<16xf32>
        %add3A_1080 = arith.constant 51 : i32
        %add3A_1081 = arith.addi %add3A_1080, %scan3A_1044 : i32
        %get3A_1082 = arith.index_cast %add3A_1081 : i32 to index
        %get3A_1083 = arith.constant 80 : index
        %get3A_1084 = tpu.vector_load %arg8[%get3A_1082, %get3A_1083] {strides = array<i32>} : memref<100x128xf32, #tpu.memory_space<vmem>>, vector<1x16xf32>,
        %get3A_1085 = vector.shape_cast %get3A_1084 : vector<1x16xf32> to vector<16xf32>
        %add3A_1086 = arith.addf %add3A_1028, %get3A_1085 : vector<16xf32>
        %add3A_1087 = arith.constant 51 : i32
        %add3A_1088 = arith.addi %add3A_1087, %scan3A_1044 : i32
        %get3A_1089 = arith.index_cast %add3A_1088 : i32 to index
        %get3A_1090 = arith.constant 96 : index
        %get3A_1091 = tpu.vector_load %arg8[%get3A_1089, %get3A_1090] {strides = array<i32>} : memref<100x128xf32, #tpu.memory_space<vmem>>, vector<1x16xf32>,
        %get3A_1092 = vector.shape_cast %get3A_1091 : vector<1x16xf32> to vector<16xf32>
        %add3A_1093 = arith.addf %add3A_1035, %get3A_1092 : vector<16xf32>
        %add3A_1094 = arith.constant 51 : i32
        %add3A_1095 = arith.addi %add3A_1094, %scan3A_1044 : i32
        %get3A_1096 = arith.index_cast %add3A_1095 : i32 to index
        %get3A_1097 = arith.constant 112 : index
        %get3A_1098 = tpu.vector_load %arg8[%get3A_1096, %get3A_1097] {strides = array<i32>} : memref<100x128xf32, #tpu.memory_space<vmem>>, vector<1x16xf32>,
        %get3A_1099 = vector.shape_cast %get3A_1098 : vector<1x16xf32> to vector<16xf32>
        %add3A_1100 = arith.addf %add3A_1042, %get3A_1099 : vector<16xf32>
        %scan3A_1101 = arith.constant 3 : i32
        %scan3A_1102 = arith.addi %scan3A_920, %scan3A_1101 : i32
        %add3A_1103 = arith.constant 51 : i32
        %add3A_1104 = arith.addi %add3A_1103, %scan3A_1102 : i32
        %get3A_1105 = arith.index_cast %add3A_1104 : i32 to index
        %get3A_1106 = arith.constant 0 : index
        %get3A_1107 = tpu.vector_load %arg8[%get3A_1105, %get3A_1106] {strides = array<i32>} : memref<100x128xf32, #tpu.memory_space<vmem>>, vector<1x16xf32>,
        %get3A_1108 = vector.shape_cast %get3A_1107 : vector<1x16xf32> to vector<16xf32>
        %add3A_1109 = arith.addf %add3A_1051, %get3A_1108 : vector<16xf32>
        %add3A_1110 = arith.constant 51 : i32
        %add3A_1111 = arith.addi %add3A_1110, %scan3A_1102 : i32
        %get3A_1112 = arith.index_cast %add3A_1111 : i32 to index
        %get3A_1113 = arith.constant 16 : index
        %get3A_1114 = tpu.vector_load %arg8[%get3A_1112, %get3A_1113] {strides = array<i32>} : memref<100x128xf32, #tpu.memory_space<vmem>>, vector<1x16xf32>,
        %get3A_1115 = vector.shape_cast %get3A_1114 : vector<1x16xf32> to vector<16xf32>
        %add3A_1116 = arith.addf %add3A_1058, %get3A_1115 : vector<16xf32>
        %add3A_1117 = arith.constant 51 : i32
        %add3A_1118 = arith.addi %add3A_1117, %scan3A_1102 : i32
        %get3A_1119 = arith.index_cast %add3A_1118 : i32 to index
        %get3A_1120 = arith.constant 32 : index
        %get3A_1121 = tpu.vector_load %arg8[%get3A_1119, %get3A_1120] {strides = array<i32>} : memref<100x128xf32, #tpu.memory_space<vmem>>, vector<1x16xf32>,
        %get3A_1122 = vector.shape_cast %get3A_1121 : vector<1x16xf32> to vector<16xf32>
        %add3A_1123 = arith.addf %add3A_1065, %get3A_1122 : vector<16xf32>
        %add3A_1124 = arith.constant 51 : i32
        %add3A_1125 = arith.addi %add3A_1124, %scan3A_1102 : i32
        %get3A_1126 = arith.index_cast %add3A_1125 : i32 to index
        %get3A_1127 = arith.constant 48 : index
        %get3A_1128 = tpu.vector_load %arg8[%get3A_1126, %get3A_1127] {strides = array<i32>} : memref<100x128xf32, #tpu.memory_space<vmem>>, vector<1x16xf32>,
        %get3A_1129 = vector.shape_cast %get3A_1128 : vector<1x16xf32> to vector<16xf32>
        %add3A_1130 = arith.addf %add3A_1072, %get3A_1129 : vector<16xf32>
        %add3A_1131 = arith.constant 51 : i32
        %add3A_1132 = arith.addi %add3A_1131, %scan3A_1102 : i32
        %get3A_1133 = arith.index_cast %add3A_1132 : i32 to index
        %get3A_1134 = arith.constant 64 : index
        %get3A_1135 = tpu.vector_load %arg8[%get3A_1133, %get3A_1134] {strides = array<i32>} : memref<100x128xf32, #tpu.memory_space<vmem>>, vector<1x16xf32>,
        %get3A_1136 = vector.shape_cast %get3A_1135 : vector<1x16xf32> to vector<16xf32>
        %add3A_1137 = arith.addf %add3A_1079, %get3A_1136 : vector<16xf32>
        %add3A_1138 = arith.constant 51 : i32
        %add3A_1139 = arith.addi %add3A_1138, %scan3A_1102 : i32
        %get3A_1140 = arith.index_cast %add3A_1139 : i32 to index
        %get3A_1141 = arith.constant 80 : index
        %get3A_1142 = tpu.vector_load %arg8[%get3A_1140, %get3A_1141] {strides = array<i32>} : memref<100x128xf32, #tpu.memory_space<vmem>>, vector<1x16xf32>,
        %get3A_1143 = vector.shape_cast %get3A_1142 : vector<1x16xf32> to vector<16xf32>
        %add3A_1144 = arith.addf %add3A_1086, %get3A_1143 : vector<16xf32>
        %add3A_1145 = arith.constant 51 : i32
        %add3A_1146 = arith.addi %add3A_1145, %scan3A_1102 : i32
        %get3A_1147 = arith.index_cast %add3A_1146 : i32 to index
        %get3A_1148 = arith.constant 96 : index
        %get3A_1149 = tpu.vector_load %arg8[%get3A_1147, %get3A_1148] {strides = array<i32>} : memref<100x128xf32, #tpu.memory_space<vmem>>, vector<1x16xf32>,
        %get3A_1150 = vector.shape_cast %get3A_1149 : vector<1x16xf32> to vector<16xf32>
        %add3A_1151 = arith.addf %add3A_1093, %get3A_1150 : vector<16xf32>
        %add3A_1152 = arith.constant 51 : i32
        %add3A_1153 = arith.addi %add3A_1152, %scan3A_1102 : i32
        %get3A_1154 = arith.index_cast %add3A_1153 : i32 to index
        %get3A_1155 = arith.constant 112 : index
        %get3A_1156 = tpu.vector_load %arg8[%get3A_1154, %get3A_1155] {strides = array<i32>} : memref<100x128xf32, #tpu.memory_space<vmem>>, vector<1x16xf32>,
        %get3A_1157 = vector.shape_cast %get3A_1156 : vector<1x16xf32> to vector<16xf32>
        %add3A_1158 = arith.addf %add3A_1100, %get3A_1157 : vector<16xf32>
        %scan3A_1159 = arith.constant 4 : i32
        %scan3A_1160 = arith.addi %scan3A_920, %scan3A_1159 : i32
        %add3A_1161 = arith.constant 51 : i32
        %add3A_1162 = arith.addi %add3A_1161, %scan3A_1160 : i32
        %get3A_1163 = arith.index_cast %add3A_1162 : i32 to index
        %get3A_1164 = arith.constant 0 : index
        %get3A_1165 = tpu.vector_load %arg8[%get3A_1163, %get3A_1164] {strides = array<i32>} : memref<100x128xf32, #tpu.memory_space<vmem>>, vector<1x16xf32>,
        %get3A_1166 = vector.shape_cast %get3A_1165 : vector<1x16xf32> to vector<16xf32>
        %add3A_1167 = arith.addf %add3A_1109, %get3A_1166 : vector<16xf32>
        %add3A_1168 = arith.constant 51 : i32
        %add3A_1169 = arith.addi %add3A_1168, %scan3A_1160 : i32
        %get3A_1170 = arith.index_cast %add3A_1169 : i32 to index
        %get3A_1171 = arith.constant 16 : index
        %get3A_1172 = tpu.vector_load %arg8[%get3A_1170, %get3A_1171] {strides = array<i32>} : memref<100x128xf32, #tpu.memory_space<vmem>>, vector<1x16xf32>,
        %get3A_1173 = vector.shape_cast %get3A_1172 : vector<1x16xf32> to vector<16xf32>
        %add3A_1174 = arith.addf %add3A_1116, %get3A_1173 : vector<16xf32>
        %add3A_1175 = arith.constant 51 : i32
        %add3A_1176 = arith.addi %add3A_1175, %scan3A_1160 : i32
        %get3A_1177 = arith.index_cast %add3A_1176 : i32 to index
        %get3A_1178 = arith.constant 32 : index
        %get3A_1179 = tpu.vector_load %arg8[%get3A_1177, %get3A_1178] {strides = array<i32>} : memref<100x128xf32, #tpu.memory_space<vmem>>, vector<1x16xf32>,
        %get3A_1180 = vector.shape_cast %get3A_1179 : vector<1x16xf32> to vector<16xf32>
        %add3A_1181 = arith.addf %add3A_1123, %get3A_1180 : vector<16xf32>
        %add3A_1182 = arith.constant 51 : i32
        %add3A_1183 = arith.addi %add3A_1182, %scan3A_1160 : i32
        %get3A_1184 = arith.index_cast %add3A_1183 : i32 to index
        %get3A_1185 = arith.constant 48 : index
        %get3A_1186 = tpu.vector_load %arg8[%get3A_1184, %get3A_1185] {strides = array<i32>} : memref<100x128xf32, #tpu.memory_space<vmem>>, vector<1x16xf32>,
        %get3A_1187 = vector.shape_cast %get3A_1186 : vector<1x16xf32> to vector<16xf32>
        %add3A_1188 = arith.addf %add3A_1130, %get3A_1187 : vector<16xf32>
        %add3A_1189 = arith.constant 51 : i32
        %add3A_1190 = arith.addi %add3A_1189, %scan3A_1160 : i32
        %get3A_1191 = arith.index_cast %add3A_1190 : i32 to index
        %get3A_1192 = arith.constant 64 : index
        %get3A_1193 = tpu.vector_load %arg8[%get3A_1191, %get3A_1192] {strides = array<i32>} : memref<100x128xf32, #tpu.memory_space<vmem>>, vector<1x16xf32>,
        %get3A_1194 = vector.shape_cast %get3A_1193 : vector<1x16xf32> to vector<16xf32>
        %add3A_1195 = arith.addf %add3A_1137, %get3A_1194 : vector<16xf32>
        %add3A_1196 = arith.constant 51 : i32
        %add3A_1197 = arith.addi %add3A_1196, %scan3A_1160 : i32
        %get3A_1198 = arith.index_cast %add3A_1197 : i32 to index
        %get3A_1199 = arith.constant 80 : index
        %get3A_1200 = tpu.vector_load %arg8[%get3A_1198, %get3A_1199] {strides = array<i32>} : memref<100x128xf32, #tpu.memory_space<vmem>>, vector<1x16xf32>,
        %get3A_1201 = vector.shape_cast %get3A_1200 : vector<1x16xf32> to vector<16xf32>
        %add3A_1202 = arith.addf %add3A_1144, %get3A_1201 : vector<16xf32>
        %add3A_1203 = arith.constant 51 : i32
        %add3A_1204 = arith.addi %add3A_1203, %scan3A_1160 : i32
        %get3A_1205 = arith.index_cast %add3A_1204 : i32 to index
        %get3A_1206 = arith.constant 96 : index
        %get3A_1207 = tpu.vector_load %arg8[%get3A_1205, %get3A_1206] {strides = array<i32>} : memref<100x128xf32, #tpu.memory_space<vmem>>, vector<1x16xf32>,
        %get3A_1208 = vector.shape_cast %get3A_1207 : vector<1x16xf32> to vector<16xf32>
        %add3A_1209 = arith.addf %add3A_1151, %get3A_1208 : vector<16xf32>
        %add3A_1210 = arith.constant 51 : i32
        %add3A_1211 = arith.addi %add3A_1210, %scan3A_1160 : i32
        %get3A_1212 = arith.index_cast %add3A_1211 : i32 to index
        %get3A_1213 = arith.constant 112 : index
        %get3A_1214 = tpu.vector_load %arg8[%get3A_1212, %get3A_1213] {strides = array<i32>} : memref<100x128xf32, #tpu.memory_space<vmem>>, vector<1x16xf32>,
        %get3A_1215 = vector.shape_cast %get3A_1214 : vector<1x16xf32> to vector<16xf32>
        %add3A_1216 = arith.addf %add3A_1158, %get3A_1215 : vector<16xf32>
        %scan3A_1217 = arith.constant 5 : i32
        %scan3A_1218 = arith.addi %scan3A_920, %scan3A_1217 : i32
        %add3A_1219 = arith.constant 51 : i32
        %add3A_1220 = arith.addi %add3A_1219, %scan3A_1218 : i32
        %get3A_1221 = arith.index_cast %add3A_1220 : i32 to index
        %get3A_1222 = arith.constant 0 : index
        %get3A_1223 = tpu.vector_load %arg8[%get3A_1221, %get3A_1222] {strides = array<i32>} : memref<100x128xf32, #tpu.memory_space<vmem>>, vector<1x16xf32>,
        %get3A_1224 = vector.shape_cast %get3A_1223 : vector<1x16xf32> to vector<16xf32>
        %add3A_1225 = arith.addf %add3A_1167, %get3A_1224 : vector<16xf32>
        %add3A_1226 = arith.constant 51 : i32
        %add3A_1227 = arith.addi %add3A_1226, %scan3A_1218 : i32
        %get3A_1228 = arith.index_cast %add3A_1227 : i32 to index
        %get3A_1229 = arith.constant 16 : index
        %get3A_1230 = tpu.vector_load %arg8[%get3A_1228, %get3A_1229] {strides = array<i32>} : memref<100x128xf32, #tpu.memory_space<vmem>>, vector<1x16xf32>,
        %get3A_1231 = vector.shape_cast %get3A_1230 : vector<1x16xf32> to vector<16xf32>
        %add3A_1232 = arith.addf %add3A_1174, %get3A_1231 : vector<16xf32>
        %add3A_1233 = arith.constant 51 : i32
        %add3A_1234 = arith.addi %add3A_1233, %scan3A_1218 : i32
        %get3A_1235 = arith.index_cast %add3A_1234 : i32 to index
        %get3A_1236 = arith.constant 32 : index
        %get3A_1237 = tpu.vector_load %arg8[%get3A_1235, %get3A_1236] {strides = array<i32>} : memref<100x128xf32, #tpu.memory_space<vmem>>, vector<1x16xf32>,
        %get3A_1238 = vector.shape_cast %get3A_1237 : vector<1x16xf32> to vector<16xf32>
        %add3A_1239 = arith.addf %add3A_1181, %get3A_1238 : vector<16xf32>
        %add3A_1240 = arith.constant 51 : i32
        %add3A_1241 = arith.addi %add3A_1240, %scan3A_1218 : i32
        %get3A_1242 = arith.index_cast %add3A_1241 : i32 to index
        %get3A_1243 = arith.constant 48 : index
        %get3A_1244 = tpu.vector_load %arg8[%get3A_1242, %get3A_1243] {strides = array<i32>} : memref<100x128xf32, #tpu.memory_space<vmem>>, vector<1x16xf32>,
        %get3A_1245 = vector.shape_cast %get3A_1244 : vector<1x16xf32> to vector<16xf32>
        %add3A_1246 = arith.addf %add3A_1188, %get3A_1245 : vector<16xf32>
        %add3A_1247 = arith.constant 51 : i32
        %add3A_1248 = arith.addi %add3A_1247, %scan3A_1218 : i32
        %get3A_1249 = arith.index_cast %add3A_1248 : i32 to index
        %get3A_1250 = arith.constant 64 : index
        %get3A_1251 = tpu.vector_load %arg8[%get3A_1249, %get3A_1250] {strides = array<i32>} : memref<100x128xf32, #tpu.memory_space<vmem>>, vector<1x16xf32>,
        %get3A_1252 = vector.shape_cast %get3A_1251 : vector<1x16xf32> to vector<16xf32>
        %add3A_1253 = arith.addf %add3A_1195, %get3A_1252 : vector<16xf32>
        %add3A_1254 = arith.constant 51 : i32
        %add3A_1255 = arith.addi %add3A_1254, %scan3A_1218 : i32
        %get3A_1256 = arith.index_cast %add3A_1255 : i32 to index
        %get3A_1257 = arith.constant 80 : index
        %get3A_1258 = tpu.vector_load %arg8[%get3A_1256, %get3A_1257] {strides = array<i32>} : memref<100x128xf32, #tpu.memory_space<vmem>>, vector<1x16xf32>,
        %get3A_1259 = vector.shape_cast %get3A_1258 : vector<1x16xf32> to vector<16xf32>
        %add3A_1260 = arith.addf %add3A_1202, %get3A_1259 : vector<16xf32>
        %add3A_1261 = arith.constant 51 : i32
        %add3A_1262 = arith.addi %add3A_1261, %scan3A_1218 : i32
        %get3A_1263 = arith.index_cast %add3A_1262 : i32 to index
        %get3A_1264 = arith.constant 96 : index
        %get3A_1265 = tpu.vector_load %arg8[%get3A_1263, %get3A_1264] {strides = array<i32>} : memref<100x128xf32, #tpu.memory_space<vmem>>, vector<1x16xf32>,
        %get3A_1266 = vector.shape_cast %get3A_1265 : vector<1x16xf32> to vector<16xf32>
        %add3A_1267 = arith.addf %add3A_1209, %get3A_1266 : vector<16xf32>
        %add3A_1268 = arith.constant 51 : i32
        %add3A_1269 = arith.addi %add3A_1268, %scan3A_1218 : i32
        %get3A_1270 = arith.index_cast %add3A_1269 : i32 to index
        %get3A_1271 = arith.constant 112 : index
        %get3A_1272 = tpu.vector_load %arg8[%get3A_1270, %get3A_1271] {strides = array<i32>} : memref<100x128xf32, #tpu.memory_space<vmem>>, vector<1x16xf32>,
        %get3A_1273 = vector.shape_cast %get3A_1272 : vector<1x16xf32> to vector<16xf32>
        %add3A_1274 = arith.addf %add3A_1216, %get3A_1273 : vector<16xf32>
        %scan3A_1275 = arith.constant 6 : i32
        %scan3A_1276 = arith.addi %scan3A_920, %scan3A_1275 : i32
        %add3A_1277 = arith.constant 51 : i32
        %add3A_1278 = arith.addi %add3A_1277, %scan3A_1276 : i32
        %get3A_1279 = arith.index_cast %add3A_1278 : i32 to index
        %get3A_1280 = arith.constant 0 : index
        %get3A_1281 = tpu.vector_load %arg8[%get3A_1279, %get3A_1280] {strides = array<i32>} : memref<100x128xf32, #tpu.memory_space<vmem>>, vector<1x16xf32>,
        %get3A_1282 = vector.shape_cast %get3A_1281 : vector<1x16xf32> to vector<16xf32>
        %add3A_1283 = arith.addf %add3A_1225, %get3A_1282 : vector<16xf32>
        %add3A_1284 = arith.constant 51 : i32
        %add3A_1285 = arith.addi %add3A_1284, %scan3A_1276 : i32
        %get3A_1286 = arith.index_cast %add3A_1285 : i32 to index
        %get3A_1287 = arith.constant 16 : index
        %get3A_1288 = tpu.vector_load %arg8[%get3A_1286, %get3A_1287] {strides = array<i32>} : memref<100x128xf32, #tpu.memory_space<vmem>>, vector<1x16xf32>,
        %get3A_1289 = vector.shape_cast %get3A_1288 : vector<1x16xf32> to vector<16xf32>
        %add3A_1290 = arith.addf %add3A_1232, %get3A_1289 : vector<16xf32>
        %add3A_1291 = arith.constant 51 : i32
        %add3A_1292 = arith.addi %add3A_1291, %scan3A_1276 : i32
        %get3A_1293 = arith.index_cast %add3A_1292 : i32 to index
        %get3A_1294 = arith.constant 32 : index
        %get3A_1295 = tpu.vector_load %arg8[%get3A_1293, %get3A_1294] {strides = array<i32>} : memref<100x128xf32, #tpu.memory_space<vmem>>, vector<1x16xf32>,
        %get3A_1296 = vector.shape_cast %get3A_1295 : vector<1x16xf32> to vector<16xf32>
        %add3A_1297 = arith.addf %add3A_1239, %get3A_1296 : vector<16xf32>
        %add3A_1298 = arith.constant 51 : i32
        %add3A_1299 = arith.addi %add3A_1298, %scan3A_1276 : i32
        %get3A_1300 = arith.index_cast %add3A_1299 : i32 to index
        %get3A_1301 = arith.constant 48 : index
        %get3A_1302 = tpu.vector_load %arg8[%get3A_1300, %get3A_1301] {strides = array<i32>} : memref<100x128xf32, #tpu.memory_space<vmem>>, vector<1x16xf32>,
        %get3A_1303 = vector.shape_cast %get3A_1302 : vector<1x16xf32> to vector<16xf32>
        %add3A_1304 = arith.addf %add3A_1246, %get3A_1303 : vector<16xf32>
        %add3A_1305 = arith.constant 51 : i32
        %add3A_1306 = arith.addi %add3A_1305, %scan3A_1276 : i32
        %get3A_1307 = arith.index_cast %add3A_1306 : i32 to index
        %get3A_1308 = arith.constant 64 : index
        %get3A_1309 = tpu.vector_load %arg8[%get3A_1307, %get3A_1308] {strides = array<i32>} : memref<100x128xf32, #tpu.memory_space<vmem>>, vector<1x16xf32>,
        %get3A_1310 = vector.shape_cast %get3A_1309 : vector<1x16xf32> to vector<16xf32>
        %add3A_1311 = arith.addf %add3A_1253, %get3A_1310 : vector<16xf32>
        %add3A_1312 = arith.constant 51 : i32
        %add3A_1313 = arith.addi %add3A_1312, %scan3A_1276 : i32
        %get3A_1314 = arith.index_cast %add3A_1313 : i32 to index
        %get3A_1315 = arith.constant 80 : index
        %get3A_1316 = tpu.vector_load %arg8[%get3A_1314, %get3A_1315] {strides = array<i32>} : memref<100x128xf32, #tpu.memory_space<vmem>>, vector<1x16xf32>,
        %get3A_1317 = vector.shape_cast %get3A_1316 : vector<1x16xf32> to vector<16xf32>
        %add3A_1318 = arith.addf %add3A_1260, %get3A_1317 : vector<16xf32>
        %add3A_1319 = arith.constant 51 : i32
        %add3A_1320 = arith.addi %add3A_1319, %scan3A_1276 : i32
        %get3A_1321 = arith.index_cast %add3A_1320 : i32 to index
        %get3A_1322 = arith.constant 96 : index
        %get3A_1323 = tpu.vector_load %arg8[%get3A_1321, %get3A_1322] {strides = array<i32>} : memref<100x128xf32, #tpu.memory_space<vmem>>, vector<1x16xf32>,
        %get3A_1324 = vector.shape_cast %get3A_1323 : vector<1x16xf32> to vector<16xf32>
        %add3A_1325 = arith.addf %add3A_1267, %get3A_1324 : vector<16xf32>
        %add3A_1326 = arith.constant 51 : i32
        %add3A_1327 = arith.addi %add3A_1326, %scan3A_1276 : i32
        %get3A_1328 = arith.index_cast %add3A_1327 : i32 to index
        %get3A_1329 = arith.constant 112 : index
        %get3A_1330 = tpu.vector_load %arg8[%get3A_1328, %get3A_1329] {strides = array<i32>} : memref<100x128xf32, #tpu.memory_space<vmem>>, vector<1x16xf32>,
        %get3A_1331 = vector.shape_cast %get3A_1330 : vector<1x16xf32> to vector<16xf32>
        %add3A_1332 = arith.addf %add3A_1274, %get3A_1331 : vector<16xf32>
        scf.yield %add3A_1283, %add3A_1290, %add3A_1297, %add3A_1304, %add3A_1311, %add3A_1318, %add3A_1325, %add3A_1332 : vector<16xf32>, vector<16xf32>, vector<16xf32>, vector<16xf32>, vector<16xf32>, vector<16xf32>, vector<16xf32>, vector<16xf32>
      }
      %scan3A_638 = arith.constant 49 : i32
      %add3A_639 = arith.constant 1 : i32
      %add3A_640 = arith.addi %mul3A_490, %add3A_639 : i32
      %swap3A_641 = arith.index_cast %add3A_640 : i32 to index
      %swap3A_642 = arith.constant 0 : index
      %swap3A_643 = tpu.vector_load %arg10[%swap3A_641, %swap3A_642] {strides = array<i32>} : memref<128x128xf32, #tpu.memory_space<vmem>>, vector<1x16xf32>,
      %swap3A_644 = vector.shape_cast %swap3A_643 : vector<1x16xf32> to vector<16xf32>
      %swap3A_645 = vector.shape_cast %scan3A_637#0 : vector<16xf32> to vector<1x16xf32>
      tpu.vector_store %arg10[%swap3A_641, %swap3A_642], %swap3A_645 {strides = array<i32>} : memref<128x128xf32, #tpu.memory_space<vmem>>, vector<1x16xf32>,
      %add3A_646 = arith.constant 1 : i32
      %add3A_647 = arith.addi %mul3A_490, %add3A_646 : i32
      %swap3A_648 = arith.index_cast %add3A_647 : i32 to index
      %swap3A_649 = arith.constant 16 : index
      %swap3A_650 = tpu.vector_load %arg10[%swap3A_648, %swap3A_649] {strides = array<i32>} : memref<128x128xf32, #tpu.memory_space<vmem>>, vector<1x16xf32>,
      %swap3A_651 = vector.shape_cast %swap3A_650 : vector<1x16xf32> to vector<16xf32>
      %swap3A_652 = vector.shape_cast %scan3A_637#1 : vector<16xf32> to vector<1x16xf32>
      tpu.vector_store %arg10[%swap3A_648, %swap3A_649], %swap3A_652 {strides = array<i32>} : memref<128x128xf32, #tpu.memory_space<vmem>>, vector<1x16xf32>,
      %add3A_653 = arith.constant 1 : i32
      %add3A_654 = arith.addi %mul3A_490, %add3A_653 : i32
      %swap3A_655 = arith.index_cast %add3A_654 : i32 to index
      %swap3A_656 = arith.constant 32 : index
      %swap3A_657 = tpu.vector_load %arg10[%swap3A_655, %swap3A_656] {strides = array<i32>} : memref<128x128xf32, #tpu.memory_space<vmem>>, vector<1x16xf32>,
      %swap3A_658 = vector.shape_cast %swap3A_657 : vector<1x16xf32> to vector<16xf32>
      %swap3A_659 = vector.shape_cast %scan3A_637#2 : vector<16xf32> to vector<1x16xf32>
      tpu.vector_store %arg10[%swap3A_655, %swap3A_656], %swap3A_659 {strides = array<i32>} : memref<128x128xf32, #tpu.memory_space<vmem>>, vector<1x16xf32>,
      %add3A_660 = arith.constant 1 : i32
      %add3A_661 = arith.addi %mul3A_490, %add3A_660 : i32
      %swap3A_662 = arith.index_cast %add3A_661 : i32 to index
      %swap3A_663 = arith.constant 48 : index
      %swap3A_664 = tpu.vector_load %arg10[%swap3A_662, %swap3A_663] {strides = array<i32>} : memref<128x128xf32, #tpu.memory_space<vmem>>, vector<1x16xf32>,
      %swap3A_665 = vector.shape_cast %swap3A_664 : vector<1x16xf32> to vector<16xf32>
      %swap3A_666 = vector.shape_cast %scan3A_637#3 : vector<16xf32> to vector<1x16xf32>
      tpu.vector_store %arg10[%swap3A_662, %swap3A_663], %swap3A_666 {strides = array<i32>} : memref<128x128xf32, #tpu.memory_space<vmem>>, vector<1x16xf32>,
      %add3A_667 = arith.constant 1 : i32
      %add3A_668 = arith.addi %mul3A_490, %add3A_667 : i32
      %swap3A_669 = arith.index_cast %add3A_668 : i32 to index
      %swap3A_670 = arith.constant 64 : index
      %swap3A_671 = tpu.vector_load %arg10[%swap3A_669, %swap3A_670] {strides = array<i32>} : memref<128x128xf32, #tpu.memory_space<vmem>>, vector<1x16xf32>,
      %swap3A_672 = vector.shape_cast %swap3A_671 : vector<1x16xf32> to vector<16xf32>
      %swap3A_673 = vector.shape_cast %scan3A_637#4 : vector<16xf32> to vector<1x16xf32>
      tpu.vector_store %arg10[%swap3A_669, %swap3A_670], %swap3A_673 {strides = array<i32>} : memref<128x128xf32, #tpu.memory_space<vmem>>, vector<1x16xf32>,
      %add3A_674 = arith.constant 1 : i32
      %add3A_675 = arith.addi %mul3A_490, %add3A_674 : i32
      %swap3A_676 = arith.index_cast %add3A_675 : i32 to index
      %swap3A_677 = arith.constant 80 : index
      %swap3A_678 = tpu.vector_load %arg10[%swap3A_676, %swap3A_677] {strides = array<i32>} : memref<128x128xf32, #tpu.memory_space<vmem>>, vector<1x16xf32>,
      %swap3A_679 = vector.shape_cast %swap3A_678 : vector<1x16xf32> to vector<16xf32>
      %swap3A_680 = vector.shape_cast %scan3A_637#5 : vector<16xf32> to vector<1x16xf32>
      tpu.vector_store %arg10[%swap3A_676, %swap3A_677], %swap3A_680 {strides = array<i32>} : memref<128x128xf32, #tpu.memory_space<vmem>>, vector<1x16xf32>,
      %add3A_681 = arith.constant 1 : i32
      %add3A_682 = arith.addi %mul3A_490, %add3A_681 : i32
      %swap3A_683 = arith.index_cast %add3A_682 : i32 to index
      %swap3A_684 = arith.constant 96 : index
      %swap3A_685 = tpu.vector_load %arg10[%swap3A_683, %swap3A_684] {strides = array<i32>} : memref<128x128xf32, #tpu.memory_space<vmem>>, vector<1x16xf32>,
      %swap3A_686 = vector.shape_cast %swap3A_685 : vector<1x16xf32> to vector<16xf32>
      %swap3A_687 = vector.shape_cast %scan3A_637#6 : vector<16xf32> to vector<1x16xf32>
      tpu.vector_store %arg10[%swap3A_683, %swap3A_684], %swap3A_687 {strides = array<i32>} : memref<128x128xf32, #tpu.memory_space<vmem>>, vector<1x16xf32>,
      %add3A_688 = arith.constant 1 : i32
      %add3A_689 = arith.addi %mul3A_490, %add3A_688 : i32
      %swap3A_690 = arith.index_cast %add3A_689 : i32 to index
      %swap3A_691 = arith.constant 112 : index
      %swap3A_692 = tpu.vector_load %arg10[%swap3A_690, %swap3A_691] {strides = array<i32>} : memref<128x128xf32, #tpu.memory_space<vmem>>, vector<1x16xf32>,
      %swap3A_693 = vector.shape_cast %swap3A_692 : vector<1x16xf32> to vector<16xf32>
      %swap3A_694 = vector.shape_cast %scan3A_637#7 : vector<16xf32> to vector<1x16xf32>
      tpu.vector_store %arg10[%swap3A_690, %swap3A_691], %swap3A_694 {strides = array<i32>} : memref<128x128xf32, #tpu.memory_space<vmem>>, vector<1x16xf32>,
      %mul3A_695 = arith.constant 4 : i32
      %mul3A_696 = arith.muli %mul3A_695, %scan3A_26 : i32
      %add3A_697 = arith.constant 3 : i32
      %add3A_698 = arith.addi %mul3A_696, %add3A_697 : i32
      %add3A_699 = arith.constant 4 : i32
      %add3A_700 = arith.addi %add3A_698, %add3A_699 : i32
      %sub3A_701 = arith.constant 1 : i32
      %sub3A_702 = arith.subi %add3A_700, %sub3A_701 : i32
      %lt3A_703 = arith.constant 64 : i32
      %lt3A_704 = arith.cmpi slt, %sub3A_702, %lt3A_703 : i32
      %convert_element_type3A_705 = arith.extui %lt3A_704 : i1 to i32
      %cond3A_706 = arith.constant 0 : i32
      %cond3A_707 = arith.cmpi ne, %convert_element_type3A_705, %cond3A_706 : i32
      scf.if %cond3A_707 {
        %add3A_920 = arith.constant 4 : i32
        %add3A_921 = arith.addi %add3A_698, %add3A_920 : i32
        %sub3A_922 = arith.constant 1 : i32
        %sub3A_923 = arith.subi %add3A_921, %sub3A_922 : i32
        %dma_start3A_924 = arith.constant 0 : i32
        %dma_start3A_925 = tpu.memref_slice %arg5[%sub3A_923, %dma_start3A_924] : memref<64x100xi32, #tpu.memory_space<vmem>> -> memref<1x100xi32, #tpu.memory_space<vmem>>
        %dma_start3A_926 = tpu.memref_squeeze %dma_start3A_925 : memref<1x100xi32, #tpu.memory_space<vmem>> -> memref<100xi32, #tpu.memory_space<vmem>>
        %dma_start3A_927 = arith.constant 0 : i32
        %dma_start3A_928 = arith.constant 0 : i32
        %dma_start3A_929 = tpu.memref_slice %arg3[%dma_start3A_927, %dma_start3A_928] : memref<100000x128xf32, #tpu.memory_space<hbm>> -> memref<100000x128xf32, #tpu.memory_space<hbm>>
        tpu.enqueue_indirect_dma source(%dma_start3A_929 : memref<100000x128xf32, #tpu.memory_space<hbm>>) target(%arg8 : memref<100x128xf32, #tpu.memory_space<vmem>>) offsets(%dma_start3A_926 : memref<100xi32, #tpu.memory_space<vmem>>) semaphore(%arg13 : memref<!tpu.dma_semaphore, #tpu.memory_space<semaphore_mem>>)
      } else {
      }
      %dma_wait3A_708 = arith.constant 0 : i32
      %dma_wait3A_709 = tpu.memref_slice %arg5[%add3A_698, %dma_wait3A_708] : memref<64x100xi32, #tpu.memory_space<vmem>> -> memref<1x100xi32, #tpu.memory_space<vmem>>
      %dma_wait3A_710 = tpu.memref_squeeze %dma_wait3A_709 : memref<1x100xi32, #tpu.memory_space<vmem>> -> memref<100xi32, #tpu.memory_space<vmem>>
      %dma_wait3A_711 = arith.constant 0 : i32
      %dma_wait3A_712 = arith.constant 0 : i32
      %dma_wait3A_713 = tpu.memref_slice %arg3[%dma_wait3A_711, %dma_wait3A_712] : memref<100000x128xf32, #tpu.memory_space<hbm>> -> memref<100000x128xf32, #tpu.memory_space<hbm>>
      tpu.wait_indirect_dma semaphore(%arg14 : memref<!tpu.dma_semaphore, #tpu.memory_space<semaphore_mem>>) src(%dma_wait3A_713 : memref<100000x128xf32, #tpu.memory_space<hbm>>) dst(%arg9 : memref<100x128xf32, #tpu.memory_space<vmem>>)
      %mul3A_714 = arith.constant 2 : i32
      %mul3A_715 = arith.muli %mul3A_714, %add3A_698 : i32
      %get3A_716 = arith.constant 0 : i32
      %get3A_717 = arith.index_cast %get3A_716 : i32 to index
      %get3A_718 = arith.constant 0 : index
      %get3A_719 = tpu.vector_load %arg9[%get3A_717, %get3A_718] {strides = array<i32>} : memref<100x128xf32, #tpu.memory_space<vmem>>, vector<1x16xf32>,
      %get3A_720 = vector.shape_cast %get3A_719 : vector<1x16xf32> to vector<16xf32>
      %get3A_721 = arith.constant 0 : i32
      %get3A_722 = arith.index_cast %get3A_721 : i32 to index
      %get3A_723 = arith.constant 16 : index
      %get3A_724 = tpu.vector_load %arg9[%get3A_722, %get3A_723] {strides = array<i32>} : memref<100x128xf32, #tpu.memory_space<vmem>>, vector<1x16xf32>,
      %get3A_725 = vector.shape_cast %get3A_724 : vector<1x16xf32> to vector<16xf32>
      %get3A_726 = arith.constant 0 : i32
      %get3A_727 = arith.index_cast %get3A_726 : i32 to index
      %get3A_728 = arith.constant 32 : index
      %get3A_729 = tpu.vector_load %arg9[%get3A_727, %get3A_728] {strides = array<i32>} : memref<100x128xf32, #tpu.memory_space<vmem>>, vector<1x16xf32>,
      %get3A_730 = vector.shape_cast %get3A_729 : vector<1x16xf32> to vector<16xf32>
      %get3A_731 = arith.constant 0 : i32
      %get3A_732 = arith.index_cast %get3A_731 : i32 to index
      %get3A_733 = arith.constant 48 : index
      %get3A_734 = tpu.vector_load %arg9[%get3A_732, %get3A_733] {strides = array<i32>} : memref<100x128xf32, #tpu.memory_space<vmem>>, vector<1x16xf32>,
      %get3A_735 = vector.shape_cast %get3A_734 : vector<1x16xf32> to vector<16xf32>
      %get3A_736 = arith.constant 0 : i32
      %get3A_737 = arith.index_cast %get3A_736 : i32 to index
      %get3A_738 = arith.constant 64 : index
      %get3A_739 = tpu.vector_load %arg9[%get3A_737, %get3A_738] {strides = array<i32>} : memref<100x128xf32, #tpu.memory_space<vmem>>, vector<1x16xf32>,
      %get3A_740 = vector.shape_cast %get3A_739 : vector<1x16xf32> to vector<16xf32>
      %get3A_741 = arith.constant 0 : i32
      %get3A_742 = arith.index_cast %get3A_741 : i32 to index
      %get3A_743 = arith.constant 80 : index
      %get3A_744 = tpu.vector_load %arg9[%get3A_742, %get3A_743] {strides = array<i32>} : memref<100x128xf32, #tpu.memory_space<vmem>>, vector<1x16xf32>,
      %get3A_745 = vector.shape_cast %get3A_744 : vector<1x16xf32> to vector<16xf32>
      %get3A_746 = arith.constant 0 : i32
      %get3A_747 = arith.index_cast %get3A_746 : i32 to index
      %get3A_748 = arith.constant 96 : index
      %get3A_749 = tpu.vector_load %arg9[%get3A_747, %get3A_748] {strides = array<i32>} : memref<100x128xf32, #tpu.memory_space<vmem>>, vector<1x16xf32>,
      %get3A_750 = vector.shape_cast %get3A_749 : vector<1x16xf32> to vector<16xf32>
      %get3A_751 = arith.constant 0 : i32
      %get3A_752 = arith.index_cast %get3A_751 : i32 to index
      %get3A_753 = arith.constant 112 : index
      %get3A_754 = tpu.vector_load %arg9[%get3A_752, %get3A_753] {strides = array<i32>} : memref<100x128xf32, #tpu.memory_space<vmem>>, vector<1x16xf32>,
      %get3A_755 = vector.shape_cast %get3A_754 : vector<1x16xf32> to vector<16xf32>
      %scan3A_756 = arith.constant 0 : i32
      %scan3A_757 = arith.constant 49 : i32
      %scan3A_758 = arith.addi %scan3A_756, %scan3A_757 : i32
      %scan3A_759 = arith.constant 7 : i32
      %scan3A_760:8 = scf.for %scan3A_920 = %scan3A_756 to %scan3A_758 step %scan3A_759 iter_args(%scan3A_921 = %get3A_720, %scan3A_922 = %get3A_725, %scan3A_923 = %get3A_730, %scan3A_924 = %get3A_735, %scan3A_925 = %get3A_740, %scan3A_926 = %get3A_745, %scan3A_927 = %get3A_750, %scan3A_928 = %get3A_755) -> (vector<16xf32>, vector<16xf32>, vector<16xf32>, vector<16xf32>, vector<16xf32>, vector<16xf32>, vector<16xf32>, vector<16xf32>)  : i32 {
        %add3A_929 = arith.constant 1 : i32
        %add3A_930 = arith.addi %add3A_929, %scan3A_920 : i32
        %get3A_931 = arith.index_cast %add3A_930 : i32 to index
        %get3A_932 = arith.constant 0 : index
        %get3A_933 = tpu.vector_load %arg9[%get3A_931, %get3A_932] {strides = array<i32>} : memref<100x128xf32, #tpu.memory_space<vmem>>, vector<1x16xf32>,
        %get3A_934 = vector.shape_cast %get3A_933 : vector<1x16xf32> to vector<16xf32>
        %add3A_935 = arith.addf %scan3A_921, %get3A_934 : vector<16xf32>
        %add3A_936 = arith.constant 1 : i32
        %add3A_937 = arith.addi %add3A_936, %scan3A_920 : i32
        %get3A_938 = arith.index_cast %add3A_937 : i32 to index
        %get3A_939 = arith.constant 16 : index
        %get3A_940 = tpu.vector_load %arg9[%get3A_938, %get3A_939] {strides = array<i32>} : memref<100x128xf32, #tpu.memory_space<vmem>>, vector<1x16xf32>,
        %get3A_941 = vector.shape_cast %get3A_940 : vector<1x16xf32> to vector<16xf32>
        %add3A_942 = arith.addf %scan3A_922, %get3A_941 : vector<16xf32>
        %add3A_943 = arith.constant 1 : i32
        %add3A_944 = arith.addi %add3A_943, %scan3A_920 : i32
        %get3A_945 = arith.index_cast %add3A_944 : i32 to index
        %get3A_946 = arith.constant 32 : index
        %get3A_947 = tpu.vector_load %arg9[%get3A_945, %get3A_946] {strides = array<i32>} : memref<100x128xf32, #tpu.memory_space<vmem>>, vector<1x16xf32>,
        %get3A_948 = vector.shape_cast %get3A_947 : vector<1x16xf32> to vector<16xf32>
        %add3A_949 = arith.addf %scan3A_923, %get3A_948 : vector<16xf32>
        %add3A_950 = arith.constant 1 : i32
        %add3A_951 = arith.addi %add3A_950, %scan3A_920 : i32
        %get3A_952 = arith.index_cast %add3A_951 : i32 to index
        %get3A_953 = arith.constant 48 : index
        %get3A_954 = tpu.vector_load %arg9[%get3A_952, %get3A_953] {strides = array<i32>} : memref<100x128xf32, #tpu.memory_space<vmem>>, vector<1x16xf32>,
        %get3A_955 = vector.shape_cast %get3A_954 : vector<1x16xf32> to vector<16xf32>
        %add3A_956 = arith.addf %scan3A_924, %get3A_955 : vector<16xf32>
        %add3A_957 = arith.constant 1 : i32
        %add3A_958 = arith.addi %add3A_957, %scan3A_920 : i32
        %get3A_959 = arith.index_cast %add3A_958 : i32 to index
        %get3A_960 = arith.constant 64 : index
        %get3A_961 = tpu.vector_load %arg9[%get3A_959, %get3A_960] {strides = array<i32>} : memref<100x128xf32, #tpu.memory_space<vmem>>, vector<1x16xf32>,
        %get3A_962 = vector.shape_cast %get3A_961 : vector<1x16xf32> to vector<16xf32>
        %add3A_963 = arith.addf %scan3A_925, %get3A_962 : vector<16xf32>
        %add3A_964 = arith.constant 1 : i32
        %add3A_965 = arith.addi %add3A_964, %scan3A_920 : i32
        %get3A_966 = arith.index_cast %add3A_965 : i32 to index
        %get3A_967 = arith.constant 80 : index
        %get3A_968 = tpu.vector_load %arg9[%get3A_966, %get3A_967] {strides = array<i32>} : memref<100x128xf32, #tpu.memory_space<vmem>>, vector<1x16xf32>,
        %get3A_969 = vector.shape_cast %get3A_968 : vector<1x16xf32> to vector<16xf32>
        %add3A_970 = arith.addf %scan3A_926, %get3A_969 : vector<16xf32>
        %add3A_971 = arith.constant 1 : i32
        %add3A_972 = arith.addi %add3A_971, %scan3A_920 : i32
        %get3A_973 = arith.index_cast %add3A_972 : i32 to index
        %get3A_974 = arith.constant 96 : index
        %get3A_975 = tpu.vector_load %arg9[%get3A_973, %get3A_974] {strides = array<i32>} : memref<100x128xf32, #tpu.memory_space<vmem>>, vector<1x16xf32>,
        %get3A_976 = vector.shape_cast %get3A_975 : vector<1x16xf32> to vector<16xf32>
        %add3A_977 = arith.addf %scan3A_927, %get3A_976 : vector<16xf32>
        %add3A_978 = arith.constant 1 : i32
        %add3A_979 = arith.addi %add3A_978, %scan3A_920 : i32
        %get3A_980 = arith.index_cast %add3A_979 : i32 to index
        %get3A_981 = arith.constant 112 : index
        %get3A_982 = tpu.vector_load %arg9[%get3A_980, %get3A_981] {strides = array<i32>} : memref<100x128xf32, #tpu.memory_space<vmem>>, vector<1x16xf32>,
        %get3A_983 = vector.shape_cast %get3A_982 : vector<1x16xf32> to vector<16xf32>
        %add3A_984 = arith.addf %scan3A_928, %get3A_983 : vector<16xf32>
        %scan3A_985 = arith.constant 1 : i32
        %scan3A_986 = arith.addi %scan3A_920, %scan3A_985 : i32
        %add3A_987 = arith.constant 1 : i32
        %add3A_988 = arith.addi %add3A_987, %scan3A_986 : i32
        %get3A_989 = arith.index_cast %add3A_988 : i32 to index
        %get3A_990 = arith.constant 0 : index
        %get3A_991 = tpu.vector_load %arg9[%get3A_989, %get3A_990] {strides = array<i32>} : memref<100x128xf32, #tpu.memory_space<vmem>>, vector<1x16xf32>,
        %get3A_992 = vector.shape_cast %get3A_991 : vector<1x16xf32> to vector<16xf32>
        %add3A_993 = arith.addf %add3A_935, %get3A_992 : vector<16xf32>
        %add3A_994 = arith.constant 1 : i32
        %add3A_995 = arith.addi %add3A_994, %scan3A_986 : i32
        %get3A_996 = arith.index_cast %add3A_995 : i32 to index
        %get3A_997 = arith.constant 16 : index
        %get3A_998 = tpu.vector_load %arg9[%get3A_996, %get3A_997] {strides = array<i32>} : memref<100x128xf32, #tpu.memory_space<vmem>>, vector<1x16xf32>,
        %get3A_999 = vector.shape_cast %get3A_998 : vector<1x16xf32> to vector<16xf32>
        %add3A_1000 = arith.addf %add3A_942, %get3A_999 : vector<16xf32>
        %add3A_1001 = arith.constant 1 : i32
        %add3A_1002 = arith.addi %add3A_1001, %scan3A_986 : i32
        %get3A_1003 = arith.index_cast %add3A_1002 : i32 to index
        %get3A_1004 = arith.constant 32 : index
        %get3A_1005 = tpu.vector_load %arg9[%get3A_1003, %get3A_1004] {strides = array<i32>} : memref<100x128xf32, #tpu.memory_space<vmem>>, vector<1x16xf32>,
        %get3A_1006 = vector.shape_cast %get3A_1005 : vector<1x16xf32> to vector<16xf32>
        %add3A_1007 = arith.addf %add3A_949, %get3A_1006 : vector<16xf32>
        %add3A_1008 = arith.constant 1 : i32
        %add3A_1009 = arith.addi %add3A_1008, %scan3A_986 : i32
        %get3A_1010 = arith.index_cast %add3A_1009 : i32 to index
        %get3A_1011 = arith.constant 48 : index
        %get3A_1012 = tpu.vector_load %arg9[%get3A_1010, %get3A_1011] {strides = array<i32>} : memref<100x128xf32, #tpu.memory_space<vmem>>, vector<1x16xf32>,
        %get3A_1013 = vector.shape_cast %get3A_1012 : vector<1x16xf32> to vector<16xf32>
        %add3A_1014 = arith.addf %add3A_956, %get3A_1013 : vector<16xf32>
        %add3A_1015 = arith.constant 1 : i32
        %add3A_1016 = arith.addi %add3A_1015, %scan3A_986 : i32
        %get3A_1017 = arith.index_cast %add3A_1016 : i32 to index
        %get3A_1018 = arith.constant 64 : index
        %get3A_1019 = tpu.vector_load %arg9[%get3A_1017, %get3A_1018] {strides = array<i32>} : memref<100x128xf32, #tpu.memory_space<vmem>>, vector<1x16xf32>,
        %get3A_1020 = vector.shape_cast %get3A_1019 : vector<1x16xf32> to vector<16xf32>
        %add3A_1021 = arith.addf %add3A_963, %get3A_1020 : vector<16xf32>
        %add3A_1022 = arith.constant 1 : i32
        %add3A_1023 = arith.addi %add3A_1022, %scan3A_986 : i32
        %get3A_1024 = arith.index_cast %add3A_1023 : i32 to index
        %get3A_1025 = arith.constant 80 : index
        %get3A_1026 = tpu.vector_load %arg9[%get3A_1024, %get3A_1025] {strides = array<i32>} : memref<100x128xf32, #tpu.memory_space<vmem>>, vector<1x16xf32>,
        %get3A_1027 = vector.shape_cast %get3A_1026 : vector<1x16xf32> to vector<16xf32>
        %add3A_1028 = arith.addf %add3A_970, %get3A_1027 : vector<16xf32>
        %add3A_1029 = arith.constant 1 : i32
        %add3A_1030 = arith.addi %add3A_1029, %scan3A_986 : i32
        %get3A_1031 = arith.index_cast %add3A_1030 : i32 to index
        %get3A_1032 = arith.constant 96 : index
        %get3A_1033 = tpu.vector_load %arg9[%get3A_1031, %get3A_1032] {strides = array<i32>} : memref<100x128xf32, #tpu.memory_space<vmem>>, vector<1x16xf32>,
        %get3A_1034 = vector.shape_cast %get3A_1033 : vector<1x16xf32> to vector<16xf32>
        %add3A_1035 = arith.addf %add3A_977, %get3A_1034 : vector<16xf32>
        %add3A_1036 = arith.constant 1 : i32
        %add3A_1037 = arith.addi %add3A_1036, %scan3A_986 : i32
        %get3A_1038 = arith.index_cast %add3A_1037 : i32 to index
        %get3A_1039 = arith.constant 112 : index
        %get3A_1040 = tpu.vector_load %arg9[%get3A_1038, %get3A_1039] {strides = array<i32>} : memref<100x128xf32, #tpu.memory_space<vmem>>, vector<1x16xf32>,
        %get3A_1041 = vector.shape_cast %get3A_1040 : vector<1x16xf32> to vector<16xf32>
        %add3A_1042 = arith.addf %add3A_984, %get3A_1041 : vector<16xf32>
        %scan3A_1043 = arith.constant 2 : i32
        %scan3A_1044 = arith.addi %scan3A_920, %scan3A_1043 : i32
        %add3A_1045 = arith.constant 1 : i32
        %add3A_1046 = arith.addi %add3A_1045, %scan3A_1044 : i32
        %get3A_1047 = arith.index_cast %add3A_1046 : i32 to index
        %get3A_1048 = arith.constant 0 : index
        %get3A_1049 = tpu.vector_load %arg9[%get3A_1047, %get3A_1048] {strides = array<i32>} : memref<100x128xf32, #tpu.memory_space<vmem>>, vector<1x16xf32>,
        %get3A_1050 = vector.shape_cast %get3A_1049 : vector<1x16xf32> to vector<16xf32>
        %add3A_1051 = arith.addf %add3A_993, %get3A_1050 : vector<16xf32>
        %add3A_1052 = arith.constant 1 : i32
        %add3A_1053 = arith.addi %add3A_1052, %scan3A_1044 : i32
        %get3A_1054 = arith.index_cast %add3A_1053 : i32 to index
        %get3A_1055 = arith.constant 16 : index
        %get3A_1056 = tpu.vector_load %arg9[%get3A_1054, %get3A_1055] {strides = array<i32>} : memref<100x128xf32, #tpu.memory_space<vmem>>, vector<1x16xf32>,
        %get3A_1057 = vector.shape_cast %get3A_1056 : vector<1x16xf32> to vector<16xf32>
        %add3A_1058 = arith.addf %add3A_1000, %get3A_1057 : vector<16xf32>
        %add3A_1059 = arith.constant 1 : i32
        %add3A_1060 = arith.addi %add3A_1059, %scan3A_1044 : i32
        %get3A_1061 = arith.index_cast %add3A_1060 : i32 to index
        %get3A_1062 = arith.constant 32 : index
        %get3A_1063 = tpu.vector_load %arg9[%get3A_1061, %get3A_1062] {strides = array<i32>} : memref<100x128xf32, #tpu.memory_space<vmem>>, vector<1x16xf32>,
        %get3A_1064 = vector.shape_cast %get3A_1063 : vector<1x16xf32> to vector<16xf32>
        %add3A_1065 = arith.addf %add3A_1007, %get3A_1064 : vector<16xf32>
        %add3A_1066 = arith.constant 1 : i32
        %add3A_1067 = arith.addi %add3A_1066, %scan3A_1044 : i32
        %get3A_1068 = arith.index_cast %add3A_1067 : i32 to index
        %get3A_1069 = arith.constant 48 : index
        %get3A_1070 = tpu.vector_load %arg9[%get3A_1068, %get3A_1069] {strides = array<i32>} : memref<100x128xf32, #tpu.memory_space<vmem>>, vector<1x16xf32>,
        %get3A_1071 = vector.shape_cast %get3A_1070 : vector<1x16xf32> to vector<16xf32>
        %add3A_1072 = arith.addf %add3A_1014, %get3A_1071 : vector<16xf32>
        %add3A_1073 = arith.constant 1 : i32
        %add3A_1074 = arith.addi %add3A_1073, %scan3A_1044 : i32
        %get3A_1075 = arith.index_cast %add3A_1074 : i32 to index
        %get3A_1076 = arith.constant 64 : index
        %get3A_1077 = tpu.vector_load %arg9[%get3A_1075, %get3A_1076] {strides = array<i32>} : memref<100x128xf32, #tpu.memory_space<vmem>>, vector<1x16xf32>,
        %get3A_1078 = vector.shape_cast %get3A_1077 : vector<1x16xf32> to vector<16xf32>
        %add3A_1079 = arith.addf %add3A_1021, %get3A_1078 : vector<16xf32>
        %add3A_1080 = arith.constant 1 : i32
        %add3A_1081 = arith.addi %add3A_1080, %scan3A_1044 : i32
        %get3A_1082 = arith.index_cast %add3A_1081 : i32 to index
        %get3A_1083 = arith.constant 80 : index
        %get3A_1084 = tpu.vector_load %arg9[%get3A_1082, %get3A_1083] {strides = array<i32>} : memref<100x128xf32, #tpu.memory_space<vmem>>, vector<1x16xf32>,
        %get3A_1085 = vector.shape_cast %get3A_1084 : vector<1x16xf32> to vector<16xf32>
        %add3A_1086 = arith.addf %add3A_1028, %get3A_1085 : vector<16xf32>
        %add3A_1087 = arith.constant 1 : i32
        %add3A_1088 = arith.addi %add3A_1087, %scan3A_1044 : i32
        %get3A_1089 = arith.index_cast %add3A_1088 : i32 to index
        %get3A_1090 = arith.constant 96 : index
        %get3A_1091 = tpu.vector_load %arg9[%get3A_1089, %get3A_1090] {strides = array<i32>} : memref<100x128xf32, #tpu.memory_space<vmem>>, vector<1x16xf32>,
        %get3A_1092 = vector.shape_cast %get3A_1091 : vector<1x16xf32> to vector<16xf32>
        %add3A_1093 = arith.addf %add3A_1035, %get3A_1092 : vector<16xf32>
        %add3A_1094 = arith.constant 1 : i32
        %add3A_1095 = arith.addi %add3A_1094, %scan3A_1044 : i32
        %get3A_1096 = arith.index_cast %add3A_1095 : i32 to index
        %get3A_1097 = arith.constant 112 : index
        %get3A_1098 = tpu.vector_load %arg9[%get3A_1096, %get3A_1097] {strides = array<i32>} : memref<100x128xf32, #tpu.memory_space<vmem>>, vector<1x16xf32>,
        %get3A_1099 = vector.shape_cast %get3A_1098 : vector<1x16xf32> to vector<16xf32>
        %add3A_1100 = arith.addf %add3A_1042, %get3A_1099 : vector<16xf32>
        %scan3A_1101 = arith.constant 3 : i32
        %scan3A_1102 = arith.addi %scan3A_920, %scan3A_1101 : i32
        %add3A_1103 = arith.constant 1 : i32
        %add3A_1104 = arith.addi %add3A_1103, %scan3A_1102 : i32
        %get3A_1105 = arith.index_cast %add3A_1104 : i32 to index
        %get3A_1106 = arith.constant 0 : index
        %get3A_1107 = tpu.vector_load %arg9[%get3A_1105, %get3A_1106] {strides = array<i32>} : memref<100x128xf32, #tpu.memory_space<vmem>>, vector<1x16xf32>,
        %get3A_1108 = vector.shape_cast %get3A_1107 : vector<1x16xf32> to vector<16xf32>
        %add3A_1109 = arith.addf %add3A_1051, %get3A_1108 : vector<16xf32>
        %add3A_1110 = arith.constant 1 : i32
        %add3A_1111 = arith.addi %add3A_1110, %scan3A_1102 : i32
        %get3A_1112 = arith.index_cast %add3A_1111 : i32 to index
        %get3A_1113 = arith.constant 16 : index
        %get3A_1114 = tpu.vector_load %arg9[%get3A_1112, %get3A_1113] {strides = array<i32>} : memref<100x128xf32, #tpu.memory_space<vmem>>, vector<1x16xf32>,
        %get3A_1115 = vector.shape_cast %get3A_1114 : vector<1x16xf32> to vector<16xf32>
        %add3A_1116 = arith.addf %add3A_1058, %get3A_1115 : vector<16xf32>
        %add3A_1117 = arith.constant 1 : i32
        %add3A_1118 = arith.addi %add3A_1117, %scan3A_1102 : i32
        %get3A_1119 = arith.index_cast %add3A_1118 : i32 to index
        %get3A_1120 = arith.constant 32 : index
        %get3A_1121 = tpu.vector_load %arg9[%get3A_1119, %get3A_1120] {strides = array<i32>} : memref<100x128xf32, #tpu.memory_space<vmem>>, vector<1x16xf32>,
        %get3A_1122 = vector.shape_cast %get3A_1121 : vector<1x16xf32> to vector<16xf32>
        %add3A_1123 = arith.addf %add3A_1065, %get3A_1122 : vector<16xf32>
        %add3A_1124 = arith.constant 1 : i32
        %add3A_1125 = arith.addi %add3A_1124, %scan3A_1102 : i32
        %get3A_1126 = arith.index_cast %add3A_1125 : i32 to index
        %get3A_1127 = arith.constant 48 : index
        %get3A_1128 = tpu.vector_load %arg9[%get3A_1126, %get3A_1127] {strides = array<i32>} : memref<100x128xf32, #tpu.memory_space<vmem>>, vector<1x16xf32>,
        %get3A_1129 = vector.shape_cast %get3A_1128 : vector<1x16xf32> to vector<16xf32>
        %add3A_1130 = arith.addf %add3A_1072, %get3A_1129 : vector<16xf32>
        %add3A_1131 = arith.constant 1 : i32
        %add3A_1132 = arith.addi %add3A_1131, %scan3A_1102 : i32
        %get3A_1133 = arith.index_cast %add3A_1132 : i32 to index
        %get3A_1134 = arith.constant 64 : index
        %get3A_1135 = tpu.vector_load %arg9[%get3A_1133, %get3A_1134] {strides = array<i32>} : memref<100x128xf32, #tpu.memory_space<vmem>>, vector<1x16xf32>,
        %get3A_1136 = vector.shape_cast %get3A_1135 : vector<1x16xf32> to vector<16xf32>
        %add3A_1137 = arith.addf %add3A_1079, %get3A_1136 : vector<16xf32>
        %add3A_1138 = arith.constant 1 : i32
        %add3A_1139 = arith.addi %add3A_1138, %scan3A_1102 : i32
        %get3A_1140 = arith.index_cast %add3A_1139 : i32 to index
        %get3A_1141 = arith.constant 80 : index
        %get3A_1142 = tpu.vector_load %arg9[%get3A_1140, %get3A_1141] {strides = array<i32>} : memref<100x128xf32, #tpu.memory_space<vmem>>, vector<1x16xf32>,
        %get3A_1143 = vector.shape_cast %get3A_1142 : vector<1x16xf32> to vector<16xf32>
        %add3A_1144 = arith.addf %add3A_1086, %get3A_1143 : vector<16xf32>
        %add3A_1145 = arith.constant 1 : i32
        %add3A_1146 = arith.addi %add3A_1145, %scan3A_1102 : i32
        %get3A_1147 = arith.index_cast %add3A_1146 : i32 to index
        %get3A_1148 = arith.constant 96 : index
        %get3A_1149 = tpu.vector_load %arg9[%get3A_1147, %get3A_1148] {strides = array<i32>} : memref<100x128xf32, #tpu.memory_space<vmem>>, vector<1x16xf32>,
        %get3A_1150 = vector.shape_cast %get3A_1149 : vector<1x16xf32> to vector<16xf32>
        %add3A_1151 = arith.addf %add3A_1093, %get3A_1150 : vector<16xf32>
        %add3A_1152 = arith.constant 1 : i32
        %add3A_1153 = arith.addi %add3A_1152, %scan3A_1102 : i32
        %get3A_1154 = arith.index_cast %add3A_1153 : i32 to index
        %get3A_1155 = arith.constant 112 : index
        %get3A_1156 = tpu.vector_load %arg9[%get3A_1154, %get3A_1155] {strides = array<i32>} : memref<100x128xf32, #tpu.memory_space<vmem>>, vector<1x16xf32>,
        %get3A_1157 = vector.shape_cast %get3A_1156 : vector<1x16xf32> to vector<16xf32>
        %add3A_1158 = arith.addf %add3A_1100, %get3A_1157 : vector<16xf32>
        %scan3A_1159 = arith.constant 4 : i32
        %scan3A_1160 = arith.addi %scan3A_920, %scan3A_1159 : i32
        %add3A_1161 = arith.constant 1 : i32
        %add3A_1162 = arith.addi %add3A_1161, %scan3A_1160 : i32
        %get3A_1163 = arith.index_cast %add3A_1162 : i32 to index
        %get3A_1164 = arith.constant 0 : index
        %get3A_1165 = tpu.vector_load %arg9[%get3A_1163, %get3A_1164] {strides = array<i32>} : memref<100x128xf32, #tpu.memory_space<vmem>>, vector<1x16xf32>,
        %get3A_1166 = vector.shape_cast %get3A_1165 : vector<1x16xf32> to vector<16xf32>
        %add3A_1167 = arith.addf %add3A_1109, %get3A_1166 : vector<16xf32>
        %add3A_1168 = arith.constant 1 : i32
        %add3A_1169 = arith.addi %add3A_1168, %scan3A_1160 : i32
        %get3A_1170 = arith.index_cast %add3A_1169 : i32 to index
        %get3A_1171 = arith.constant 16 : index
        %get3A_1172 = tpu.vector_load %arg9[%get3A_1170, %get3A_1171] {strides = array<i32>} : memref<100x128xf32, #tpu.memory_space<vmem>>, vector<1x16xf32>,
        %get3A_1173 = vector.shape_cast %get3A_1172 : vector<1x16xf32> to vector<16xf32>
        %add3A_1174 = arith.addf %add3A_1116, %get3A_1173 : vector<16xf32>
        %add3A_1175 = arith.constant 1 : i32
        %add3A_1176 = arith.addi %add3A_1175, %scan3A_1160 : i32
        %get3A_1177 = arith.index_cast %add3A_1176 : i32 to index
        %get3A_1178 = arith.constant 32 : index
        %get3A_1179 = tpu.vector_load %arg9[%get3A_1177, %get3A_1178] {strides = array<i32>} : memref<100x128xf32, #tpu.memory_space<vmem>>, vector<1x16xf32>,
        %get3A_1180 = vector.shape_cast %get3A_1179 : vector<1x16xf32> to vector<16xf32>
        %add3A_1181 = arith.addf %add3A_1123, %get3A_1180 : vector<16xf32>
        %add3A_1182 = arith.constant 1 : i32
        %add3A_1183 = arith.addi %add3A_1182, %scan3A_1160 : i32
        %get3A_1184 = arith.index_cast %add3A_1183 : i32 to index
        %get3A_1185 = arith.constant 48 : index
        %get3A_1186 = tpu.vector_load %arg9[%get3A_1184, %get3A_1185] {strides = array<i32>} : memref<100x128xf32, #tpu.memory_space<vmem>>, vector<1x16xf32>,
        %get3A_1187 = vector.shape_cast %get3A_1186 : vector<1x16xf32> to vector<16xf32>
        %add3A_1188 = arith.addf %add3A_1130, %get3A_1187 : vector<16xf32>
        %add3A_1189 = arith.constant 1 : i32
        %add3A_1190 = arith.addi %add3A_1189, %scan3A_1160 : i32
        %get3A_1191 = arith.index_cast %add3A_1190 : i32 to index
        %get3A_1192 = arith.constant 64 : index
        %get3A_1193 = tpu.vector_load %arg9[%get3A_1191, %get3A_1192] {strides = array<i32>} : memref<100x128xf32, #tpu.memory_space<vmem>>, vector<1x16xf32>,
        %get3A_1194 = vector.shape_cast %get3A_1193 : vector<1x16xf32> to vector<16xf32>
        %add3A_1195 = arith.addf %add3A_1137, %get3A_1194 : vector<16xf32>
        %add3A_1196 = arith.constant 1 : i32
        %add3A_1197 = arith.addi %add3A_1196, %scan3A_1160 : i32
        %get3A_1198 = arith.index_cast %add3A_1197 : i32 to index
        %get3A_1199 = arith.constant 80 : index
        %get3A_1200 = tpu.vector_load %arg9[%get3A_1198, %get3A_1199] {strides = array<i32>} : memref<100x128xf32, #tpu.memory_space<vmem>>, vector<1x16xf32>,
        %get3A_1201 = vector.shape_cast %get3A_1200 : vector<1x16xf32> to vector<16xf32>
        %add3A_1202 = arith.addf %add3A_1144, %get3A_1201 : vector<16xf32>
        %add3A_1203 = arith.constant 1 : i32
        %add3A_1204 = arith.addi %add3A_1203, %scan3A_1160 : i32
        %get3A_1205 = arith.index_cast %add3A_1204 : i32 to index
        %get3A_1206 = arith.constant 96 : index
        %get3A_1207 = tpu.vector_load %arg9[%get3A_1205, %get3A_1206] {strides = array<i32>} : memref<100x128xf32, #tpu.memory_space<vmem>>, vector<1x16xf32>,
        %get3A_1208 = vector.shape_cast %get3A_1207 : vector<1x16xf32> to vector<16xf32>
        %add3A_1209 = arith.addf %add3A_1151, %get3A_1208 : vector<16xf32>
        %add3A_1210 = arith.constant 1 : i32
        %add3A_1211 = arith.addi %add3A_1210, %scan3A_1160 : i32
        %get3A_1212 = arith.index_cast %add3A_1211 : i32 to index
        %get3A_1213 = arith.constant 112 : index
        %get3A_1214 = tpu.vector_load %arg9[%get3A_1212, %get3A_1213] {strides = array<i32>} : memref<100x128xf32, #tpu.memory_space<vmem>>, vector<1x16xf32>,
        %get3A_1215 = vector.shape_cast %get3A_1214 : vector<1x16xf32> to vector<16xf32>
        %add3A_1216 = arith.addf %add3A_1158, %get3A_1215 : vector<16xf32>
        %scan3A_1217 = arith.constant 5 : i32
        %scan3A_1218 = arith.addi %scan3A_920, %scan3A_1217 : i32
        %add3A_1219 = arith.constant 1 : i32
        %add3A_1220 = arith.addi %add3A_1219, %scan3A_1218 : i32
        %get3A_1221 = arith.index_cast %add3A_1220 : i32 to index
        %get3A_1222 = arith.constant 0 : index
        %get3A_1223 = tpu.vector_load %arg9[%get3A_1221, %get3A_1222] {strides = array<i32>} : memref<100x128xf32, #tpu.memory_space<vmem>>, vector<1x16xf32>,
        %get3A_1224 = vector.shape_cast %get3A_1223 : vector<1x16xf32> to vector<16xf32>
        %add3A_1225 = arith.addf %add3A_1167, %get3A_1224 : vector<16xf32>
        %add3A_1226 = arith.constant 1 : i32
        %add3A_1227 = arith.addi %add3A_1226, %scan3A_1218 : i32
        %get3A_1228 = arith.index_cast %add3A_1227 : i32 to index
        %get3A_1229 = arith.constant 16 : index
        %get3A_1230 = tpu.vector_load %arg9[%get3A_1228, %get3A_1229] {strides = array<i32>} : memref<100x128xf32, #tpu.memory_space<vmem>>, vector<1x16xf32>,
        %get3A_1231 = vector.shape_cast %get3A_1230 : vector<1x16xf32> to vector<16xf32>
        %add3A_1232 = arith.addf %add3A_1174, %get3A_1231 : vector<16xf32>
        %add3A_1233 = arith.constant 1 : i32
        %add3A_1234 = arith.addi %add3A_1233, %scan3A_1218 : i32
        %get3A_1235 = arith.index_cast %add3A_1234 : i32 to index
        %get3A_1236 = arith.constant 32 : index
        %get3A_1237 = tpu.vector_load %arg9[%get3A_1235, %get3A_1236] {strides = array<i32>} : memref<100x128xf32, #tpu.memory_space<vmem>>, vector<1x16xf32>,
        %get3A_1238 = vector.shape_cast %get3A_1237 : vector<1x16xf32> to vector<16xf32>
        %add3A_1239 = arith.addf %add3A_1181, %get3A_1238 : vector<16xf32>
        %add3A_1240 = arith.constant 1 : i32
        %add3A_1241 = arith.addi %add3A_1240, %scan3A_1218 : i32
        %get3A_1242 = arith.index_cast %add3A_1241 : i32 to index
        %get3A_1243 = arith.constant 48 : index
        %get3A_1244 = tpu.vector_load %arg9[%get3A_1242, %get3A_1243] {strides = array<i32>} : memref<100x128xf32, #tpu.memory_space<vmem>>, vector<1x16xf32>,
        %get3A_1245 = vector.shape_cast %get3A_1244 : vector<1x16xf32> to vector<16xf32>
        %add3A_1246 = arith.addf %add3A_1188, %get3A_1245 : vector<16xf32>
        %add3A_1247 = arith.constant 1 : i32
        %add3A_1248 = arith.addi %add3A_1247, %scan3A_1218 : i32
        %get3A_1249 = arith.index_cast %add3A_1248 : i32 to index
        %get3A_1250 = arith.constant 64 : index
        %get3A_1251 = tpu.vector_load %arg9[%get3A_1249, %get3A_1250] {strides = array<i32>} : memref<100x128xf32, #tpu.memory_space<vmem>>, vector<1x16xf32>,
        %get3A_1252 = vector.shape_cast %get3A_1251 : vector<1x16xf32> to vector<16xf32>
        %add3A_1253 = arith.addf %add3A_1195, %get3A_1252 : vector<16xf32>
        %add3A_1254 = arith.constant 1 : i32
        %add3A_1255 = arith.addi %add3A_1254, %scan3A_1218 : i32
        %get3A_1256 = arith.index_cast %add3A_1255 : i32 to index
        %get3A_1257 = arith.constant 80 : index
        %get3A_1258 = tpu.vector_load %arg9[%get3A_1256, %get3A_1257] {strides = array<i32>} : memref<100x128xf32, #tpu.memory_space<vmem>>, vector<1x16xf32>,
        %get3A_1259 = vector.shape_cast %get3A_1258 : vector<1x16xf32> to vector<16xf32>
        %add3A_1260 = arith.addf %add3A_1202, %get3A_1259 : vector<16xf32>
        %add3A_1261 = arith.constant 1 : i32
        %add3A_1262 = arith.addi %add3A_1261, %scan3A_1218 : i32
        %get3A_1263 = arith.index_cast %add3A_1262 : i32 to index
        %get3A_1264 = arith.constant 96 : index
        %get3A_1265 = tpu.vector_load %arg9[%get3A_1263, %get3A_1264] {strides = array<i32>} : memref<100x128xf32, #tpu.memory_space<vmem>>, vector<1x16xf32>,
        %get3A_1266 = vector.shape_cast %get3A_1265 : vector<1x16xf32> to vector<16xf32>
        %add3A_1267 = arith.addf %add3A_1209, %get3A_1266 : vector<16xf32>
        %add3A_1268 = arith.constant 1 : i32
        %add3A_1269 = arith.addi %add3A_1268, %scan3A_1218 : i32
        %get3A_1270 = arith.index_cast %add3A_1269 : i32 to index
        %get3A_1271 = arith.constant 112 : index
        %get3A_1272 = tpu.vector_load %arg9[%get3A_1270, %get3A_1271] {strides = array<i32>} : memref<100x128xf32, #tpu.memory_space<vmem>>, vector<1x16xf32>,
        %get3A_1273 = vector.shape_cast %get3A_1272 : vector<1x16xf32> to vector<16xf32>
        %add3A_1274 = arith.addf %add3A_1216, %get3A_1273 : vector<16xf32>
        %scan3A_1275 = arith.constant 6 : i32
        %scan3A_1276 = arith.addi %scan3A_920, %scan3A_1275 : i32
        %add3A_1277 = arith.constant 1 : i32
        %add3A_1278 = arith.addi %add3A_1277, %scan3A_1276 : i32
        %get3A_1279 = arith.index_cast %add3A_1278 : i32 to index
        %get3A_1280 = arith.constant 0 : index
        %get3A_1281 = tpu.vector_load %arg9[%get3A_1279, %get3A_1280] {strides = array<i32>} : memref<100x128xf32, #tpu.memory_space<vmem>>, vector<1x16xf32>,
        %get3A_1282 = vector.shape_cast %get3A_1281 : vector<1x16xf32> to vector<16xf32>
        %add3A_1283 = arith.addf %add3A_1225, %get3A_1282 : vector<16xf32>
        %add3A_1284 = arith.constant 1 : i32
        %add3A_1285 = arith.addi %add3A_1284, %scan3A_1276 : i32
        %get3A_1286 = arith.index_cast %add3A_1285 : i32 to index
        %get3A_1287 = arith.constant 16 : index
        %get3A_1288 = tpu.vector_load %arg9[%get3A_1286, %get3A_1287] {strides = array<i32>} : memref<100x128xf32, #tpu.memory_space<vmem>>, vector<1x16xf32>,
        %get3A_1289 = vector.shape_cast %get3A_1288 : vector<1x16xf32> to vector<16xf32>
        %add3A_1290 = arith.addf %add3A_1232, %get3A_1289 : vector<16xf32>
        %add3A_1291 = arith.constant 1 : i32
        %add3A_1292 = arith.addi %add3A_1291, %scan3A_1276 : i32
        %get3A_1293 = arith.index_cast %add3A_1292 : i32 to index
        %get3A_1294 = arith.constant 32 : index
        %get3A_1295 = tpu.vector_load %arg9[%get3A_1293, %get3A_1294] {strides = array<i32>} : memref<100x128xf32, #tpu.memory_space<vmem>>, vector<1x16xf32>,
        %get3A_1296 = vector.shape_cast %get3A_1295 : vector<1x16xf32> to vector<16xf32>
        %add3A_1297 = arith.addf %add3A_1239, %get3A_1296 : vector<16xf32>
        %add3A_1298 = arith.constant 1 : i32
        %add3A_1299 = arith.addi %add3A_1298, %scan3A_1276 : i32
        %get3A_1300 = arith.index_cast %add3A_1299 : i32 to index
        %get3A_1301 = arith.constant 48 : index
        %get3A_1302 = tpu.vector_load %arg9[%get3A_1300, %get3A_1301] {strides = array<i32>} : memref<100x128xf32, #tpu.memory_space<vmem>>, vector<1x16xf32>,
        %get3A_1303 = vector.shape_cast %get3A_1302 : vector<1x16xf32> to vector<16xf32>
        %add3A_1304 = arith.addf %add3A_1246, %get3A_1303 : vector<16xf32>
        %add3A_1305 = arith.constant 1 : i32
        %add3A_1306 = arith.addi %add3A_1305, %scan3A_1276 : i32
        %get3A_1307 = arith.index_cast %add3A_1306 : i32 to index
        %get3A_1308 = arith.constant 64 : index
        %get3A_1309 = tpu.vector_load %arg9[%get3A_1307, %get3A_1308] {strides = array<i32>} : memref<100x128xf32, #tpu.memory_space<vmem>>, vector<1x16xf32>,
        %get3A_1310 = vector.shape_cast %get3A_1309 : vector<1x16xf32> to vector<16xf32>
        %add3A_1311 = arith.addf %add3A_1253, %get3A_1310 : vector<16xf32>
        %add3A_1312 = arith.constant 1 : i32
        %add3A_1313 = arith.addi %add3A_1312, %scan3A_1276 : i32
        %get3A_1314 = arith.index_cast %add3A_1313 : i32 to index
        %get3A_1315 = arith.constant 80 : index
        %get3A_1316 = tpu.vector_load %arg9[%get3A_1314, %get3A_1315] {strides = array<i32>} : memref<100x128xf32, #tpu.memory_space<vmem>>, vector<1x16xf32>,
        %get3A_1317 = vector.shape_cast %get3A_1316 : vector<1x16xf32> to vector<16xf32>
        %add3A_1318 = arith.addf %add3A_1260, %get3A_1317 : vector<16xf32>
        %add3A_1319 = arith.constant 1 : i32
        %add3A_1320 = arith.addi %add3A_1319, %scan3A_1276 : i32
        %get3A_1321 = arith.index_cast %add3A_1320 : i32 to index
        %get3A_1322 = arith.constant 96 : index
        %get3A_1323 = tpu.vector_load %arg9[%get3A_1321, %get3A_1322] {strides = array<i32>} : memref<100x128xf32, #tpu.memory_space<vmem>>, vector<1x16xf32>,
        %get3A_1324 = vector.shape_cast %get3A_1323 : vector<1x16xf32> to vector<16xf32>
        %add3A_1325 = arith.addf %add3A_1267, %get3A_1324 : vector<16xf32>
        %add3A_1326 = arith.constant 1 : i32
        %add3A_1327 = arith.addi %add3A_1326, %scan3A_1276 : i32
        %get3A_1328 = arith.index_cast %add3A_1327 : i32 to index
        %get3A_1329 = arith.constant 112 : index
        %get3A_1330 = tpu.vector_load %arg9[%get3A_1328, %get3A_1329] {strides = array<i32>} : memref<100x128xf32, #tpu.memory_space<vmem>>, vector<1x16xf32>,
        %get3A_1331 = vector.shape_cast %get3A_1330 : vector<1x16xf32> to vector<16xf32>
        %add3A_1332 = arith.addf %add3A_1274, %get3A_1331 : vector<16xf32>
        scf.yield %add3A_1283, %add3A_1290, %add3A_1297, %add3A_1304, %add3A_1311, %add3A_1318, %add3A_1325, %add3A_1332 : vector<16xf32>, vector<16xf32>, vector<16xf32>, vector<16xf32>, vector<16xf32>, vector<16xf32>, vector<16xf32>, vector<16xf32>
      }
      %scan3A_761 = arith.constant 49 : i32
      %add3A_762 = arith.constant 0 : i32
      %add3A_763 = arith.addi %mul3A_715, %add3A_762 : i32
      %swap3A_764 = arith.index_cast %add3A_763 : i32 to index
      %swap3A_765 = arith.constant 0 : index
      %swap3A_766 = tpu.vector_load %arg10[%swap3A_764, %swap3A_765] {strides = array<i32>} : memref<128x128xf32, #tpu.memory_space<vmem>>, vector<1x16xf32>,
      %swap3A_767 = vector.shape_cast %swap3A_766 : vector<1x16xf32> to vector<16xf32>
      %swap3A_768 = vector.shape_cast %scan3A_760#0 : vector<16xf32> to vector<1x16xf32>
      tpu.vector_store %arg10[%swap3A_764, %swap3A_765], %swap3A_768 {strides = array<i32>} : memref<128x128xf32, #tpu.memory_space<vmem>>, vector<1x16xf32>,
      %add3A_769 = arith.constant 0 : i32
      %add3A_770 = arith.addi %mul3A_715, %add3A_769 : i32
      %swap3A_771 = arith.index_cast %add3A_770 : i32 to index
      %swap3A_772 = arith.constant 16 : index
      %swap3A_773 = tpu.vector_load %arg10[%swap3A_771, %swap3A_772] {strides = array<i32>} : memref<128x128xf32, #tpu.memory_space<vmem>>, vector<1x16xf32>,
      %swap3A_774 = vector.shape_cast %swap3A_773 : vector<1x16xf32> to vector<16xf32>
      %swap3A_775 = vector.shape_cast %scan3A_760#1 : vector<16xf32> to vector<1x16xf32>
      tpu.vector_store %arg10[%swap3A_771, %swap3A_772], %swap3A_775 {strides = array<i32>} : memref<128x128xf32, #tpu.memory_space<vmem>>, vector<1x16xf32>,
      %add3A_776 = arith.constant 0 : i32
      %add3A_777 = arith.addi %mul3A_715, %add3A_776 : i32
      %swap3A_778 = arith.index_cast %add3A_777 : i32 to index
      %swap3A_779 = arith.constant 32 : index
      %swap3A_780 = tpu.vector_load %arg10[%swap3A_778, %swap3A_779] {strides = array<i32>} : memref<128x128xf32, #tpu.memory_space<vmem>>, vector<1x16xf32>,
      %swap3A_781 = vector.shape_cast %swap3A_780 : vector<1x16xf32> to vector<16xf32>
      %swap3A_782 = vector.shape_cast %scan3A_760#2 : vector<16xf32> to vector<1x16xf32>
      tpu.vector_store %arg10[%swap3A_778, %swap3A_779], %swap3A_782 {strides = array<i32>} : memref<128x128xf32, #tpu.memory_space<vmem>>, vector<1x16xf32>,
      %add3A_783 = arith.constant 0 : i32
      %add3A_784 = arith.addi %mul3A_715, %add3A_783 : i32
      %swap3A_785 = arith.index_cast %add3A_784 : i32 to index
      %swap3A_786 = arith.constant 48 : index
      %swap3A_787 = tpu.vector_load %arg10[%swap3A_785, %swap3A_786] {strides = array<i32>} : memref<128x128xf32, #tpu.memory_space<vmem>>, vector<1x16xf32>,
      %swap3A_788 = vector.shape_cast %swap3A_787 : vector<1x16xf32> to vector<16xf32>
      %swap3A_789 = vector.shape_cast %scan3A_760#3 : vector<16xf32> to vector<1x16xf32>
      tpu.vector_store %arg10[%swap3A_785, %swap3A_786], %swap3A_789 {strides = array<i32>} : memref<128x128xf32, #tpu.memory_space<vmem>>, vector<1x16xf32>,
      %add3A_790 = arith.constant 0 : i32
      %add3A_791 = arith.addi %mul3A_715, %add3A_790 : i32
      %swap3A_792 = arith.index_cast %add3A_791 : i32 to index
      %swap3A_793 = arith.constant 64 : index
      %swap3A_794 = tpu.vector_load %arg10[%swap3A_792, %swap3A_793] {strides = array<i32>} : memref<128x128xf32, #tpu.memory_space<vmem>>, vector<1x16xf32>,
      %swap3A_795 = vector.shape_cast %swap3A_794 : vector<1x16xf32> to vector<16xf32>
      %swap3A_796 = vector.shape_cast %scan3A_760#4 : vector<16xf32> to vector<1x16xf32>
      tpu.vector_store %arg10[%swap3A_792, %swap3A_793], %swap3A_796 {strides = array<i32>} : memref<128x128xf32, #tpu.memory_space<vmem>>, vector<1x16xf32>,
      %add3A_797 = arith.constant 0 : i32
      %add3A_798 = arith.addi %mul3A_715, %add3A_797 : i32
      %swap3A_799 = arith.index_cast %add3A_798 : i32 to index
      %swap3A_800 = arith.constant 80 : index
      %swap3A_801 = tpu.vector_load %arg10[%swap3A_799, %swap3A_800] {strides = array<i32>} : memref<128x128xf32, #tpu.memory_space<vmem>>, vector<1x16xf32>,
      %swap3A_802 = vector.shape_cast %swap3A_801 : vector<1x16xf32> to vector<16xf32>
      %swap3A_803 = vector.shape_cast %scan3A_760#5 : vector<16xf32> to vector<1x16xf32>
      tpu.vector_store %arg10[%swap3A_799, %swap3A_800], %swap3A_803 {strides = array<i32>} : memref<128x128xf32, #tpu.memory_space<vmem>>, vector<1x16xf32>,
      %add3A_804 = arith.constant 0 : i32
      %add3A_805 = arith.addi %mul3A_715, %add3A_804 : i32
      %swap3A_806 = arith.index_cast %add3A_805 : i32 to index
      %swap3A_807 = arith.constant 96 : index
      %swap3A_808 = tpu.vector_load %arg10[%swap3A_806, %swap3A_807] {strides = array<i32>} : memref<128x128xf32, #tpu.memory_space<vmem>>, vector<1x16xf32>,
      %swap3A_809 = vector.shape_cast %swap3A_808 : vector<1x16xf32> to vector<16xf32>
      %swap3A_810 = vector.shape_cast %scan3A_760#6 : vector<16xf32> to vector<1x16xf32>
      tpu.vector_store %arg10[%swap3A_806, %swap3A_807], %swap3A_810 {strides = array<i32>} : memref<128x128xf32, #tpu.memory_space<vmem>>, vector<1x16xf32>,
      %add3A_811 = arith.constant 0 : i32
      %add3A_812 = arith.addi %mul3A_715, %add3A_811 : i32
      %swap3A_813 = arith.index_cast %add3A_812 : i32 to index
      %swap3A_814 = arith.constant 112 : index
      %swap3A_815 = tpu.vector_load %arg10[%swap3A_813, %swap3A_814] {strides = array<i32>} : memref<128x128xf32, #tpu.memory_space<vmem>>, vector<1x16xf32>,
      %swap3A_816 = vector.shape_cast %swap3A_815 : vector<1x16xf32> to vector<16xf32>
      %swap3A_817 = vector.shape_cast %scan3A_760#7 : vector<16xf32> to vector<1x16xf32>
      tpu.vector_store %arg10[%swap3A_813, %swap3A_814], %swap3A_817 {strides = array<i32>} : memref<128x128xf32, #tpu.memory_space<vmem>>, vector<1x16xf32>,
      %get3A_818 = arith.constant 50 : i32
      %get3A_819 = arith.index_cast %get3A_818 : i32 to index
      %get3A_820 = arith.constant 0 : index
      %get3A_821 = tpu.vector_load %arg9[%get3A_819, %get3A_820] {strides = array<i32>} : memref<100x128xf32, #tpu.memory_space<vmem>>, vector<1x16xf32>,
      %get3A_822 = vector.shape_cast %get3A_821 : vector<1x16xf32> to vector<16xf32>
      %get3A_823 = arith.constant 50 : i32
      %get3A_824 = arith.index_cast %get3A_823 : i32 to index
      %get3A_825 = arith.constant 16 : index
      %get3A_826 = tpu.vector_load %arg9[%get3A_824, %get3A_825] {strides = array<i32>} : memref<100x128xf32, #tpu.memory_space<vmem>>, vector<1x16xf32>,
      %get3A_827 = vector.shape_cast %get3A_826 : vector<1x16xf32> to vector<16xf32>
      %get3A_828 = arith.constant 50 : i32
      %get3A_829 = arith.index_cast %get3A_828 : i32 to index
      %get3A_830 = arith.constant 32 : index
      %get3A_831 = tpu.vector_load %arg9[%get3A_829, %get3A_830] {strides = array<i32>} : memref<100x128xf32, #tpu.memory_space<vmem>>, vector<1x16xf32>,
      %get3A_832 = vector.shape_cast %get3A_831 : vector<1x16xf32> to vector<16xf32>
      %get3A_833 = arith.constant 50 : i32
      %get3A_834 = arith.index_cast %get3A_833 : i32 to index
      %get3A_835 = arith.constant 48 : index
      %get3A_836 = tpu.vector_load %arg9[%get3A_834, %get3A_835] {strides = array<i32>} : memref<100x128xf32, #tpu.memory_space<vmem>>, vector<1x16xf32>,
      %get3A_837 = vector.shape_cast %get3A_836 : vector<1x16xf32> to vector<16xf32>
      %get3A_838 = arith.constant 50 : i32
      %get3A_839 = arith.index_cast %get3A_838 : i32 to index
      %get3A_840 = arith.constant 64 : index
      %get3A_841 = tpu.vector_load %arg9[%get3A_839, %get3A_840] {strides = array<i32>} : memref<100x128xf32, #tpu.memory_space<vmem>>, vector<1x16xf32>,
      %get3A_842 = vector.shape_cast %get3A_841 : vector<1x16xf32> to vector<16xf32>
      %get3A_843 = arith.constant 50 : i32
      %get3A_844 = arith.index_cast %get3A_843 : i32 to index
      %get3A_845 = arith.constant 80 : index
      %get3A_846 = tpu.vector_load %arg9[%get3A_844, %get3A_845] {strides = array<i32>} : memref<100x128xf32, #tpu.memory_space<vmem>>, vector<1x16xf32>,
      %get3A_847 = vector.shape_cast %get3A_846 : vector<1x16xf32> to vector<16xf32>
      %get3A_848 = arith.constant 50 : i32
      %get3A_849 = arith.index_cast %get3A_848 : i32 to index
      %get3A_850 = arith.constant 96 : index
      %get3A_851 = tpu.vector_load %arg9[%get3A_849, %get3A_850] {strides = array<i32>} : memref<100x128xf32, #tpu.memory_space<vmem>>, vector<1x16xf32>,
      %get3A_852 = vector.shape_cast %get3A_851 : vector<1x16xf32> to vector<16xf32>
      %get3A_853 = arith.constant 50 : i32
      %get3A_854 = arith.index_cast %get3A_853 : i32 to index
      %get3A_855 = arith.constant 112 : index
      %get3A_856 = tpu.vector_load %arg9[%get3A_854, %get3A_855] {strides = array<i32>} : memref<100x128xf32, #tpu.memory_space<vmem>>, vector<1x16xf32>,
      %get3A_857 = vector.shape_cast %get3A_856 : vector<1x16xf32> to vector<16xf32>
      %scan3A_858 = arith.constant 0 : i32
      %scan3A_859 = arith.constant 49 : i32
      %scan3A_860 = arith.addi %scan3A_858, %scan3A_859 : i32
      %scan3A_861 = arith.constant 7 : i32
      %scan3A_862:8 = scf.for %scan3A_920 = %scan3A_858 to %scan3A_860 step %scan3A_861 iter_args(%scan3A_921 = %get3A_822, %scan3A_922 = %get3A_827, %scan3A_923 = %get3A_832, %scan3A_924 = %get3A_837, %scan3A_925 = %get3A_842, %scan3A_926 = %get3A_847, %scan3A_927 = %get3A_852, %scan3A_928 = %get3A_857) -> (vector<16xf32>, vector<16xf32>, vector<16xf32>, vector<16xf32>, vector<16xf32>, vector<16xf32>, vector<16xf32>, vector<16xf32>)  : i32 {
        %add3A_929 = arith.constant 51 : i32
        %add3A_930 = arith.addi %add3A_929, %scan3A_920 : i32
        %get3A_931 = arith.index_cast %add3A_930 : i32 to index
        %get3A_932 = arith.constant 0 : index
        %get3A_933 = tpu.vector_load %arg9[%get3A_931, %get3A_932] {strides = array<i32>} : memref<100x128xf32, #tpu.memory_space<vmem>>, vector<1x16xf32>,
        %get3A_934 = vector.shape_cast %get3A_933 : vector<1x16xf32> to vector<16xf32>
        %add3A_935 = arith.addf %scan3A_921, %get3A_934 : vector<16xf32>
        %add3A_936 = arith.constant 51 : i32
        %add3A_937 = arith.addi %add3A_936, %scan3A_920 : i32
        %get3A_938 = arith.index_cast %add3A_937 : i32 to index
        %get3A_939 = arith.constant 16 : index
        %get3A_940 = tpu.vector_load %arg9[%get3A_938, %get3A_939] {strides = array<i32>} : memref<100x128xf32, #tpu.memory_space<vmem>>, vector<1x16xf32>,
        %get3A_941 = vector.shape_cast %get3A_940 : vector<1x16xf32> to vector<16xf32>
        %add3A_942 = arith.addf %scan3A_922, %get3A_941 : vector<16xf32>
        %add3A_943 = arith.constant 51 : i32
        %add3A_944 = arith.addi %add3A_943, %scan3A_920 : i32
        %get3A_945 = arith.index_cast %add3A_944 : i32 to index
        %get3A_946 = arith.constant 32 : index
        %get3A_947 = tpu.vector_load %arg9[%get3A_945, %get3A_946] {strides = array<i32>} : memref<100x128xf32, #tpu.memory_space<vmem>>, vector<1x16xf32>,
        %get3A_948 = vector.shape_cast %get3A_947 : vector<1x16xf32> to vector<16xf32>
        %add3A_949 = arith.addf %scan3A_923, %get3A_948 : vector<16xf32>
        %add3A_950 = arith.constant 51 : i32
        %add3A_951 = arith.addi %add3A_950, %scan3A_920 : i32
        %get3A_952 = arith.index_cast %add3A_951 : i32 to index
        %get3A_953 = arith.constant 48 : index
        %get3A_954 = tpu.vector_load %arg9[%get3A_952, %get3A_953] {strides = array<i32>} : memref<100x128xf32, #tpu.memory_space<vmem>>, vector<1x16xf32>,
        %get3A_955 = vector.shape_cast %get3A_954 : vector<1x16xf32> to vector<16xf32>
        %add3A_956 = arith.addf %scan3A_924, %get3A_955 : vector<16xf32>
        %add3A_957 = arith.constant 51 : i32
        %add3A_958 = arith.addi %add3A_957, %scan3A_920 : i32
        %get3A_959 = arith.index_cast %add3A_958 : i32 to index
        %get3A_960 = arith.constant 64 : index
        %get3A_961 = tpu.vector_load %arg9[%get3A_959, %get3A_960] {strides = array<i32>} : memref<100x128xf32, #tpu.memory_space<vmem>>, vector<1x16xf32>,
        %get3A_962 = vector.shape_cast %get3A_961 : vector<1x16xf32> to vector<16xf32>
        %add3A_963 = arith.addf %scan3A_925, %get3A_962 : vector<16xf32>
        %add3A_964 = arith.constant 51 : i32
        %add3A_965 = arith.addi %add3A_964, %scan3A_920 : i32
        %get3A_966 = arith.index_cast %add3A_965 : i32 to index
        %get3A_967 = arith.constant 80 : index
        %get3A_968 = tpu.vector_load %arg9[%get3A_966, %get3A_967] {strides = array<i32>} : memref<100x128xf32, #tpu.memory_space<vmem>>, vector<1x16xf32>,
        %get3A_969 = vector.shape_cast %get3A_968 : vector<1x16xf32> to vector<16xf32>
        %add3A_970 = arith.addf %scan3A_926, %get3A_969 : vector<16xf32>
        %add3A_971 = arith.constant 51 : i32
        %add3A_972 = arith.addi %add3A_971, %scan3A_920 : i32
        %get3A_973 = arith.index_cast %add3A_972 : i32 to index
        %get3A_974 = arith.constant 96 : index
        %get3A_975 = tpu.vector_load %arg9[%get3A_973, %get3A_974] {strides = array<i32>} : memref<100x128xf32, #tpu.memory_space<vmem>>, vector<1x16xf32>,
        %get3A_976 = vector.shape_cast %get3A_975 : vector<1x16xf32> to vector<16xf32>
        %add3A_977 = arith.addf %scan3A_927, %get3A_976 : vector<16xf32>
        %add3A_978 = arith.constant 51 : i32
        %add3A_979 = arith.addi %add3A_978, %scan3A_920 : i32
        %get3A_980 = arith.index_cast %add3A_979 : i32 to index
        %get3A_981 = arith.constant 112 : index
        %get3A_982 = tpu.vector_load %arg9[%get3A_980, %get3A_981] {strides = array<i32>} : memref<100x128xf32, #tpu.memory_space<vmem>>, vector<1x16xf32>,
        %get3A_983 = vector.shape_cast %get3A_982 : vector<1x16xf32> to vector<16xf32>
        %add3A_984 = arith.addf %scan3A_928, %get3A_983 : vector<16xf32>
        %scan3A_985 = arith.constant 1 : i32
        %scan3A_986 = arith.addi %scan3A_920, %scan3A_985 : i32
        %add3A_987 = arith.constant 51 : i32
        %add3A_988 = arith.addi %add3A_987, %scan3A_986 : i32
        %get3A_989 = arith.index_cast %add3A_988 : i32 to index
        %get3A_990 = arith.constant 0 : index
        %get3A_991 = tpu.vector_load %arg9[%get3A_989, %get3A_990] {strides = array<i32>} : memref<100x128xf32, #tpu.memory_space<vmem>>, vector<1x16xf32>,
        %get3A_992 = vector.shape_cast %get3A_991 : vector<1x16xf32> to vector<16xf32>
        %add3A_993 = arith.addf %add3A_935, %get3A_992 : vector<16xf32>
        %add3A_994 = arith.constant 51 : i32
        %add3A_995 = arith.addi %add3A_994, %scan3A_986 : i32
        %get3A_996 = arith.index_cast %add3A_995 : i32 to index
        %get3A_997 = arith.constant 16 : index
        %get3A_998 = tpu.vector_load %arg9[%get3A_996, %get3A_997] {strides = array<i32>} : memref<100x128xf32, #tpu.memory_space<vmem>>, vector<1x16xf32>,
        %get3A_999 = vector.shape_cast %get3A_998 : vector<1x16xf32> to vector<16xf32>
        %add3A_1000 = arith.addf %add3A_942, %get3A_999 : vector<16xf32>
        %add3A_1001 = arith.constant 51 : i32
        %add3A_1002 = arith.addi %add3A_1001, %scan3A_986 : i32
        %get3A_1003 = arith.index_cast %add3A_1002 : i32 to index
        %get3A_1004 = arith.constant 32 : index
        %get3A_1005 = tpu.vector_load %arg9[%get3A_1003, %get3A_1004] {strides = array<i32>} : memref<100x128xf32, #tpu.memory_space<vmem>>, vector<1x16xf32>,
        %get3A_1006 = vector.shape_cast %get3A_1005 : vector<1x16xf32> to vector<16xf32>
        %add3A_1007 = arith.addf %add3A_949, %get3A_1006 : vector<16xf32>
        %add3A_1008 = arith.constant 51 : i32
        %add3A_1009 = arith.addi %add3A_1008, %scan3A_986 : i32
        %get3A_1010 = arith.index_cast %add3A_1009 : i32 to index
        %get3A_1011 = arith.constant 48 : index
        %get3A_1012 = tpu.vector_load %arg9[%get3A_1010, %get3A_1011] {strides = array<i32>} : memref<100x128xf32, #tpu.memory_space<vmem>>, vector<1x16xf32>,
        %get3A_1013 = vector.shape_cast %get3A_1012 : vector<1x16xf32> to vector<16xf32>
        %add3A_1014 = arith.addf %add3A_956, %get3A_1013 : vector<16xf32>
        %add3A_1015 = arith.constant 51 : i32
        %add3A_1016 = arith.addi %add3A_1015, %scan3A_986 : i32
        %get3A_1017 = arith.index_cast %add3A_1016 : i32 to index
        %get3A_1018 = arith.constant 64 : index
        %get3A_1019 = tpu.vector_load %arg9[%get3A_1017, %get3A_1018] {strides = array<i32>} : memref<100x128xf32, #tpu.memory_space<vmem>>, vector<1x16xf32>,
        %get3A_1020 = vector.shape_cast %get3A_1019 : vector<1x16xf32> to vector<16xf32>
        %add3A_1021 = arith.addf %add3A_963, %get3A_1020 : vector<16xf32>
        %add3A_1022 = arith.constant 51 : i32
        %add3A_1023 = arith.addi %add3A_1022, %scan3A_986 : i32
        %get3A_1024 = arith.index_cast %add3A_1023 : i32 to index
        %get3A_1025 = arith.constant 80 : index
        %get3A_1026 = tpu.vector_load %arg9[%get3A_1024, %get3A_1025] {strides = array<i32>} : memref<100x128xf32, #tpu.memory_space<vmem>>, vector<1x16xf32>,
        %get3A_1027 = vector.shape_cast %get3A_1026 : vector<1x16xf32> to vector<16xf32>
        %add3A_1028 = arith.addf %add3A_970, %get3A_1027 : vector<16xf32>
        %add3A_1029 = arith.constant 51 : i32
        %add3A_1030 = arith.addi %add3A_1029, %scan3A_986 : i32
        %get3A_1031 = arith.index_cast %add3A_1030 : i32 to index
        %get3A_1032 = arith.constant 96 : index
        %get3A_1033 = tpu.vector_load %arg9[%get3A_1031, %get3A_1032] {strides = array<i32>} : memref<100x128xf32, #tpu.memory_space<vmem>>, vector<1x16xf32>,
        %get3A_1034 = vector.shape_cast %get3A_1033 : vector<1x16xf32> to vector<16xf32>
        %add3A_1035 = arith.addf %add3A_977, %get3A_1034 : vector<16xf32>
        %add3A_1036 = arith.constant 51 : i32
        %add3A_1037 = arith.addi %add3A_1036, %scan3A_986 : i32
        %get3A_1038 = arith.index_cast %add3A_1037 : i32 to index
        %get3A_1039 = arith.constant 112 : index
        %get3A_1040 = tpu.vector_load %arg9[%get3A_1038, %get3A_1039] {strides = array<i32>} : memref<100x128xf32, #tpu.memory_space<vmem>>, vector<1x16xf32>,
        %get3A_1041 = vector.shape_cast %get3A_1040 : vector<1x16xf32> to vector<16xf32>
        %add3A_1042 = arith.addf %add3A_984, %get3A_1041 : vector<16xf32>
        %scan3A_1043 = arith.constant 2 : i32
        %scan3A_1044 = arith.addi %scan3A_920, %scan3A_1043 : i32
        %add3A_1045 = arith.constant 51 : i32
        %add3A_1046 = arith.addi %add3A_1045, %scan3A_1044 : i32
        %get3A_1047 = arith.index_cast %add3A_1046 : i32 to index
        %get3A_1048 = arith.constant 0 : index
        %get3A_1049 = tpu.vector_load %arg9[%get3A_1047, %get3A_1048] {strides = array<i32>} : memref<100x128xf32, #tpu.memory_space<vmem>>, vector<1x16xf32>,
        %get3A_1050 = vector.shape_cast %get3A_1049 : vector<1x16xf32> to vector<16xf32>
        %add3A_1051 = arith.addf %add3A_993, %get3A_1050 : vector<16xf32>
        %add3A_1052 = arith.constant 51 : i32
        %add3A_1053 = arith.addi %add3A_1052, %scan3A_1044 : i32
        %get3A_1054 = arith.index_cast %add3A_1053 : i32 to index
        %get3A_1055 = arith.constant 16 : index
        %get3A_1056 = tpu.vector_load %arg9[%get3A_1054, %get3A_1055] {strides = array<i32>} : memref<100x128xf32, #tpu.memory_space<vmem>>, vector<1x16xf32>,
        %get3A_1057 = vector.shape_cast %get3A_1056 : vector<1x16xf32> to vector<16xf32>
        %add3A_1058 = arith.addf %add3A_1000, %get3A_1057 : vector<16xf32>
        %add3A_1059 = arith.constant 51 : i32
        %add3A_1060 = arith.addi %add3A_1059, %scan3A_1044 : i32
        %get3A_1061 = arith.index_cast %add3A_1060 : i32 to index
        %get3A_1062 = arith.constant 32 : index
        %get3A_1063 = tpu.vector_load %arg9[%get3A_1061, %get3A_1062] {strides = array<i32>} : memref<100x128xf32, #tpu.memory_space<vmem>>, vector<1x16xf32>,
        %get3A_1064 = vector.shape_cast %get3A_1063 : vector<1x16xf32> to vector<16xf32>
        %add3A_1065 = arith.addf %add3A_1007, %get3A_1064 : vector<16xf32>
        %add3A_1066 = arith.constant 51 : i32
        %add3A_1067 = arith.addi %add3A_1066, %scan3A_1044 : i32
        %get3A_1068 = arith.index_cast %add3A_1067 : i32 to index
        %get3A_1069 = arith.constant 48 : index
        %get3A_1070 = tpu.vector_load %arg9[%get3A_1068, %get3A_1069] {strides = array<i32>} : memref<100x128xf32, #tpu.memory_space<vmem>>, vector<1x16xf32>,
        %get3A_1071 = vector.shape_cast %get3A_1070 : vector<1x16xf32> to vector<16xf32>
        %add3A_1072 = arith.addf %add3A_1014, %get3A_1071 : vector<16xf32>
        %add3A_1073 = arith.constant 51 : i32
        %add3A_1074 = arith.addi %add3A_1073, %scan3A_1044 : i32
        %get3A_1075 = arith.index_cast %add3A_1074 : i32 to index
        %get3A_1076 = arith.constant 64 : index
        %get3A_1077 = tpu.vector_load %arg9[%get3A_1075, %get3A_1076] {strides = array<i32>} : memref<100x128xf32, #tpu.memory_space<vmem>>, vector<1x16xf32>,
        %get3A_1078 = vector.shape_cast %get3A_1077 : vector<1x16xf32> to vector<16xf32>
        %add3A_1079 = arith.addf %add3A_1021, %get3A_1078 : vector<16xf32>
        %add3A_1080 = arith.constant 51 : i32
        %add3A_1081 = arith.addi %add3A_1080, %scan3A_1044 : i32
        %get3A_1082 = arith.index_cast %add3A_1081 : i32 to index
        %get3A_1083 = arith.constant 80 : index
        %get3A_1084 = tpu.vector_load %arg9[%get3A_1082, %get3A_1083] {strides = array<i32>} : memref<100x128xf32, #tpu.memory_space<vmem>>, vector<1x16xf32>,
        %get3A_1085 = vector.shape_cast %get3A_1084 : vector<1x16xf32> to vector<16xf32>
        %add3A_1086 = arith.addf %add3A_1028, %get3A_1085 : vector<16xf32>
        %add3A_1087 = arith.constant 51 : i32
        %add3A_1088 = arith.addi %add3A_1087, %scan3A_1044 : i32
        %get3A_1089 = arith.index_cast %add3A_1088 : i32 to index
        %get3A_1090 = arith.constant 96 : index
        %get3A_1091 = tpu.vector_load %arg9[%get3A_1089, %get3A_1090] {strides = array<i32>} : memref<100x128xf32, #tpu.memory_space<vmem>>, vector<1x16xf32>,
        %get3A_1092 = vector.shape_cast %get3A_1091 : vector<1x16xf32> to vector<16xf32>
        %add3A_1093 = arith.addf %add3A_1035, %get3A_1092 : vector<16xf32>
        %add3A_1094 = arith.constant 51 : i32
        %add3A_1095 = arith.addi %add3A_1094, %scan3A_1044 : i32
        %get3A_1096 = arith.index_cast %add3A_1095 : i32 to index
        %get3A_1097 = arith.constant 112 : index
        %get3A_1098 = tpu.vector_load %arg9[%get3A_1096, %get3A_1097] {strides = array<i32>} : memref<100x128xf32, #tpu.memory_space<vmem>>, vector<1x16xf32>,
        %get3A_1099 = vector.shape_cast %get3A_1098 : vector<1x16xf32> to vector<16xf32>
        %add3A_1100 = arith.addf %add3A_1042, %get3A_1099 : vector<16xf32>
        %scan3A_1101 = arith.constant 3 : i32
        %scan3A_1102 = arith.addi %scan3A_920, %scan3A_1101 : i32
        %add3A_1103 = arith.constant 51 : i32
        %add3A_1104 = arith.addi %add3A_1103, %scan3A_1102 : i32
        %get3A_1105 = arith.index_cast %add3A_1104 : i32 to index
        %get3A_1106 = arith.constant 0 : index
        %get3A_1107 = tpu.vector_load %arg9[%get3A_1105, %get3A_1106] {strides = array<i32>} : memref<100x128xf32, #tpu.memory_space<vmem>>, vector<1x16xf32>,
        %get3A_1108 = vector.shape_cast %get3A_1107 : vector<1x16xf32> to vector<16xf32>
        %add3A_1109 = arith.addf %add3A_1051, %get3A_1108 : vector<16xf32>
        %add3A_1110 = arith.constant 51 : i32
        %add3A_1111 = arith.addi %add3A_1110, %scan3A_1102 : i32
        %get3A_1112 = arith.index_cast %add3A_1111 : i32 to index
        %get3A_1113 = arith.constant 16 : index
        %get3A_1114 = tpu.vector_load %arg9[%get3A_1112, %get3A_1113] {strides = array<i32>} : memref<100x128xf32, #tpu.memory_space<vmem>>, vector<1x16xf32>,
        %get3A_1115 = vector.shape_cast %get3A_1114 : vector<1x16xf32> to vector<16xf32>
        %add3A_1116 = arith.addf %add3A_1058, %get3A_1115 : vector<16xf32>
        %add3A_1117 = arith.constant 51 : i32
        %add3A_1118 = arith.addi %add3A_1117, %scan3A_1102 : i32
        %get3A_1119 = arith.index_cast %add3A_1118 : i32 to index
        %get3A_1120 = arith.constant 32 : index
        %get3A_1121 = tpu.vector_load %arg9[%get3A_1119, %get3A_1120] {strides = array<i32>} : memref<100x128xf32, #tpu.memory_space<vmem>>, vector<1x16xf32>,
        %get3A_1122 = vector.shape_cast %get3A_1121 : vector<1x16xf32> to vector<16xf32>
        %add3A_1123 = arith.addf %add3A_1065, %get3A_1122 : vector<16xf32>
        %add3A_1124 = arith.constant 51 : i32
        %add3A_1125 = arith.addi %add3A_1124, %scan3A_1102 : i32
        %get3A_1126 = arith.index_cast %add3A_1125 : i32 to index
        %get3A_1127 = arith.constant 48 : index
        %get3A_1128 = tpu.vector_load %arg9[%get3A_1126, %get3A_1127] {strides = array<i32>} : memref<100x128xf32, #tpu.memory_space<vmem>>, vector<1x16xf32>,
        %get3A_1129 = vector.shape_cast %get3A_1128 : vector<1x16xf32> to vector<16xf32>
        %add3A_1130 = arith.addf %add3A_1072, %get3A_1129 : vector<16xf32>
        %add3A_1131 = arith.constant 51 : i32
        %add3A_1132 = arith.addi %add3A_1131, %scan3A_1102 : i32
        %get3A_1133 = arith.index_cast %add3A_1132 : i32 to index
        %get3A_1134 = arith.constant 64 : index
        %get3A_1135 = tpu.vector_load %arg9[%get3A_1133, %get3A_1134] {strides = array<i32>} : memref<100x128xf32, #tpu.memory_space<vmem>>, vector<1x16xf32>,
        %get3A_1136 = vector.shape_cast %get3A_1135 : vector<1x16xf32> to vector<16xf32>
        %add3A_1137 = arith.addf %add3A_1079, %get3A_1136 : vector<16xf32>
        %add3A_1138 = arith.constant 51 : i32
        %add3A_1139 = arith.addi %add3A_1138, %scan3A_1102 : i32
        %get3A_1140 = arith.index_cast %add3A_1139 : i32 to index
        %get3A_1141 = arith.constant 80 : index
        %get3A_1142 = tpu.vector_load %arg9[%get3A_1140, %get3A_1141] {strides = array<i32>} : memref<100x128xf32, #tpu.memory_space<vmem>>, vector<1x16xf32>,
        %get3A_1143 = vector.shape_cast %get3A_1142 : vector<1x16xf32> to vector<16xf32>
        %add3A_1144 = arith.addf %add3A_1086, %get3A_1143 : vector<16xf32>
        %add3A_1145 = arith.constant 51 : i32
        %add3A_1146 = arith.addi %add3A_1145, %scan3A_1102 : i32
        %get3A_1147 = arith.index_cast %add3A_1146 : i32 to index
        %get3A_1148 = arith.constant 96 : index
        %get3A_1149 = tpu.vector_load %arg9[%get3A_1147, %get3A_1148] {strides = array<i32>} : memref<100x128xf32, #tpu.memory_space<vmem>>, vector<1x16xf32>,
        %get3A_1150 = vector.shape_cast %get3A_1149 : vector<1x16xf32> to vector<16xf32>
        %add3A_1151 = arith.addf %add3A_1093, %get3A_1150 : vector<16xf32>
        %add3A_1152 = arith.constant 51 : i32
        %add3A_1153 = arith.addi %add3A_1152, %scan3A_1102 : i32
        %get3A_1154 = arith.index_cast %add3A_1153 : i32 to index
        %get3A_1155 = arith.constant 112 : index
        %get3A_1156 = tpu.vector_load %arg9[%get3A_1154, %get3A_1155] {strides = array<i32>} : memref<100x128xf32, #tpu.memory_space<vmem>>, vector<1x16xf32>,
        %get3A_1157 = vector.shape_cast %get3A_1156 : vector<1x16xf32> to vector<16xf32>
        %add3A_1158 = arith.addf %add3A_1100, %get3A_1157 : vector<16xf32>
        %scan3A_1159 = arith.constant 4 : i32
        %scan3A_1160 = arith.addi %scan3A_920, %scan3A_1159 : i32
        %add3A_1161 = arith.constant 51 : i32
        %add3A_1162 = arith.addi %add3A_1161, %scan3A_1160 : i32
        %get3A_1163 = arith.index_cast %add3A_1162 : i32 to index
        %get3A_1164 = arith.constant 0 : index
        %get3A_1165 = tpu.vector_load %arg9[%get3A_1163, %get3A_1164] {strides = array<i32>} : memref<100x128xf32, #tpu.memory_space<vmem>>, vector<1x16xf32>,
        %get3A_1166 = vector.shape_cast %get3A_1165 : vector<1x16xf32> to vector<16xf32>
        %add3A_1167 = arith.addf %add3A_1109, %get3A_1166 : vector<16xf32>
        %add3A_1168 = arith.constant 51 : i32
        %add3A_1169 = arith.addi %add3A_1168, %scan3A_1160 : i32
        %get3A_1170 = arith.index_cast %add3A_1169 : i32 to index
        %get3A_1171 = arith.constant 16 : index
        %get3A_1172 = tpu.vector_load %arg9[%get3A_1170, %get3A_1171] {strides = array<i32>} : memref<100x128xf32, #tpu.memory_space<vmem>>, vector<1x16xf32>,
        %get3A_1173 = vector.shape_cast %get3A_1172 : vector<1x16xf32> to vector<16xf32>
        %add3A_1174 = arith.addf %add3A_1116, %get3A_1173 : vector<16xf32>
        %add3A_1175 = arith.constant 51 : i32
        %add3A_1176 = arith.addi %add3A_1175, %scan3A_1160 : i32
        %get3A_1177 = arith.index_cast %add3A_1176 : i32 to index
        %get3A_1178 = arith.constant 32 : index
        %get3A_1179 = tpu.vector_load %arg9[%get3A_1177, %get3A_1178] {strides = array<i32>} : memref<100x128xf32, #tpu.memory_space<vmem>>, vector<1x16xf32>,
        %get3A_1180 = vector.shape_cast %get3A_1179 : vector<1x16xf32> to vector<16xf32>
        %add3A_1181 = arith.addf %add3A_1123, %get3A_1180 : vector<16xf32>
        %add3A_1182 = arith.constant 51 : i32
        %add3A_1183 = arith.addi %add3A_1182, %scan3A_1160 : i32
        %get3A_1184 = arith.index_cast %add3A_1183 : i32 to index
        %get3A_1185 = arith.constant 48 : index
        %get3A_1186 = tpu.vector_load %arg9[%get3A_1184, %get3A_1185] {strides = array<i32>} : memref<100x128xf32, #tpu.memory_space<vmem>>, vector<1x16xf32>,
        %get3A_1187 = vector.shape_cast %get3A_1186 : vector<1x16xf32> to vector<16xf32>
        %add3A_1188 = arith.addf %add3A_1130, %get3A_1187 : vector<16xf32>
        %add3A_1189 = arith.constant 51 : i32
        %add3A_1190 = arith.addi %add3A_1189, %scan3A_1160 : i32
        %get3A_1191 = arith.index_cast %add3A_1190 : i32 to index
        %get3A_1192 = arith.constant 64 : index
        %get3A_1193 = tpu.vector_load %arg9[%get3A_1191, %get3A_1192] {strides = array<i32>} : memref<100x128xf32, #tpu.memory_space<vmem>>, vector<1x16xf32>,
        %get3A_1194 = vector.shape_cast %get3A_1193 : vector<1x16xf32> to vector<16xf32>
        %add3A_1195 = arith.addf %add3A_1137, %get3A_1194 : vector<16xf32>
        %add3A_1196 = arith.constant 51 : i32
        %add3A_1197 = arith.addi %add3A_1196, %scan3A_1160 : i32
        %get3A_1198 = arith.index_cast %add3A_1197 : i32 to index
        %get3A_1199 = arith.constant 80 : index
        %get3A_1200 = tpu.vector_load %arg9[%get3A_1198, %get3A_1199] {strides = array<i32>} : memref<100x128xf32, #tpu.memory_space<vmem>>, vector<1x16xf32>,
        %get3A_1201 = vector.shape_cast %get3A_1200 : vector<1x16xf32> to vector<16xf32>
        %add3A_1202 = arith.addf %add3A_1144, %get3A_1201 : vector<16xf32>
        %add3A_1203 = arith.constant 51 : i32
        %add3A_1204 = arith.addi %add3A_1203, %scan3A_1160 : i32
        %get3A_1205 = arith.index_cast %add3A_1204 : i32 to index
        %get3A_1206 = arith.constant 96 : index
        %get3A_1207 = tpu.vector_load %arg9[%get3A_1205, %get3A_1206] {strides = array<i32>} : memref<100x128xf32, #tpu.memory_space<vmem>>, vector<1x16xf32>,
        %get3A_1208 = vector.shape_cast %get3A_1207 : vector<1x16xf32> to vector<16xf32>
        %add3A_1209 = arith.addf %add3A_1151, %get3A_1208 : vector<16xf32>
        %add3A_1210 = arith.constant 51 : i32
        %add3A_1211 = arith.addi %add3A_1210, %scan3A_1160 : i32
        %get3A_1212 = arith.index_cast %add3A_1211 : i32 to index
        %get3A_1213 = arith.constant 112 : index
        %get3A_1214 = tpu.vector_load %arg9[%get3A_1212, %get3A_1213] {strides = array<i32>} : memref<100x128xf32, #tpu.memory_space<vmem>>, vector<1x16xf32>,
        %get3A_1215 = vector.shape_cast %get3A_1214 : vector<1x16xf32> to vector<16xf32>
        %add3A_1216 = arith.addf %add3A_1158, %get3A_1215 : vector<16xf32>
        %scan3A_1217 = arith.constant 5 : i32
        %scan3A_1218 = arith.addi %scan3A_920, %scan3A_1217 : i32
        %add3A_1219 = arith.constant 51 : i32
        %add3A_1220 = arith.addi %add3A_1219, %scan3A_1218 : i32
        %get3A_1221 = arith.index_cast %add3A_1220 : i32 to index
        %get3A_1222 = arith.constant 0 : index
        %get3A_1223 = tpu.vector_load %arg9[%get3A_1221, %get3A_1222] {strides = array<i32>} : memref<100x128xf32, #tpu.memory_space<vmem>>, vector<1x16xf32>,
        %get3A_1224 = vector.shape_cast %get3A_1223 : vector<1x16xf32> to vector<16xf32>
        %add3A_1225 = arith.addf %add3A_1167, %get3A_1224 : vector<16xf32>
        %add3A_1226 = arith.constant 51 : i32
        %add3A_1227 = arith.addi %add3A_1226, %scan3A_1218 : i32
        %get3A_1228 = arith.index_cast %add3A_1227 : i32 to index
        %get3A_1229 = arith.constant 16 : index
        %get3A_1230 = tpu.vector_load %arg9[%get3A_1228, %get3A_1229] {strides = array<i32>} : memref<100x128xf32, #tpu.memory_space<vmem>>, vector<1x16xf32>,
        %get3A_1231 = vector.shape_cast %get3A_1230 : vector<1x16xf32> to vector<16xf32>
        %add3A_1232 = arith.addf %add3A_1174, %get3A_1231 : vector<16xf32>
        %add3A_1233 = arith.constant 51 : i32
        %add3A_1234 = arith.addi %add3A_1233, %scan3A_1218 : i32
        %get3A_1235 = arith.index_cast %add3A_1234 : i32 to index
        %get3A_1236 = arith.constant 32 : index
        %get3A_1237 = tpu.vector_load %arg9[%get3A_1235, %get3A_1236] {strides = array<i32>} : memref<100x128xf32, #tpu.memory_space<vmem>>, vector<1x16xf32>,
        %get3A_1238 = vector.shape_cast %get3A_1237 : vector<1x16xf32> to vector<16xf32>
        %add3A_1239 = arith.addf %add3A_1181, %get3A_1238 : vector<16xf32>
        %add3A_1240 = arith.constant 51 : i32
        %add3A_1241 = arith.addi %add3A_1240, %scan3A_1218 : i32
        %get3A_1242 = arith.index_cast %add3A_1241 : i32 to index
        %get3A_1243 = arith.constant 48 : index
        %get3A_1244 = tpu.vector_load %arg9[%get3A_1242, %get3A_1243] {strides = array<i32>} : memref<100x128xf32, #tpu.memory_space<vmem>>, vector<1x16xf32>,
        %get3A_1245 = vector.shape_cast %get3A_1244 : vector<1x16xf32> to vector<16xf32>
        %add3A_1246 = arith.addf %add3A_1188, %get3A_1245 : vector<16xf32>
        %add3A_1247 = arith.constant 51 : i32
        %add3A_1248 = arith.addi %add3A_1247, %scan3A_1218 : i32
        %get3A_1249 = arith.index_cast %add3A_1248 : i32 to index
        %get3A_1250 = arith.constant 64 : index
        %get3A_1251 = tpu.vector_load %arg9[%get3A_1249, %get3A_1250] {strides = array<i32>} : memref<100x128xf32, #tpu.memory_space<vmem>>, vector<1x16xf32>,
        %get3A_1252 = vector.shape_cast %get3A_1251 : vector<1x16xf32> to vector<16xf32>
        %add3A_1253 = arith.addf %add3A_1195, %get3A_1252 : vector<16xf32>
        %add3A_1254 = arith.constant 51 : i32
        %add3A_1255 = arith.addi %add3A_1254, %scan3A_1218 : i32
        %get3A_1256 = arith.index_cast %add3A_1255 : i32 to index
        %get3A_1257 = arith.constant 80 : index
        %get3A_1258 = tpu.vector_load %arg9[%get3A_1256, %get3A_1257] {strides = array<i32>} : memref<100x128xf32, #tpu.memory_space<vmem>>, vector<1x16xf32>,
        %get3A_1259 = vector.shape_cast %get3A_1258 : vector<1x16xf32> to vector<16xf32>
        %add3A_1260 = arith.addf %add3A_1202, %get3A_1259 : vector<16xf32>
        %add3A_1261 = arith.constant 51 : i32
        %add3A_1262 = arith.addi %add3A_1261, %scan3A_1218 : i32
        %get3A_1263 = arith.index_cast %add3A_1262 : i32 to index
        %get3A_1264 = arith.constant 96 : index
        %get3A_1265 = tpu.vector_load %arg9[%get3A_1263, %get3A_1264] {strides = array<i32>} : memref<100x128xf32, #tpu.memory_space<vmem>>, vector<1x16xf32>,
        %get3A_1266 = vector.shape_cast %get3A_1265 : vector<1x16xf32> to vector<16xf32>
        %add3A_1267 = arith.addf %add3A_1209, %get3A_1266 : vector<16xf32>
        %add3A_1268 = arith.constant 51 : i32
        %add3A_1269 = arith.addi %add3A_1268, %scan3A_1218 : i32
        %get3A_1270 = arith.index_cast %add3A_1269 : i32 to index
        %get3A_1271 = arith.constant 112 : index
        %get3A_1272 = tpu.vector_load %arg9[%get3A_1270, %get3A_1271] {strides = array<i32>} : memref<100x128xf32, #tpu.memory_space<vmem>>, vector<1x16xf32>,
        %get3A_1273 = vector.shape_cast %get3A_1272 : vector<1x16xf32> to vector<16xf32>
        %add3A_1274 = arith.addf %add3A_1216, %get3A_1273 : vector<16xf32>
        %scan3A_1275 = arith.constant 6 : i32
        %scan3A_1276 = arith.addi %scan3A_920, %scan3A_1275 : i32
        %add3A_1277 = arith.constant 51 : i32
        %add3A_1278 = arith.addi %add3A_1277, %scan3A_1276 : i32
        %get3A_1279 = arith.index_cast %add3A_1278 : i32 to index
        %get3A_1280 = arith.constant 0 : index
        %get3A_1281 = tpu.vector_load %arg9[%get3A_1279, %get3A_1280] {strides = array<i32>} : memref<100x128xf32, #tpu.memory_space<vmem>>, vector<1x16xf32>,
        %get3A_1282 = vector.shape_cast %get3A_1281 : vector<1x16xf32> to vector<16xf32>
        %add3A_1283 = arith.addf %add3A_1225, %get3A_1282 : vector<16xf32>
        %add3A_1284 = arith.constant 51 : i32
        %add3A_1285 = arith.addi %add3A_1284, %scan3A_1276 : i32
        %get3A_1286 = arith.index_cast %add3A_1285 : i32 to index
        %get3A_1287 = arith.constant 16 : index
        %get3A_1288 = tpu.vector_load %arg9[%get3A_1286, %get3A_1287] {strides = array<i32>} : memref<100x128xf32, #tpu.memory_space<vmem>>, vector<1x16xf32>,
        %get3A_1289 = vector.shape_cast %get3A_1288 : vector<1x16xf32> to vector<16xf32>
        %add3A_1290 = arith.addf %add3A_1232, %get3A_1289 : vector<16xf32>
        %add3A_1291 = arith.constant 51 : i32
        %add3A_1292 = arith.addi %add3A_1291, %scan3A_1276 : i32
        %get3A_1293 = arith.index_cast %add3A_1292 : i32 to index
        %get3A_1294 = arith.constant 32 : index
        %get3A_1295 = tpu.vector_load %arg9[%get3A_1293, %get3A_1294] {strides = array<i32>} : memref<100x128xf32, #tpu.memory_space<vmem>>, vector<1x16xf32>,
        %get3A_1296 = vector.shape_cast %get3A_1295 : vector<1x16xf32> to vector<16xf32>
        %add3A_1297 = arith.addf %add3A_1239, %get3A_1296 : vector<16xf32>
        %add3A_1298 = arith.constant 51 : i32
        %add3A_1299 = arith.addi %add3A_1298, %scan3A_1276 : i32
        %get3A_1300 = arith.index_cast %add3A_1299 : i32 to index
        %get3A_1301 = arith.constant 48 : index
        %get3A_1302 = tpu.vector_load %arg9[%get3A_1300, %get3A_1301] {strides = array<i32>} : memref<100x128xf32, #tpu.memory_space<vmem>>, vector<1x16xf32>,
        %get3A_1303 = vector.shape_cast %get3A_1302 : vector<1x16xf32> to vector<16xf32>
        %add3A_1304 = arith.addf %add3A_1246, %get3A_1303 : vector<16xf32>
        %add3A_1305 = arith.constant 51 : i32
        %add3A_1306 = arith.addi %add3A_1305, %scan3A_1276 : i32
        %get3A_1307 = arith.index_cast %add3A_1306 : i32 to index
        %get3A_1308 = arith.constant 64 : index
        %get3A_1309 = tpu.vector_load %arg9[%get3A_1307, %get3A_1308] {strides = array<i32>} : memref<100x128xf32, #tpu.memory_space<vmem>>, vector<1x16xf32>,
        %get3A_1310 = vector.shape_cast %get3A_1309 : vector<1x16xf32> to vector<16xf32>
        %add3A_1311 = arith.addf %add3A_1253, %get3A_1310 : vector<16xf32>
        %add3A_1312 = arith.constant 51 : i32
        %add3A_1313 = arith.addi %add3A_1312, %scan3A_1276 : i32
        %get3A_1314 = arith.index_cast %add3A_1313 : i32 to index
        %get3A_1315 = arith.constant 80 : index
        %get3A_1316 = tpu.vector_load %arg9[%get3A_1314, %get3A_1315] {strides = array<i32>} : memref<100x128xf32, #tpu.memory_space<vmem>>, vector<1x16xf32>,
        %get3A_1317 = vector.shape_cast %get3A_1316 : vector<1x16xf32> to vector<16xf32>
        %add3A_1318 = arith.addf %add3A_1260, %get3A_1317 : vector<16xf32>
        %add3A_1319 = arith.constant 51 : i32
        %add3A_1320 = arith.addi %add3A_1319, %scan3A_1276 : i32
        %get3A_1321 = arith.index_cast %add3A_1320 : i32 to index
        %get3A_1322 = arith.constant 96 : index
        %get3A_1323 = tpu.vector_load %arg9[%get3A_1321, %get3A_1322] {strides = array<i32>} : memref<100x128xf32, #tpu.memory_space<vmem>>, vector<1x16xf32>,
        %get3A_1324 = vector.shape_cast %get3A_1323 : vector<1x16xf32> to vector<16xf32>
        %add3A_1325 = arith.addf %add3A_1267, %get3A_1324 : vector<16xf32>
        %add3A_1326 = arith.constant 51 : i32
        %add3A_1327 = arith.addi %add3A_1326, %scan3A_1276 : i32
        %get3A_1328 = arith.index_cast %add3A_1327 : i32 to index
        %get3A_1329 = arith.constant 112 : index
        %get3A_1330 = tpu.vector_load %arg9[%get3A_1328, %get3A_1329] {strides = array<i32>} : memref<100x128xf32, #tpu.memory_space<vmem>>, vector<1x16xf32>,
        %get3A_1331 = vector.shape_cast %get3A_1330 : vector<1x16xf32> to vector<16xf32>
        %add3A_1332 = arith.addf %add3A_1274, %get3A_1331 : vector<16xf32>
        scf.yield %add3A_1283, %add3A_1290, %add3A_1297, %add3A_1304, %add3A_1311, %add3A_1318, %add3A_1325, %add3A_1332 : vector<16xf32>, vector<16xf32>, vector<16xf32>, vector<16xf32>, vector<16xf32>, vector<16xf32>, vector<16xf32>, vector<16xf32>
      }
      %scan3A_863 = arith.constant 49 : i32
      %add3A_864 = arith.constant 1 : i32
      %add3A_865 = arith.addi %mul3A_715, %add3A_864 : i32
      %swap3A_866 = arith.index_cast %add3A_865 : i32 to index
      %swap3A_867 = arith.constant 0 : index
      %swap3A_868 = tpu.vector_load %arg10[%swap3A_866, %swap3A_867] {strides = array<i32>} : memref<128x128xf32, #tpu.memory_space<vmem>>, vector<1x16xf32>,
      %swap3A_869 = vector.shape_cast %swap3A_868 : vector<1x16xf32> to vector<16xf32>
      %swap3A_870 = vector.shape_cast %scan3A_862#0 : vector<16xf32> to vector<1x16xf32>
      tpu.vector_store %arg10[%swap3A_866, %swap3A_867], %swap3A_870 {strides = array<i32>} : memref<128x128xf32, #tpu.memory_space<vmem>>, vector<1x16xf32>,
      %add3A_871 = arith.constant 1 : i32
      %add3A_872 = arith.addi %mul3A_715, %add3A_871 : i32
      %swap3A_873 = arith.index_cast %add3A_872 : i32 to index
      %swap3A_874 = arith.constant 16 : index
      %swap3A_875 = tpu.vector_load %arg10[%swap3A_873, %swap3A_874] {strides = array<i32>} : memref<128x128xf32, #tpu.memory_space<vmem>>, vector<1x16xf32>,
      %swap3A_876 = vector.shape_cast %swap3A_875 : vector<1x16xf32> to vector<16xf32>
      %swap3A_877 = vector.shape_cast %scan3A_862#1 : vector<16xf32> to vector<1x16xf32>
      tpu.vector_store %arg10[%swap3A_873, %swap3A_874], %swap3A_877 {strides = array<i32>} : memref<128x128xf32, #tpu.memory_space<vmem>>, vector<1x16xf32>,
      %add3A_878 = arith.constant 1 : i32
      %add3A_879 = arith.addi %mul3A_715, %add3A_878 : i32
      %swap3A_880 = arith.index_cast %add3A_879 : i32 to index
      %swap3A_881 = arith.constant 32 : index
      %swap3A_882 = tpu.vector_load %arg10[%swap3A_880, %swap3A_881] {strides = array<i32>} : memref<128x128xf32, #tpu.memory_space<vmem>>, vector<1x16xf32>,
      %swap3A_883 = vector.shape_cast %swap3A_882 : vector<1x16xf32> to vector<16xf32>
      %swap3A_884 = vector.shape_cast %scan3A_862#2 : vector<16xf32> to vector<1x16xf32>
      tpu.vector_store %arg10[%swap3A_880, %swap3A_881], %swap3A_884 {strides = array<i32>} : memref<128x128xf32, #tpu.memory_space<vmem>>, vector<1x16xf32>,
      %add3A_885 = arith.constant 1 : i32
      %add3A_886 = arith.addi %mul3A_715, %add3A_885 : i32
      %swap3A_887 = arith.index_cast %add3A_886 : i32 to index
      %swap3A_888 = arith.constant 48 : index
      %swap3A_889 = tpu.vector_load %arg10[%swap3A_887, %swap3A_888] {strides = array<i32>} : memref<128x128xf32, #tpu.memory_space<vmem>>, vector<1x16xf32>,
      %swap3A_890 = vector.shape_cast %swap3A_889 : vector<1x16xf32> to vector<16xf32>
      %swap3A_891 = vector.shape_cast %scan3A_862#3 : vector<16xf32> to vector<1x16xf32>
      tpu.vector_store %arg10[%swap3A_887, %swap3A_888], %swap3A_891 {strides = array<i32>} : memref<128x128xf32, #tpu.memory_space<vmem>>, vector<1x16xf32>,
      %add3A_892 = arith.constant 1 : i32
      %add3A_893 = arith.addi %mul3A_715, %add3A_892 : i32
      %swap3A_894 = arith.index_cast %add3A_893 : i32 to index
      %swap3A_895 = arith.constant 64 : index
      %swap3A_896 = tpu.vector_load %arg10[%swap3A_894, %swap3A_895] {strides = array<i32>} : memref<128x128xf32, #tpu.memory_space<vmem>>, vector<1x16xf32>,
      %swap3A_897 = vector.shape_cast %swap3A_896 : vector<1x16xf32> to vector<16xf32>
      %swap3A_898 = vector.shape_cast %scan3A_862#4 : vector<16xf32> to vector<1x16xf32>
      tpu.vector_store %arg10[%swap3A_894, %swap3A_895], %swap3A_898 {strides = array<i32>} : memref<128x128xf32, #tpu.memory_space<vmem>>, vector<1x16xf32>,
      %add3A_899 = arith.constant 1 : i32
      %add3A_900 = arith.addi %mul3A_715, %add3A_899 : i32
      %swap3A_901 = arith.index_cast %add3A_900 : i32 to index
      %swap3A_902 = arith.constant 80 : index
      %swap3A_903 = tpu.vector_load %arg10[%swap3A_901, %swap3A_902] {strides = array<i32>} : memref<128x128xf32, #tpu.memory_space<vmem>>, vector<1x16xf32>,
      %swap3A_904 = vector.shape_cast %swap3A_903 : vector<1x16xf32> to vector<16xf32>
      %swap3A_905 = vector.shape_cast %scan3A_862#5 : vector<16xf32> to vector<1x16xf32>
      tpu.vector_store %arg10[%swap3A_901, %swap3A_902], %swap3A_905 {strides = array<i32>} : memref<128x128xf32, #tpu.memory_space<vmem>>, vector<1x16xf32>,
      %add3A_906 = arith.constant 1 : i32
      %add3A_907 = arith.addi %mul3A_715, %add3A_906 : i32
      %swap3A_908 = arith.index_cast %add3A_907 : i32 to index
      %swap3A_909 = arith.constant 96 : index
      %swap3A_910 = tpu.vector_load %arg10[%swap3A_908, %swap3A_909] {strides = array<i32>} : memref<128x128xf32, #tpu.memory_space<vmem>>, vector<1x16xf32>,
      %swap3A_911 = vector.shape_cast %swap3A_910 : vector<1x16xf32> to vector<16xf32>
      %swap3A_912 = vector.shape_cast %scan3A_862#6 : vector<16xf32> to vector<1x16xf32>
      tpu.vector_store %arg10[%swap3A_908, %swap3A_909], %swap3A_912 {strides = array<i32>} : memref<128x128xf32, #tpu.memory_space<vmem>>, vector<1x16xf32>,
      %add3A_913 = arith.constant 1 : i32
      %add3A_914 = arith.addi %mul3A_715, %add3A_913 : i32
      %swap3A_915 = arith.index_cast %add3A_914 : i32 to index
      %swap3A_916 = arith.constant 112 : index
      %swap3A_917 = tpu.vector_load %arg10[%swap3A_915, %swap3A_916] {strides = array<i32>} : memref<128x128xf32, #tpu.memory_space<vmem>>, vector<1x16xf32>,
      %swap3A_918 = vector.shape_cast %swap3A_917 : vector<1x16xf32> to vector<16xf32>
      %swap3A_919 = vector.shape_cast %scan3A_862#7 : vector<16xf32> to vector<1x16xf32>
      tpu.vector_store %arg10[%swap3A_915, %swap3A_916], %swap3A_919 {strides = array<i32>} : memref<128x128xf32, #tpu.memory_space<vmem>>, vector<1x16xf32>,
    }
    %scan3A_25 = arith.constant 16 : i32
    "tpu.region"() ({
      %run_scoped3A = tpu.sem_alloc : memref<!tpu.dma_semaphore, #tpu.memory_space<semaphore_mem>>
      %dma_start3A_26 = arith.constant 0 : i32
      %dma_start3A_27 = arith.constant 0 : i32
      %dma_start3A_28 = tpu.memref_slice %arg4[%add3A, %dma_start3A_26, %dma_start3A_27] : memref<32x128x128xf32, #tpu.memory_space<hbm>> -> memref<1x128x128xf32, #tpu.memory_space<hbm>>
      %dma_start3A_29 = tpu.memref_squeeze %dma_start3A_28 : memref<1x128x128xf32, #tpu.memory_space<hbm>> -> memref<128x128xf32, #tpu.memory_space<hbm>>
      %dma_start3A_30 = arith.constant 0 : i32
      %dma_start3A_31 = arith.constant 0 : i32
      %dma_start3A_32 = tpu.memref_slice %arg4[%add3A, %dma_start3A_30, %dma_start3A_31] : memref<32x128x128xf32, #tpu.memory_space<hbm>> -> memref<1x128x128xf32, #tpu.memory_space<hbm>>
      %dma_start3A_33 = tpu.memref_squeeze %dma_start3A_32 : memref<1x128x128xf32, #tpu.memory_space<hbm>> -> memref<128x128xf32, #tpu.memory_space<hbm>>
      tpu.enqueue_dma source(%arg10 : memref<128x128xf32, #tpu.memory_space<vmem>>) target(%dma_start3A_33 : memref<128x128xf32, #tpu.memory_space<hbm>>) target_semaphore(%run_scoped3A : memref<!tpu.dma_semaphore, #tpu.memory_space<semaphore_mem>>)
      %dma_wait3A = arith.constant 0 : i32
      %dma_wait3A_34 = arith.constant 0 : i32
      %dma_wait3A_35 = tpu.memref_slice %arg4[%add3A, %dma_wait3A, %dma_wait3A_34] : memref<32x128x128xf32, #tpu.memory_space<hbm>> -> memref<1x128x128xf32, #tpu.memory_space<hbm>>
      %dma_wait3A_36 = tpu.memref_squeeze %dma_wait3A_35 : memref<1x128x128xf32, #tpu.memory_space<hbm>> -> memref<128x128xf32, #tpu.memory_space<hbm>>
      %dma_wait3A_37 = arith.constant 0 : i32
      %dma_wait3A_38 = arith.constant 0 : i32
      %dma_wait3A_39 = tpu.memref_slice %arg4[%add3A, %dma_wait3A_37, %dma_wait3A_38] : memref<32x128x128xf32, #tpu.memory_space<hbm>> -> memref<1x128x128xf32, #tpu.memory_space<hbm>>
      %dma_wait3A_40 = tpu.memref_squeeze %dma_wait3A_39 : memref<1x128x128xf32, #tpu.memory_space<hbm>> -> memref<128x128xf32, #tpu.memory_space<hbm>>
      tpu.wait_dma2 semaphore(%run_scoped3A : memref<!tpu.dma_semaphore, #tpu.memory_space<semaphore_mem>>) src(%arg10 : memref<128x128xf32, #tpu.memory_space<vmem>>) dst(%dma_wait3A_40 : memref<128x128xf32, #tpu.memory_space<hbm>>)
      tpu.yield
    }) : () -> ()
    return
  }
}

module attributes {stable_mosaic.version = 14 : i64} {
  func.func @body(%arg0: i32, %arg1: memref<1024x128xf32, #tpu.memory_space<vmem>>, %arg2: memref<1024x50xi32, #tpu.memory_space<vmem>>, %arg3: memref<128x128xf32, #tpu.memory_space<vmem>>, %arg4: memref<1x128xf32, #tpu.memory_space<vmem>>, %arg5: memref<1024x128xf32, #tpu.memory_space<vmem>>) attributes {dimension_semantics = [#tpu.dimension_semantics<arbitrary>], iteration_bounds = array<i64: 4>, scalar_prefetch = 0 : i64, scratch_operands = 0 : i64, tpu.core_type = #tpu.core_type<tc>, window_params = [{transform_indices = @transform_0, window_bounds = array<i64: 1024, 128>}, {transform_indices = @transform_1, window_bounds = array<i64: 1024, 50>}, {pipeline_mode = #tpu.pipeline_mode<synchronous>, transform_indices = @transform_2, window_bounds = array<i64: 128, 128>}, {pipeline_mode = #tpu.pipeline_mode<synchronous>, transform_indices = @transform_3, window_bounds = array<i64: 1, 128>}, {transform_indices = @transform_4, window_bounds = array<i64: 1024, 128>}]} {
    %get3A = arith.constant 0 : index
    %get3A_0 = arith.constant 0 : index
    %get3A_1 = vector.load %arg2[%get3A, %get3A_0] : memref<1024x50xi32, #tpu.memory_space<vmem>>, vector<1024x50xi32>
    %ne3A = arith.constant 0 : i32
    %ne3A_2 = vector.broadcast %ne3A : i32 to vector<1024x50xi32>
    %ne3A_3 = arith.cmpi ne, %get3A_1, %ne3A_2 : vector<1024x50xi32>
    %convert_element_type3A = arith.extui %ne3A_3 : vector<1024x50xi1> to vector<1024x50xi32>
    %convert_element_type3A_4 = arith.sitofp %convert_element_type3A : vector<1024x50xi32> to vector<1024x50xf32>
    %reduce_sum3A = arith.constant dense<0.000000e+00> : vector<1024xf32>
    %reduce_sum3A_5 = vector.multi_reduction <add>, %convert_element_type3A_4, %reduce_sum3A [1] : vector<1024x50xf32> to vector<1024xf32>
    %broadcast_in_dim3A = vector.shape_cast %reduce_sum3A_5 : vector<1024xf32> to vector<1024x1xf32>
    %max3A = arith.constant 1.000000e+00 : f32
    %max3A_6 = vector.broadcast %max3A : f32 to vector<1024x1xf32>
    %max3A_7 = arith.maximumf %broadcast_in_dim3A, %max3A_6 : vector<1024x1xf32>
    %get3A_8 = arith.constant 0 : index
    %get3A_9 = arith.constant 0 : index
    %get3A_10 = vector.load %arg1[%get3A_8, %get3A_9] : memref<1024x128xf32, #tpu.memory_space<vmem>>, vector<1024x128xf32>
    %div3A = vector.broadcast %max3A_7 : vector<1024x1xf32> to vector<1024x128xf32>
    %div3A_11 = arith.divf %get3A_10, %div3A : vector<1024x128xf32>
    %get3A_12 = arith.constant 0 : index
    %get3A_13 = arith.constant 0 : index
    %get3A_14 = vector.load %arg3[%get3A_12, %get3A_13] : memref<128x128xf32, #tpu.memory_space<vmem>>, vector<128x128xf32>
    %dot_general3A = arith.constant dense<0.000000e+00> : vector<1024x128xf32>
    %dot_general3A_15 = tpu.matmul %div3A_11, %get3A_14, %dot_general3A {dimension_numbers = #tpu.dot_dimension_numbers<[1], [1], [0], [0], [0, 0, 1, 0], [], []>, transpose_lhs_hint = false} : vector<1024x128xf32>, vector<128x128xf32>, vector<1024x128xf32> -> vector<1024x128xf32>
    %get3A_16 = arith.constant 0 : index
    %get3A_17 = arith.constant 0 : index
    %get3A_18 = vector.load %arg4[%get3A_16, %get3A_17] : memref<1x128xf32, #tpu.memory_space<vmem>>, vector<1x128xf32>
    %add3A = vector.broadcast %get3A_18 : vector<1x128xf32> to vector<1024x128xf32>
    %add3A_19 = arith.addf %dot_general3A_15, %add3A : vector<1024x128xf32>
    %max3A_20 = arith.constant 0.000000e+00 : f32
    %max3A_21 = vector.broadcast %max3A_20 : f32 to vector<1024x128xf32>
    %max3A_22 = arith.maximumf %add3A_19, %max3A_21 : vector<1024x128xf32>
    %swap3A = arith.constant 0 : index
    %swap3A_23 = arith.constant 0 : index
    %swap3A_24 = vector.load %arg5[%swap3A, %swap3A_23] : memref<1024x128xf32, #tpu.memory_space<vmem>>, vector<1024x128xf32>
    tpu.vector_store %arg5[%swap3A, %swap3A_23], %max3A_22 {strides = array<i32>} : memref<1024x128xf32, #tpu.memory_space<vmem>>, vector<1024x128xf32>,
    return
  }
  func.func @transform_0(%arg0: i32) -> (i32, i32) {
    %c0_i32 = arith.constant 0 : i32
    %c0_i32_0 = arith.constant 0 : i32
    return %arg0, %c0_i32 : i32, i32
  }
  func.func @transform_1(%arg0: i32) -> (i32, i32) {
    %c0_i32 = arith.constant 0 : i32
    %c0_i32_0 = arith.constant 0 : i32
    return %arg0, %c0_i32 : i32, i32
  }
  func.func @transform_2(%arg0: i32) -> (i32, i32) {
    %c0_i32 = arith.constant 0 : i32
    %c0_i32_0 = arith.constant 0 : i32
    %c0_i32_1 = arith.constant 0 : i32
    return %c0_i32, %c0_i32_0 : i32, i32
  }
  func.func @transform_3(%arg0: i32) -> (i32, i32) {
    %c0_i32 = arith.constant 0 : i32
    %c0_i32_0 = arith.constant 0 : i32
    %c0_i32_1 = arith.constant 0 : i32
    return %c0_i32, %c0_i32_0 : i32, i32
  }
  func.func @transform_4(%arg0: i32) -> (i32, i32) {
    %c0_i32 = arith.constant 0 : i32
    %c0_i32_0 = arith.constant 0 : i32
    return %arg0, %c0_i32 : i32, i32
  }
}

</mosaic_0001>

<sc_bundles>
// kernel: kernel.4.cloned.1.call-start
scs
__scs_entry_jumppad:
0x0: {  	(pc) =	sbr.rel $0x88, $3  }
0x1: {  	(tag) =	ssettag $0x0;
	lr =	simm.s32 $0x1  }
0x2: {  	[smem:$0x3F9D] =	sst lr;
	_ =	strace $0xD0000000  }
0x3: {  	_ = 	snop  }
0x4: {  	_ = 	snop  }
0x5: {  	_ = 	snop  }
0x6: {  	_ = 	snop  }
0x7: {  	_ = 	snop  }
__scs_overlays_trampoline_lowered:
0x8: {  	[smem:$0x3FAC] =	sst s0  }
0x9: {  	[smem:$0x3FAD] =	sst s1  }
0xa: {  	[smem:$0x3FAE] =	sst s2  }
0xb: {  	[smem:$0x3FAF] =	sst s3  }
0xc: {  	[smem:$0x3FB0] =	sst s4  }
0xd: {  	[smem:$0x3FB1] =	sst s5  }
0xe: {  	[smem:$0x3FB2] =	sst s6  }
0xf: {  	[smem:$0x3FB3] =	sst s7  }
0x10: {  	[smem:$0x3FB4] =	sst s8  }
0x11: {  	[smem:$0x3FB5] =	sst s9;
	s0 =	simm.s32 @!p0 $0x0  }
0x12: {  	s1 =	sld [smem:$0x3F9B];
	s0 =	simm.s32 @p0 $0x1  }
0x13: {  	[smem:$0x3FB6] =	sst s0;
	s0 =	simm.s32 @!p1 $0x0  }
0x14: {  	s2 =	sld [smem:$0x3F9A];
	s0 =	simm.s32 @p1 $0x1  }
0x15: {  	[smem:$0x3FB7] =	sst s0;
	s0 =	simm.s32 @!p2 $0x0  }
0x16: {  	s3 =	sld [smem:$0x3FDB];
	s0 =	simm.s32 @p2 $0x1  }
0x17: {  	s4 =	simm.s32 $0x1BF5;
	[smem:$0x3FB9] =	sst s0  }
0x18: {  	s0 =	sld [smem:$0x3F9C];
	_ =	swait.ge [sflag:s4], $0x0  }
0x19: {  	s7 =	sld [smem:$0x3F9D]  }
0x1a: {  	s8 =	sadd.s32 $0xFFFFE003, lr  }
0x1b: {  	s9 =	sadd.s32 $0xFFFFFEF7, lr;
	s5 =	simm.s32 $0xFFFFFFFF;
	p2 =	slt.u32 s8, $0xFFFFF086  }
0x1c: {  	p1 =	slt.u32 s9, $0xF7A;
	s5 =	simm.s32 @!p2 $0x0  }
0x1d: {  	s5 =	simm.s32 @p1 $0x1;
	p0 =	seq.s32 s7, s2  }
0x1e: {  	s7 =	smul.u32 @!p0 $0xF7A, s2;
	p2 =	seq.s32 @!p0 s5, $0x0  }
0x1f: {  	s9 =	smul.u32 $0xF7A, s1;
	s8 =	simm.s32 @!p0 $0x1BF5;
	p2 =	por !p2, p0  }
0x20: {  	[sflag:s8] =	ssyncset.s32 @!p0 $0xFFFFF086;
	s6 =	sadd.s32 @!p0 s3, s7;
	s7 =	simm.s32 @!p0 $0x108  }
0x21: {  	s3 =	sadd.s32 s3, s9;
	s6 =	sadd.s32 @!p0 $0x88, s6;
	s7 =	simm.s32 @p2 $0x1082  }
0x22: {  	[simem:s7], [sflag:s8] =	dma.local @!p0 [hbm:s6], $0xF7A  }
0x23: {  	s9 =	sor.u32 $0xD0000000, s2;
	s6 =	simm.s32 $0x108;
	_ =	swait.ge @!p0 [sflag:s8], $0x0  }
0x24: {  	s3 =	sadd.s32 $0x88, s3;
	s6 =	simm.s32 @!p1 $0x1082;
	[sflag:s4] =	ssyncset.s32 $0xFFFFF086  }
0x25: {  	[simem:s6], [sflag:s4] =	dma.local [hbm:s3], $0xF7A  }
0x26: {  	[smem:$0x3F9D] =	sst s1;
	(tag) =	ssettag s2;
	_ =	strace s9  }
0x27: {  	s1 =	sld [smem:$0x3FAD]  }
0x28: {  	s2 =	sld [smem:$0x3FAE]  }
0x29: {  	s4 =	sld [smem:$0x3FB0]  }
0x2a: {  	p0 =	seq.s32 s5, $0x0;
	s5 =	sld [smem:$0x3FB1]  }
0x2b: {  	s6 =	sld [smem:$0x3FB2]  }
0x2c: {  	s7 =	sld [smem:$0x3FB3]  }
0x2d: {  	s3 =	simm.s32 $0x108;
	s8 =	sld [smem:$0x3FB4]  }
0x2e: {  	s3 =	simm.s32 @!p0 $0x1082;
	s9 =	sld [smem:$0x3FB5]  }
0x2f: {  	lr =	sadd.s32 s0, s3;
	s0 =	sld [smem:$0x3FAC]  }
0x30: {  	s3 =	sld [smem:$0x3FAF]  }
0x31: {  	[smem:$0x3FB8] =	sst s10  }
0x32: {  	s10 =	sld [smem:$0x3FB6];
	_ =	sdelay $0x3  }
0x33: {  	p0 =	seq.s32 s10, $0x1;
	s10 =	sld [smem:$0x3FB8];
	_ =	sdelay $0x3  }
0x34: {  	[smem:$0x3FB8] =	sst s10  }
0x35: {  	s10 =	sld [smem:$0x3FB7];
	_ =	sdelay $0x3  }
0x36: {  	p1 =	seq.s32 s10, $0x1;
	s10 =	sld [smem:$0x3FB8];
	_ =	sdelay $0x3  }
0x37: {  	[smem:$0x3FB8] =	sst s10  }
0x38: {  	s10 =	sld [smem:$0x3FB9]  }
0x39: {  	_ = 	snop;
	(pc) =	sbr.ind lr, $3  }
0x3a: {  	_ = 	snop  }
0x3b: {  	_ = 	snop  }
0x3c: {  	p2 =	seq.s32 s10, $0x1;
	s10 =	sld [smem:$0x3FB8]  }
0x3d: {  	_ =	shalt  }
0x3e: {  	_ =	shalt  }
0x3f: {  	_ =	shalt  }
0x40: {  	_ =	shalt  }
0x41: {  	_ =	shalt  }
0x42: {  	_ =	shalt  }
0x43: {  	_ =	shalt  }
0x44: {  	_ =	shalt  }
0x45: {  	_ =	shalt  }
0x46: {  	_ =	shalt  }
0x47: {  	_ =	shalt  }
0x48: {  	_ =	shalt  }
0x49: {  	_ =	shalt  }
0x4a: {  	_ =	shalt  }
0x4b: {  	_ =	shalt  }
0x4c: {  	_ =	shalt  }
0x4d: {  	_ =	shalt  }
0x4e: {  	_ =	shalt  }
0x4f: {  	_ =	shalt  }
0x50: {  	_ =	shalt  }
0x51: {  	_ =	shalt  }
0x52: {  	_ =	shalt  }
0x53: {  	_ =	shalt  }
0x54: {  	_ =	shalt  }
0x55: {  	_ =	shalt  }
0x56: {  	_ =	shalt  }
0x57: {  	_ =	shalt  }
0x58: {  	_ =	shalt  }
0x59: {  	_ =	shalt  }
0x5a: {  	_ =	shalt  }
0x5b: {  	_ =	shalt  }
0x5c: {  	_ =	shalt  }
0x5d: {  	_ =	shalt  }
0x5e: {  	_ =	shalt  }
0x5f: {  	_ =	shalt  }
0x60: {  	_ =	shalt  }
0x61: {  	_ =	shalt  }
0x62: {  	_ =	shalt  }
0x63: {  	_ =	shalt  }
0x64: {  	_ =	shalt  }
0x65: {  	_ =	shalt  }
0x66: {  	_ =	shalt  }
0x67: {  	_ =	shalt  }
0x68: {  	_ =	shalt  }
0x69: {  	_ =	shalt  }
0x6a: {  	_ =	shalt  }
0x6b: {  	_ =	shalt  }
0x6c: {  	_ =	shalt  }
0x6d: {  	_ =	shalt  }
0x6e: {  	_ =	shalt  }
0x6f: {  	_ =	shalt  }
0x70: {  	_ =	shalt  }
0x71: {  	_ =	shalt  }
0x72: {  	_ =	shalt  }
0x73: {  	_ =	shalt  }
0x74: {  	_ =	shalt  }
0x75: {  	_ =	shalt  }
0x76: {  	_ =	shalt  }
0x77: {  	_ =	shalt  }
0x78: {  	_ =	shalt  }
0x79: {  	_ =	shalt  }
0x7a: {  	_ =	shalt  }
0x7b: {  	_ =	shalt  }
0x7c: {  	_ =	shalt  }
0x7d: {  	_ =	shalt  }
0x7e: {  	_ =	shalt  }
0x7f: {  	_ =	shalt  }
0x80: {  	_ =	shalt  }
0x81: {  	_ =	shalt  }
0x82: {  	_ =	shalt  }
0x83: {  	_ =	shalt  }
0x84: {  	_ =	shalt  }
0x85: {  	_ =	shalt  }
0x86: {  	_ =	shalt  }
0x87: {  	_ =	shalt  }
.Lfunc_end0:
.L_simem_size_0:
called_computation_lowered:
.L_overlay_start_0:
0x88: {  	s2 =	sld [smem:$0x3FD9]  }
0x89: {  	s3 =	sld [smem:$0x3FFE];
	_ =	sdelay $0x1  }
0x8a: {  	s1 =	srdreg.scid  }
0x8b: {  	s0 =	sand.u32 $0x1, s1  }
0x8c: {  	s17 =	sshll.u32 s0, $0xA;
	s2 =	sadd.s32 s3, s2  }
0x8d: {  	s2 =	sadd.s32 s2, s17  }
0x8e: {  	[smem:$0x3FC4] =	sst s2  }
0x8f: {  	_ = 	snop  }
0x90: {  	s2 =	sld [smem:$0x3FC8]  }
0x91: {  	s18 =	sld [smem:$0x3FD0];
	(tm) =	ssettm $0x1  }
0x92: {  	s4 =	sld [smem:$0x3FFB];
	_ =	sdelay $0x3  }
0x93: {  	_ =	strace s4  }
0x94: {  	s4 =	sld [smem:$0x3FFC];
	_ =	sdelay $0x3  }
0x95: {  	_ =	strace s4  }
0x96: {  	s4 =	sld [smem:$0x3FFD];
	_ =	sdelay $0x3  }
0x97: {  	_ =	strace s4  }
0x98: {  	_ =	strace $0x8FFFFFFF  }
0x99: {  	s19 =	sld [smem:$0x3FDB];
	_ =	sdelay $0x1  }
0x9a: {  	s5 =	simm.s32 $_scs_section_size  }
0x9b: {  	s6 =	simm.s32 $_size__tile_overlayer_lowered;
	s7 =	simm.s32 $_tile_overlayer_lowered  }
0x9c: {  	s22 =	simm.s32 $0x1BFF;
	s21 =	sshll.u32 s7, $0x1;
	s4 =	sadd.s32 s5, s19  }
0x9d: {  	s8 =	simm.s32 $0x0;
	s20 =	sshll.u32 s6, $0x1;
	s6 =	sadd.s32 s21, s4  }
0x9e: {  	[timem:s8], [sflag:s22] =	dma.local [hbm:s6], s20  }
0x9f: {  	_ =	swait.ge [sflag:s22], s20  }
0xa0: {  	s5 =	ssub.s32 $0x0, s20;
	[sflag:s22] =	ssyncset.done $0x0  }
0xa1: {  	[sflag:s22] =	ssyncadd.s32 s5;
	_ =	sdelay $0x1  }
0xa2: {  	s23 =	simm.s32 $0x1B8B  }
0xa3: {  	_ =	swait.ge [sflag:s23], $0x1  }
0xa4: {  	[sflag:s23] =	ssyncset.done $0x0  }
0xa5: {  	s25 =	simm.s32 $0x1B8E;
	s24 =	sld [smem:$0x3FFE];
	[sflag:s23] =	ssyncadd.s32 $0xFFFFFFFF  }
0xa6: {  	s26 =	simm.s32 $execute0_lowered;
	[smem:$0x3FD2] =	sst s25  }
0xa7: {  	s6 =	sshll.u32 s26, $0x1;
	_ =	strace $0x80000046;
	[dreg:$0x1] =	wrdreg $0xFFFFFFFF  }
0xa8: {  	s28 =	simm.s32 $_size_execute0_lowered;
	s4 =	sadd.s32 s4, s6;
	[dreg:$0x0] =	wrdreg $0x0  }
0xa9: {  	s6 =	sshll.u32 s28, $0x1;
	[dreg:$0x2] =	wrdreg s4  }
0xaa: {  	[dreg:$0x3] =	wrdreg s6  }
0xab: {  	[dreg:$0x4] =	wrdreg $0xC0  }
0xac: {  	_ =	task [dreg:s8], $0x5FFFF  }
0xad: {  	[dreg:$0x1] =	wrdreg $0xFFFFFFFF  }
0xae: {  	[dreg:$0x0] =	wrdreg $0x60  }
0xaf: {  	[dreg:$0x2] =	wrdreg s24  }
0xb0: {  	[dreg:$0x3] =	wrdreg s2  }
0xb1: {  	[dreg:$0x4] =	wrdreg s18  }
0xb2: {  	[dreg:$0x5] =	wrdreg $0x9  }
0xb3: {  	_ =	task.clear_ibuf [dreg:s8], $0x6FFFF;
	_ =	strace $0x90000046  }
0xb4: {  	s29 =	simm.s32 $0x9;
	_ =	strace $0x80000048  }
0xb5: {  	_ =	swait.ge [sflag:s29], $0x1  }
0xb6: {  	[sflag:s29] =	ssyncadd.s32 $0xFFFFFFFF  }
0xb7: {  	_ =	strace $0x90000048  }
0xb8: {  	_ =	sfence  }
0xb9: {  	s30 =	sld [smem:$0x0];
	_ =	sdelay $0x2  }
0xba: {  	s31 =	sshll.u32 s1, $0xD;
	s1 =	sshrl.u32 s1, $0x2  }
0xbb: {  	s3 =	sand.u32 $0x4000, s31;
	s1 =	sadd.s32 s1, s30  }
0xbc: {  	s0 =	sor.u32 s3, s0;
	s1 =	sshll.u32 s1, $0x11  }
0xbd: {  	s0 =	sor.u32 s1, s0  }
0xbe: {  	s0 =	sadd.s32 $0x8F2B, s0  }
0xbf: {  	[sflag:s0] =	ssyncadd.remote.s32 $0x1  }
0xc0: {  	_ =	sfence.sel $0xFFFF  }
0xc1: {  	[dreg:$0x0] =	wrdreg $0xFFFFFFFF;
	(pc) =	sbr.abs _section_cstart, $3  }
0xc2: {  	[dreg:$0x1] =	wrdreg $0xFFFFFFFF  }
0xc3: {  	_ =	task.clear_ibuf [dreg:s8], $0x2FFFF;
	_ =	strace $0x9FFFFFFF  }
0xc4: {  	(tm) =	ssettm $0x7FFFFFFF  }
0xc5: {  	_ =	shalt  }
tec
execute0_lowered:
.L_overlay_start_1:
0x0: {  	(tag) =	ssettag $0x1  }
0x1: {  	s4 =	rddreg [dreg:$0x0]  }
0x2: {  	s2 =	rddreg [dreg:$0x1]  }
0x3: {  	s5 =	rddreg [dreg:$0x2]  }
0x4: {  	s0 =	rddreg [dreg:$0x3];
	s6 =	srdreg.scid  }
0x5: {  	s1 =	stileid.u32;
	s3 =	simm.s32 $0x0;
	s9 =	simm.s32 $0x2000  }
0x6: {  	s10 =	simm.s32 $0x80;
	s11 =	simm.s32 $0x5400;
	s12 =	simm.s32 $0x100  }
0x7: {  	s13 =	simm.s32 $0x8800;
	s14 =	simm.s32 $0xBC00;
	s15 =	simm.s32 $0x1  }
0x8: {  	s16 =	simm.s32 $0x2;
	s17 =	simm.s32 $0x3;
	s18 =	simm.s32 $0x4  }
0x9: {  	s19 =	simm.s32 $0xF000;
	s6 =	sand.u32 $0x1, s6;
	s7 =	sshll.u32 s1, $0x1  }
0xa: {  	s20 =	simm.s32 $0x0;
	[smem:$0x7FF] =	sst s3;
	s7 =	sor.u32 s6, s7  }
0xb: {  	_ =	strace $0x80000047;
	s6 =	ssub.s32 $0x2, s6;
	s8 =	sshll.u32 s7, $0xA  }
0xc: {  	s31 =	sshrl.u32 s6, $0x1;
	s7 =	sshll.u32 s7, $0xB;
	s4 =	sadd.s32 s8, s4  }
0xd: {  	s6 =	ssub.s32 s6, s31;
	s5 =	sadd.s32 s5, s7;
	s7 =	simm.s32 $0x5  }
0xe: {  	s8 =	simm.s32 $0x64;
	s4 =	sadd.s32 $0xA00, s4;
	s6 =	smax.u32 s6, $0x1  }
.LBB2_1:
0xf: {  	[tilespmem:s3], [sflag:$0x5] =	stream.linear.gather [hbm4b:s4+s3], $0x2000, $0x38;
	[tilespmem:$0x13000] =	vst v63  }
0x10: {  	_ =	swait.ge [sflag:s7], $0x2000  }
0x11: {  	[sflag:s7] =	ssyncset.done $0x0  }
0x12: {  	[sflag:s7] =	ssyncadd.s32 $0xFFFFE000  }
0x13: {  	[tilespmem:s9], [sflag:$0x1] =	stream.indirect.gather [hbm4b:s2+s8], $0x80, s3, s8, $0xb8;
	[tilespmem:$0x13000] =	vst v63  }
0x14: {  	_ = 	snop  }
0x15: {  	[tilespmem:s11], [sflag:$0x2] =	stream.indirect.gather [hbm4b:s2+s8], $0x80, s10, s8, $0xb8;
	[tilespmem:$0x13000] =	vst v63  }
0x16: {  	s21 =	simm.s32 $0x0  }
0x17: {  	[tilespmem:s13], [sflag:$0x3] =	stream.indirect.gather [hbm4b:s2+s8], $0x80, s12, s8, $0xb8;
	[tilespmem:$0x13000] =	vst v63  }
.LBB2_2:
0x18: {  	s22 =	sshllo.u32 s21, $0x2  }
0x19: {  	s23 =	sshll.u32 s22, $0x7  }
0x1a: {  	s23 =	sand.u32 $0x3FFFFF80, s23  }
0x1b: {  	[tilespmem:s14], [sflag:$0x4] =	stream.indirect.gather [hbm4b:s2+s8], $0x80, s23, s8, $0xb8;
	[tilespmem:$0x13000] =	vst v63  }
0x1c: {  	_ =	swait.ge [sflag:s15], $0x3200  }
0x1d: {  	[sflag:s15] =	ssyncset.done $0x0  }
0x1e: {  	[sflag:s15] =	ssyncadd.s32 $0xFFFFCE00  }
0x1f: {  	v4 =	vld [tilespmem:$0x2000]  }
0x20: {  	v5 =	vld [tilespmem:$0x2010]  }
0x21: {  	v6 =	vld [tilespmem:$0x2020]  }
0x22: {  	v7 =	vld [tilespmem:$0x2030]  }
0x23: {  	v8 =	vld [tilespmem:$0x2040]  }
0x24: {  	v9 =	vld [tilespmem:$0x2050]  }
0x25: {  	v10 =	vld [tilespmem:$0x2060]  }
0x26: {  	s24 =	simm.s32 $0x2200;
	v11 =	vld [tilespmem:$0x2070]  }
0x27: {  	v12 =	vld [tilespmem:s24+$0x180]  }
0x28: {  	v13 =	vld [tilespmem:s24+$0x190]  }
0x29: {  	v14 =	vld [tilespmem:s24+$0x1A0]  }
0x2a: {  	v15 =	vld [tilespmem:s24+$0x1B0]  }
0x2b: {  	v0 =	vld [tilespmem:s24+$0x1C0]  }
0x2c: {  	v1 =	vld [tilespmem:s24+$0x1D0]  }
0x2d: {  	v16 =	vld [tilespmem:s24+$0x100]  }
0x2e: {  	v17 =	vld [tilespmem:s24+$0x110]  }
0x2f: {  	v18 =	vld [tilespmem:s24+$0x120]  }
0x30: {  	v19 =	vld [tilespmem:s24+$0x130]  }
0x31: {  	v3 =	vld [tilespmem:s24+$0x140]  }
0x32: {  	v2 =	vld [tilespmem:s24+$0x150]  }
0x33: {  	v20 =	vld [tilespmem:s24+$0x80]  }
0x34: {  	v21 =	vld [tilespmem:s24+$0x90]  }
0x35: {  	v22 =	vld [tilespmem:s24+$0xA0]  }
0x36: {  	v23 =	vld [tilespmem:s24+$0xB0]  }
0x37: {  	v24 =	vld [tilespmem:s24+$0xC0]  }
0x38: {  	v25 =	vld [tilespmem:s24+$0xD0]  }
0x39: {  	v26 =	vld [tilespmem:s24+$0x0]  }
0x3a: {  	v27 =	vld [tilespmem:s24+$0x10]  }
0x3b: {  	v28 =	vld [tilespmem:s24+$0x20]  }
0x3c: {  	v30 =	vld [tilespmem:s24+$0xFFFFFF80]  }
0x3d: {  	v31 =	vld [tilespmem:s24+$0xFFFFFF90]  }
0x3e: {  	v32 =	vld [tilespmem:s24+$0xFFFFFF00]  }
0x3f: {  	v33 =	vld [tilespmem:s24+$0xFFFFFF10]  }
0x40: {  	v34 =	vld [tilespmem:s24+$0xFFFFFE80]  }
0x41: {  	v35 =	vld [tilespmem:s24+$0xFFFFFE90]  }
0x42: {  	v36 =	vld [tilespmem:s24+$0xFFFFFEA0]  }
0x43: {  	v37 =	vld [tilespmem:s24+$0xFFFFFEB0]  }
0x44: {  	v60 =	vld [tilespmem:s24+$0xFFFFFEC0]  }
0x45: {  	v61 =	vld [tilespmem:s24+$0xFFFFFED0]  }
0x46: {  	v38 =	vld [tilespmem:s24+$0xFFFFFF20]  }
0x47: {  	v39 =	vld [tilespmem:s24+$0xFFFFFF30]  }
0x48: {  	v40 =	vld [tilespmem:s24+$0xFFFFFFA0];
	v4 =	vadd.f32 v34, v4;
	v5 =	vadd.f32 v35, v5  }
0x49: {  	v53 =	vld [tilespmem:s24+$0xFFFFFFB0];
	v6 =	vadd.f32 v36, v6;
	v7 =	vadd.f32 v37, v7  }
0x4a: {  	v29 =	vld [tilespmem:s24+$0x30];
	v8 =	vadd.f32 v60, v8;
	v9 =	vadd.f32 v61, v9  }
0x4b: {  	v54 =	vld [tilespmem:s24+$0x40];
	v4 =	vadd.f32 v32, v4;
	v5 =	vadd.f32 v33, v5  }
0x4c: {  	v55 =	vld [tilespmem:s24+$0x50];
	v6 =	vadd.f32 v38, v6;
	v7 =	vadd.f32 v39, v7  }
0x4d: {  	v56 =	vld [tilespmem:s24+$0xFFFFFFC0];
	v4 =	vadd.f32 v30, v4;
	v5 =	vadd.f32 v31, v5  }
0x4e: {  	v57 =	vld [tilespmem:s24+$0xFFFFFFD0];
	v6 =	vadd.f32 v40, v6;
	v7 =	vadd.f32 v53, v7  }
0x4f: {  	v58 =	vld [tilespmem:s24+$0xFFFFFF40];
	v4 =	vadd.f32 v26, v4;
	v5 =	vadd.f32 v27, v5  }
0x50: {  	v62 =	vld [tilespmem:s24+$0xFFFFFEE0];
	v6 =	vadd.f32 v28, v6;
	v7 =	vadd.f32 v29, v7  }
0x51: {  	v63 =	vld [tilespmem:s24+$0xFFFFFEF0];
	v4 =	vadd.f32 v20, v4;
	v5 =	vadd.f32 v21, v5  }
0x52: {  	v59 =	vld [tilespmem:s24+$0xFFFFFF50];
	v6 =	vadd.f32 v22, v6;
	v7 =	vadd.f32 v23, v7  }
0x53: {  	v4 =	vadd.f32 v16, v4;
	v5 =	vadd.f32 v17, v5;
	v16 =	vld [tilespmem:s24+$0xFFFFFF60]  }
0x54: {  	v17 =	vadd.f32 v18, v6;
	v18 =	vadd.f32 v19, v7;
	v19 =	vld [tilespmem:s24+$0xFFFFFF70]  }
0x55: {  	v10 =	vadd.f32 v62, v10;
	v7 =	vadd.f32 v12, v4;
	v12 =	vld [tilespmem:s24+$0xFFFFFFE0]  }
0x56: {  	v11 =	vadd.f32 v63, v11;
	v6 =	vadd.f32 v13, v5;
	v13 =	vld [tilespmem:s24+$0xFFFFFFF0]  }
0x57: {  	v9 =	vadd.f32 v59, v9;
	v5 =	vadd.f32 v14, v17;
	v14 =	vld [tilespmem:s24+$0x60]  }
0x58: {  	v4 =	vadd.f32 v15, v18;
	v15 =	vadd.f32 v58, v8;
	v17 =	vld [tilespmem:s24+$0x70]  }
0x59: {  	v8 =	vld [tilespmem:s24+$0xE0];
	v10 =	vadd.f32 v16, v10;
	v16 =	vadd.f32 v19, v11  }
0x5a: {  	v18 =	vadd.f32 v57, v9;
	v15 =	vadd.f32 v56, v15;
	v11 =	vld [tilespmem:s24+$0xF0]  }
0x5b: {  	v9 =	vld [tilespmem:s24+$0x160];
	v10 =	vadd.f32 v12, v10;
	v13 =	vadd.f32 v13, v16  }
0x5c: {  	v18 =	vadd.f32 v55, v18;
	v16 =	vadd.f32 v54, v15;
	v12 =	vld [tilespmem:s24+$0x170]  }
0x5d: {  	v15 =	vadd.f32 v14, v10;
	v14 =	vadd.f32 v17, v13;
	v10 =	vld [tilespmem:s24+$0x1E0]  }
0x5e: {  	s23 =	simm.s32 $0x0;
	v17 =	vadd.f32 v24, v16;
	v16 =	vadd.f32 v25, v18;
	v13 =	vld [tilespmem:s24+$0x1F0];
	s24 =	simm.s32 $0x2580  }
.LBB2_3:
0x5f: {  	v18 =	vld [tilespmem:s24+$0x180];
	v8 =	vadd.f32 v8, v15;
	v11 =	vadd.f32 v11, v14  }
0x60: {  	v14 =	vld [tilespmem:s24+$0x190];
	v3 =	vadd.f32 v3, v17;
	v2 =	vadd.f32 v2, v16  }
0x61: {  	v15 =	vld [tilespmem:s24+$0x1A0];
	v8 =	vadd.f32 v9, v8;
	v9 =	vadd.f32 v12, v11  }
0x62: {  	v11 =	vld [tilespmem:s24+$0x1B0];
	v12 =	vadd.f32 v0, v3;
	v16 =	vadd.f32 v1, v2  }
0x63: {  	v0 =	vld [tilespmem:s24+$0x1C0];
	v8 =	vadd.f32 v10, v8;
	v9 =	vadd.f32 v13, v9  }
0x64: {  	v1 =	vld [tilespmem:s24+$0x1D0]  }
0x65: {  	v10 =	vld [tilespmem:s24+$0x100]  }
0x66: {  	v13 =	vld [tilespmem:s24+$0x110]  }
0x67: {  	v17 =	vld [tilespmem:s24+$0x120]  }
0x68: {  	v19 =	vld [tilespmem:s24+$0x130]  }
0x69: {  	v3 =	vld [tilespmem:s24+$0x140]  }
0x6a: {  	v2 =	vld [tilespmem:s24+$0x150]  }
0x6b: {  	v20 =	vld [tilespmem:s24+$0x80]  }
0x6c: {  	v21 =	vld [tilespmem:s24+$0x90]  }
0x6d: {  	v22 =	vld [tilespmem:s24+$0xA0]  }
0x6e: {  	v23 =	vld [tilespmem:s24+$0xB0]  }
0x6f: {  	v24 =	vld [tilespmem:s24+$0xC0]  }
0x70: {  	v25 =	vld [tilespmem:s24+$0xD0]  }
0x71: {  	v26 =	vld [tilespmem:s24+$0x0]  }
0x72: {  	v27 =	vld [tilespmem:s24+$0x10]  }
0x73: {  	v28 =	vld [tilespmem:s24+$0x20]  }
0x74: {  	v29 =	vld [tilespmem:s24+$0x30]  }
0x75: {  	v30 =	vld [tilespmem:s24+$0xFFFFFF80]  }
0x76: {  	v31 =	vld [tilespmem:s24+$0xFFFFFF90]  }
0x77: {  	v32 =	vld [tilespmem:s24+$0xFFFFFF00]  }
0x78: {  	v33 =	vld [tilespmem:s24+$0xFFFFFF10]  }
0x79: {  	v34 =	vld [tilespmem:s24+$0xFFFFFE80]  }
0x7a: {  	v35 =	vld [tilespmem:s24+$0xFFFFFE90]  }
0x7b: {  	v36 =	vld [tilespmem:s24+$0xFFFFFEA0]  }
0x7c: {  	v37 =	vld [tilespmem:s24+$0xFFFFFEB0]  }
0x7d: {  	v38 =	vld [tilespmem:s24+$0xFFFFFF20]  }
0x7e: {  	v39 =	vld [tilespmem:s24+$0xFFFFFF30]  }
0x7f: {  	v40 =	vld [tilespmem:s24+$0xFFFFFFA0]  }
0x80: {  	v7 =	vadd.f32 v34, v7;
	v6 =	vadd.f32 v35, v6;
	v34 =	vld [tilespmem:s24+$0xFFFFFFB0]  }
0x81: {  	v5 =	vadd.f32 v36, v5;
	v4 =	vadd.f32 v37, v4;
	v35 =	vld [tilespmem:s24+$0x40]  }
0x82: {  	v7 =	vadd.f32 v32, v7;
	v6 =	vadd.f32 v33, v6;
	v32 =	vld [tilespmem:s24+$0x50]  }
0x83: {  	v5 =	vadd.f32 v38, v5;
	v4 =	vadd.f32 v39, v4;
	v33 =	vld [tilespmem:s24+$0xFFFFFFC0]  }
0x84: {  	v7 =	vadd.f32 v30, v7;
	v6 =	vadd.f32 v31, v6;
	v30 =	vld [tilespmem:s24+$0xFFFFFFD0]  }
0x85: {  	v5 =	vadd.f32 v40, v5;
	v31 =	vld [tilespmem:s24+$0xFFFFFF40];
	v4 =	vadd.f32 v34, v4  }
0x86: {  	v7 =	vadd.f32 v26, v7;
	v6 =	vadd.f32 v27, v6;
	v34 =	vld [tilespmem:s24+$0xFFFFFF50]  }
0x87: {  	v5 =	vadd.f32 v28, v5;
	v26 =	vld [tilespmem:s24+$0xFFFFFEC0];
	v4 =	vadd.f32 v29, v4  }
0x88: {  	v7 =	vadd.f32 v20, v7;
	v6 =	vadd.f32 v21, v6;
	v27 =	vld [tilespmem:s24+$0xFFFFFED0]  }
0x89: {  	v5 =	vadd.f32 v22, v5;
	v20 =	vld [tilespmem:s24+$0xFFFFFEE0];
	v4 =	vadd.f32 v23, v4  }
0x8a: {  	s23 =	sadd.s32 $0x7, s23;
	v7 =	vadd.f32 v10, v7;
	v6 =	vadd.f32 v13, v6;
	v21 =	vld [tilespmem:s24+$0xFFFFFEF0]  }
0x8b: {  	p0 =	slt.u32 s23, $0x2A;
	v5 =	vadd.f32 v17, v5;
	v10 =	vld [tilespmem:s24+$0xFFFFFF60];
	v4 =	vadd.f32 v19, v4  }
0x8c: {  	v7 =	vadd.f32 v18, v7;
	v6 =	vadd.f32 v14, v6;
	v13 =	vld [tilespmem:s24+$0xFFFFFF70]  }
0x8d: {  	v5 =	vadd.f32 v15, v5;
	v14 =	vld [tilespmem:s24+$0xFFFFFFE0];
	v4 =	vadd.f32 v11, v4  }
0x8e: {  	v11 =	vadd.f32 v26, v12;
	v12 =	vadd.f32 v27, v16;
	v15 =	vld [tilespmem:s24+$0xFFFFFFF0]  }
0x8f: {  	v8 =	vadd.f32 v20, v8;
	v9 =	vadd.f32 v21, v9;
	v16 =	vld [tilespmem:s24+$0x60]  }
0x90: {  	v11 =	vadd.f32 v31, v11;
	v12 =	vadd.f32 v34, v12;
	v17 =	vld [tilespmem:s24+$0x70]  }
0x91: {  	v10 =	vadd.f32 v10, v8;
	v9 =	vadd.f32 v13, v9;
	v8 =	vld [tilespmem:s24+$0xE0]  }
.Ltmp0:
0x92: {  	v13 =	vadd.f32 v33, v11;
	v12 =	vadd.f32 v30, v12;
	v11 =	vld [tilespmem:s24+$0xF0];
	(pc) =	sbr.rel @p0 .LBB2_3-.Ltmp0, $4  }
0x93: {  	v10 =	vadd.f32 v14, v10;
	v14 =	vadd.f32 v15, v9;
	v9 =	vld [tilespmem:s24+$0x160]  }
0x94: {  	v13 =	vadd.f32 v35, v13;
	v18 =	vadd.f32 v32, v12;
	v12 =	vld [tilespmem:s24+$0x170]  }
0x95: {  	v15 =	vadd.f32 v16, v10;
	v14 =	vadd.f32 v17, v14;
	v10 =	vld [tilespmem:s24+$0x1E0]  }
0x96: {  	v17 =	vadd.f32 v24, v13;
	v16 =	vadd.f32 v25, v18;
	v13 =	vld [tilespmem:s24+$0x1F0];
	s24 =	sadd.s32 $0x380, s24  }
0x97: {  	s23 =	sshll.u32 s21, $0xC  }
0x98: {  	s23 =	sshra.s32 s23, $0x2  }
0x99: {  	v8 =	vadd.f32 v8, v15;
	v3 =	vadd.f32 v3, v17;
	[tilespmem:s23+$0xF000] =	vst v7  }
0x9a: {  	v2 =	vadd.f32 v2, v16;
	v7 =	vadd.f32 v11, v14;
	[tilespmem:s23+$0xF010] =	vst v6  }
0x9b: {  	v6 =	vadd.f32 v9, v8;
	[tilespmem:s23+$0xF020] =	vst v5;
	v0 =	vadd.f32 v0, v3  }
0x9c: {  	[tilespmem:s23+$0xF030] =	vst v4;
	v1 =	vadd.f32 v1, v2;
	v3 =	vadd.f32 v12, v7  }
0x9d: {  	v2 =	vadd.f32 v10, v6;
	[tilespmem:s23+$0xF040] =	vst v0  }
0x9e: {  	[tilespmem:s23+$0xF050] =	vst v1;
	v0 =	vadd.f32 v13, v3  }
0x9f: {  	[tilespmem:s23+$0xF060] =	vst v2  }
0xa0: {  	[tilespmem:s23+$0xF070] =	vst v0  }
0xa1: {  	v4 =	vld [tilespmem:$0x3900]  }
0xa2: {  	v5 =	vld [tilespmem:$0x3910]  }
0xa3: {  	v6 =	vld [tilespmem:$0x3920]  }
0xa4: {  	v7 =	vld [tilespmem:$0x3930]  }
0xa5: {  	v8 =	vld [tilespmem:$0x3940]  }
0xa6: {  	v9 =	vld [tilespmem:$0x3950]  }
0xa7: {  	v10 =	vld [tilespmem:$0x3960]  }
0xa8: {  	s25 =	simm.s32 $0x3CF0;
	v11 =	vld [tilespmem:$0x3970]  }
0xa9: {  	v12 =	vld [tilespmem:s25+$0xFFFFFF90]  }
0xaa: {  	v13 =	vld [tilespmem:s25+$0xFFFFFFA0]  }
0xab: {  	v14 =	vld [tilespmem:s25+$0xFFFFFFB0]  }
0xac: {  	v15 =	vld [tilespmem:s25+$0xFFFFFFC0]  }
0xad: {  	v0 =	vld [tilespmem:s25+$0xFFFFFFD0]  }
0xae: {  	v1 =	vld [tilespmem:s25+$0xFFFFFFE0]  }
0xaf: {  	v16 =	vld [tilespmem:s25+$0xFFFFFF10]  }
0xb0: {  	v17 =	vld [tilespmem:s25+$0xFFFFFF20]  }
0xb1: {  	v18 =	vld [tilespmem:s25+$0xFFFFFF30]  }
0xb2: {  	v19 =	vld [tilespmem:s25+$0xFFFFFF40]  }
0xb3: {  	v3 =	vld [tilespmem:s25+$0xFFFFFF50]  }
0xb4: {  	v2 =	vld [tilespmem:s25+$0xFFFFFF60]  }
0xb5: {  	v20 =	vld [tilespmem:s25+$0xFFFFFE90]  }
0xb6: {  	v21 =	vld [tilespmem:s25+$0xFFFFFEA0]  }
0xb7: {  	v22 =	vld [tilespmem:s25+$0xFFFFFEB0]  }
0xb8: {  	v23 =	vld [tilespmem:s25+$0xFFFFFEC0]  }
0xb9: {  	v24 =	vld [tilespmem:s25+$0xFFFFFED0]  }
0xba: {  	v25 =	vld [tilespmem:s25+$0xFFFFFEE0]  }
0xbb: {  	v26 =	vld [tilespmem:s25+$0xFFFFFE10]  }
0xbc: {  	v27 =	vld [tilespmem:s25+$0xFFFFFE20]  }
0xbd: {  	v28 =	vld [tilespmem:s25+$0xFFFFFE30]  }
0xbe: {  	v30 =	vld [tilespmem:s25+$0xFFFFFD90]  }
0xbf: {  	v31 =	vld [tilespmem:s25+$0xFFFFFDA0]  }
0xc0: {  	v32 =	vld [tilespmem:s25+$0xFFFFFD10]  }
0xc1: {  	v33 =	vld [tilespmem:s25+$0xFFFFFD20]  }
0xc2: {  	v34 =	vld [tilespmem:s25+$0xFFFFFC90]  }
0xc3: {  	v35 =	vld [tilespmem:s25+$0xFFFFFCA0]  }
0xc4: {  	v36 =	vld [tilespmem:s25+$0xFFFFFCB0]  }
0xc5: {  	v37 =	vld [tilespmem:s25+$0xFFFFFCC0]  }
0xc6: {  	v60 =	vld [tilespmem:s25+$0xFFFFFCD0]  }
0xc7: {  	v61 =	vld [tilespmem:s25+$0xFFFFFCE0]  }
0xc8: {  	v38 =	vld [tilespmem:s25+$0xFFFFFD30]  }
0xc9: {  	v39 =	vld [tilespmem:s25+$0xFFFFFD40]  }
0xca: {  	v40 =	vld [tilespmem:s25+$0xFFFFFDB0];
	v4 =	vadd.f32 v34, v4;
	v5 =	vadd.f32 v35, v5  }
0xcb: {  	v53 =	vld [tilespmem:s25+$0xFFFFFDC0];
	v6 =	vadd.f32 v36, v6;
	v7 =	vadd.f32 v37, v7  }
0xcc: {  	v29 =	vld [tilespmem:s25+$0xFFFFFE40];
	v8 =	vadd.f32 v60, v8;
	v9 =	vadd.f32 v61, v9  }
0xcd: {  	v54 =	vld [tilespmem:s25+$0xFFFFFE50];
	v4 =	vadd.f32 v32, v4;
	v5 =	vadd.f32 v33, v5  }
0xce: {  	v55 =	vld [tilespmem:s25+$0xFFFFFE60];
	v6 =	vadd.f32 v38, v6;
	v7 =	vadd.f32 v39, v7  }
0xcf: {  	v56 =	vld [tilespmem:s25+$0xFFFFFDD0];
	v4 =	vadd.f32 v30, v4;
	v5 =	vadd.f32 v31, v5  }
0xd0: {  	v57 =	vld [tilespmem:s25+$0xFFFFFDE0];
	v6 =	vadd.f32 v40, v6;
	v7 =	vadd.f32 v53, v7  }
0xd1: {  	v58 =	vld [tilespmem:s25+$0xFFFFFD50];
	v4 =	vadd.f32 v26, v4;
	v5 =	vadd.f32 v27, v5  }
0xd2: {  	v62 =	vld [tilespmem:s25+$0xFFFFFCF0];
	v6 =	vadd.f32 v28, v6;
	v7 =	vadd.f32 v29, v7  }
0xd3: {  	v63 =	vld [tilespmem:s25+$0xFFFFFD00];
	v4 =	vadd.f32 v20, v4;
	v5 =	vadd.f32 v21, v5  }
0xd4: {  	v59 =	vld [tilespmem:s25+$0xFFFFFD60];
	v6 =	vadd.f32 v22, v6;
	v7 =	vadd.f32 v23, v7  }
0xd5: {  	v4 =	vadd.f32 v16, v4;
	v5 =	vadd.f32 v17, v5;
	v16 =	vld [tilespmem:s25+$0xFFFFFD70]  }
0xd6: {  	v17 =	vadd.f32 v18, v6;
	v18 =	vadd.f32 v19, v7;
	v19 =	vld [tilespmem:s25+$0xFFFFFD80]  }
0xd7: {  	v10 =	vadd.f32 v62, v10;
	v7 =	vadd.f32 v12, v4;
	v12 =	vld [tilespmem:s25+$0xFFFFFDF0]  }
0xd8: {  	v11 =	vadd.f32 v63, v11;
	v6 =	vadd.f32 v13, v5;
	v13 =	vld [tilespmem:s25+$0xFFFFFE00]  }
0xd9: {  	v9 =	vadd.f32 v59, v9;
	v5 =	vadd.f32 v14, v17;
	v14 =	vld [tilespmem:s25+$0xFFFFFE70]  }
0xda: {  	v4 =	vadd.f32 v15, v18;
	v15 =	vadd.f32 v58, v8;
	v17 =	vld [tilespmem:s25+$0xFFFFFE80]  }
0xdb: {  	v8 =	vld [tilespmem:s25+$0xFFFFFEF0];
	v10 =	vadd.f32 v16, v10;
	v16 =	vadd.f32 v19, v11  }
0xdc: {  	v18 =	vadd.f32 v57, v9;
	v15 =	vadd.f32 v56, v15;
	v11 =	vld [tilespmem:s25+$0xFFFFFF00]  }
0xdd: {  	v9 =	vld [tilespmem:s25+$0xFFFFFF70];
	v10 =	vadd.f32 v12, v10;
	v13 =	vadd.f32 v13, v16  }
0xde: {  	v18 =	vadd.f32 v55, v18;
	v16 =	vadd.f32 v54, v15;
	v12 =	vld [tilespmem:s25+$0xFFFFFF80]  }
0xdf: {  	v15 =	vadd.f32 v14, v10;
	v14 =	vadd.f32 v17, v13;
	v10 =	vld [tilespmem:s25+$0xFFFFFFF0]  }
0xe0: {  	s24 =	simm.s32 $0x0;
	v17 =	vadd.f32 v24, v16;
	v16 =	vadd.f32 v25, v18;
	v13 =	vld [tilespmem:s25+$0x0];
	s25 =	simm.s32 $0x4070  }
.LBB2_5:
0xe1: {  	v18 =	vld [tilespmem:s25+$0xFFFFFF90];
	v8 =	vadd.f32 v8, v15;
	v11 =	vadd.f32 v11, v14  }
0xe2: {  	v14 =	vld [tilespmem:s25+$0xFFFFFFA0];
	v3 =	vadd.f32 v3, v17;
	v2 =	vadd.f32 v2, v16  }
0xe3: {  	v15 =	vld [tilespmem:s25+$0xFFFFFFB0];
	v8 =	vadd.f32 v9, v8;
	v9 =	vadd.f32 v12, v11  }
0xe4: {  	v11 =	vld [tilespmem:s25+$0xFFFFFFC0];
	v12 =	vadd.f32 v0, v3;
	v16 =	vadd.f32 v1, v2  }
0xe5: {  	v0 =	vld [tilespmem:s25+$0xFFFFFFD0];
	v8 =	vadd.f32 v10, v8;
	v9 =	vadd.f32 v13, v9  }
0xe6: {  	v1 =	vld [tilespmem:s25+$0xFFFFFFE0]  }
0xe7: {  	v10 =	vld [tilespmem:s25+$0xFFFFFF10]  }
0xe8: {  	v13 =	vld [tilespmem:s25+$0xFFFFFF20]  }
0xe9: {  	v17 =	vld [tilespmem:s25+$0xFFFFFF30]  }
0xea: {  	v19 =	vld [tilespmem:s25+$0xFFFFFF40]  }
0xeb: {  	v3 =	vld [tilespmem:s25+$0xFFFFFF50]  }
0xec: {  	v2 =	vld [tilespmem:s25+$0xFFFFFF60]  }
0xed: {  	v20 =	vld [tilespmem:s25+$0xFFFFFE90]  }
0xee: {  	v21 =	vld [tilespmem:s25+$0xFFFFFEA0]  }
0xef: {  	v22 =	vld [tilespmem:s25+$0xFFFFFEB0]  }
0xf0: {  	v23 =	vld [tilespmem:s25+$0xFFFFFEC0]  }
0xf1: {  	v24 =	vld [tilespmem:s25+$0xFFFFFED0]  }
0xf2: {  	v25 =	vld [tilespmem:s25+$0xFFFFFEE0]  }
0xf3: {  	v26 =	vld [tilespmem:s25+$0xFFFFFE10]  }
0xf4: {  	v27 =	vld [tilespmem:s25+$0xFFFFFE20]  }
0xf5: {  	v28 =	vld [tilespmem:s25+$0xFFFFFE30]  }
0xf6: {  	v29 =	vld [tilespmem:s25+$0xFFFFFE40]  }
0xf7: {  	v30 =	vld [tilespmem:s25+$0xFFFFFD90]  }
0xf8: {  	v31 =	vld [tilespmem:s25+$0xFFFFFDA0]  }
0xf9: {  	v32 =	vld [tilespmem:s25+$0xFFFFFD10]  }
0xfa: {  	v33 =	vld [tilespmem:s25+$0xFFFFFD20]  }
0xfb: {  	v34 =	vld [tilespmem:s25+$0xFFFFFC90]  }
0xfc: {  	v35 =	vld [tilespmem:s25+$0xFFFFFCA0]  }
0xfd: {  	v36 =	vld [tilespmem:s25+$0xFFFFFCB0]  }
0xfe: {  	v37 =	vld [tilespmem:s25+$0xFFFFFCC0]  }
0xff: {  	v38 =	vld [tilespmem:s25+$0xFFFFFD30]  }
0x100: {  	v39 =	vld [tilespmem:s25+$0xFFFFFD40]  }
0x101: {  	v40 =	vld [tilespmem:s25+$0xFFFFFDB0]  }
0x102: {  	v7 =	vadd.f32 v34, v7;
	v6 =	vadd.f32 v35, v6;
	v34 =	vld [tilespmem:s25+$0xFFFFFDC0]  }
0x103: {  	v5 =	vadd.f32 v36, v5;
	v4 =	vadd.f32 v37, v4;
	v35 =	vld [tilespmem:s25+$0xFFFFFE50]  }
0x104: {  	v7 =	vadd.f32 v32, v7;
	v6 =	vadd.f32 v33, v6;
	v32 =	vld [tilespmem:s25+$0xFFFFFE60]  }
0x105: {  	v5 =	vadd.f32 v38, v5;
	v4 =	vadd.f32 v39, v4;
	v33 =	vld [tilespmem:s25+$0xFFFFFDD0]  }
0x106: {  	v7 =	vadd.f32 v30, v7;
	v6 =	vadd.f32 v31, v6;
	v30 =	vld [tilespmem:s25+$0xFFFFFDE0]  }
0x107: {  	v5 =	vadd.f32 v40, v5;
	v31 =	vld [tilespmem:s25+$0xFFFFFD50];
	v4 =	vadd.f32 v34, v4  }
0x108: {  	v7 =	vadd.f32 v26, v7;
	v6 =	vadd.f32 v27, v6;
	v34 =	vld [tilespmem:s25+$0xFFFFFD60]  }
0x109: {  	v5 =	vadd.f32 v28, v5;
	v26 =	vld [tilespmem:s25+$0xFFFFFCD0];
	v4 =	vadd.f32 v29, v4  }
0x10a: {  	v7 =	vadd.f32 v20, v7;
	v6 =	vadd.f32 v21, v6;
	v27 =	vld [tilespmem:s25+$0xFFFFFCE0]  }
0x10b: {  	v5 =	vadd.f32 v22, v5;
	v20 =	vld [tilespmem:s25+$0xFFFFFCF0];
	v4 =	vadd.f32 v23, v4  }
0x10c: {  	s24 =	sadd.s32 $0x7, s24;
	v7 =	vadd.f32 v10, v7;
	v6 =	vadd.f32 v13, v6;
	v21 =	vld [tilespmem:s25+$0xFFFFFD00]  }
0x10d: {  	p0 =	slt.u32 s24, $0x2A;
	v5 =	vadd.f32 v17, v5;
	v10 =	vld [tilespmem:s25+$0xFFFFFD70];
	v4 =	vadd.f32 v19, v4  }
0x10e: {  	v7 =	vadd.f32 v18, v7;
	v6 =	vadd.f32 v14, v6;
	v13 =	vld [tilespmem:s25+$0xFFFFFD80]  }
0x10f: {  	v5 =	vadd.f32 v15, v5;
	v14 =	vld [tilespmem:s25+$0xFFFFFDF0];
	v4 =	vadd.f32 v11, v4  }
0x110: {  	v11 =	vadd.f32 v26, v12;
	v12 =	vadd.f32 v27, v16;
	v15 =	vld [tilespmem:s25+$0xFFFFFE00]  }
0x111: {  	v8 =	vadd.f32 v20, v8;
	v9 =	vadd.f32 v21, v9;
	v16 =	vld [tilespmem:s25+$0xFFFFFE70]  }
0x112: {  	v11 =	vadd.f32 v31, v11;
	v12 =	vadd.f32 v34, v12;
	v17 =	vld [tilespmem:s25+$0xFFFFFE80]  }
0x113: {  	v10 =	vadd.f32 v10, v8;
	v9 =	vadd.f32 v13, v9;
	v8 =	vld [tilespmem:s25+$0xFFFFFEF0]  }
.Ltmp1:
0x114: {  	v13 =	vadd.f32 v33, v11;
	v12 =	vadd.f32 v30, v12;
	v11 =	vld [tilespmem:s25+$0xFFFFFF00];
	(pc) =	sbr.rel @p0 .LBB2_5-.Ltmp1, $4  }
0x115: {  	v10 =	vadd.f32 v14, v10;
	v14 =	vadd.f32 v15, v9;
	v9 =	vld [tilespmem:s25+$0xFFFFFF70]  }
0x116: {  	v13 =	vadd.f32 v35, v13;
	v18 =	vadd.f32 v32, v12;
	v12 =	vld [tilespmem:s25+$0xFFFFFF80]  }
0x117: {  	v15 =	vadd.f32 v16, v10;
	v14 =	vadd.f32 v17, v14;
	v10 =	vld [tilespmem:s25+$0xFFFFFFF0]  }
0x118: {  	v17 =	vadd.f32 v24, v13;
	v16 =	vadd.f32 v25, v18;
	v13 =	vld [tilespmem:s25+$0x0];
	s25 =	sadd.s32 $0x380, s25  }
0x119: {  	_ = 	snop  }
0x11a: {  	v8 =	vadd.f32 v8, v15;
	[tilespmem:s23+$0xF080] =	vst v7;
	v3 =	vadd.f32 v3, v17  }
0x11b: {  	v7 =	vadd.f32 v11, v14;
	[tilespmem:s23+$0xF090] =	vst v6;
	v2 =	vadd.f32 v2, v16  }
0x11c: {  	[tilespmem:s23+$0xF0A0] =	vst v5;
	v6 =	vadd.f32 v9, v8;
	v0 =	vadd.f32 v0, v3  }
0x11d: {  	[tilespmem:s23+$0xF0B0] =	vst v4;
	v3 =	vadd.f32 v12, v7;
	v1 =	vadd.f32 v1, v2  }
0x11e: {  	p0 =	seq.s32 s21, $0xF;
	v2 =	vadd.f32 v10, v6;
	[tilespmem:s23+$0xF0C0] =	vst v0  }
0x11f: {  	s24 =	sshll.u32 @!p0 s21, $0x9;
	v0 =	vadd.f32 v13, v3;
	[tilespmem:s23+$0xF0D0] =	vst v1  }
0x120: {  	s24 =	sand.u32 @!p0 $0x3FFFFE00, s24;
	[tilespmem:s23+$0xF0E0] =	vst v2  }
0x121: {  	s26 =	simm.s32 @!p0 $0x64;
	s28 =	simm.s32 @!p0 $0x2000;
	s25 =	sadd.s32 @!p0 $0x200, s24;
	[tilespmem:s23+$0xF0F0] =	vst v0  }
0x122: {  	[tilespmem:s28], [sflag:$0x1] =	stream.indirect.gather @!p0 [hbm4b:s2+s26], $0x80, s25, s26, $0xb8;
	[tilespmem:$0x13000] =	vst v63  }
0x123: {  	_ =	swait.ge [sflag:s16], $0x3200  }
0x124: {  	[sflag:s16] =	ssyncset.done $0x0  }
0x125: {  	[sflag:s16] =	ssyncadd.s32 $0xFFFFCE00  }
0x126: {  	v4 =	vld [tilespmem:$0x5400]  }
0x127: {  	v5 =	vld [tilespmem:$0x5410]  }
0x128: {  	v6 =	vld [tilespmem:$0x5420]  }
0x129: {  	v7 =	vld [tilespmem:$0x5430]  }
0x12a: {  	v8 =	vld [tilespmem:$0x5440]  }
0x12b: {  	v9 =	vld [tilespmem:$0x5450]  }
0x12c: {  	v10 =	vld [tilespmem:$0x5460]  }
0x12d: {  	s31 =	simm.s32 $0x5600;
	v11 =	vld [tilespmem:$0x5470]  }
0x12e: {  	v12 =	vld [tilespmem:s31+$0x180]  }
0x12f: {  	v13 =	vld [tilespmem:s31+$0x190]  }
0x130: {  	v14 =	vld [tilespmem:s31+$0x1A0]  }
0x131: {  	v15 =	vld [tilespmem:s31+$0x1B0]  }
0x132: {  	v0 =	vld [tilespmem:s31+$0x1C0]  }
0x133: {  	v1 =	vld [tilespmem:s31+$0x1D0]  }
0x134: {  	v16 =	vld [tilespmem:s31+$0x100]  }
0x135: {  	v17 =	vld [tilespmem:s31+$0x110]  }
0x136: {  	v18 =	vld [tilespmem:s31+$0x120]  }
0x137: {  	v19 =	vld [tilespmem:s31+$0x130]  }
0x138: {  	v3 =	vld [tilespmem:s31+$0x140]  }
0x139: {  	v2 =	vld [tilespmem:s31+$0x150]  }
0x13a: {  	v20 =	vld [tilespmem:s31+$0x80]  }
0x13b: {  	v21 =	vld [tilespmem:s31+$0x90]  }
0x13c: {  	v22 =	vld [tilespmem:s31+$0xA0]  }
0x13d: {  	v23 =	vld [tilespmem:s31+$0xB0]  }
0x13e: {  	v24 =	vld [tilespmem:s31+$0xC0]  }
0x13f: {  	v25 =	vld [tilespmem:s31+$0xD0]  }
0x140: {  	v26 =	vld [tilespmem:s31+$0x0]  }
0x141: {  	v27 =	vld [tilespmem:s31+$0x10]  }
0x142: {  	v28 =	vld [tilespmem:s31+$0x20]  }
0x143: {  	v30 =	vld [tilespmem:s31+$0xFFFFFF80]  }
0x144: {  	v31 =	vld [tilespmem:s31+$0xFFFFFF90]  }
0x145: {  	v32 =	vld [tilespmem:s31+$0xFFFFFF00]  }
0x146: {  	v33 =	vld [tilespmem:s31+$0xFFFFFF10]  }
0x147: {  	v34 =	vld [tilespmem:s31+$0xFFFFFE80]  }
0x148: {  	v35 =	vld [tilespmem:s31+$0xFFFFFE90]  }
0x149: {  	v36 =	vld [tilespmem:s31+$0xFFFFFEA0]  }
0x14a: {  	v37 =	vld [tilespmem:s31+$0xFFFFFEB0]  }
0x14b: {  	v60 =	vld [tilespmem:s31+$0xFFFFFEC0]  }
0x14c: {  	v61 =	vld [tilespmem:s31+$0xFFFFFED0]  }
0x14d: {  	v38 =	vld [tilespmem:s31+$0xFFFFFF20]  }
0x14e: {  	v39 =	vld [tilespmem:s31+$0xFFFFFF30]  }
0x14f: {  	v40 =	vld [tilespmem:s31+$0xFFFFFFA0];
	v4 =	vadd.f32 v34, v4;
	v5 =	vadd.f32 v35, v5  }
0x150: {  	v53 =	vld [tilespmem:s31+$0xFFFFFFB0];
	v6 =	vadd.f32 v36, v6;
	v7 =	vadd.f32 v37, v7  }
0x151: {  	v29 =	vld [tilespmem:s31+$0x30];
	v8 =	vadd.f32 v60, v8;
	v9 =	vadd.f32 v61, v9  }
0x152: {  	v54 =	vld [tilespmem:s31+$0x40];
	v4 =	vadd.f32 v32, v4;
	v5 =	vadd.f32 v33, v5  }
0x153: {  	v55 =	vld [tilespmem:s31+$0x50];
	v6 =	vadd.f32 v38, v6;
	v7 =	vadd.f32 v39, v7  }
0x154: {  	v56 =	vld [tilespmem:s31+$0xFFFFFFC0];
	v4 =	vadd.f32 v30, v4;
	v5 =	vadd.f32 v31, v5  }
0x155: {  	v57 =	vld [tilespmem:s31+$0xFFFFFFD0];
	v6 =	vadd.f32 v40, v6;
	v7 =	vadd.f32 v53, v7  }
0x156: {  	v58 =	vld [tilespmem:s31+$0xFFFFFF40];
	v4 =	vadd.f32 v26, v4;
	v5 =	vadd.f32 v27, v5  }
0x157: {  	v62 =	vld [tilespmem:s31+$0xFFFFFEE0];
	v6 =	vadd.f32 v28, v6;
	v7 =	vadd.f32 v29, v7  }
0x158: {  	v63 =	vld [tilespmem:s31+$0xFFFFFEF0];
	v4 =	vadd.f32 v20, v4;
	v5 =	vadd.f32 v21, v5  }
0x159: {  	v59 =	vld [tilespmem:s31+$0xFFFFFF50];
	v6 =	vadd.f32 v22, v6;
	v7 =	vadd.f32 v23, v7  }
0x15a: {  	v4 =	vadd.f32 v16, v4;
	v5 =	vadd.f32 v17, v5;
	v16 =	vld [tilespmem:s31+$0xFFFFFF60]  }
0x15b: {  	v17 =	vadd.f32 v18, v6;
	v18 =	vadd.f32 v19, v7;
	v19 =	vld [tilespmem:s31+$0xFFFFFF70]  }
0x15c: {  	v10 =	vadd.f32 v62, v10;
	v7 =	vadd.f32 v12, v4;
	v12 =	vld [tilespmem:s31+$0xFFFFFFE0]  }
0x15d: {  	v11 =	vadd.f32 v63, v11;
	v6 =	vadd.f32 v13, v5;
	v13 =	vld [tilespmem:s31+$0xFFFFFFF0]  }
0x15e: {  	v9 =	vadd.f32 v59, v9;
	v5 =	vadd.f32 v14, v17;
	v14 =	vld [tilespmem:s31+$0x60]  }
0x15f: {  	v4 =	vadd.f32 v15, v18;
	v15 =	vadd.f32 v58, v8;
	v17 =	vld [tilespmem:s31+$0x70]  }
0x160: {  	v8 =	vld [tilespmem:s31+$0xE0];
	v10 =	vadd.f32 v16, v10;
	v16 =	vadd.f32 v19, v11  }
0x161: {  	v18 =	vadd.f32 v57, v9;
	v15 =	vadd.f32 v56, v15;
	v11 =	vld [tilespmem:s31+$0xF0]  }
0x162: {  	v9 =	vld [tilespmem:s31+$0x160];
	v10 =	vadd.f32 v12, v10;
	v13 =	vadd.f32 v13, v16  }
0x163: {  	v18 =	vadd.f32 v55, v18;
	v16 =	vadd.f32 v54, v15;
	v12 =	vld [tilespmem:s31+$0x170]  }
0x164: {  	v15 =	vadd.f32 v14, v10;
	v14 =	vadd.f32 v17, v13;
	v10 =	vld [tilespmem:s31+$0x1E0]  }
0x165: {  	s25 =	simm.s32 $0x0;
	s26 =	simm.s32 $0x5980;
	v17 =	vadd.f32 v24, v16;
	v16 =	vadd.f32 v25, v18;
	v13 =	vld [tilespmem:s31+$0x1F0]  }
.LBB2_7:
0x166: {  	v18 =	vld [tilespmem:s26+$0x180];
	v8 =	vadd.f32 v8, v15;
	v11 =	vadd.f32 v11, v14  }
0x167: {  	v14 =	vld [tilespmem:s26+$0x190];
	v3 =	vadd.f32 v3, v17;
	v2 =	vadd.f32 v2, v16  }
0x168: {  	v15 =	vld [tilespmem:s26+$0x1A0];
	v8 =	vadd.f32 v9, v8;
	v9 =	vadd.f32 v12, v11  }
0x169: {  	v11 =	vld [tilespmem:s26+$0x1B0];
	v12 =	vadd.f32 v0, v3;
	v16 =	vadd.f32 v1, v2  }
0x16a: {  	v0 =	vld [tilespmem:s26+$0x1C0];
	v8 =	vadd.f32 v10, v8;
	v9 =	vadd.f32 v13, v9  }
0x16b: {  	v1 =	vld [tilespmem:s26+$0x1D0]  }
0x16c: {  	v10 =	vld [tilespmem:s26+$0x100]  }
0x16d: {  	v13 =	vld [tilespmem:s26+$0x110]  }
0x16e: {  	v17 =	vld [tilespmem:s26+$0x120]  }
0x16f: {  	v19 =	vld [tilespmem:s26+$0x130]  }
0x170: {  	v3 =	vld [tilespmem:s26+$0x140]  }
0x171: {  	v2 =	vld [tilespmem:s26+$0x150]  }
0x172: {  	v20 =	vld [tilespmem:s26+$0x80]  }
0x173: {  	v21 =	vld [tilespmem:s26+$0x90]  }
0x174: {  	v22 =	vld [tilespmem:s26+$0xA0]  }
0x175: {  	v23 =	vld [tilespmem:s26+$0xB0]  }
0x176: {  	v24 =	vld [tilespmem:s26+$0xC0]  }
0x177: {  	v25 =	vld [tilespmem:s26+$0xD0]  }
0x178: {  	v26 =	vld [tilespmem:s26+$0x0]  }
0x179: {  	v27 =	vld [tilespmem:s26+$0x10]  }
0x17a: {  	v28 =	vld [tilespmem:s26+$0x20]  }
0x17b: {  	v29 =	vld [tilespmem:s26+$0x30]  }
0x17c: {  	v30 =	vld [tilespmem:s26+$0xFFFFFF80]  }
0x17d: {  	v31 =	vld [tilespmem:s26+$0xFFFFFF90]  }
0x17e: {  	v32 =	vld [tilespmem:s26+$0xFFFFFF00]  }
0x17f: {  	v33 =	vld [tilespmem:s26+$0xFFFFFF10]  }
0x180: {  	v34 =	vld [tilespmem:s26+$0xFFFFFE80]  }
0x181: {  	v35 =	vld [tilespmem:s26+$0xFFFFFE90]  }
0x182: {  	v36 =	vld [tilespmem:s26+$0xFFFFFEA0]  }
0x183: {  	v37 =	vld [tilespmem:s26+$0xFFFFFEB0]  }
0x184: {  	v38 =	vld [tilespmem:s26+$0xFFFFFF20]  }
0x185: {  	v39 =	vld [tilespmem:s26+$0xFFFFFF30]  }
0x186: {  	v40 =	vld [tilespmem:s26+$0xFFFFFFA0]  }
0x187: {  	v7 =	vadd.f32 v34, v7;
	v6 =	vadd.f32 v35, v6;
	v34 =	vld [tilespmem:s26+$0xFFFFFFB0]  }
0x188: {  	v5 =	vadd.f32 v36, v5;
	v4 =	vadd.f32 v37, v4;
	v35 =	vld [tilespmem:s26+$0x40]  }
0x189: {  	v7 =	vadd.f32 v32, v7;
	v6 =	vadd.f32 v33, v6;
	v32 =	vld [tilespmem:s26+$0x50]  }
0x18a: {  	v5 =	vadd.f32 v38, v5;
	v4 =	vadd.f32 v39, v4;
	v33 =	vld [tilespmem:s26+$0xFFFFFFC0]  }
0x18b: {  	v7 =	vadd.f32 v30, v7;
	v6 =	vadd.f32 v31, v6;
	v30 =	vld [tilespmem:s26+$0xFFFFFFD0]  }
0x18c: {  	v5 =	vadd.f32 v40, v5;
	v31 =	vld [tilespmem:s26+$0xFFFFFF40];
	v4 =	vadd.f32 v34, v4  }
0x18d: {  	v7 =	vadd.f32 v26, v7;
	v6 =	vadd.f32 v27, v6;
	v34 =	vld [tilespmem:s26+$0xFFFFFF50]  }
0x18e: {  	v5 =	vadd.f32 v28, v5;
	v26 =	vld [tilespmem:s26+$0xFFFFFEC0];
	v4 =	vadd.f32 v29, v4  }
0x18f: {  	v7 =	vadd.f32 v20, v7;
	v6 =	vadd.f32 v21, v6;
	v27 =	vld [tilespmem:s26+$0xFFFFFED0]  }
0x190: {  	v5 =	vadd.f32 v22, v5;
	v20 =	vld [tilespmem:s26+$0xFFFFFEE0];
	v4 =	vadd.f32 v23, v4  }
0x191: {  	s25 =	sadd.s32 $0x7, s25;
	v7 =	vadd.f32 v10, v7;
	v6 =	vadd.f32 v13, v6;
	v21 =	vld [tilespmem:s26+$0xFFFFFEF0]  }
0x192: {  	p1 =	slt.u32 s25, $0x2A;
	v5 =	vadd.f32 v17, v5;
	v10 =	vld [tilespmem:s26+$0xFFFFFF60];
	v4 =	vadd.f32 v19, v4  }
0x193: {  	v7 =	vadd.f32 v18, v7;
	v6 =	vadd.f32 v14, v6;
	v13 =	vld [tilespmem:s26+$0xFFFFFF70]  }
0x194: {  	v5 =	vadd.f32 v15, v5;
	v14 =	vld [tilespmem:s26+$0xFFFFFFE0];
	v4 =	vadd.f32 v11, v4  }
0x195: {  	v11 =	vadd.f32 v26, v12;
	v12 =	vadd.f32 v27, v16;
	v15 =	vld [tilespmem:s26+$0xFFFFFFF0]  }
0x196: {  	v8 =	vadd.f32 v20, v8;
	v9 =	vadd.f32 v21, v9;
	v16 =	vld [tilespmem:s26+$0x60]  }
0x197: {  	v11 =	vadd.f32 v31, v11;
	v12 =	vadd.f32 v34, v12;
	v17 =	vld [tilespmem:s26+$0x70]  }
0x198: {  	v10 =	vadd.f32 v10, v8;
	v9 =	vadd.f32 v13, v9;
	v8 =	vld [tilespmem:s26+$0xE0]  }
.Ltmp2:
0x199: {  	v13 =	vadd.f32 v33, v11;
	v12 =	vadd.f32 v30, v12;
	v11 =	vld [tilespmem:s26+$0xF0];
	(pc) =	sbr.rel @p1 .LBB2_7-.Ltmp2, $4  }
0x19a: {  	v10 =	vadd.f32 v14, v10;
	v14 =	vadd.f32 v15, v9;
	v9 =	vld [tilespmem:s26+$0x160]  }
0x19b: {  	v13 =	vadd.f32 v35, v13;
	v18 =	vadd.f32 v32, v12;
	v12 =	vld [tilespmem:s26+$0x170]  }
0x19c: {  	v15 =	vadd.f32 v16, v10;
	v14 =	vadd.f32 v17, v14;
	v10 =	vld [tilespmem:s26+$0x1E0]  }
0x19d: {  	v17 =	vadd.f32 v24, v13;
	v16 =	vadd.f32 v25, v18;
	v13 =	vld [tilespmem:s26+$0x1F0];
	s26 =	sadd.s32 $0x380, s26  }
0x19e: {  	_ = 	snop  }
0x19f: {  	v8 =	vadd.f32 v8, v15;
	[tilespmem:s23+$0xF100] =	vst v7;
	v3 =	vadd.f32 v3, v17  }
0x1a0: {  	v7 =	vadd.f32 v11, v14;
	[tilespmem:s23+$0xF110] =	vst v6;
	v2 =	vadd.f32 v2, v16  }
0x1a1: {  	[tilespmem:s23+$0xF120] =	vst v5;
	v6 =	vadd.f32 v9, v8;
	v0 =	vadd.f32 v0, v3  }
0x1a2: {  	[tilespmem:s23+$0xF130] =	vst v4;
	v3 =	vadd.f32 v12, v7;
	v1 =	vadd.f32 v1, v2  }
0x1a3: {  	v2 =	vadd.f32 v10, v6;
	[tilespmem:s23+$0xF140] =	vst v0  }
0x1a4: {  	v0 =	vadd.f32 v13, v3;
	[tilespmem:s23+$0xF150] =	vst v1  }
0x1a5: {  	[tilespmem:s23+$0xF160] =	vst v2  }
0x1a6: {  	[tilespmem:s23+$0xF170] =	vst v0  }
0x1a7: {  	v4 =	vld [tilespmem:$0x6D00]  }
0x1a8: {  	v5 =	vld [tilespmem:$0x6D10]  }
0x1a9: {  	v6 =	vld [tilespmem:$0x6D20]  }
0x1aa: {  	v7 =	vld [tilespmem:$0x6D30]  }
0x1ab: {  	v8 =	vld [tilespmem:$0x6D40]  }
0x1ac: {  	v9 =	vld [tilespmem:$0x6D50]  }
0x1ad: {  	v10 =	vld [tilespmem:$0x6D60]  }
0x1ae: {  	s26 =	simm.s32 $0x70F0;
	v11 =	vld [tilespmem:$0x6D70]  }
0x1af: {  	v12 =	vld [tilespmem:s26+$0xFFFFFF90]  }
0x1b0: {  	v13 =	vld [tilespmem:s26+$0xFFFFFFA0]  }
0x1b1: {  	v14 =	vld [tilespmem:s26+$0xFFFFFFB0]  }
0x1b2: {  	v15 =	vld [tilespmem:s26+$0xFFFFFFC0]  }
0x1b3: {  	v0 =	vld [tilespmem:s26+$0xFFFFFFD0]  }
0x1b4: {  	v1 =	vld [tilespmem:s26+$0xFFFFFFE0]  }
0x1b5: {  	v16 =	vld [tilespmem:s26+$0xFFFFFF10]  }
0x1b6: {  	v17 =	vld [tilespmem:s26+$0xFFFFFF20]  }
0x1b7: {  	v18 =	vld [tilespmem:s26+$0xFFFFFF30]  }
0x1b8: {  	v19 =	vld [tilespmem:s26+$0xFFFFFF40]  }
0x1b9: {  	v3 =	vld [tilespmem:s26+$0xFFFFFF50]  }
0x1ba: {  	v2 =	vld [tilespmem:s26+$0xFFFFFF60]  }
0x1bb: {  	v20 =	vld [tilespmem:s26+$0xFFFFFE90]  }
0x1bc: {  	v21 =	vld [tilespmem:s26+$0xFFFFFEA0]  }
0x1bd: {  	v22 =	vld [tilespmem:s26+$0xFFFFFEB0]  }
0x1be: {  	v23 =	vld [tilespmem:s26+$0xFFFFFEC0]  }
0x1bf: {  	v24 =	vld [tilespmem:s26+$0xFFFFFED0]  }
0x1c0: {  	v25 =	vld [tilespmem:s26+$0xFFFFFEE0]  }
0x1c1: {  	v26 =	vld [tilespmem:s26+$0xFFFFFE10]  }
0x1c2: {  	v27 =	vld [tilespmem:s26+$0xFFFFFE20]  }
0x1c3: {  	v28 =	vld [tilespmem:s26+$0xFFFFFE30]  }
0x1c4: {  	v30 =	vld [tilespmem:s26+$0xFFFFFD90]  }
0x1c5: {  	v31 =	vld [tilespmem:s26+$0xFFFFFDA0]  }
0x1c6: {  	v32 =	vld [tilespmem:s26+$0xFFFFFD10]  }
0x1c7: {  	v33 =	vld [tilespmem:s26+$0xFFFFFD20]  }
0x1c8: {  	v34 =	vld [tilespmem:s26+$0xFFFFFC90]  }
0x1c9: {  	v35 =	vld [tilespmem:s26+$0xFFFFFCA0]  }
0x1ca: {  	v36 =	vld [tilespmem:s26+$0xFFFFFCB0]  }
0x1cb: {  	v37 =	vld [tilespmem:s26+$0xFFFFFCC0]  }
0x1cc: {  	v60 =	vld [tilespmem:s26+$0xFFFFFCD0]  }
0x1cd: {  	v61 =	vld [tilespmem:s26+$0xFFFFFCE0]  }
0x1ce: {  	v38 =	vld [tilespmem:s26+$0xFFFFFD30]  }
0x1cf: {  	v39 =	vld [tilespmem:s26+$0xFFFFFD40]  }
0x1d0: {  	v40 =	vld [tilespmem:s26+$0xFFFFFDB0];
	v4 =	vadd.f32 v34, v4;
	v5 =	vadd.f32 v35, v5  }
0x1d1: {  	v53 =	vld [tilespmem:s26+$0xFFFFFDC0];
	v6 =	vadd.f32 v36, v6;
	v7 =	vadd.f32 v37, v7  }
0x1d2: {  	v29 =	vld [tilespmem:s26+$0xFFFFFE40];
	v8 =	vadd.f32 v60, v8;
	v9 =	vadd.f32 v61, v9  }
0x1d3: {  	v54 =	vld [tilespmem:s26+$0xFFFFFE50];
	v4 =	vadd.f32 v32, v4;
	v5 =	vadd.f32 v33, v5  }
0x1d4: {  	v55 =	vld [tilespmem:s26+$0xFFFFFE60];
	v6 =	vadd.f32 v38, v6;
	v7 =	vadd.f32 v39, v7  }
0x1d5: {  	v56 =	vld [tilespmem:s26+$0xFFFFFDD0];
	v4 =	vadd.f32 v30, v4;
	v5 =	vadd.f32 v31, v5  }
0x1d6: {  	v57 =	vld [tilespmem:s26+$0xFFFFFDE0];
	v6 =	vadd.f32 v40, v6;
	v7 =	vadd.f32 v53, v7  }
0x1d7: {  	v58 =	vld [tilespmem:s26+$0xFFFFFD50];
	v4 =	vadd.f32 v26, v4;
	v5 =	vadd.f32 v27, v5  }
0x1d8: {  	v62 =	vld [tilespmem:s26+$0xFFFFFCF0];
	v6 =	vadd.f32 v28, v6;
	v7 =	vadd.f32 v29, v7  }
0x1d9: {  	v63 =	vld [tilespmem:s26+$0xFFFFFD00];
	v4 =	vadd.f32 v20, v4;
	v5 =	vadd.f32 v21, v5  }
0x1da: {  	v59 =	vld [tilespmem:s26+$0xFFFFFD60];
	v6 =	vadd.f32 v22, v6;
	v7 =	vadd.f32 v23, v7  }
0x1db: {  	v4 =	vadd.f32 v16, v4;
	v5 =	vadd.f32 v17, v5;
	v16 =	vld [tilespmem:s26+$0xFFFFFD70]  }
0x1dc: {  	v17 =	vadd.f32 v18, v6;
	v18 =	vadd.f32 v19, v7;
	v19 =	vld [tilespmem:s26+$0xFFFFFD80]  }
0x1dd: {  	v10 =	vadd.f32 v62, v10;
	v7 =	vadd.f32 v12, v4;
	v12 =	vld [tilespmem:s26+$0xFFFFFDF0]  }
0x1de: {  	v11 =	vadd.f32 v63, v11;
	v6 =	vadd.f32 v13, v5;
	v13 =	vld [tilespmem:s26+$0xFFFFFE00]  }
0x1df: {  	v9 =	vadd.f32 v59, v9;
	v5 =	vadd.f32 v14, v17;
	v14 =	vld [tilespmem:s26+$0xFFFFFE70]  }
0x1e0: {  	v4 =	vadd.f32 v15, v18;
	v15 =	vadd.f32 v58, v8;
	v17 =	vld [tilespmem:s26+$0xFFFFFE80]  }
0x1e1: {  	v8 =	vld [tilespmem:s26+$0xFFFFFEF0];
	v10 =	vadd.f32 v16, v10;
	v16 =	vadd.f32 v19, v11  }
0x1e2: {  	v18 =	vadd.f32 v57, v9;
	v15 =	vadd.f32 v56, v15;
	v11 =	vld [tilespmem:s26+$0xFFFFFF00]  }
0x1e3: {  	v9 =	vld [tilespmem:s26+$0xFFFFFF70];
	v10 =	vadd.f32 v12, v10;
	v13 =	vadd.f32 v13, v16  }
0x1e4: {  	v18 =	vadd.f32 v55, v18;
	v16 =	vadd.f32 v54, v15;
	v12 =	vld [tilespmem:s26+$0xFFFFFF80]  }
0x1e5: {  	v15 =	vadd.f32 v14, v10;
	v14 =	vadd.f32 v17, v13;
	v10 =	vld [tilespmem:s26+$0xFFFFFFF0]  }
0x1e6: {  	s25 =	simm.s32 $0x0;
	v17 =	vadd.f32 v24, v16;
	v16 =	vadd.f32 v25, v18;
	v13 =	vld [tilespmem:s26+$0x0];
	s26 =	simm.s32 $0x7470  }
.LBB2_9:
0x1e7: {  	v18 =	vld [tilespmem:s26+$0xFFFFFF90];
	v8 =	vadd.f32 v8, v15;
	v11 =	vadd.f32 v11, v14  }
0x1e8: {  	v14 =	vld [tilespmem:s26+$0xFFFFFFA0];
	v3 =	vadd.f32 v3, v17;
	v2 =	vadd.f32 v2, v16  }
0x1e9: {  	v15 =	vld [tilespmem:s26+$0xFFFFFFB0];
	v8 =	vadd.f32 v9, v8;
	v9 =	vadd.f32 v12, v11  }
0x1ea: {  	v11 =	vld [tilespmem:s26+$0xFFFFFFC0];
	v12 =	vadd.f32 v0, v3;
	v16 =	vadd.f32 v1, v2  }
0x1eb: {  	v0 =	vld [tilespmem:s26+$0xFFFFFFD0];
	v8 =	vadd.f32 v10, v8;
	v9 =	vadd.f32 v13, v9  }
0x1ec: {  	v1 =	vld [tilespmem:s26+$0xFFFFFFE0]  }
0x1ed: {  	v10 =	vld [tilespmem:s26+$0xFFFFFF10]  }
0x1ee: {  	v13 =	vld [tilespmem:s26+$0xFFFFFF20]  }
0x1ef: {  	v17 =	vld [tilespmem:s26+$0xFFFFFF30]  }
0x1f0: {  	v19 =	vld [tilespmem:s26+$0xFFFFFF40]  }
0x1f1: {  	v3 =	vld [tilespmem:s26+$0xFFFFFF50]  }
0x1f2: {  	v2 =	vld [tilespmem:s26+$0xFFFFFF60]  }
0x1f3: {  	v20 =	vld [tilespmem:s26+$0xFFFFFE90]  }
0x1f4: {  	v21 =	vld [tilespmem:s26+$0xFFFFFEA0]  }
0x1f5: {  	v22 =	vld [tilespmem:s26+$0xFFFFFEB0]  }
0x1f6: {  	v23 =	vld [tilespmem:s26+$0xFFFFFEC0]  }
0x1f7: {  	v24 =	vld [tilespmem:s26+$0xFFFFFED0]  }
0x1f8: {  	v25 =	vld [tilespmem:s26+$0xFFFFFEE0]  }
0x1f9: {  	v26 =	vld [tilespmem:s26+$0xFFFFFE10]  }
0x1fa: {  	v27 =	vld [tilespmem:s26+$0xFFFFFE20]  }
0x1fb: {  	v28 =	vld [tilespmem:s26+$0xFFFFFE30]  }
0x1fc: {  	v29 =	vld [tilespmem:s26+$0xFFFFFE40]  }
0x1fd: {  	v30 =	vld [tilespmem:s26+$0xFFFFFD90]  }
0x1fe: {  	v31 =	vld [tilespmem:s26+$0xFFFFFDA0]  }
0x1ff: {  	v32 =	vld [tilespmem:s26+$0xFFFFFD10]  }
0x200: {  	v33 =	vld [tilespmem:s26+$0xFFFFFD20]  }
0x201: {  	v34 =	vld [tilespmem:s26+$0xFFFFFC90]  }
0x202: {  	v35 =	vld [tilespmem:s26+$0xFFFFFCA0]  }
0x203: {  	v36 =	vld [tilespmem:s26+$0xFFFFFCB0]  }
0x204: {  	v37 =	vld [tilespmem:s26+$0xFFFFFCC0]  }
0x205: {  	v38 =	vld [tilespmem:s26+$0xFFFFFD30]  }
0x206: {  	v39 =	vld [tilespmem:s26+$0xFFFFFD40]  }
0x207: {  	v40 =	vld [tilespmem:s26+$0xFFFFFDB0]  }
0x208: {  	v7 =	vadd.f32 v34, v7;
	v6 =	vadd.f32 v35, v6;
	v34 =	vld [tilespmem:s26+$0xFFFFFDC0]  }
0x209: {  	v5 =	vadd.f32 v36, v5;
	v4 =	vadd.f32 v37, v4;
	v35 =	vld [tilespmem:s26+$0xFFFFFE50]  }
0x20a: {  	v7 =	vadd.f32 v32, v7;
	v6 =	vadd.f32 v33, v6;
	v32 =	vld [tilespmem:s26+$0xFFFFFE60]  }
0x20b: {  	v5 =	vadd.f32 v38, v5;
	v4 =	vadd.f32 v39, v4;
	v33 =	vld [tilespmem:s26+$0xFFFFFDD0]  }
0x20c: {  	v7 =	vadd.f32 v30, v7;
	v6 =	vadd.f32 v31, v6;
	v30 =	vld [tilespmem:s26+$0xFFFFFDE0]  }
0x20d: {  	v5 =	vadd.f32 v40, v5;
	v31 =	vld [tilespmem:s26+$0xFFFFFD50];
	v4 =	vadd.f32 v34, v4  }
0x20e: {  	v7 =	vadd.f32 v26, v7;
	v6 =	vadd.f32 v27, v6;
	v34 =	vld [tilespmem:s26+$0xFFFFFD60]  }
0x20f: {  	v5 =	vadd.f32 v28, v5;
	v26 =	vld [tilespmem:s26+$0xFFFFFCD0];
	v4 =	vadd.f32 v29, v4  }
0x210: {  	v7 =	vadd.f32 v20, v7;
	v6 =	vadd.f32 v21, v6;
	v27 =	vld [tilespmem:s26+$0xFFFFFCE0]  }
0x211: {  	v5 =	vadd.f32 v22, v5;
	v20 =	vld [tilespmem:s26+$0xFFFFFCF0];
	v4 =	vadd.f32 v23, v4  }
0x212: {  	s25 =	sadd.s32 $0x7, s25;
	v7 =	vadd.f32 v10, v7;
	v6 =	vadd.f32 v13, v6;
	v21 =	vld [tilespmem:s26+$0xFFFFFD00]  }
0x213: {  	p1 =	slt.u32 s25, $0x2A;
	v5 =	vadd.f32 v17, v5;
	v10 =	vld [tilespmem:s26+$0xFFFFFD70];
	v4 =	vadd.f32 v19, v4  }
0x214: {  	v7 =	vadd.f32 v18, v7;
	v6 =	vadd.f32 v14, v6;
	v13 =	vld [tilespmem:s26+$0xFFFFFD80]  }
0x215: {  	v5 =	vadd.f32 v15, v5;
	v14 =	vld [tilespmem:s26+$0xFFFFFDF0];
	v4 =	vadd.f32 v11, v4  }
0x216: {  	v11 =	vadd.f32 v26, v12;
	v12 =	vadd.f32 v27, v16;
	v15 =	vld [tilespmem:s26+$0xFFFFFE00]  }
0x217: {  	v8 =	vadd.f32 v20, v8;
	v9 =	vadd.f32 v21, v9;
	v16 =	vld [tilespmem:s26+$0xFFFFFE70]  }
0x218: {  	v11 =	vadd.f32 v31, v11;
	v12 =	vadd.f32 v34, v12;
	v17 =	vld [tilespmem:s26+$0xFFFFFE80]  }
0x219: {  	v10 =	vadd.f32 v10, v8;
	v9 =	vadd.f32 v13, v9;
	v8 =	vld [tilespmem:s26+$0xFFFFFEF0]  }
.Ltmp3:
0x21a: {  	v13 =	vadd.f32 v33, v11;
	v12 =	vadd.f32 v30, v12;
	v11 =	vld [tilespmem:s26+$0xFFFFFF00];
	(pc) =	sbr.rel @p1 .LBB2_9-.Ltmp3, $4  }
0x21b: {  	v10 =	vadd.f32 v14, v10;
	v14 =	vadd.f32 v15, v9;
	v9 =	vld [tilespmem:s26+$0xFFFFFF70]  }
0x21c: {  	v13 =	vadd.f32 v35, v13;
	v18 =	vadd.f32 v32, v12;
	v12 =	vld [tilespmem:s26+$0xFFFFFF80]  }
0x21d: {  	v15 =	vadd.f32 v16, v10;
	v14 =	vadd.f32 v17, v14;
	v10 =	vld [tilespmem:s26+$0xFFFFFFF0]  }
0x21e: {  	v17 =	vadd.f32 v24, v13;
	v16 =	vadd.f32 v25, v18;
	v13 =	vld [tilespmem:s26+$0x0];
	s26 =	sadd.s32 $0x380, s26  }
0x21f: {  	_ = 	snop  }
0x220: {  	v8 =	vadd.f32 v8, v15;
	[tilespmem:s23+$0xF180] =	vst v7;
	v3 =	vadd.f32 v3, v17  }
0x221: {  	v7 =	vadd.f32 v11, v14;
	[tilespmem:s23+$0xF190] =	vst v6;
	v2 =	vadd.f32 v2, v16  }
0x222: {  	[tilespmem:s23+$0xF1A0] =	vst v5;
	v6 =	vadd.f32 v9, v8;
	v0 =	vadd.f32 v0, v3  }
0x223: {  	[tilespmem:s23+$0xF1B0] =	vst v4;
	v3 =	vadd.f32 v12, v7;
	v1 =	vadd.f32 v1, v2  }
0x224: {  	v2 =	vadd.f32 v10, v6;
	[tilespmem:s23+$0xF1C0] =	vst v0  }
0x225: {  	v0 =	vadd.f32 v13, v3;
	[tilespmem:s23+$0xF1D0] =	vst v1  }
0x226: {  	[tilespmem:s23+$0xF1E0] =	vst v2  }
0x227: {  	s25 =	sadd.s32 @!p0 $0x280, s24;
	s26 =	simm.s32 @!p0 $0x64;
	s28 =	simm.s32 @!p0 $0x5400;
	[tilespmem:s23+$0xF1F0] =	vst v0  }
0x228: {  	[tilespmem:s28], [sflag:$0x2] =	stream.indirect.gather @!p0 [hbm4b:s2+s26], $0x80, s25, s26, $0xb8;
	[tilespmem:$0x13000] =	vst v63  }
0x229: {  	_ =	swait.ge [sflag:s17], $0x3200  }
0x22a: {  	[sflag:s17] =	ssyncset.done $0x0  }
0x22b: {  	[sflag:s17] =	ssyncadd.s32 $0xFFFFCE00  }
0x22c: {  	v4 =	vld [tilespmem:$0x8800]  }
0x22d: {  	v5 =	vld [tilespmem:$0x8810]  }
0x22e: {  	v6 =	vld [tilespmem:$0x8820]  }
0x22f: {  	v7 =	vld [tilespmem:$0x8830]  }
0x230: {  	v8 =	vld [tilespmem:$0x8840]  }
0x231: {  	v9 =	vld [tilespmem:$0x8850]  }
0x232: {  	v10 =	vld [tilespmem:$0x8860]  }
0x233: {  	s31 =	simm.s32 $0x8A00;
	v11 =	vld [tilespmem:$0x8870]  }
0x234: {  	v12 =	vld [tilespmem:s31+$0x180]  }
0x235: {  	v13 =	vld [tilespmem:s31+$0x190]  }
0x236: {  	v14 =	vld [tilespmem:s31+$0x1A0]  }
0x237: {  	v15 =	vld [tilespmem:s31+$0x1B0]  }
0x238: {  	v0 =	vld [tilespmem:s31+$0x1C0]  }
0x239: {  	v1 =	vld [tilespmem:s31+$0x1D0]  }
0x23a: {  	v16 =	vld [tilespmem:s31+$0x100]  }
0x23b: {  	v17 =	vld [tilespmem:s31+$0x110]  }
0x23c: {  	v18 =	vld [tilespmem:s31+$0x120]  }
0x23d: {  	v19 =	vld [tilespmem:s31+$0x130]  }
0x23e: {  	v3 =	vld [tilespmem:s31+$0x140]  }
0x23f: {  	v2 =	vld [tilespmem:s31+$0x150]  }
0x240: {  	v20 =	vld [tilespmem:s31+$0x80]  }
0x241: {  	v21 =	vld [tilespmem:s31+$0x90]  }
0x242: {  	v22 =	vld [tilespmem:s31+$0xA0]  }
0x243: {  	v23 =	vld [tilespmem:s31+$0xB0]  }
0x244: {  	v24 =	vld [tilespmem:s31+$0xC0]  }
0x245: {  	v25 =	vld [tilespmem:s31+$0xD0]  }
0x246: {  	v26 =	vld [tilespmem:s31+$0x0]  }
0x247: {  	v27 =	vld [tilespmem:s31+$0x10]  }
0x248: {  	v28 =	vld [tilespmem:s31+$0x20]  }
0x249: {  	v30 =	vld [tilespmem:s31+$0xFFFFFF80]  }
0x24a: {  	v31 =	vld [tilespmem:s31+$0xFFFFFF90]  }
0x24b: {  	v32 =	vld [tilespmem:s31+$0xFFFFFF00]  }
0x24c: {  	v33 =	vld [tilespmem:s31+$0xFFFFFF10]  }
0x24d: {  	v34 =	vld [tilespmem:s31+$0xFFFFFE80]  }
0x24e: {  	v35 =	vld [tilespmem:s31+$0xFFFFFE90]  }
0x24f: {  	v36 =	vld [tilespmem:s31+$0xFFFFFEA0]  }
0x250: {  	v37 =	vld [tilespmem:s31+$0xFFFFFEB0]  }
0x251: {  	v60 =	vld [tilespmem:s31+$0xFFFFFEC0]  }
0x252: {  	v61 =	vld [tilespmem:s31+$0xFFFFFED0]  }
0x253: {  	v38 =	vld [tilespmem:s31+$0xFFFFFF20]  }
0x254: {  	v39 =	vld [tilespmem:s31+$0xFFFFFF30]  }
0x255: {  	v40 =	vld [tilespmem:s31+$0xFFFFFFA0];
	v4 =	vadd.f32 v34, v4;
	v5 =	vadd.f32 v35, v5  }
0x256: {  	v53 =	vld [tilespmem:s31+$0xFFFFFFB0];
	v6 =	vadd.f32 v36, v6;
	v7 =	vadd.f32 v37, v7  }
0x257: {  	v29 =	vld [tilespmem:s31+$0x30];
	v8 =	vadd.f32 v60, v8;
	v9 =	vadd.f32 v61, v9  }
0x258: {  	v54 =	vld [tilespmem:s31+$0x40];
	v4 =	vadd.f32 v32, v4;
	v5 =	vadd.f32 v33, v5  }
0x259: {  	v55 =	vld [tilespmem:s31+$0x50];
	v6 =	vadd.f32 v38, v6;
	v7 =	vadd.f32 v39, v7  }
0x25a: {  	v56 =	vld [tilespmem:s31+$0xFFFFFFC0];
	v4 =	vadd.f32 v30, v4;
	v5 =	vadd.f32 v31, v5  }
0x25b: {  	v57 =	vld [tilespmem:s31+$0xFFFFFFD0];
	v6 =	vadd.f32 v40, v6;
	v7 =	vadd.f32 v53, v7  }
0x25c: {  	v58 =	vld [tilespmem:s31+$0xFFFFFF40];
	v4 =	vadd.f32 v26, v4;
	v5 =	vadd.f32 v27, v5  }
0x25d: {  	v62 =	vld [tilespmem:s31+$0xFFFFFEE0];
	v6 =	vadd.f32 v28, v6;
	v7 =	vadd.f32 v29, v7  }
0x25e: {  	v63 =	vld [tilespmem:s31+$0xFFFFFEF0];
	v4 =	vadd.f32 v20, v4;
	v5 =	vadd.f32 v21, v5  }
0x25f: {  	v59 =	vld [tilespmem:s31+$0xFFFFFF50];
	v6 =	vadd.f32 v22, v6;
	v7 =	vadd.f32 v23, v7  }
0x260: {  	v4 =	vadd.f32 v16, v4;
	v5 =	vadd.f32 v17, v5;
	v16 =	vld [tilespmem:s31+$0xFFFFFF60]  }
0x261: {  	v17 =	vadd.f32 v18, v6;
	v18 =	vadd.f32 v19, v7;
	v19 =	vld [tilespmem:s31+$0xFFFFFF70]  }
0x262: {  	v10 =	vadd.f32 v62, v10;
	v7 =	vadd.f32 v12, v4;
	v12 =	vld [tilespmem:s31+$0xFFFFFFE0]  }
0x263: {  	v11 =	vadd.f32 v63, v11;
	v6 =	vadd.f32 v13, v5;
	v13 =	vld [tilespmem:s31+$0xFFFFFFF0]  }
0x264: {  	v9 =	vadd.f32 v59, v9;
	v5 =	vadd.f32 v14, v17;
	v14 =	vld [tilespmem:s31+$0x60]  }
0x265: {  	v4 =	vadd.f32 v15, v18;
	v15 =	vadd.f32 v58, v8;
	v17 =	vld [tilespmem:s31+$0x70]  }
0x266: {  	v8 =	vld [tilespmem:s31+$0xE0];
	v10 =	vadd.f32 v16, v10;
	v16 =	vadd.f32 v19, v11  }
0x267: {  	v18 =	vadd.f32 v57, v9;
	v15 =	vadd.f32 v56, v15;
	v11 =	vld [tilespmem:s31+$0xF0]  }
0x268: {  	v9 =	vld [tilespmem:s31+$0x160];
	v10 =	vadd.f32 v12, v10;
	v13 =	vadd.f32 v13, v16  }
0x269: {  	v18 =	vadd.f32 v55, v18;
	v16 =	vadd.f32 v54, v15;
	v12 =	vld [tilespmem:s31+$0x170]  }
0x26a: {  	v15 =	vadd.f32 v14, v10;
	v14 =	vadd.f32 v17, v13;
	v10 =	vld [tilespmem:s31+$0x1E0]  }
0x26b: {  	s25 =	simm.s32 $0x0;
	s26 =	simm.s32 $0x8D80;
	v17 =	vadd.f32 v24, v16;
	v16 =	vadd.f32 v25, v18;
	v13 =	vld [tilespmem:s31+$0x1F0]  }
.LBB2_11:
0x26c: {  	v18 =	vld [tilespmem:s26+$0x180];
	v8 =	vadd.f32 v8, v15;
	v11 =	vadd.f32 v11, v14  }
0x26d: {  	v14 =	vld [tilespmem:s26+$0x190];
	v3 =	vadd.f32 v3, v17;
	v2 =	vadd.f32 v2, v16  }
0x26e: {  	v15 =	vld [tilespmem:s26+$0x1A0];
	v8 =	vadd.f32 v9, v8;
	v9 =	vadd.f32 v12, v11  }
0x26f: {  	v11 =	vld [tilespmem:s26+$0x1B0];
	v12 =	vadd.f32 v0, v3;
	v16 =	vadd.f32 v1, v2  }
0x270: {  	v0 =	vld [tilespmem:s26+$0x1C0];
	v8 =	vadd.f32 v10, v8;
	v9 =	vadd.f32 v13, v9  }
0x271: {  	v1 =	vld [tilespmem:s26+$0x1D0]  }
0x272: {  	v10 =	vld [tilespmem:s26+$0x100]  }
0x273: {  	v13 =	vld [tilespmem:s26+$0x110]  }
0x274: {  	v17 =	vld [tilespmem:s26+$0x120]  }
0x275: {  	v19 =	vld [tilespmem:s26+$0x130]  }
0x276: {  	v3 =	vld [tilespmem:s26+$0x140]  }
0x277: {  	v2 =	vld [tilespmem:s26+$0x150]  }
0x278: {  	v20 =	vld [tilespmem:s26+$0x80]  }
0x279: {  	v21 =	vld [tilespmem:s26+$0x90]  }
0x27a: {  	v22 =	vld [tilespmem:s26+$0xA0]  }
0x27b: {  	v23 =	vld [tilespmem:s26+$0xB0]  }
0x27c: {  	v24 =	vld [tilespmem:s26+$0xC0]  }
0x27d: {  	v25 =	vld [tilespmem:s26+$0xD0]  }
0x27e: {  	v26 =	vld [tilespmem:s26+$0x0]  }
0x27f: {  	v27 =	vld [tilespmem:s26+$0x10]  }
0x280: {  	v28 =	vld [tilespmem:s26+$0x20]  }
0x281: {  	v29 =	vld [tilespmem:s26+$0x30]  }
0x282: {  	v30 =	vld [tilespmem:s26+$0xFFFFFF80]  }
0x283: {  	v31 =	vld [tilespmem:s26+$0xFFFFFF90]  }
0x284: {  	v32 =	vld [tilespmem:s26+$0xFFFFFF00]  }
0x285: {  	v33 =	vld [tilespmem:s26+$0xFFFFFF10]  }
0x286: {  	v34 =	vld [tilespmem:s26+$0xFFFFFE80]  }
0x287: {  	v35 =	vld [tilespmem:s26+$0xFFFFFE90]  }
0x288: {  	v36 =	vld [tilespmem:s26+$0xFFFFFEA0]  }
0x289: {  	v37 =	vld [tilespmem:s26+$0xFFFFFEB0]  }
0x28a: {  	v38 =	vld [tilespmem:s26+$0xFFFFFF20]  }
0x28b: {  	v39 =	vld [tilespmem:s26+$0xFFFFFF30]  }
0x28c: {  	v40 =	vld [tilespmem:s26+$0xFFFFFFA0]  }
0x28d: {  	v7 =	vadd.f32 v34, v7;
	v6 =	vadd.f32 v35, v6;
	v34 =	vld [tilespmem:s26+$0xFFFFFFB0]  }
0x28e: {  	v5 =	vadd.f32 v36, v5;
	v4 =	vadd.f32 v37, v4;
	v35 =	vld [tilespmem:s26+$0x40]  }
0x28f: {  	v7 =	vadd.f32 v32, v7;
	v6 =	vadd.f32 v33, v6;
	v32 =	vld [tilespmem:s26+$0x50]  }
0x290: {  	v5 =	vadd.f32 v38, v5;
	v4 =	vadd.f32 v39, v4;
	v33 =	vld [tilespmem:s26+$0xFFFFFFC0]  }
0x291: {  	v7 =	vadd.f32 v30, v7;
	v6 =	vadd.f32 v31, v6;
	v30 =	vld [tilespmem:s26+$0xFFFFFFD0]  }
0x292: {  	v5 =	vadd.f32 v40, v5;
	v31 =	vld [tilespmem:s26+$0xFFFFFF40];
	v4 =	vadd.f32 v34, v4  }
0x293: {  	v7 =	vadd.f32 v26, v7;
	v6 =	vadd.f32 v27, v6;
	v34 =	vld [tilespmem:s26+$0xFFFFFF50]  }
0x294: {  	v5 =	vadd.f32 v28, v5;
	v26 =	vld [tilespmem:s26+$0xFFFFFEC0];
	v4 =	vadd.f32 v29, v4  }
0x295: {  	v7 =	vadd.f32 v20, v7;
	v6 =	vadd.f32 v21, v6;
	v27 =	vld [tilespmem:s26+$0xFFFFFED0]  }
0x296: {  	v5 =	vadd.f32 v22, v5;
	v20 =	vld [tilespmem:s26+$0xFFFFFEE0];
	v4 =	vadd.f32 v23, v4  }
0x297: {  	s25 =	sadd.s32 $0x7, s25;
	v7 =	vadd.f32 v10, v7;
	v6 =	vadd.f32 v13, v6;
	v21 =	vld [tilespmem:s26+$0xFFFFFEF0]  }
0x298: {  	p1 =	slt.u32 s25, $0x2A;
	v5 =	vadd.f32 v17, v5;
	v10 =	vld [tilespmem:s26+$0xFFFFFF60];
	v4 =	vadd.f32 v19, v4  }
0x299: {  	v7 =	vadd.f32 v18, v7;
	v6 =	vadd.f32 v14, v6;
	v13 =	vld [tilespmem:s26+$0xFFFFFF70]  }
0x29a: {  	v5 =	vadd.f32 v15, v5;
	v14 =	vld [tilespmem:s26+$0xFFFFFFE0];
	v4 =	vadd.f32 v11, v4  }
0x29b: {  	v11 =	vadd.f32 v26, v12;
	v12 =	vadd.f32 v27, v16;
	v15 =	vld [tilespmem:s26+$0xFFFFFFF0]  }
0x29c: {  	v8 =	vadd.f32 v20, v8;
	v9 =	vadd.f32 v21, v9;
	v16 =	vld [tilespmem:s26+$0x60]  }
0x29d: {  	v11 =	vadd.f32 v31, v11;
	v12 =	vadd.f32 v34, v12;
	v17 =	vld [tilespmem:s26+$0x70]  }
0x29e: {  	v10 =	vadd.f32 v10, v8;
	v9 =	vadd.f32 v13, v9;
	v8 =	vld [tilespmem:s26+$0xE0]  }
.Ltmp4:
0x29f: {  	v13 =	vadd.f32 v33, v11;
	v12 =	vadd.f32 v30, v12;
	v11 =	vld [tilespmem:s26+$0xF0];
	(pc) =	sbr.rel @p1 .LBB2_11-.Ltmp4, $4  }
0x2a0: {  	v10 =	vadd.f32 v14, v10;
	v14 =	vadd.f32 v15, v9;
	v9 =	vld [tilespmem:s26+$0x160]  }
0x2a1: {  	v13 =	vadd.f32 v35, v13;
	v18 =	vadd.f32 v32, v12;
	v12 =	vld [tilespmem:s26+$0x170]  }
0x2a2: {  	v15 =	vadd.f32 v16, v10;
	v14 =	vadd.f32 v17, v14;
	v10 =	vld [tilespmem:s26+$0x1E0]  }
0x2a3: {  	v17 =	vadd.f32 v24, v13;
	v16 =	vadd.f32 v25, v18;
	v13 =	vld [tilespmem:s26+$0x1F0];
	s26 =	sadd.s32 $0x380, s26  }
0x2a4: {  	_ = 	snop  }
0x2a5: {  	v8 =	vadd.f32 v8, v15;
	[tilespmem:s23+$0xF200] =	vst v7;
	v3 =	vadd.f32 v3, v17  }
0x2a6: {  	v7 =	vadd.f32 v11, v14;
	[tilespmem:s23+$0xF210] =	vst v6;
	v2 =	vadd.f32 v2, v16  }
0x2a7: {  	[tilespmem:s23+$0xF220] =	vst v5;
	v6 =	vadd.f32 v9, v8;
	v0 =	vadd.f32 v0, v3  }
0x2a8: {  	[tilespmem:s23+$0xF230] =	vst v4;
	v3 =	vadd.f32 v12, v7;
	v1 =	vadd.f32 v1, v2  }
0x2a9: {  	v2 =	vadd.f32 v10, v6;
	[tilespmem:s23+$0xF240] =	vst v0  }
0x2aa: {  	v0 =	vadd.f32 v13, v3;
	[tilespmem:s23+$0xF250] =	vst v1  }
0x2ab: {  	[tilespmem:s23+$0xF260] =	vst v2  }
0x2ac: {  	[tilespmem:s23+$0xF270] =	vst v0  }
0x2ad: {  	v4 =	vld [tilespmem:$0xA100]  }
0x2ae: {  	v5 =	vld [tilespmem:$0xA110]  }
0x2af: {  	v6 =	vld [tilespmem:$0xA120]  }
0x2b0: {  	v7 =	vld [tilespmem:$0xA130]  }
0x2b1: {  	v8 =	vld [tilespmem:$0xA140]  }
0x2b2: {  	v9 =	vld [tilespmem:$0xA150]  }
0x2b3: {  	v10 =	vld [tilespmem:$0xA160]  }
0x2b4: {  	s26 =	simm.s32 $0xA4F0;
	v11 =	vld [tilespmem:$0xA170]  }
0x2b5: {  	v12 =	vld [tilespmem:s26+$0xFFFFFF90]  }
0x2b6: {  	v13 =	vld [tilespmem:s26+$0xFFFFFFA0]  }
0x2b7: {  	v14 =	vld [tilespmem:s26+$0xFFFFFFB0]  }
0x2b8: {  	v15 =	vld [tilespmem:s26+$0xFFFFFFC0]  }
0x2b9: {  	v0 =	vld [tilespmem:s26+$0xFFFFFFD0]  }
0x2ba: {  	v1 =	vld [tilespmem:s26+$0xFFFFFFE0]  }
0x2bb: {  	v16 =	vld [tilespmem:s26+$0xFFFFFF10]  }
0x2bc: {  	v17 =	vld [tilespmem:s26+$0xFFFFFF20]  }
0x2bd: {  	v18 =	vld [tilespmem:s26+$0xFFFFFF30]  }
0x2be: {  	v19 =	vld [tilespmem:s26+$0xFFFFFF40]  }
0x2bf: {  	v3 =	vld [tilespmem:s26+$0xFFFFFF50]  }
0x2c0: {  	v2 =	vld [tilespmem:s26+$0xFFFFFF60]  }
0x2c1: {  	v20 =	vld [tilespmem:s26+$0xFFFFFE90]  }
0x2c2: {  	v21 =	vld [tilespmem:s26+$0xFFFFFEA0]  }
0x2c3: {  	v22 =	vld [tilespmem:s26+$0xFFFFFEB0]  }
0x2c4: {  	v23 =	vld [tilespmem:s26+$0xFFFFFEC0]  }
0x2c5: {  	v24 =	vld [tilespmem:s26+$0xFFFFFED0]  }
0x2c6: {  	v25 =	vld [tilespmem:s26+$0xFFFFFEE0]  }
0x2c7: {  	v26 =	vld [tilespmem:s26+$0xFFFFFE10]  }
0x2c8: {  	v27 =	vld [tilespmem:s26+$0xFFFFFE20]  }
0x2c9: {  	v28 =	vld [tilespmem:s26+$0xFFFFFE30]  }
0x2ca: {  	v30 =	vld [tilespmem:s26+$0xFFFFFD90]  }
0x2cb: {  	v31 =	vld [tilespmem:s26+$0xFFFFFDA0]  }
0x2cc: {  	v32 =	vld [tilespmem:s26+$0xFFFFFD10]  }
0x2cd: {  	v33 =	vld [tilespmem:s26+$0xFFFFFD20]  }
0x2ce: {  	v34 =	vld [tilespmem:s26+$0xFFFFFC90]  }
0x2cf: {  	v35 =	vld [tilespmem:s26+$0xFFFFFCA0]  }
0x2d0: {  	v36 =	vld [tilespmem:s26+$0xFFFFFCB0]  }
0x2d1: {  	v37 =	vld [tilespmem:s26+$0xFFFFFCC0]  }
0x2d2: {  	v60 =	vld [tilespmem:s26+$0xFFFFFCD0]  }
0x2d3: {  	v61 =	vld [tilespmem:s26+$0xFFFFFCE0]  }
0x2d4: {  	v38 =	vld [tilespmem:s26+$0xFFFFFD30]  }
0x2d5: {  	v39 =	vld [tilespmem:s26+$0xFFFFFD40]  }
0x2d6: {  	v40 =	vld [tilespmem:s26+$0xFFFFFDB0];
	v4 =	vadd.f32 v34, v4;
	v5 =	vadd.f32 v35, v5  }
0x2d7: {  	v53 =	vld [tilespmem:s26+$0xFFFFFDC0];
	v6 =	vadd.f32 v36, v6;
	v7 =	vadd.f32 v37, v7  }
0x2d8: {  	v29 =	vld [tilespmem:s26+$0xFFFFFE40];
	v8 =	vadd.f32 v60, v8;
	v9 =	vadd.f32 v61, v9  }
0x2d9: {  	v54 =	vld [tilespmem:s26+$0xFFFFFE50];
	v4 =	vadd.f32 v32, v4;
	v5 =	vadd.f32 v33, v5  }
0x2da: {  	v55 =	vld [tilespmem:s26+$0xFFFFFE60];
	v6 =	vadd.f32 v38, v6;
	v7 =	vadd.f32 v39, v7  }
0x2db: {  	v56 =	vld [tilespmem:s26+$0xFFFFFDD0];
	v4 =	vadd.f32 v30, v4;
	v5 =	vadd.f32 v31, v5  }
0x2dc: {  	v57 =	vld [tilespmem:s26+$0xFFFFFDE0];
	v6 =	vadd.f32 v40, v6;
	v7 =	vadd.f32 v53, v7  }
0x2dd: {  	v58 =	vld [tilespmem:s26+$0xFFFFFD50];
	v4 =	vadd.f32 v26, v4;
	v5 =	vadd.f32 v27, v5  }
0x2de: {  	v62 =	vld [tilespmem:s26+$0xFFFFFCF0];
	v6 =	vadd.f32 v28, v6;
	v7 =	vadd.f32 v29, v7  }
0x2df: {  	v63 =	vld [tilespmem:s26+$0xFFFFFD00];
	v4 =	vadd.f32 v20, v4;
	v5 =	vadd.f32 v21, v5  }
0x2e0: {  	v59 =	vld [tilespmem:s26+$0xFFFFFD60];
	v6 =	vadd.f32 v22, v6;
	v7 =	vadd.f32 v23, v7  }
0x2e1: {  	v4 =	vadd.f32 v16, v4;
	v5 =	vadd.f32 v17, v5;
	v16 =	vld [tilespmem:s26+$0xFFFFFD70]  }
0x2e2: {  	v17 =	vadd.f32 v18, v6;
	v18 =	vadd.f32 v19, v7;
	v19 =	vld [tilespmem:s26+$0xFFFFFD80]  }
0x2e3: {  	v10 =	vadd.f32 v62, v10;
	v7 =	vadd.f32 v12, v4;
	v12 =	vld [tilespmem:s26+$0xFFFFFDF0]  }
0x2e4: {  	v11 =	vadd.f32 v63, v11;
	v6 =	vadd.f32 v13, v5;
	v13 =	vld [tilespmem:s26+$0xFFFFFE00]  }
0x2e5: {  	v9 =	vadd.f32 v59, v9;
	v5 =	vadd.f32 v14, v17;
	v14 =	vld [tilespmem:s26+$0xFFFFFE70]  }
0x2e6: {  	v4 =	vadd.f32 v15, v18;
	v15 =	vadd.f32 v58, v8;
	v17 =	vld [tilespmem:s26+$0xFFFFFE80]  }
0x2e7: {  	v8 =	vld [tilespmem:s26+$0xFFFFFEF0];
	v10 =	vadd.f32 v16, v10;
	v16 =	vadd.f32 v19, v11  }
0x2e8: {  	v18 =	vadd.f32 v57, v9;
	v15 =	vadd.f32 v56, v15;
	v11 =	vld [tilespmem:s26+$0xFFFFFF00]  }
0x2e9: {  	v9 =	vld [tilespmem:s26+$0xFFFFFF70];
	v10 =	vadd.f32 v12, v10;
	v13 =	vadd.f32 v13, v16  }
0x2ea: {  	v18 =	vadd.f32 v55, v18;
	v16 =	vadd.f32 v54, v15;
	v12 =	vld [tilespmem:s26+$0xFFFFFF80]  }
0x2eb: {  	v15 =	vadd.f32 v14, v10;
	v14 =	vadd.f32 v17, v13;
	v10 =	vld [tilespmem:s26+$0xFFFFFFF0]  }
0x2ec: {  	s25 =	simm.s32 $0x0;
	v17 =	vadd.f32 v24, v16;
	v16 =	vadd.f32 v25, v18;
	v13 =	vld [tilespmem:s26+$0x0];
	s26 =	simm.s32 $0xA870  }
.LBB2_13:
0x2ed: {  	v18 =	vld [tilespmem:s26+$0xFFFFFF90];
	v8 =	vadd.f32 v8, v15;
	v11 =	vadd.f32 v11, v14  }
0x2ee: {  	v14 =	vld [tilespmem:s26+$0xFFFFFFA0];
	v3 =	vadd.f32 v3, v17;
	v2 =	vadd.f32 v2, v16  }
0x2ef: {  	v15 =	vld [tilespmem:s26+$0xFFFFFFB0];
	v8 =	vadd.f32 v9, v8;
	v9 =	vadd.f32 v12, v11  }
0x2f0: {  	v11 =	vld [tilespmem:s26+$0xFFFFFFC0];
	v12 =	vadd.f32 v0, v3;
	v16 =	vadd.f32 v1, v2  }
0x2f1: {  	v0 =	vld [tilespmem:s26+$0xFFFFFFD0];
	v8 =	vadd.f32 v10, v8;
	v9 =	vadd.f32 v13, v9  }
0x2f2: {  	v1 =	vld [tilespmem:s26+$0xFFFFFFE0]  }
0x2f3: {  	v10 =	vld [tilespmem:s26+$0xFFFFFF10]  }
0x2f4: {  	v13 =	vld [tilespmem:s26+$0xFFFFFF20]  }
0x2f5: {  	v17 =	vld [tilespmem:s26+$0xFFFFFF30]  }
0x2f6: {  	v19 =	vld [tilespmem:s26+$0xFFFFFF40]  }
0x2f7: {  	v3 =	vld [tilespmem:s26+$0xFFFFFF50]  }
0x2f8: {  	v2 =	vld [tilespmem:s26+$0xFFFFFF60]  }
0x2f9: {  	v20 =	vld [tilespmem:s26+$0xFFFFFE90]  }
0x2fa: {  	v21 =	vld [tilespmem:s26+$0xFFFFFEA0]  }
0x2fb: {  	v22 =	vld [tilespmem:s26+$0xFFFFFEB0]  }
0x2fc: {  	v23 =	vld [tilespmem:s26+$0xFFFFFEC0]  }
0x2fd: {  	v24 =	vld [tilespmem:s26+$0xFFFFFED0]  }
0x2fe: {  	v25 =	vld [tilespmem:s26+$0xFFFFFEE0]  }
0x2ff: {  	v26 =	vld [tilespmem:s26+$0xFFFFFE10]  }
0x300: {  	v27 =	vld [tilespmem:s26+$0xFFFFFE20]  }
0x301: {  	v28 =	vld [tilespmem:s26+$0xFFFFFE30]  }
0x302: {  	v29 =	vld [tilespmem:s26+$0xFFFFFE40]  }
0x303: {  	v30 =	vld [tilespmem:s26+$0xFFFFFD90]  }
0x304: {  	v31 =	vld [tilespmem:s26+$0xFFFFFDA0]  }
0x305: {  	v32 =	vld [tilespmem:s26+$0xFFFFFD10]  }
0x306: {  	v33 =	vld [tilespmem:s26+$0xFFFFFD20]  }
0x307: {  	v34 =	vld [tilespmem:s26+$0xFFFFFC90]  }
0x308: {  	v35 =	vld [tilespmem:s26+$0xFFFFFCA0]  }
0x309: {  	v36 =	vld [tilespmem:s26+$0xFFFFFCB0]  }
0x30a: {  	v37 =	vld [tilespmem:s26+$0xFFFFFCC0]  }
0x30b: {  	v38 =	vld [tilespmem:s26+$0xFFFFFD30]  }
0x30c: {  	v39 =	vld [tilespmem:s26+$0xFFFFFD40]  }
0x30d: {  	v40 =	vld [tilespmem:s26+$0xFFFFFDB0]  }
0x30e: {  	v7 =	vadd.f32 v34, v7;
	v6 =	vadd.f32 v35, v6;
	v34 =	vld [tilespmem:s26+$0xFFFFFDC0]  }
0x30f: {  	v5 =	vadd.f32 v36, v5;
	v4 =	vadd.f32 v37, v4;
	v35 =	vld [tilespmem:s26+$0xFFFFFE50]  }
0x310: {  	v7 =	vadd.f32 v32, v7;
	v6 =	vadd.f32 v33, v6;
	v32 =	vld [tilespmem:s26+$0xFFFFFE60]  }
0x311: {  	v5 =	vadd.f32 v38, v5;
	v4 =	vadd.f32 v39, v4;
	v33 =	vld [tilespmem:s26+$0xFFFFFDD0]  }
0x312: {  	v7 =	vadd.f32 v30, v7;
	v6 =	vadd.f32 v31, v6;
	v30 =	vld [tilespmem:s26+$0xFFFFFDE0]  }
0x313: {  	v5 =	vadd.f32 v40, v5;
	v31 =	vld [tilespmem:s26+$0xFFFFFD50];
	v4 =	vadd.f32 v34, v4  }
0x314: {  	v7 =	vadd.f32 v26, v7;
	v6 =	vadd.f32 v27, v6;
	v34 =	vld [tilespmem:s26+$0xFFFFFD60]  }
0x315: {  	v5 =	vadd.f32 v28, v5;
	v26 =	vld [tilespmem:s26+$0xFFFFFCD0];
	v4 =	vadd.f32 v29, v4  }
0x316: {  	v7 =	vadd.f32 v20, v7;
	v6 =	vadd.f32 v21, v6;
	v27 =	vld [tilespmem:s26+$0xFFFFFCE0]  }
0x317: {  	v5 =	vadd.f32 v22, v5;
	v20 =	vld [tilespmem:s26+$0xFFFFFCF0];
	v4 =	vadd.f32 v23, v4  }
0x318: {  	s25 =	sadd.s32 $0x7, s25;
	v7 =	vadd.f32 v10, v7;
	v6 =	vadd.f32 v13, v6;
	v21 =	vld [tilespmem:s26+$0xFFFFFD00]  }
0x319: {  	p1 =	slt.u32 s25, $0x2A;
	v5 =	vadd.f32 v17, v5;
	v10 =	vld [tilespmem:s26+$0xFFFFFD70];
	v4 =	vadd.f32 v19, v4  }
0x31a: {  	v7 =	vadd.f32 v18, v7;
	v6 =	vadd.f32 v14, v6;
	v13 =	vld [tilespmem:s26+$0xFFFFFD80]  }
0x31b: {  	v5 =	vadd.f32 v15, v5;
	v14 =	vld [tilespmem:s26+$0xFFFFFDF0];
	v4 =	vadd.f32 v11, v4  }
0x31c: {  	v11 =	vadd.f32 v26, v12;
	v12 =	vadd.f32 v27, v16;
	v15 =	vld [tilespmem:s26+$0xFFFFFE00]  }
0x31d: {  	v8 =	vadd.f32 v20, v8;
	v9 =	vadd.f32 v21, v9;
	v16 =	vld [tilespmem:s26+$0xFFFFFE70]  }
0x31e: {  	v11 =	vadd.f32 v31, v11;
	v12 =	vadd.f32 v34, v12;
	v17 =	vld [tilespmem:s26+$0xFFFFFE80]  }
0x31f: {  	v10 =	vadd.f32 v10, v8;
	v9 =	vadd.f32 v13, v9;
	v8 =	vld [tilespmem:s26+$0xFFFFFEF0]  }
.Ltmp5:
0x320: {  	v13 =	vadd.f32 v33, v11;
	v12 =	vadd.f32 v30, v12;
	v11 =	vld [tilespmem:s26+$0xFFFFFF00];
	(pc) =	sbr.rel @p1 .LBB2_13-.Ltmp5, $4  }
0x321: {  	v10 =	vadd.f32 v14, v10;
	v14 =	vadd.f32 v15, v9;
	v9 =	vld [tilespmem:s26+$0xFFFFFF70]  }
0x322: {  	v13 =	vadd.f32 v35, v13;
	v18 =	vadd.f32 v32, v12;
	v12 =	vld [tilespmem:s26+$0xFFFFFF80]  }
0x323: {  	v15 =	vadd.f32 v16, v10;
	v14 =	vadd.f32 v17, v14;
	v10 =	vld [tilespmem:s26+$0xFFFFFFF0]  }
0x324: {  	v17 =	vadd.f32 v24, v13;
	v16 =	vadd.f32 v25, v18;
	v13 =	vld [tilespmem:s26+$0x0];
	s26 =	sadd.s32 $0x380, s26  }
0x325: {  	_ = 	snop  }
0x326: {  	v8 =	vadd.f32 v8, v15;
	[tilespmem:s23+$0xF280] =	vst v7;
	v3 =	vadd.f32 v3, v17  }
0x327: {  	v7 =	vadd.f32 v11, v14;
	[tilespmem:s23+$0xF290] =	vst v6;
	v2 =	vadd.f32 v2, v16  }
0x328: {  	[tilespmem:s23+$0xF2A0] =	vst v5;
	v6 =	vadd.f32 v9, v8;
	v0 =	vadd.f32 v0, v3  }
0x329: {  	[tilespmem:s23+$0xF2B0] =	vst v4;
	v3 =	vadd.f32 v12, v7;
	v1 =	vadd.f32 v1, v2  }
0x32a: {  	v2 =	vadd.f32 v10, v6;
	[tilespmem:s23+$0xF2C0] =	vst v0  }
0x32b: {  	v0 =	vadd.f32 v13, v3;
	[tilespmem:s23+$0xF2D0] =	vst v1  }
0x32c: {  	[tilespmem:s23+$0xF2E0] =	vst v2  }
0x32d: {  	s25 =	simm.s32 @!p0 $0x8800;
	[tilespmem:s23+$0xF2F0] =	vst v0;
	s23 =	sadd.s32 @!p0 $0x300, s24;
	s24 =	simm.s32 @!p0 $0x64  }
0x32e: {  	[tilespmem:s25], [sflag:$0x3] =	stream.indirect.gather @!p0 [hbm4b:s2+s24], $0x80, s23, s24, $0xb8;
	[tilespmem:$0x13000] =	vst v63  }
0x32f: {  	_ =	swait.ge [sflag:s18], $0x3200  }
0x330: {  	[sflag:s18] =	ssyncset.done $0x0  }
0x331: {  	[sflag:s18] =	ssyncadd.s32 $0xFFFFCE00  }
0x332: {  	v4 =	vld [tilespmem:$0xBC00]  }
0x333: {  	v5 =	vld [tilespmem:$0xBC10]  }
0x334: {  	v6 =	vld [tilespmem:$0xBC20]  }
0x335: {  	v7 =	vld [tilespmem:$0xBC30]  }
0x336: {  	v8 =	vld [tilespmem:$0xBC40]  }
0x337: {  	v9 =	vld [tilespmem:$0xBC50]  }
0x338: {  	v10 =	vld [tilespmem:$0xBC60]  }
0x339: {  	s31 =	simm.s32 $0xBE00;
	v11 =	vld [tilespmem:$0xBC70]  }
0x33a: {  	v12 =	vld [tilespmem:s31+$0x180]  }
0x33b: {  	v13 =	vld [tilespmem:s31+$0x190]  }
0x33c: {  	v14 =	vld [tilespmem:s31+$0x1A0]  }
0x33d: {  	v15 =	vld [tilespmem:s31+$0x1B0]  }
0x33e: {  	v0 =	vld [tilespmem:s31+$0x1C0]  }
0x33f: {  	v1 =	vld [tilespmem:s31+$0x1D0]  }
0x340: {  	v16 =	vld [tilespmem:s31+$0x100]  }
0x341: {  	v17 =	vld [tilespmem:s31+$0x110]  }
0x342: {  	v18 =	vld [tilespmem:s31+$0x120]  }
0x343: {  	v19 =	vld [tilespmem:s31+$0x130]  }
0x344: {  	v3 =	vld [tilespmem:s31+$0x140]  }
0x345: {  	v2 =	vld [tilespmem:s31+$0x150]  }
0x346: {  	v20 =	vld [tilespmem:s31+$0x80]  }
0x347: {  	v21 =	vld [tilespmem:s31+$0x90]  }
0x348: {  	v22 =	vld [tilespmem:s31+$0xA0]  }
0x349: {  	v23 =	vld [tilespmem:s31+$0xB0]  }
0x34a: {  	v24 =	vld [tilespmem:s31+$0xC0]  }
0x34b: {  	v25 =	vld [tilespmem:s31+$0xD0]  }
0x34c: {  	v26 =	vld [tilespmem:s31+$0x0]  }
0x34d: {  	v27 =	vld [tilespmem:s31+$0x10]  }
0x34e: {  	v28 =	vld [tilespmem:s31+$0x20]  }
0x34f: {  	v30 =	vld [tilespmem:s31+$0xFFFFFF80]  }
0x350: {  	v31 =	vld [tilespmem:s31+$0xFFFFFF90]  }
0x351: {  	v32 =	vld [tilespmem:s31+$0xFFFFFF00]  }
0x352: {  	v33 =	vld [tilespmem:s31+$0xFFFFFF10]  }
0x353: {  	v34 =	vld [tilespmem:s31+$0xFFFFFE80]  }
0x354: {  	v35 =	vld [tilespmem:s31+$0xFFFFFE90]  }
0x355: {  	v36 =	vld [tilespmem:s31+$0xFFFFFEA0]  }
0x356: {  	v37 =	vld [tilespmem:s31+$0xFFFFFEB0]  }
0x357: {  	v60 =	vld [tilespmem:s31+$0xFFFFFEC0]  }
0x358: {  	v61 =	vld [tilespmem:s31+$0xFFFFFED0]  }
0x359: {  	v38 =	vld [tilespmem:s31+$0xFFFFFF20]  }
0x35a: {  	v39 =	vld [tilespmem:s31+$0xFFFFFF30]  }
0x35b: {  	v40 =	vld [tilespmem:s31+$0xFFFFFFA0];
	v4 =	vadd.f32 v34, v4;
	v5 =	vadd.f32 v35, v5  }
0x35c: {  	v53 =	vld [tilespmem:s31+$0xFFFFFFB0];
	v6 =	vadd.f32 v36, v6;
	v7 =	vadd.f32 v37, v7  }
0x35d: {  	v29 =	vld [tilespmem:s31+$0x30];
	v8 =	vadd.f32 v60, v8;
	v9 =	vadd.f32 v61, v9  }
0x35e: {  	v54 =	vld [tilespmem:s31+$0x40];
	v4 =	vadd.f32 v32, v4;
	v5 =	vadd.f32 v33, v5  }
0x35f: {  	v55 =	vld [tilespmem:s31+$0x50];
	v6 =	vadd.f32 v38, v6;
	v7 =	vadd.f32 v39, v7  }
0x360: {  	v56 =	vld [tilespmem:s31+$0xFFFFFFC0];
	v4 =	vadd.f32 v30, v4;
	v5 =	vadd.f32 v31, v5  }
0x361: {  	v57 =	vld [tilespmem:s31+$0xFFFFFFD0];
	v6 =	vadd.f32 v40, v6;
	v7 =	vadd.f32 v53, v7  }
0x362: {  	v58 =	vld [tilespmem:s31+$0xFFFFFF40];
	v4 =	vadd.f32 v26, v4;
	v5 =	vadd.f32 v27, v5  }
0x363: {  	v62 =	vld [tilespmem:s31+$0xFFFFFEE0];
	v6 =	vadd.f32 v28, v6;
	v7 =	vadd.f32 v29, v7  }
0x364: {  	v63 =	vld [tilespmem:s31+$0xFFFFFEF0];
	v4 =	vadd.f32 v20, v4;
	v5 =	vadd.f32 v21, v5  }
0x365: {  	v59 =	vld [tilespmem:s31+$0xFFFFFF50];
	v6 =	vadd.f32 v22, v6;
	v7 =	vadd.f32 v23, v7  }
0x366: {  	v4 =	vadd.f32 v16, v4;
	v5 =	vadd.f32 v17, v5;
	v16 =	vld [tilespmem:s31+$0xFFFFFF60]  }
0x367: {  	v17 =	vadd.f32 v18, v6;
	v18 =	vadd.f32 v19, v7;
	v19 =	vld [tilespmem:s31+$0xFFFFFF70]  }
0x368: {  	v10 =	vadd.f32 v62, v10;
	v7 =	vadd.f32 v12, v4;
	v12 =	vld [tilespmem:s31+$0xFFFFFFE0]  }
0x369: {  	v11 =	vadd.f32 v63, v11;
	v6 =	vadd.f32 v13, v5;
	v13 =	vld [tilespmem:s31+$0xFFFFFFF0]  }
0x36a: {  	v9 =	vadd.f32 v59, v9;
	v5 =	vadd.f32 v14, v17;
	v14 =	vld [tilespmem:s31+$0x60]  }
0x36b: {  	v4 =	vadd.f32 v15, v18;
	v15 =	vadd.f32 v58, v8;
	v17 =	vld [tilespmem:s31+$0x70]  }
0x36c: {  	v8 =	vld [tilespmem:s31+$0xE0];
	v10 =	vadd.f32 v16, v10;
	v16 =	vadd.f32 v19, v11  }
0x36d: {  	v18 =	vadd.f32 v57, v9;
	v15 =	vadd.f32 v56, v15;
	v11 =	vld [tilespmem:s31+$0xF0]  }
0x36e: {  	v9 =	vld [tilespmem:s31+$0x160];
	v10 =	vadd.f32 v12, v10;
	v13 =	vadd.f32 v13, v16  }
0x36f: {  	v18 =	vadd.f32 v55, v18;
	v16 =	vadd.f32 v54, v15;
	v12 =	vld [tilespmem:s31+$0x170]  }
0x370: {  	v15 =	vadd.f32 v14, v10;
	v14 =	vadd.f32 v17, v13;
	v10 =	vld [tilespmem:s31+$0x1E0]  }
0x371: {  	s23 =	simm.s32 $0x0;
	s24 =	simm.s32 $0xC180;
	v17 =	vadd.f32 v24, v16;
	v16 =	vadd.f32 v25, v18;
	v13 =	vld [tilespmem:s31+$0x1F0]  }
.LBB2_15:
0x372: {  	v18 =	vld [tilespmem:s24+$0x180];
	v8 =	vadd.f32 v8, v15;
	v11 =	vadd.f32 v11, v14  }
0x373: {  	v14 =	vld [tilespmem:s24+$0x190];
	v3 =	vadd.f32 v3, v17;
	v2 =	vadd.f32 v2, v16  }
0x374: {  	v15 =	vld [tilespmem:s24+$0x1A0];
	v8 =	vadd.f32 v9, v8;
	v9 =	vadd.f32 v12, v11  }
0x375: {  	v11 =	vld [tilespmem:s24+$0x1B0];
	v12 =	vadd.f32 v0, v3;
	v16 =	vadd.f32 v1, v2  }
0x376: {  	v0 =	vld [tilespmem:s24+$0x1C0];
	v8 =	vadd.f32 v10, v8;
	v9 =	vadd.f32 v13, v9  }
0x377: {  	v1 =	vld [tilespmem:s24+$0x1D0]  }
0x378: {  	v10 =	vld [tilespmem:s24+$0x100]  }
0x379: {  	v13 =	vld [tilespmem:s24+$0x110]  }
0x37a: {  	v17 =	vld [tilespmem:s24+$0x120]  }
0x37b: {  	v19 =	vld [tilespmem:s24+$0x130]  }
0x37c: {  	v3 =	vld [tilespmem:s24+$0x140]  }
0x37d: {  	v2 =	vld [tilespmem:s24+$0x150]  }
0x37e: {  	v20 =	vld [tilespmem:s24+$0x80]  }
0x37f: {  	v21 =	vld [tilespmem:s24+$0x90]  }
0x380: {  	v22 =	vld [tilespmem:s24+$0xA0]  }
0x381: {  	v23 =	vld [tilespmem:s24+$0xB0]  }
0x382: {  	v24 =	vld [tilespmem:s24+$0xC0]  }
0x383: {  	v25 =	vld [tilespmem:s24+$0xD0]  }
0x384: {  	v26 =	vld [tilespmem:s24+$0x0]  }
0x385: {  	v27 =	vld [tilespmem:s24+$0x10]  }
0x386: {  	v28 =	vld [tilespmem:s24+$0x20]  }
0x387: {  	v29 =	vld [tilespmem:s24+$0x30]  }
0x388: {  	v30 =	vld [tilespmem:s24+$0xFFFFFF80]  }
0x389: {  	v31 =	vld [tilespmem:s24+$0xFFFFFF90]  }
0x38a: {  	v32 =	vld [tilespmem:s24+$0xFFFFFF00]  }
0x38b: {  	v33 =	vld [tilespmem:s24+$0xFFFFFF10]  }
0x38c: {  	v34 =	vld [tilespmem:s24+$0xFFFFFE80]  }
0x38d: {  	v35 =	vld [tilespmem:s24+$0xFFFFFE90]  }
0x38e: {  	v36 =	vld [tilespmem:s24+$0xFFFFFEA0]  }
0x38f: {  	v37 =	vld [tilespmem:s24+$0xFFFFFEB0]  }
0x390: {  	v38 =	vld [tilespmem:s24+$0xFFFFFF20]  }
0x391: {  	v39 =	vld [tilespmem:s24+$0xFFFFFF30]  }
0x392: {  	v40 =	vld [tilespmem:s24+$0xFFFFFFA0]  }
0x393: {  	v7 =	vadd.f32 v34, v7;
	v6 =	vadd.f32 v35, v6;
	v34 =	vld [tilespmem:s24+$0xFFFFFFB0]  }
0x394: {  	v5 =	vadd.f32 v36, v5;
	v4 =	vadd.f32 v37, v4;
	v35 =	vld [tilespmem:s24+$0x40]  }
0x395: {  	v7 =	vadd.f32 v32, v7;
	v6 =	vadd.f32 v33, v6;
	v32 =	vld [tilespmem:s24+$0x50]  }
0x396: {  	v5 =	vadd.f32 v38, v5;
	v4 =	vadd.f32 v39, v4;
	v33 =	vld [tilespmem:s24+$0xFFFFFFC0]  }
0x397: {  	v7 =	vadd.f32 v30, v7;
	v6 =	vadd.f32 v31, v6;
	v30 =	vld [tilespmem:s24+$0xFFFFFFD0]  }
0x398: {  	v5 =	vadd.f32 v40, v5;
	v31 =	vld [tilespmem:s24+$0xFFFFFF40];
	v4 =	vadd.f32 v34, v4  }
0x399: {  	v7 =	vadd.f32 v26, v7;
	v6 =	vadd.f32 v27, v6;
	v34 =	vld [tilespmem:s24+$0xFFFFFF50]  }
0x39a: {  	v5 =	vadd.f32 v28, v5;
	v26 =	vld [tilespmem:s24+$0xFFFFFEC0];
	v4 =	vadd.f32 v29, v4  }
0x39b: {  	v7 =	vadd.f32 v20, v7;
	v6 =	vadd.f32 v21, v6;
	v27 =	vld [tilespmem:s24+$0xFFFFFED0]  }
0x39c: {  	v5 =	vadd.f32 v22, v5;
	v20 =	vld [tilespmem:s24+$0xFFFFFEE0];
	v4 =	vadd.f32 v23, v4  }
0x39d: {  	s23 =	sadd.s32 $0x7, s23;
	v7 =	vadd.f32 v10, v7;
	v6 =	vadd.f32 v13, v6;
	v21 =	vld [tilespmem:s24+$0xFFFFFEF0]  }
0x39e: {  	p0 =	slt.u32 s23, $0x2A;
	v5 =	vadd.f32 v17, v5;
	v10 =	vld [tilespmem:s24+$0xFFFFFF60];
	v4 =	vadd.f32 v19, v4  }
0x39f: {  	v7 =	vadd.f32 v18, v7;
	v6 =	vadd.f32 v14, v6;
	v13 =	vld [tilespmem:s24+$0xFFFFFF70]  }
0x3a0: {  	v5 =	vadd.f32 v15, v5;
	v14 =	vld [tilespmem:s24+$0xFFFFFFE0];
	v4 =	vadd.f32 v11, v4  }
0x3a1: {  	v11 =	vadd.f32 v26, v12;
	v12 =	vadd.f32 v27, v16;
	v15 =	vld [tilespmem:s24+$0xFFFFFFF0]  }
0x3a2: {  	v8 =	vadd.f32 v20, v8;
	v9 =	vadd.f32 v21, v9;
	v16 =	vld [tilespmem:s24+$0x60]  }
0x3a3: {  	v11 =	vadd.f32 v31, v11;
	v12 =	vadd.f32 v34, v12;
	v17 =	vld [tilespmem:s24+$0x70]  }
0x3a4: {  	v10 =	vadd.f32 v10, v8;
	v9 =	vadd.f32 v13, v9;
	v8 =	vld [tilespmem:s24+$0xE0]  }
.Ltmp6:
0x3a5: {  	v13 =	vadd.f32 v33, v11;
	v12 =	vadd.f32 v30, v12;
	v11 =	vld [tilespmem:s24+$0xF0];
	(pc) =	sbr.rel @p0 .LBB2_15-.Ltmp6, $4  }
0x3a6: {  	v10 =	vadd.f32 v14, v10;
	v14 =	vadd.f32 v15, v9;
	v9 =	vld [tilespmem:s24+$0x160]  }
0x3a7: {  	v13 =	vadd.f32 v35, v13;
	v18 =	vadd.f32 v32, v12;
	v12 =	vld [tilespmem:s24+$0x170]  }
0x3a8: {  	v15 =	vadd.f32 v16, v10;
	v14 =	vadd.f32 v17, v14;
	v10 =	vld [tilespmem:s24+$0x1E0]  }
0x3a9: {  	v17 =	vadd.f32 v24, v13;
	v16 =	vadd.f32 v25, v18;
	v13 =	vld [tilespmem:s24+$0x1F0];
	s24 =	sadd.s32 $0x380, s24  }
0x3aa: {  	s22 =	sshll.u32 s22, $0x8  }
0x3ab: {  	s22 =	sand.u32 $0x3FFFFF00, s22  }
0x3ac: {  	v8 =	vadd.f32 v8, v15;
	v3 =	vadd.f32 v3, v17;
	[tilespmem:s22+$0xF000] =	vst v7  }
0x3ad: {  	v2 =	vadd.f32 v2, v16;
	v7 =	vadd.f32 v11, v14;
	[tilespmem:s22+$0xF010] =	vst v6  }
0x3ae: {  	v6 =	vadd.f32 v9, v8;
	[tilespmem:s22+$0xF020] =	vst v5;
	v0 =	vadd.f32 v0, v3  }
0x3af: {  	[tilespmem:s22+$0xF030] =	vst v4;
	v1 =	vadd.f32 v1, v2;
	v3 =	vadd.f32 v12, v7  }
0x3b0: {  	v2 =	vadd.f32 v10, v6;
	[tilespmem:s22+$0xF040] =	vst v0  }
0x3b1: {  	[tilespmem:s22+$0xF050] =	vst v1;
	v0 =	vadd.f32 v13, v3  }
0x3b2: {  	[tilespmem:s22+$0xF060] =	vst v2  }
0x3b3: {  	[tilespmem:s22+$0xF070] =	vst v0  }
0x3b4: {  	v4 =	vld [tilespmem:$0xD500]  }
0x3b5: {  	v5 =	vld [tilespmem:$0xD510]  }
0x3b6: {  	v6 =	vld [tilespmem:$0xD520]  }
0x3b7: {  	v7 =	vld [tilespmem:$0xD530]  }
0x3b8: {  	v8 =	vld [tilespmem:$0xD540]  }
0x3b9: {  	v9 =	vld [tilespmem:$0xD550]  }
0x3ba: {  	v10 =	vld [tilespmem:$0xD560]  }
0x3bb: {  	s24 =	simm.s32 $0xD8F0;
	v11 =	vld [tilespmem:$0xD570]  }
0x3bc: {  	v12 =	vld [tilespmem:s24+$0xFFFFFF90]  }
0x3bd: {  	v13 =	vld [tilespmem:s24+$0xFFFFFFA0]  }
0x3be: {  	v14 =	vld [tilespmem:s24+$0xFFFFFFB0]  }
0x3bf: {  	v15 =	vld [tilespmem:s24+$0xFFFFFFC0]  }
0x3c0: {  	v0 =	vld [tilespmem:s24+$0xFFFFFFD0]  }
0x3c1: {  	v1 =	vld [tilespmem:s24+$0xFFFFFFE0]  }
0x3c2: {  	v16 =	vld [tilespmem:s24+$0xFFFFFF10]  }
0x3c3: {  	v17 =	vld [tilespmem:s24+$0xFFFFFF20]  }
0x3c4: {  	v18 =	vld [tilespmem:s24+$0xFFFFFF30]  }
0x3c5: {  	v19 =	vld [tilespmem:s24+$0xFFFFFF40]  }
0x3c6: {  	v3 =	vld [tilespmem:s24+$0xFFFFFF50]  }
0x3c7: {  	v2 =	vld [tilespmem:s24+$0xFFFFFF60]  }
0x3c8: {  	v20 =	vld [tilespmem:s24+$0xFFFFFE90]  }
0x3c9: {  	v21 =	vld [tilespmem:s24+$0xFFFFFEA0]  }
0x3ca: {  	v22 =	vld [tilespmem:s24+$0xFFFFFEB0]  }
0x3cb: {  	v23 =	vld [tilespmem:s24+$0xFFFFFEC0]  }
0x3cc: {  	v24 =	vld [tilespmem:s24+$0xFFFFFED0]  }
0x3cd: {  	v25 =	vld [tilespmem:s24+$0xFFFFFEE0]  }
0x3ce: {  	v26 =	vld [tilespmem:s24+$0xFFFFFE10]  }
0x3cf: {  	v27 =	vld [tilespmem:s24+$0xFFFFFE20]  }
0x3d0: {  	v28 =	vld [tilespmem:s24+$0xFFFFFE30]  }
0x3d1: {  	v30 =	vld [tilespmem:s24+$0xFFFFFD90]  }
0x3d2: {  	v31 =	vld [tilespmem:s24+$0xFFFFFDA0]  }
0x3d3: {  	v32 =	vld [tilespmem:s24+$0xFFFFFD10]  }
0x3d4: {  	v33 =	vld [tilespmem:s24+$0xFFFFFD20]  }
0x3d5: {  	v34 =	vld [tilespmem:s24+$0xFFFFFC90]  }
0x3d6: {  	v35 =	vld [tilespmem:s24+$0xFFFFFCA0]  }
0x3d7: {  	v36 =	vld [tilespmem:s24+$0xFFFFFCB0]  }
0x3d8: {  	v37 =	vld [tilespmem:s24+$0xFFFFFCC0]  }
0x3d9: {  	v60 =	vld [tilespmem:s24+$0xFFFFFCD0]  }
0x3da: {  	v61 =	vld [tilespmem:s24+$0xFFFFFCE0]  }
0x3db: {  	v38 =	vld [tilespmem:s24+$0xFFFFFD30]  }
0x3dc: {  	v39 =	vld [tilespmem:s24+$0xFFFFFD40]  }
0x3dd: {  	v40 =	vld [tilespmem:s24+$0xFFFFFDB0];
	v4 =	vadd.f32 v34, v4;
	v5 =	vadd.f32 v35, v5  }
0x3de: {  	v53 =	vld [tilespmem:s24+$0xFFFFFDC0];
	v6 =	vadd.f32 v36, v6;
	v7 =	vadd.f32 v37, v7  }
0x3df: {  	v29 =	vld [tilespmem:s24+$0xFFFFFE40];
	v8 =	vadd.f32 v60, v8;
	v9 =	vadd.f32 v61, v9  }
0x3e0: {  	v54 =	vld [tilespmem:s24+$0xFFFFFE50];
	v4 =	vadd.f32 v32, v4;
	v5 =	vadd.f32 v33, v5  }
0x3e1: {  	v55 =	vld [tilespmem:s24+$0xFFFFFE60];
	v6 =	vadd.f32 v38, v6;
	v7 =	vadd.f32 v39, v7  }
0x3e2: {  	v56 =	vld [tilespmem:s24+$0xFFFFFDD0];
	v4 =	vadd.f32 v30, v4;
	v5 =	vadd.f32 v31, v5  }
0x3e3: {  	v57 =	vld [tilespmem:s24+$0xFFFFFDE0];
	v6 =	vadd.f32 v40, v6;
	v7 =	vadd.f32 v53, v7  }
0x3e4: {  	v58 =	vld [tilespmem:s24+$0xFFFFFD50];
	v4 =	vadd.f32 v26, v4;
	v5 =	vadd.f32 v27, v5  }
0x3e5: {  	v62 =	vld [tilespmem:s24+$0xFFFFFCF0];
	v6 =	vadd.f32 v28, v6;
	v7 =	vadd.f32 v29, v7  }
0x3e6: {  	v63 =	vld [tilespmem:s24+$0xFFFFFD00];
	v4 =	vadd.f32 v20, v4;
	v5 =	vadd.f32 v21, v5  }
0x3e7: {  	v59 =	vld [tilespmem:s24+$0xFFFFFD60];
	v6 =	vadd.f32 v22, v6;
	v7 =	vadd.f32 v23, v7  }
0x3e8: {  	v4 =	vadd.f32 v16, v4;
	v5 =	vadd.f32 v17, v5;
	v16 =	vld [tilespmem:s24+$0xFFFFFD70]  }
0x3e9: {  	v17 =	vadd.f32 v18, v6;
	v18 =	vadd.f32 v19, v7;
	v19 =	vld [tilespmem:s24+$0xFFFFFD80]  }
0x3ea: {  	v10 =	vadd.f32 v62, v10;
	v7 =	vadd.f32 v12, v4;
	v12 =	vld [tilespmem:s24+$0xFFFFFDF0]  }
0x3eb: {  	v11 =	vadd.f32 v63, v11;
	v6 =	vadd.f32 v13, v5;
	v13 =	vld [tilespmem:s24+$0xFFFFFE00]  }
0x3ec: {  	v9 =	vadd.f32 v59, v9;
	v5 =	vadd.f32 v14, v17;
	v14 =	vld [tilespmem:s24+$0xFFFFFE70]  }
0x3ed: {  	v4 =	vadd.f32 v15, v18;
	v15 =	vadd.f32 v58, v8;
	v17 =	vld [tilespmem:s24+$0xFFFFFE80]  }
0x3ee: {  	v8 =	vld [tilespmem:s24+$0xFFFFFEF0];
	v10 =	vadd.f32 v16, v10;
	v16 =	vadd.f32 v19, v11  }
0x3ef: {  	v18 =	vadd.f32 v57, v9;
	v15 =	vadd.f32 v56, v15;
	v11 =	vld [tilespmem:s24+$0xFFFFFF00]  }
0x3f0: {  	v9 =	vld [tilespmem:s24+$0xFFFFFF70];
	v10 =	vadd.f32 v12, v10;
	v13 =	vadd.f32 v13, v16  }
0x3f1: {  	v18 =	vadd.f32 v55, v18;
	v16 =	vadd.f32 v54, v15;
	v12 =	vld [tilespmem:s24+$0xFFFFFF80]  }
0x3f2: {  	v15 =	vadd.f32 v14, v10;
	v14 =	vadd.f32 v17, v13;
	v10 =	vld [tilespmem:s24+$0xFFFFFFF0]  }
0x3f3: {  	s23 =	simm.s32 $0x0;
	v17 =	vadd.f32 v24, v16;
	v16 =	vadd.f32 v25, v18;
	v13 =	vld [tilespmem:s24+$0x0];
	s24 =	simm.s32 $0xDC70  }
.LBB2_17:
0x3f4: {  	v18 =	vld [tilespmem:s24+$0xFFFFFF90];
	v8 =	vadd.f32 v8, v15;
	v11 =	vadd.f32 v11, v14  }
0x3f5: {  	v14 =	vld [tilespmem:s24+$0xFFFFFFA0];
	v3 =	vadd.f32 v3, v17;
	v2 =	vadd.f32 v2, v16  }
0x3f6: {  	v15 =	vld [tilespmem:s24+$0xFFFFFFB0];
	v8 =	vadd.f32 v9, v8;
	v9 =	vadd.f32 v12, v11  }
0x3f7: {  	v11 =	vld [tilespmem:s24+$0xFFFFFFC0];
	v12 =	vadd.f32 v0, v3;
	v16 =	vadd.f32 v1, v2  }
0x3f8: {  	v0 =	vld [tilespmem:s24+$0xFFFFFFD0];
	v8 =	vadd.f32 v10, v8;
	v9 =	vadd.f32 v13, v9  }
0x3f9: {  	v1 =	vld [tilespmem:s24+$0xFFFFFFE0]  }
0x3fa: {  	v10 =	vld [tilespmem:s24+$0xFFFFFF10]  }
0x3fb: {  	v13 =	vld [tilespmem:s24+$0xFFFFFF20]  }
0x3fc: {  	v17 =	vld [tilespmem:s24+$0xFFFFFF30]  }
0x3fd: {  	v19 =	vld [tilespmem:s24+$0xFFFFFF40]  }
0x3fe: {  	v3 =	vld [tilespmem:s24+$0xFFFFFF50]  }
0x3ff: {  	v2 =	vld [tilespmem:s24+$0xFFFFFF60]  }
0x400: {  	v20 =	vld [tilespmem:s24+$0xFFFFFE90]  }
0x401: {  	v21 =	vld [tilespmem:s24+$0xFFFFFEA0]  }
0x402: {  	v22 =	vld [tilespmem:s24+$0xFFFFFEB0]  }
0x403: {  	v23 =	vld [tilespmem:s24+$0xFFFFFEC0]  }
0x404: {  	v24 =	vld [tilespmem:s24+$0xFFFFFED0]  }
0x405: {  	v25 =	vld [tilespmem:s24+$0xFFFFFEE0]  }
0x406: {  	v26 =	vld [tilespmem:s24+$0xFFFFFE10]  }
0x407: {  	v27 =	vld [tilespmem:s24+$0xFFFFFE20]  }
0x408: {  	v28 =	vld [tilespmem:s24+$0xFFFFFE30]  }
0x409: {  	v29 =	vld [tilespmem:s24+$0xFFFFFE40]  }
0x40a: {  	v30 =	vld [tilespmem:s24+$0xFFFFFD90]  }
0x40b: {  	v31 =	vld [tilespmem:s24+$0xFFFFFDA0]  }
0x40c: {  	v32 =	vld [tilespmem:s24+$0xFFFFFD10]  }
0x40d: {  	v33 =	vld [tilespmem:s24+$0xFFFFFD20]  }
0x40e: {  	v34 =	vld [tilespmem:s24+$0xFFFFFC90]  }
0x40f: {  	v35 =	vld [tilespmem:s24+$0xFFFFFCA0]  }
0x410: {  	v36 =	vld [tilespmem:s24+$0xFFFFFCB0]  }
0x411: {  	v37 =	vld [tilespmem:s24+$0xFFFFFCC0]  }
0x412: {  	v38 =	vld [tilespmem:s24+$0xFFFFFD30]  }
0x413: {  	v39 =	vld [tilespmem:s24+$0xFFFFFD40]  }
0x414: {  	v40 =	vld [tilespmem:s24+$0xFFFFFDB0]  }
0x415: {  	v7 =	vadd.f32 v34, v7;
	v6 =	vadd.f32 v35, v6;
	v34 =	vld [tilespmem:s24+$0xFFFFFDC0]  }
0x416: {  	v5 =	vadd.f32 v36, v5;
	v4 =	vadd.f32 v37, v4;
	v35 =	vld [tilespmem:s24+$0xFFFFFE50]  }
0x417: {  	v7 =	vadd.f32 v32, v7;
	v6 =	vadd.f32 v33, v6;
	v32 =	vld [tilespmem:s24+$0xFFFFFE60]  }
0x418: {  	v5 =	vadd.f32 v38, v5;
	v4 =	vadd.f32 v39, v4;
	v33 =	vld [tilespmem:s24+$0xFFFFFDD0]  }
0x419: {  	v7 =	vadd.f32 v30, v7;
	v6 =	vadd.f32 v31, v6;
	v30 =	vld [tilespmem:s24+$0xFFFFFDE0]  }
0x41a: {  	v5 =	vadd.f32 v40, v5;
	v31 =	vld [tilespmem:s24+$0xFFFFFD50];
	v4 =	vadd.f32 v34, v4  }
0x41b: {  	v7 =	vadd.f32 v26, v7;
	v6 =	vadd.f32 v27, v6;
	v34 =	vld [tilespmem:s24+$0xFFFFFD60]  }
0x41c: {  	v5 =	vadd.f32 v28, v5;
	v26 =	vld [tilespmem:s24+$0xFFFFFCD0];
	v4 =	vadd.f32 v29, v4  }
0x41d: {  	v7 =	vadd.f32 v20, v7;
	v6 =	vadd.f32 v21, v6;
	v27 =	vld [tilespmem:s24+$0xFFFFFCE0]  }
0x41e: {  	v5 =	vadd.f32 v22, v5;
	v20 =	vld [tilespmem:s24+$0xFFFFFCF0];
	v4 =	vadd.f32 v23, v4  }
0x41f: {  	s23 =	sadd.s32 $0x7, s23;
	v7 =	vadd.f32 v10, v7;
	v6 =	vadd.f32 v13, v6;
	v21 =	vld [tilespmem:s24+$0xFFFFFD00]  }
0x420: {  	p0 =	slt.u32 s23, $0x2A;
	v5 =	vadd.f32 v17, v5;
	v10 =	vld [tilespmem:s24+$0xFFFFFD70];
	v4 =	vadd.f32 v19, v4  }
0x421: {  	v7 =	vadd.f32 v18, v7;
	v6 =	vadd.f32 v14, v6;
	v13 =	vld [tilespmem:s24+$0xFFFFFD80]  }
0x422: {  	v5 =	vadd.f32 v15, v5;
	v14 =	vld [tilespmem:s24+$0xFFFFFDF0];
	v4 =	vadd.f32 v11, v4  }
0x423: {  	v11 =	vadd.f32 v26, v12;
	v12 =	vadd.f32 v27, v16;
	v15 =	vld [tilespmem:s24+$0xFFFFFE00]  }
0x424: {  	v8 =	vadd.f32 v20, v8;
	v9 =	vadd.f32 v21, v9;
	v16 =	vld [tilespmem:s24+$0xFFFFFE70]  }
0x425: {  	v11 =	vadd.f32 v31, v11;
	v12 =	vadd.f32 v34, v12;
	v17 =	vld [tilespmem:s24+$0xFFFFFE80]  }
0x426: {  	v10 =	vadd.f32 v10, v8;
	v9 =	vadd.f32 v13, v9;
	v8 =	vld [tilespmem:s24+$0xFFFFFEF0]  }
.Ltmp7:
0x427: {  	v13 =	vadd.f32 v33, v11;
	v12 =	vadd.f32 v30, v12;
	v11 =	vld [tilespmem:s24+$0xFFFFFF00];
	(pc) =	sbr.rel @p0 .LBB2_17-.Ltmp7, $4  }
0x428: {  	v10 =	vadd.f32 v14, v10;
	v14 =	vadd.f32 v15, v9;
	v9 =	vld [tilespmem:s24+$0xFFFFFF70]  }
0x429: {  	v13 =	vadd.f32 v35, v13;
	v18 =	vadd.f32 v32, v12;
	v12 =	vld [tilespmem:s24+$0xFFFFFF80]  }
0x42a: {  	v15 =	vadd.f32 v16, v10;
	v14 =	vadd.f32 v17, v14;
	v10 =	vld [tilespmem:s24+$0xFFFFFFF0]  }
0x42b: {  	v17 =	vadd.f32 v24, v13;
	v16 =	vadd.f32 v25, v18;
	v13 =	vld [tilespmem:s24+$0x0];
	s24 =	sadd.s32 $0x380, s24  }
0x42c: {  	_ = 	snop  }
0x42d: {  	v8 =	vadd.f32 v8, v15;
	[tilespmem:s22+$0xF080] =	vst v7;
	v3 =	vadd.f32 v3, v17  }
0x42e: {  	v59 =	vadd.f32 v11, v14;
	[tilespmem:s22+$0xF090] =	vst v6;
	s21 =	sadd.s32 $0x1, s21;
	v2 =	vadd.f32 v2, v16  }
0x42f: {  	[tilespmem:s22+$0xF0A0] =	vst v5;
	p0 =	sne.s32 s21, $0x10;
	v60 =	vadd.f32 v9, v8;
	v0 =	vadd.f32 v0, v3  }
.Ltmp8:
0x430: {  	[tilespmem:s22+$0xF0B0] =	vst v4;
	v61 =	vadd.f32 v12, v59;
	v1 =	vadd.f32 v1, v2;
	(pc) =	sbr.rel @p0 .LBB2_2-.Ltmp8, $4  }
0x431: {  	v62 =	vadd.f32 v10, v60;
	[tilespmem:s22+$0xF0C0] =	vst v0  }
0x432: {  	v63 =	vadd.f32 v13, v61;
	[tilespmem:s22+$0xF0D0] =	vst v1  }
0x433: {  	[tilespmem:s22+$0xF0E0] =	vst v62  }
0x434: {  	[tilespmem:s22+$0xF0F0] =	vst v63  }
0x435: {  	s20 =	sadd.s32 $0x1, s20  }
0x436: {  	p0 =	sne.s32 s20, s6  }
.Ltmp9:
0x437: {  	_ = 	snop;
	(pc) =	sbr.rel @p0 .LBB2_1-.Ltmp9, $4  }
0x438: {  	[hbm4b:s5+s3] =	stream.linear.scatter [tilespmem:s19], [sflag:$0x5], $0x4000, $0x38;
	[tilespmem:$0x13000] =	vst v63  }
0x439: {  	_ =	swait.ge [sflag:s7], $0x4000  }
0x43a: {  	[sflag:s7] =	ssyncset.done $0x0  }
0x43b: {  	[sflag:s7] =	ssyncadd.s32 $0xFFFFC000  }
0x43c: {  	_ =	sfence.sel $0x180000  }
0x43d: {  	[bflag:$0x0] =	sbarrier.arrive $0xFFFF  }
0x43e: {  	p0 =	sne.s32 s1, $0x0;
	_ =	strace $0x90000047  }
0x43f: {  	s0 =	sadd.s32 @!p0 $0x100000, s0;
	[bflag:$0x2] =	sbarrier.arrive $0xFFFF  }
0x440: {  	[sflag:s0] =	ssyncadd.tile.s32 @!p0 $0x1;
	_ =	shalt  }
.Lfunc_end2:
_tile_overlayer_lowered:
.L_overlay_start_2:
0x441: {  	(tag) =	ssettag $0x2  }
0x442: {  	s0 =	rddreg [dreg:$0x0];
	s2 =	stileid.u32  }
0x443: {  	s1 =	rddreg [dreg:$0x1];
	p0 =	sne.s32 s2, $0x0  }
0x444: {  	s3 =	rddreg [dreg:$0x2];
	[bflag:$0x3] =	sbarrier.arrive $0xFFFF;
	s2 =	simm.s32 @!p0 $0x1C05  }
0x445: {  	[timem:s3], [sflag:s2] =	dma.local @!p0 [hbm:s0], s1  }
0x446: {  	s0 =	simm.s32 @!p0 $0x5  }
0x447: {  	_ =	swait.ge @!p0 [sflag:s0], s1  }
0x448: {  	s1 =	ssub.s32 @!p0 $0x0, s1;
	[sflag:s0] =	ssyncset.done @!p0 $0x0  }
0x449: {  	[sflag:s0] =	ssyncadd.s32 @!p0 s1  }
0x44a: {  	[bflag:$0x3] =	sbarrier.arrive $0xFFFF  }
0x44b: {  	_ =	shalt  }

</sc_bundles>
